<compile_context>
chip_gen: v7x
topology: tpu7x:2x2x1
jax: 0.10.2.dev20260603
libtpu: 0.0.44.dev20260713+nightly
codegen_flags: <defaults>
</compile_context>

<pallas_src>
import functools

import jax
import jax.numpy as jnp
from jax import lax
from jax.experimental import pallas as pl
from jax.experimental.pallas import tpu as pltpu, tpu_sc as plsc

R = 10000
D = 128
RH = R // 2
RPT = 320
RSTEP = 312
RPAD = 5008
RC = 80
B = 128
NC, NS = 2, 16


def _body(n):
    def body(atoms_hbm, idx_hbm, svec_hbm, out_hbm,
             featA, featB, idxA, idxB, lcnt, cbuf2, cbufR, svbuf,
             semA, semB, semsA, semsB, accum, cnt_t):
        c = lax.axis_index("c")
        sid = lax.axis_index("s")

        pltpu.sync_copy(svec_hbm, svbuf)
        s = svbuf[...][0]
        s8 = (s // 8) * 8
        lo = jnp.where(c == 0, 0, s8)
        hi = jnp.where(c == 0, s, n)
        ln = hi - lo
        start = lo + ((sid * ln) // NS) // 8 * 8
        end = jnp.where(sid == NS - 1,
                        hi, lo + (((sid + 1) * ln) // NS) // 8 * 8)
        base = c * RH

        def zrow(i, _):
            for k in range(D // 16):
                featA[i, pl.ds(k * 16, 16)] = jnp.zeros((16,), jnp.float32)
            idxB[pl.ds((i % 8) * 16, 16)] = jnp.full((16,), RH, jnp.int32)
            return _
        lax.fori_loop(0, B, zrow, 0)

        def zcnt(i, _):
            lcnt[pl.ds(i * 16, 16)] = jnp.zeros((16,), jnp.float32)
            return _
        lax.fori_loop(0, RPAD // 16, zcnt, 0)

        rb = sid * RSTEP
        for j in range(RPT // RC):
            pltpu.sync_copy(featA.at[pl.ds(0, RC)],
                            accum.at[pl.ds(rb + j * RC, RC)])
        plsc.subcore_barrier()

        nblk = (end - start + (B - 1)) // B
        npair = jnp.maximum(1, (nblk + 1) // 2)
        ones16 = jnp.ones((16,), jnp.float32)

        def p0_of(bb):
            return pl.multiple_of(jnp.minimum(start + bb * B, n - B), 8)

        def fire_gather(feat, idx, sem, bb):
            p0 = p0_of(bb)
            pltpu.async_copy(atoms_hbm.at[pl.ds(p0, B)], feat, sem)
            pltpu.async_copy(idx_hbm.at[pl.ds(p0, B)], idx, sem)

        def wait_gather(feat, idx, sem):
            pltpu.make_async_copy(atoms_hbm.at[pl.ds(0, B)], feat, sem).wait()
            pltpu.make_async_copy(idx_hbm.at[pl.ds(0, B)], idx, sem).wait()

        def remap(idx, bb):
            logical = start + bb * B
            p0 = p0_of(bb)
            for k in range(B // 16):
                v = idx[pl.ds(k * 16, 16)]
                pos = p0 + k * 16 + lax.iota(jnp.int32, 16)
                local = v - base
                ok = ((pos >= logical) & (pos < end)
                      & (local >= 0) & (local < RH))
                t = jnp.where(ok, local, RH)
                idx[pl.ds(k * 16, 16)] = t
                plsc.addupdate_scatter(lcnt, [t], ones16)

        def fire_scat(feat, idx, sem):
            pltpu.async_copy(feat, accum.at[idx], sem, add=True)

        def wait_scat(feat, idx, sem):
            pltpu.make_async_copy(feat, accum.at[idx], sem).wait()

        fire_scat(featB, idxB, semsB)
        fire_gather(featA, idxA, semA, 0)

        def pair(o, _):
            bb = 2 * o
            wait_gather(featA, idxA, semA)
            wait_scat(featB, idxB, semsB)
            fire_gather(featB, idxB, semB, bb + 1)
            remap(idxA, bb)
            fire_scat(featA, idxA, semsA)
            wait_gather(featB, idxB, semB)
            wait_scat(featA, idxA, semsA)
            fire_gather(featA, idxA, semA, bb + 2)
            remap(idxB, bb + 1)
            fire_scat(featB, idxB, semsB)
            return _
        lax.fori_loop(0, npair, pair, 0)
        wait_gather(featA, idxA, semA)
        wait_scat(featB, idxB, semsB)
        pltpu.sync_copy(lcnt, cnt_t.at[sid])
        plsc.subcore_barrier()

        for j in range(RPT // RC):
            pltpu.sync_copy(accum.at[pl.ds(rb + j * RC, RC)],
                            featA.at[pl.ds(0, RC)])
            pltpu.sync_copy(cnt_t.at[:, pl.ds(rb + j * RC, RC)], cbuf2)
            for g in range(RC // 16):
                tot = cbuf2[0, pl.ds(g * 16, 16)]
                for t in range(1, NS):
                    tot = tot + cbuf2[t, pl.ds(g * 16, 16)]
                cbufR[pl.ds(g * 16, 16)] = jnp.maximum(tot, 1.0)

            def drow(i, _):
                cnt = plsc.load_gather(cbufR, [jnp.full((16,), i, jnp.int32)])
                for k in range(D // 16):
                    featA[i, pl.ds(k * 16, 16)] = (
                        featA[i, pl.ds(k * 16, 16)] / cnt)
                return _
            lax.fori_loop(0, RC, drow, 0)
            pltpu.sync_copy(featA.at[pl.ds(0, RC)],
                            out_hbm.at[pl.ds(base + rb + j * RC, RC)])

    return body


@jax.jit
def kernel(atom_features, residue_index):
    n = atom_features.shape[0]

    s = jnp.sum(residue_index < RH).astype(jnp.int32)
    svec = jnp.broadcast_to(s[None], (16,)).astype(jnp.int32)

    mesh = plsc.VectorSubcoreMesh(core_axis_name="c", subcore_axis_name="s")
    out = pl.kernel(
        _body(n),
        out_type=jax.ShapeDtypeStruct((R, D), jnp.float32),
        mesh=mesh,
        compiler_params=pltpu.CompilerParams(
            use_tc_tiling_on_sc=False, needs_layout_passes=False),
        scratch_types=[
            pltpu.VMEM((B, D), jnp.float32),
            pltpu.VMEM((B, D), jnp.float32),
            pltpu.VMEM((B,), jnp.int32),
            pltpu.VMEM((B,), jnp.int32),
            pltpu.VMEM((RPAD,), jnp.float32),
            pltpu.VMEM((NS, RC), jnp.float32),
            pltpu.VMEM((RC,), jnp.float32),
            pltpu.VMEM((16,), jnp.int32),
            pltpu.SemaphoreType.DMA,
            pltpu.SemaphoreType.DMA,
            pltpu.SemaphoreType.DMA,
            pltpu.SemaphoreType.DMA,
            pltpu.VMEM_SHARED((RPAD, D), jnp.float32),
            pltpu.VMEM_SHARED((NS, RPAD), jnp.float32),
        ],
    )(atom_features, residue_index, svec)
    return out

# --- scband reference (transcript-rebuilt; emitter-appended) ---
"""Pipeline reference for scband-residue-pooling-16045997818006 (READ-ONLY COPY).

The authoritative reference and input builder live on the scoring server;
editing this copy changes nothing except your own understanding.
"""

import jax, jax.numpy as jnp
import numpy as np

N = 320000
D = 128
R = 10000

def setup_inputs(seed: int = 0) -> dict:
    key = jax.random.key(seed)
    k1, k2 = jax.random.split(key)
    atom_features = jax.random.normal(k1, (N, D), dtype=jnp.float32)
    residue_index = jnp.sort(jax.random.randint(k2, (N,), 0, R, dtype=jnp.int32))
    return {"atom_features": atom_features, "residue_index": residue_index}

def reference(atom_features, residue_index):
    # scatter_mean: segment sum divided by per-segment counts (clamped to >=1)
    sums = jax.ops.segment_sum(atom_features, residue_index, num_segments=R)
    counts = jax.ops.segment_sum(jnp.ones((atom_features.shape[0],), dtype=atom_features.dtype), residue_index, num_segments=R)
    counts = jnp.clip(counts, 1.0, None)
    return sums / counts[:, None]

if __name__ == "__main__":
    import jax
    _d = setup_inputs()
    print(jax.jit(kernel)(*tuple(_d.values())))

</pallas_src>

<mosaic_0001>
#map = affine_map<(d0, d1) -> (0, 0)>
#map1 = affine_map<(d0, d1) -> (0)>
module attributes {stable_mosaic.version = 14 : i64} {
  func.func @body(%arg0: i32, %arg1: i32, %arg2: memref<320000x128xf32, #tpu.memory_space<hbm>>, %arg3: memref<320000xi32, #tpu.memory_space<hbm>>, %arg4: memref<16xi32, #tpu.memory_space<hbm>>, %arg5: memref<10000x128xf32, #tpu.memory_space<hbm>>, %arg6: memref<128x128xf32, #tpu.memory_space<vmem>>, %arg7: memref<128x128xf32, #tpu.memory_space<vmem>>, %arg8: memref<128xi32, #tpu.memory_space<vmem>>, %arg9: memref<128xi32, #tpu.memory_space<vmem>>, %arg10: memref<5008xf32, #tpu.memory_space<vmem>>, %arg11: memref<16x80xf32, #tpu.memory_space<vmem>>, %arg12: memref<80xf32, #tpu.memory_space<vmem>>, %arg13: memref<16xi32, #tpu.memory_space<vmem>>, %arg14: memref<!tpu.dma_semaphore, #tpu.memory_space<semaphore_mem>>, %arg15: memref<!tpu.dma_semaphore, #tpu.memory_space<semaphore_mem>>, %arg16: memref<!tpu.dma_semaphore, #tpu.memory_space<semaphore_mem>>, %arg17: memref<!tpu.dma_semaphore, #tpu.memory_space<semaphore_mem>>, %arg18: memref<5008x128xf32, #tpu.memory_space<vmem_shared>>, %arg19: memref<16x5008xf32, #tpu.memory_space<vmem_shared>>) attributes {dimension_semantics = [#tpu.dimension_semantics<core_parallel>, #tpu.dimension_semantics<subcore_parallel>], iteration_bounds = array<i64: 2, 16>, scalar_prefetch = 0 : i64, scratch_operands = 14 : i64, tpu.core_type = #tpu.core_type<sc_vector_subcore>, window_params = [{transform_indices = #map}, {transform_indices = #map1}, {transform_indices = #map1}, {transform_indices = #map}]} {
    "tpu.region"() ({
      %run_scoped3A = tpu.sem_alloc : memref<!tpu.dma_semaphore, #tpu.memory_space<semaphore_mem>>
      tpu.enqueue_dma source(%arg4 : memref<16xi32, #tpu.memory_space<hbm>>) target(%arg13 : memref<16xi32, #tpu.memory_space<vmem>>) target_semaphore(%run_scoped3A : memref<!tpu.dma_semaphore, #tpu.memory_space<semaphore_mem>>)
      tpu.wait_dma2 semaphore(%run_scoped3A : memref<!tpu.dma_semaphore, #tpu.memory_space<semaphore_mem>>) src(%arg4 : memref<16xi32, #tpu.memory_space<hbm>>) dst(%arg13 : memref<16xi32, #tpu.memory_space<vmem>>)
      tpu.yield
    }) : () -> ()
    %get3A = arith.constant 0 : index
    %get3A_0 = tpu.vector_load %arg13[%get3A] {strides = array<i32>} : memref<16xi32, #tpu.memory_space<vmem>>, vector<16xi32>,
    %slice3A = vector.extract_strided_slice %get3A_0 {offsets = [0], sizes = [1], strides = [1]} : vector<16xi32> to vector<1xi32>
    %squeeze3A = vector.extract %slice3A[0] : i32 from vector<1xi32>
    %jit3A = arith.constant 8 : i32
    %div3A = arith.divsi %squeeze3A, %jit3A : i32
    %sign3A = arith.constant 0 : i32
    %sign3A_1 = arith.cmpi sgt, %squeeze3A, %sign3A : i32
    %sign3A_2 = arith.extui %sign3A_1 : i1 to i32
    %sign3A_3 = arith.constant 0 : i32
    %sign3A_4 = arith.cmpi slt, %squeeze3A, %sign3A_3 : i32
    %sign3A_5 = arith.extui %sign3A_4 : i1 to i32
    %sign3A_6 = arith.subi %sign3A_2, %sign3A_5 : i32
    %sign3A_7 = arith.constant 0 : i32
    %sign3A_8 = arith.cmpi sgt, %jit3A, %sign3A_7 : i32
    %sign3A_9 = arith.extui %sign3A_8 : i1 to i32
    %sign3A_10 = arith.constant 0 : i32
    %sign3A_11 = arith.cmpi slt, %jit3A, %sign3A_10 : i32
    %sign3A_12 = arith.extui %sign3A_11 : i1 to i32
    %sign3A_13 = arith.subi %sign3A_9, %sign3A_12 : i32
    %ne3A = arith.cmpi ne, %sign3A_6, %sign3A_13 : i32
    %rem3A = arith.remsi %squeeze3A, %jit3A : i32
    %ne3A_14 = arith.constant 0 : i32
    %ne3A_15 = arith.cmpi ne, %rem3A, %ne3A_14 : i32
    %and3A = arith.andi %ne3A, %ne3A_15 : i1
    %sub3A = arith.constant 1 : i32
    %sub3A_16 = arith.subi %div3A, %sub3A : i32
    %select_n3A = arith.select %and3A, %sub3A_16, %div3A : i32
    %mul3A = arith.constant 8 : i32
    %mul3A_17 = arith.muli %select_n3A, %mul3A : i32
    %eq3A = arith.constant 0 : i32
    %eq3A_18 = arith.cmpi eq, %arg0, %eq3A : i32
    %jit3A_19 = arith.constant 0 : i32
    %select_n3A_20 = arith.select %eq3A_18, %jit3A_19, %mul3A_17 : i32
    %eq3A_21 = arith.constant 0 : i32
    %eq3A_22 = arith.cmpi eq, %arg0, %eq3A_21 : i32
    %jit3A_23 = arith.constant 320000 : i32
    %select_n3A_24 = arith.select %eq3A_22, %squeeze3A, %jit3A_23 : i32
    %sub3A_25 = arith.subi %select_n3A_24, %select_n3A_20 : i32
    %mul3A_26 = arith.muli %arg1, %sub3A_25 : i32
    %jit3A_27 = arith.constant 16 : i32
    %div3A_28 = arith.divsi %mul3A_26, %jit3A_27 : i32
    %sign3A_29 = arith.constant 0 : i32
    %sign3A_30 = arith.cmpi sgt, %mul3A_26, %sign3A_29 : i32
    %sign3A_31 = arith.extui %sign3A_30 : i1 to i32
    %sign3A_32 = arith.constant 0 : i32
    %sign3A_33 = arith.cmpi slt, %mul3A_26, %sign3A_32 : i32
    %sign3A_34 = arith.extui %sign3A_33 : i1 to i32
    %sign3A_35 = arith.subi %sign3A_31, %sign3A_34 : i32
    %sign3A_36 = arith.constant 0 : i32
    %sign3A_37 = arith.cmpi sgt, %jit3A_27, %sign3A_36 : i32
    %sign3A_38 = arith.extui %sign3A_37 : i1 to i32
    %sign3A_39 = arith.constant 0 : i32
    %sign3A_40 = arith.cmpi slt, %jit3A_27, %sign3A_39 : i32
    %sign3A_41 = arith.extui %sign3A_40 : i1 to i32
    %sign3A_42 = arith.subi %sign3A_38, %sign3A_41 : i32
    %ne3A_43 = arith.cmpi ne, %sign3A_35, %sign3A_42 : i32
    %rem3A_44 = arith.remsi %mul3A_26, %jit3A_27 : i32
    %ne3A_45 = arith.constant 0 : i32
    %ne3A_46 = arith.cmpi ne, %rem3A_44, %ne3A_45 : i32
    %and3A_47 = arith.andi %ne3A_43, %ne3A_46 : i1
    %sub3A_48 = arith.constant 1 : i32
    %sub3A_49 = arith.subi %div3A_28, %sub3A_48 : i32
    %select_n3A_50 = arith.select %and3A_47, %sub3A_49, %div3A_28 : i32
    %jit3A_51 = arith.constant 8 : i32
    %div3A_52 = arith.divsi %select_n3A_50, %jit3A_51 : i32
    %sign3A_53 = arith.constant 0 : i32
    %sign3A_54 = arith.cmpi sgt, %select_n3A_50, %sign3A_53 : i32
    %sign3A_55 = arith.extui %sign3A_54 : i1 to i32
    %sign3A_56 = arith.constant 0 : i32
    %sign3A_57 = arith.cmpi slt, %select_n3A_50, %sign3A_56 : i32
    %sign3A_58 = arith.extui %sign3A_57 : i1 to i32
    %sign3A_59 = arith.subi %sign3A_55, %sign3A_58 : i32
    %sign3A_60 = arith.constant 0 : i32
    %sign3A_61 = arith.cmpi sgt, %jit3A_51, %sign3A_60 : i32
    %sign3A_62 = arith.extui %sign3A_61 : i1 to i32
    %sign3A_63 = arith.constant 0 : i32
    %sign3A_64 = arith.cmpi slt, %jit3A_51, %sign3A_63 : i32
    %sign3A_65 = arith.extui %sign3A_64 : i1 to i32
    %sign3A_66 = arith.subi %sign3A_62, %sign3A_65 : i32
    %ne3A_67 = arith.cmpi ne, %sign3A_59, %sign3A_66 : i32
    %rem3A_68 = arith.remsi %select_n3A_50, %jit3A_51 : i32
    %ne3A_69 = arith.constant 0 : i32
    %ne3A_70 = arith.cmpi ne, %rem3A_68, %ne3A_69 : i32
    %and3A_71 = arith.andi %ne3A_67, %ne3A_70 : i1
    %sub3A_72 = arith.constant 1 : i32
    %sub3A_73 = arith.subi %div3A_52, %sub3A_72 : i32
    %select_n3A_74 = arith.select %and3A_71, %sub3A_73, %div3A_52 : i32
    %mul3A_75 = arith.constant 8 : i32
    %mul3A_76 = arith.muli %select_n3A_74, %mul3A_75 : i32
    %add3A = arith.addi %select_n3A_20, %mul3A_76 : i32
    %eq3A_77 = arith.constant 15 : i32
    %eq3A_78 = arith.cmpi eq, %arg1, %eq3A_77 : i32
    %add3A_79 = arith.constant 1 : i32
    %add3A_80 = arith.addi %arg1, %add3A_79 : i32
    %mul3A_81 = arith.muli %add3A_80, %sub3A_25 : i32
    %jit3A_82 = arith.constant 16 : i32
    %div3A_83 = arith.divsi %mul3A_81, %jit3A_82 : i32
    %sign3A_84 = arith.constant 0 : i32
    %sign3A_85 = arith.cmpi sgt, %mul3A_81, %sign3A_84 : i32
    %sign3A_86 = arith.extui %sign3A_85 : i1 to i32
    %sign3A_87 = arith.constant 0 : i32
    %sign3A_88 = arith.cmpi slt, %mul3A_81, %sign3A_87 : i32
    %sign3A_89 = arith.extui %sign3A_88 : i1 to i32
    %sign3A_90 = arith.subi %sign3A_86, %sign3A_89 : i32
    %sign3A_91 = arith.constant 0 : i32
    %sign3A_92 = arith.cmpi sgt, %jit3A_82, %sign3A_91 : i32
    %sign3A_93 = arith.extui %sign3A_92 : i1 to i32
    %sign3A_94 = arith.constant 0 : i32
    %sign3A_95 = arith.cmpi slt, %jit3A_82, %sign3A_94 : i32
    %sign3A_96 = arith.extui %sign3A_95 : i1 to i32
    %sign3A_97 = arith.subi %sign3A_93, %sign3A_96 : i32
    %ne3A_98 = arith.cmpi ne, %sign3A_90, %sign3A_97 : i32
    %rem3A_99 = arith.remsi %mul3A_81, %jit3A_82 : i32
    %ne3A_100 = arith.constant 0 : i32
    %ne3A_101 = arith.cmpi ne, %rem3A_99, %ne3A_100 : i32
    %and3A_102 = arith.andi %ne3A_98, %ne3A_101 : i1
    %sub3A_103 = arith.constant 1 : i32
    %sub3A_104 = arith.subi %div3A_83, %sub3A_103 : i32
    %select_n3A_105 = arith.select %and3A_102, %sub3A_104, %div3A_83 : i32
    %jit3A_106 = arith.constant 8 : i32
    %div3A_107 = arith.divsi %select_n3A_105, %jit3A_106 : i32
    %sign3A_108 = arith.constant 0 : i32
    %sign3A_109 = arith.cmpi sgt, %select_n3A_105, %sign3A_108 : i32
    %sign3A_110 = arith.extui %sign3A_109 : i1 to i32
    %sign3A_111 = arith.constant 0 : i32
    %sign3A_112 = arith.cmpi slt, %select_n3A_105, %sign3A_111 : i32
    %sign3A_113 = arith.extui %sign3A_112 : i1 to i32
    %sign3A_114 = arith.subi %sign3A_110, %sign3A_113 : i32
    %sign3A_115 = arith.constant 0 : i32
    %sign3A_116 = arith.cmpi sgt, %jit3A_106, %sign3A_115 : i32
    %sign3A_117 = arith.extui %sign3A_116 : i1 to i32
    %sign3A_118 = arith.constant 0 : i32
    %sign3A_119 = arith.cmpi slt, %jit3A_106, %sign3A_118 : i32
    %sign3A_120 = arith.extui %sign3A_119 : i1 to i32
    %sign3A_121 = arith.subi %sign3A_117, %sign3A_120 : i32
    %ne3A_122 = arith.cmpi ne, %sign3A_114, %sign3A_121 : i32
    %rem3A_123 = arith.remsi %select_n3A_105, %jit3A_106 : i32
    %ne3A_124 = arith.constant 0 : i32
    %ne3A_125 = arith.cmpi ne, %rem3A_123, %ne3A_124 : i32
    %and3A_126 = arith.andi %ne3A_122, %ne3A_125 : i1
    %sub3A_127 = arith.constant 1 : i32
    %sub3A_128 = arith.subi %div3A_107, %sub3A_127 : i32
    %select_n3A_129 = arith.select %and3A_126, %sub3A_128, %div3A_107 : i32
    %mul3A_130 = arith.constant 8 : i32
    %mul3A_131 = arith.muli %select_n3A_129, %mul3A_130 : i32
    %add3A_132 = arith.addi %select_n3A_20, %mul3A_131 : i32
    %select_n3A_133 = arith.select %eq3A_78, %select_n3A_24, %add3A_132 : i32
    %mul3A_134 = arith.constant 5000 : i32
    %mul3A_135 = arith.muli %arg0, %mul3A_134 : i32
    %scan3A = arith.constant 0 : i32
    %scan3A_136 = arith.constant 0 : i32
    %scan3A_137 = arith.constant 128 : i32
    %scan3A_138 = arith.addi %scan3A_136, %scan3A_137 : i32
    %scan3A_139 = arith.constant 1 : i32
    scf.for %scan3A_1976 = %scan3A_136 to %scan3A_138 step %scan3A_139  : i32 {
      %broadcast_in_dim3A_1977 = arith.constant 0.000000e+00 : f32
      %broadcast_in_dim3A_1978 = vector.broadcast %broadcast_in_dim3A_1977 : f32 to vector<16xf32>
      %swap3A_1979 = arith.index_cast %scan3A_1976 : i32 to index
      %swap3A_1980 = arith.constant 0 : index
      %swap3A_1981 = tpu.vector_load %arg6[%swap3A_1979, %swap3A_1980] {strides = array<i32>} : memref<128x128xf32, #tpu.memory_space<vmem>>, vector<16xf32>,
      tpu.vector_store %arg6[%swap3A_1979, %swap3A_1980], %broadcast_in_dim3A_1978 {strides = array<i32>} : memref<128x128xf32, #tpu.memory_space<vmem>>, vector<16xf32>,
      %broadcast_in_dim3A_1982 = arith.constant 0.000000e+00 : f32
      %broadcast_in_dim3A_1983 = vector.broadcast %broadcast_in_dim3A_1982 : f32 to vector<16xf32>
      %swap3A_1984 = arith.index_cast %scan3A_1976 : i32 to index
      %swap3A_1985 = arith.constant 16 : index
      %swap3A_1986 = tpu.vector_load %arg6[%swap3A_1984, %swap3A_1985] {strides = array<i32>} : memref<128x128xf32, #tpu.memory_space<vmem>>, vector<16xf32>,
      tpu.vector_store %arg6[%swap3A_1984, %swap3A_1985], %broadcast_in_dim3A_1983 {strides = array<i32>} : memref<128x128xf32, #tpu.memory_space<vmem>>, vector<16xf32>,
      %broadcast_in_dim3A_1987 = arith.constant 0.000000e+00 : f32
      %broadcast_in_dim3A_1988 = vector.broadcast %broadcast_in_dim3A_1987 : f32 to vector<16xf32>
      %swap3A_1989 = arith.index_cast %scan3A_1976 : i32 to index
      %swap3A_1990 = arith.constant 32 : index
      %swap3A_1991 = tpu.vector_load %arg6[%swap3A_1989, %swap3A_1990] {strides = array<i32>} : memref<128x128xf32, #tpu.memory_space<vmem>>, vector<16xf32>,
      tpu.vector_store %arg6[%swap3A_1989, %swap3A_1990], %broadcast_in_dim3A_1988 {strides = array<i32>} : memref<128x128xf32, #tpu.memory_space<vmem>>, vector<16xf32>,
      %broadcast_in_dim3A_1992 = arith.constant 0.000000e+00 : f32
      %broadcast_in_dim3A_1993 = vector.broadcast %broadcast_in_dim3A_1992 : f32 to vector<16xf32>
      %swap3A_1994 = arith.index_cast %scan3A_1976 : i32 to index
      %swap3A_1995 = arith.constant 48 : index
      %swap3A_1996 = tpu.vector_load %arg6[%swap3A_1994, %swap3A_1995] {strides = array<i32>} : memref<128x128xf32, #tpu.memory_space<vmem>>, vector<16xf32>,
      tpu.vector_store %arg6[%swap3A_1994, %swap3A_1995], %broadcast_in_dim3A_1993 {strides = array<i32>} : memref<128x128xf32, #tpu.memory_space<vmem>>, vector<16xf32>,
      %broadcast_in_dim3A_1997 = arith.constant 0.000000e+00 : f32
      %broadcast_in_dim3A_1998 = vector.broadcast %broadcast_in_dim3A_1997 : f32 to vector<16xf32>
      %swap3A_1999 = arith.index_cast %scan3A_1976 : i32 to index
      %swap3A_2000 = arith.constant 64 : index
      %swap3A_2001 = tpu.vector_load %arg6[%swap3A_1999, %swap3A_2000] {strides = array<i32>} : memref<128x128xf32, #tpu.memory_space<vmem>>, vector<16xf32>,
      tpu.vector_store %arg6[%swap3A_1999, %swap3A_2000], %broadcast_in_dim3A_1998 {strides = array<i32>} : memref<128x128xf32, #tpu.memory_space<vmem>>, vector<16xf32>,
      %broadcast_in_dim3A_2002 = arith.constant 0.000000e+00 : f32
      %broadcast_in_dim3A_2003 = vector.broadcast %broadcast_in_dim3A_2002 : f32 to vector<16xf32>
      %swap3A_2004 = arith.index_cast %scan3A_1976 : i32 to index
      %swap3A_2005 = arith.constant 80 : index
      %swap3A_2006 = tpu.vector_load %arg6[%swap3A_2004, %swap3A_2005] {strides = array<i32>} : memref<128x128xf32, #tpu.memory_space<vmem>>, vector<16xf32>,
      tpu.vector_store %arg6[%swap3A_2004, %swap3A_2005], %broadcast_in_dim3A_2003 {strides = array<i32>} : memref<128x128xf32, #tpu.memory_space<vmem>>, vector<16xf32>,
      %broadcast_in_dim3A_2007 = arith.constant 0.000000e+00 : f32
      %broadcast_in_dim3A_2008 = vector.broadcast %broadcast_in_dim3A_2007 : f32 to vector<16xf32>
      %swap3A_2009 = arith.index_cast %scan3A_1976 : i32 to index
      %swap3A_2010 = arith.constant 96 : index
      %swap3A_2011 = tpu.vector_load %arg6[%swap3A_2009, %swap3A_2010] {strides = array<i32>} : memref<128x128xf32, #tpu.memory_space<vmem>>, vector<16xf32>,
      tpu.vector_store %arg6[%swap3A_2009, %swap3A_2010], %broadcast_in_dim3A_2008 {strides = array<i32>} : memref<128x128xf32, #tpu.memory_space<vmem>>, vector<16xf32>,
      %broadcast_in_dim3A_2012 = arith.constant 0.000000e+00 : f32
      %broadcast_in_dim3A_2013 = vector.broadcast %broadcast_in_dim3A_2012 : f32 to vector<16xf32>
      %swap3A_2014 = arith.index_cast %scan3A_1976 : i32 to index
      %swap3A_2015 = arith.constant 112 : index
      %swap3A_2016 = tpu.vector_load %arg6[%swap3A_2014, %swap3A_2015] {strides = array<i32>} : memref<128x128xf32, #tpu.memory_space<vmem>>, vector<16xf32>,
      tpu.vector_store %arg6[%swap3A_2014, %swap3A_2015], %broadcast_in_dim3A_2013 {strides = array<i32>} : memref<128x128xf32, #tpu.memory_space<vmem>>, vector<16xf32>,
      %broadcast_in_dim3A_2017 = arith.constant 5000 : i32
      %broadcast_in_dim3A_2018 = vector.broadcast %broadcast_in_dim3A_2017 : i32 to vector<16xi32>
      %jit3A_2019 = arith.constant 8 : i32
      %eq3A_2020 = arith.constant 0 : i32
      %eq3A_2021 = arith.cmpi eq, %jit3A_2019, %eq3A_2020 : i32
      %jit3A_2022 = arith.constant 1 : i32
      %select_n3A_2023 = arith.select %eq3A_2021, %jit3A_2022, %jit3A_2019 : i32
      %rem3A_2024 = arith.remsi %scan3A_1976, %select_n3A_2023 : i32
      %ne3A_2025 = arith.constant 0 : i32
      %ne3A_2026 = arith.cmpi ne, %rem3A_2024, %ne3A_2025 : i32
      %lt3A = arith.constant 0 : i32
      %lt3A_2027 = arith.cmpi slt, %rem3A_2024, %lt3A : i32
      %lt3A_2028 = arith.constant 0 : i32
      %lt3A_2029 = arith.cmpi slt, %select_n3A_2023, %lt3A_2028 : i32
      %ne3A_2030 = arith.xori %lt3A_2027, %lt3A_2029 : i1
      %and3A_2031 = arith.andi %ne3A_2030, %ne3A_2026 : i1
      %add3A_2032 = arith.addi %rem3A_2024, %select_n3A_2023 : i32
      %select_n3A_2033 = arith.select %and3A_2031, %add3A_2032, %rem3A_2024 : i32
      %mul3A_2034 = arith.constant 16 : i32
      %mul3A_2035 = arith.muli %select_n3A_2033, %mul3A_2034 : i32
      %swap3A_2036 = arith.index_cast %mul3A_2035 : i32 to index
      %swap3A_2037 = tpu.vector_load %arg9[%swap3A_2036] {strides = array<i32>} : memref<128xi32, #tpu.memory_space<vmem>>, vector<16xi32>,
      tpu.vector_store %arg9[%swap3A_2036], %broadcast_in_dim3A_2018 {strides = array<i32>} : memref<128xi32, #tpu.memory_space<vmem>>, vector<16xi32>,
    }
    %scan3A_140 = arith.constant 128 : i32
    %scan3A_141 = arith.constant 0 : i32
    %scan3A_142 = arith.constant 0 : i32
    %scan3A_143 = arith.constant 313 : i32
    %scan3A_144 = arith.addi %scan3A_142, %scan3A_143 : i32
    %scan3A_145 = arith.constant 1 : i32
    scf.for %scan3A_1976 = %scan3A_142 to %scan3A_144 step %scan3A_145  : i32 {
      %broadcast_in_dim3A_1977 = arith.constant 0.000000e+00 : f32
      %broadcast_in_dim3A_1978 = vector.broadcast %broadcast_in_dim3A_1977 : f32 to vector<16xf32>
      %mul3A_1979 = arith.constant 16 : i32
      %mul3A_1980 = arith.muli %scan3A_1976, %mul3A_1979 : i32
      %swap3A_1981 = arith.index_cast %mul3A_1980 : i32 to index
      %swap3A_1982 = tpu.vector_load %arg10[%swap3A_1981] {strides = array<i32>} : memref<5008xf32, #tpu.memory_space<vmem>>, vector<16xf32>,
      tpu.vector_store %arg10[%swap3A_1981], %broadcast_in_dim3A_1978 {strides = array<i32>} : memref<5008xf32, #tpu.memory_space<vmem>>, vector<16xf32>,
    }
    %scan3A_146 = arith.constant 313 : i32
    %mul3A_147 = arith.constant 312 : i32
    %mul3A_148 = arith.muli %arg1, %mul3A_147 : i32
    %add3A_149 = arith.constant 0 : i32
    %add3A_150 = arith.addi %mul3A_148, %add3A_149 : i32
    "tpu.region"() ({
      %run_scoped3A = tpu.sem_alloc : memref<!tpu.dma_semaphore, #tpu.memory_space<semaphore_mem>>
      %dma_start3A_1976 = arith.constant 0 : i32
      %dma_start3A_1977 = arith.constant 0 : i32
      %dma_start3A_1978 = tpu.memref_slice %arg6[%dma_start3A_1976, %dma_start3A_1977] : memref<128x128xf32, #tpu.memory_space<vmem>> -> memref<80x128xf32, #tpu.memory_space<vmem>>
      %dma_start3A_1979 = arith.constant 0 : i32
      %dma_start3A_1980 = tpu.memref_slice %arg18[%add3A_150, %dma_start3A_1979] : memref<5008x128xf32, #tpu.memory_space<vmem_shared>> -> memref<80x128xf32, #tpu.memory_space<vmem_shared>>
      %dma_start3A_1981 = arith.constant 0 : i32
      %dma_start3A_1982 = tpu.memref_slice %arg18[%add3A_150, %dma_start3A_1981] : memref<5008x128xf32, #tpu.memory_space<vmem_shared>> -> memref<80x128xf32, #tpu.memory_space<vmem_shared>>
      %dma_start3A_1983 = arith.constant 0 : i32
      %dma_start3A_1984 = arith.constant 0 : i32
      %dma_start3A_1985 = tpu.memref_slice %arg6[%dma_start3A_1983, %dma_start3A_1984] : memref<128x128xf32, #tpu.memory_space<vmem>> -> memref<80x128xf32, #tpu.memory_space<vmem>>
      tpu.enqueue_dma source(%dma_start3A_1985 : memref<80x128xf32, #tpu.memory_space<vmem>>) target(%dma_start3A_1982 : memref<80x128xf32, #tpu.memory_space<vmem_shared>>) target_semaphore(%run_scoped3A : memref<!tpu.dma_semaphore, #tpu.memory_space<semaphore_mem>>)
      %dma_wait3A_1986 = arith.constant 0 : i32
      %dma_wait3A_1987 = arith.constant 0 : i32
      %dma_wait3A_1988 = tpu.memref_slice %arg6[%dma_wait3A_1986, %dma_wait3A_1987] : memref<128x128xf32, #tpu.memory_space<vmem>> -> memref<80x128xf32, #tpu.memory_space<vmem>>
      %dma_wait3A_1989 = arith.constant 0 : i32
      %dma_wait3A_1990 = tpu.memref_slice %arg18[%add3A_150, %dma_wait3A_1989] : memref<5008x128xf32, #tpu.memory_space<vmem_shared>> -> memref<80x128xf32, #tpu.memory_space<vmem_shared>>
      %dma_wait3A_1991 = arith.constant 0 : i32
      %dma_wait3A_1992 = tpu.memref_slice %arg18[%add3A_150, %dma_wait3A_1991] : memref<5008x128xf32, #tpu.memory_space<vmem_shared>> -> memref<80x128xf32, #tpu.memory_space<vmem_shared>>
      %dma_wait3A_1993 = arith.constant 0 : i32
      %dma_wait3A_1994 = arith.constant 0 : i32
      %dma_wait3A_1995 = tpu.memref_slice %arg6[%dma_wait3A_1993, %dma_wait3A_1994] : memref<128x128xf32, #tpu.memory_space<vmem>> -> memref<80x128xf32, #tpu.memory_space<vmem>>
      tpu.wait_dma2 semaphore(%run_scoped3A : memref<!tpu.dma_semaphore, #tpu.memory_space<semaphore_mem>>) src(%dma_wait3A_1995 : memref<80x128xf32, #tpu.memory_space<vmem>>) dst(%dma_wait3A_1992 : memref<80x128xf32, #tpu.memory_space<vmem_shared>>)
      tpu.yield
    }) : () -> ()
    %add3A_151 = arith.constant 80 : i32
    %add3A_152 = arith.addi %mul3A_148, %add3A_151 : i32
    "tpu.region"() ({
      %run_scoped3A = tpu.sem_alloc : memref<!tpu.dma_semaphore, #tpu.memory_space<semaphore_mem>>
      %dma_start3A_1976 = arith.constant 0 : i32
      %dma_start3A_1977 = arith.constant 0 : i32
      %dma_start3A_1978 = tpu.memref_slice %arg6[%dma_start3A_1976, %dma_start3A_1977] : memref<128x128xf32, #tpu.memory_space<vmem>> -> memref<80x128xf32, #tpu.memory_space<vmem>>
      %dma_start3A_1979 = arith.constant 0 : i32
      %dma_start3A_1980 = tpu.memref_slice %arg18[%add3A_152, %dma_start3A_1979] : memref<5008x128xf32, #tpu.memory_space<vmem_shared>> -> memref<80x128xf32, #tpu.memory_space<vmem_shared>>
      %dma_start3A_1981 = arith.constant 0 : i32
      %dma_start3A_1982 = tpu.memref_slice %arg18[%add3A_152, %dma_start3A_1981] : memref<5008x128xf32, #tpu.memory_space<vmem_shared>> -> memref<80x128xf32, #tpu.memory_space<vmem_shared>>
      %dma_start3A_1983 = arith.constant 0 : i32
      %dma_start3A_1984 = arith.constant 0 : i32
      %dma_start3A_1985 = tpu.memref_slice %arg6[%dma_start3A_1983, %dma_start3A_1984] : memref<128x128xf32, #tpu.memory_space<vmem>> -> memref<80x128xf32, #tpu.memory_space<vmem>>
      tpu.enqueue_dma source(%dma_start3A_1985 : memref<80x128xf32, #tpu.memory_space<vmem>>) target(%dma_start3A_1982 : memref<80x128xf32, #tpu.memory_space<vmem_shared>>) target_semaphore(%run_scoped3A : memref<!tpu.dma_semaphore, #tpu.memory_space<semaphore_mem>>)
      %dma_wait3A_1986 = arith.constant 0 : i32
      %dma_wait3A_1987 = arith.constant 0 : i32
      %dma_wait3A_1988 = tpu.memref_slice %arg6[%dma_wait3A_1986, %dma_wait3A_1987] : memref<128x128xf32, #tpu.memory_space<vmem>> -> memref<80x128xf32, #tpu.memory_space<vmem>>
      %dma_wait3A_1989 = arith.constant 0 : i32
      %dma_wait3A_1990 = tpu.memref_slice %arg18[%add3A_152, %dma_wait3A_1989] : memref<5008x128xf32, #tpu.memory_space<vmem_shared>> -> memref<80x128xf32, #tpu.memory_space<vmem_shared>>
      %dma_wait3A_1991 = arith.constant 0 : i32
      %dma_wait3A_1992 = tpu.memref_slice %arg18[%add3A_152, %dma_wait3A_1991] : memref<5008x128xf32, #tpu.memory_space<vmem_shared>> -> memref<80x128xf32, #tpu.memory_space<vmem_shared>>
      %dma_wait3A_1993 = arith.constant 0 : i32
      %dma_wait3A_1994 = arith.constant 0 : i32
      %dma_wait3A_1995 = tpu.memref_slice %arg6[%dma_wait3A_1993, %dma_wait3A_1994] : memref<128x128xf32, #tpu.memory_space<vmem>> -> memref<80x128xf32, #tpu.memory_space<vmem>>
      tpu.wait_dma2 semaphore(%run_scoped3A : memref<!tpu.dma_semaphore, #tpu.memory_space<semaphore_mem>>) src(%dma_wait3A_1995 : memref<80x128xf32, #tpu.memory_space<vmem>>) dst(%dma_wait3A_1992 : memref<80x128xf32, #tpu.memory_space<vmem_shared>>)
      tpu.yield
    }) : () -> ()
    %add3A_153 = arith.constant 160 : i32
    %add3A_154 = arith.addi %mul3A_148, %add3A_153 : i32
    "tpu.region"() ({
      %run_scoped3A = tpu.sem_alloc : memref<!tpu.dma_semaphore, #tpu.memory_space<semaphore_mem>>
      %dma_start3A_1976 = arith.constant 0 : i32
      %dma_start3A_1977 = arith.constant 0 : i32
      %dma_start3A_1978 = tpu.memref_slice %arg6[%dma_start3A_1976, %dma_start3A_1977] : memref<128x128xf32, #tpu.memory_space<vmem>> -> memref<80x128xf32, #tpu.memory_space<vmem>>
      %dma_start3A_1979 = arith.constant 0 : i32
      %dma_start3A_1980 = tpu.memref_slice %arg18[%add3A_154, %dma_start3A_1979] : memref<5008x128xf32, #tpu.memory_space<vmem_shared>> -> memref<80x128xf32, #tpu.memory_space<vmem_shared>>
      %dma_start3A_1981 = arith.constant 0 : i32
      %dma_start3A_1982 = tpu.memref_slice %arg18[%add3A_154, %dma_start3A_1981] : memref<5008x128xf32, #tpu.memory_space<vmem_shared>> -> memref<80x128xf32, #tpu.memory_space<vmem_shared>>
      %dma_start3A_1983 = arith.constant 0 : i32
      %dma_start3A_1984 = arith.constant 0 : i32
      %dma_start3A_1985 = tpu.memref_slice %arg6[%dma_start3A_1983, %dma_start3A_1984] : memref<128x128xf32, #tpu.memory_space<vmem>> -> memref<80x128xf32, #tpu.memory_space<vmem>>
      tpu.enqueue_dma source(%dma_start3A_1985 : memref<80x128xf32, #tpu.memory_space<vmem>>) target(%dma_start3A_1982 : memref<80x128xf32, #tpu.memory_space<vmem_shared>>) target_semaphore(%run_scoped3A : memref<!tpu.dma_semaphore, #tpu.memory_space<semaphore_mem>>)
      %dma_wait3A_1986 = arith.constant 0 : i32
      %dma_wait3A_1987 = arith.constant 0 : i32
      %dma_wait3A_1988 = tpu.memref_slice %arg6[%dma_wait3A_1986, %dma_wait3A_1987] : memref<128x128xf32, #tpu.memory_space<vmem>> -> memref<80x128xf32, #tpu.memory_space<vmem>>
      %dma_wait3A_1989 = arith.constant 0 : i32
      %dma_wait3A_1990 = tpu.memref_slice %arg18[%add3A_154, %dma_wait3A_1989] : memref<5008x128xf32, #tpu.memory_space<vmem_shared>> -> memref<80x128xf32, #tpu.memory_space<vmem_shared>>
      %dma_wait3A_1991 = arith.constant 0 : i32
      %dma_wait3A_1992 = tpu.memref_slice %arg18[%add3A_154, %dma_wait3A_1991] : memref<5008x128xf32, #tpu.memory_space<vmem_shared>> -> memref<80x128xf32, #tpu.memory_space<vmem_shared>>
      %dma_wait3A_1993 = arith.constant 0 : i32
      %dma_wait3A_1994 = arith.constant 0 : i32
      %dma_wait3A_1995 = tpu.memref_slice %arg6[%dma_wait3A_1993, %dma_wait3A_1994] : memref<128x128xf32, #tpu.memory_space<vmem>> -> memref<80x128xf32, #tpu.memory_space<vmem>>
      tpu.wait_dma2 semaphore(%run_scoped3A : memref<!tpu.dma_semaphore, #tpu.memory_space<semaphore_mem>>) src(%dma_wait3A_1995 : memref<80x128xf32, #tpu.memory_space<vmem>>) dst(%dma_wait3A_1992 : memref<80x128xf32, #tpu.memory_space<vmem_shared>>)
      tpu.yield
    }) : () -> ()
    %add3A_155 = arith.constant 240 : i32
    %add3A_156 = arith.addi %mul3A_148, %add3A_155 : i32
    "tpu.region"() ({
      %run_scoped3A = tpu.sem_alloc : memref<!tpu.dma_semaphore, #tpu.memory_space<semaphore_mem>>
      %dma_start3A_1976 = arith.constant 0 : i32
      %dma_start3A_1977 = arith.constant 0 : i32
      %dma_start3A_1978 = tpu.memref_slice %arg6[%dma_start3A_1976, %dma_start3A_1977] : memref<128x128xf32, #tpu.memory_space<vmem>> -> memref<80x128xf32, #tpu.memory_space<vmem>>
      %dma_start3A_1979 = arith.constant 0 : i32
      %dma_start3A_1980 = tpu.memref_slice %arg18[%add3A_156, %dma_start3A_1979] : memref<5008x128xf32, #tpu.memory_space<vmem_shared>> -> memref<80x128xf32, #tpu.memory_space<vmem_shared>>
      %dma_start3A_1981 = arith.constant 0 : i32
      %dma_start3A_1982 = tpu.memref_slice %arg18[%add3A_156, %dma_start3A_1981] : memref<5008x128xf32, #tpu.memory_space<vmem_shared>> -> memref<80x128xf32, #tpu.memory_space<vmem_shared>>
      %dma_start3A_1983 = arith.constant 0 : i32
      %dma_start3A_1984 = arith.constant 0 : i32
      %dma_start3A_1985 = tpu.memref_slice %arg6[%dma_start3A_1983, %dma_start3A_1984] : memref<128x128xf32, #tpu.memory_space<vmem>> -> memref<80x128xf32, #tpu.memory_space<vmem>>
      tpu.enqueue_dma source(%dma_start3A_1985 : memref<80x128xf32, #tpu.memory_space<vmem>>) target(%dma_start3A_1982 : memref<80x128xf32, #tpu.memory_space<vmem_shared>>) target_semaphore(%run_scoped3A : memref<!tpu.dma_semaphore, #tpu.memory_space<semaphore_mem>>)
      %dma_wait3A_1986 = arith.constant 0 : i32
      %dma_wait3A_1987 = arith.constant 0 : i32
      %dma_wait3A_1988 = tpu.memref_slice %arg6[%dma_wait3A_1986, %dma_wait3A_1987] : memref<128x128xf32, #tpu.memory_space<vmem>> -> memref<80x128xf32, #tpu.memory_space<vmem>>
      %dma_wait3A_1989 = arith.constant 0 : i32
      %dma_wait3A_1990 = tpu.memref_slice %arg18[%add3A_156, %dma_wait3A_1989] : memref<5008x128xf32, #tpu.memory_space<vmem_shared>> -> memref<80x128xf32, #tpu.memory_space<vmem_shared>>
      %dma_wait3A_1991 = arith.constant 0 : i32
      %dma_wait3A_1992 = tpu.memref_slice %arg18[%add3A_156, %dma_wait3A_1991] : memref<5008x128xf32, #tpu.memory_space<vmem_shared>> -> memref<80x128xf32, #tpu.memory_space<vmem_shared>>
      %dma_wait3A_1993 = arith.constant 0 : i32
      %dma_wait3A_1994 = arith.constant 0 : i32
      %dma_wait3A_1995 = tpu.memref_slice %arg6[%dma_wait3A_1993, %dma_wait3A_1994] : memref<128x128xf32, #tpu.memory_space<vmem>> -> memref<80x128xf32, #tpu.memory_space<vmem>>
      tpu.wait_dma2 semaphore(%run_scoped3A : memref<!tpu.dma_semaphore, #tpu.memory_space<semaphore_mem>>) src(%dma_wait3A_1995 : memref<80x128xf32, #tpu.memory_space<vmem>>) dst(%dma_wait3A_1992 : memref<80x128xf32, #tpu.memory_space<vmem_shared>>)
      tpu.yield
    }) : () -> ()
    %barrier3A = arith.constant 0 : index
    tpu.barrier barrier_id(%barrier3A)
    %sub3A_157 = arith.subi %select_n3A_133, %add3A : i32
    %add3A_158 = arith.constant 127 : i32
    %add3A_159 = arith.addi %sub3A_157, %add3A_158 : i32
    %jit3A_160 = arith.constant 128 : i32
    %div3A_161 = arith.divsi %add3A_159, %jit3A_160 : i32
    %sign3A_162 = arith.constant 0 : i32
    %sign3A_163 = arith.cmpi sgt, %add3A_159, %sign3A_162 : i32
    %sign3A_164 = arith.extui %sign3A_163 : i1 to i32
    %sign3A_165 = arith.constant 0 : i32
    %sign3A_166 = arith.cmpi slt, %add3A_159, %sign3A_165 : i32
    %sign3A_167 = arith.extui %sign3A_166 : i1 to i32
    %sign3A_168 = arith.subi %sign3A_164, %sign3A_167 : i32
    %sign3A_169 = arith.constant 0 : i32
    %sign3A_170 = arith.cmpi sgt, %jit3A_160, %sign3A_169 : i32
    %sign3A_171 = arith.extui %sign3A_170 : i1 to i32
    %sign3A_172 = arith.constant 0 : i32
    %sign3A_173 = arith.cmpi slt, %jit3A_160, %sign3A_172 : i32
    %sign3A_174 = arith.extui %sign3A_173 : i1 to i32
    %sign3A_175 = arith.subi %sign3A_171, %sign3A_174 : i32
    %ne3A_176 = arith.cmpi ne, %sign3A_168, %sign3A_175 : i32
    %rem3A_177 = arith.remsi %add3A_159, %jit3A_160 : i32
    %ne3A_178 = arith.constant 0 : i32
    %ne3A_179 = arith.cmpi ne, %rem3A_177, %ne3A_178 : i32
    %and3A_180 = arith.andi %ne3A_176, %ne3A_179 : i1
    %sub3A_181 = arith.constant 1 : i32
    %sub3A_182 = arith.subi %div3A_161, %sub3A_181 : i32
    %select_n3A_183 = arith.select %and3A_180, %sub3A_182, %div3A_161 : i32
    %add3A_184 = arith.constant 1 : i32
    %add3A_185 = arith.addi %select_n3A_183, %add3A_184 : i32
    %jit3A_186 = arith.constant 2 : i32
    %div3A_187 = arith.divsi %add3A_185, %jit3A_186 : i32
    %sign3A_188 = arith.constant 0 : i32
    %sign3A_189 = arith.cmpi sgt, %add3A_185, %sign3A_188 : i32
    %sign3A_190 = arith.extui %sign3A_189 : i1 to i32
    %sign3A_191 = arith.constant 0 : i32
    %sign3A_192 = arith.cmpi slt, %add3A_185, %sign3A_191 : i32
    %sign3A_193 = arith.extui %sign3A_192 : i1 to i32
    %sign3A_194 = arith.subi %sign3A_190, %sign3A_193 : i32
    %sign3A_195 = arith.constant 0 : i32
    %sign3A_196 = arith.cmpi sgt, %jit3A_186, %sign3A_195 : i32
    %sign3A_197 = arith.extui %sign3A_196 : i1 to i32
    %sign3A_198 = arith.constant 0 : i32
    %sign3A_199 = arith.cmpi slt, %jit3A_186, %sign3A_198 : i32
    %sign3A_200 = arith.extui %sign3A_199 : i1 to i32
    %sign3A_201 = arith.subi %sign3A_197, %sign3A_200 : i32
    %ne3A_202 = arith.cmpi ne, %sign3A_194, %sign3A_201 : i32
    %rem3A_203 = arith.remsi %add3A_185, %jit3A_186 : i32
    %ne3A_204 = arith.constant 0 : i32
    %ne3A_205 = arith.cmpi ne, %rem3A_203, %ne3A_204 : i32
    %and3A_206 = arith.andi %ne3A_202, %ne3A_205 : i1
    %sub3A_207 = arith.constant 1 : i32
    %sub3A_208 = arith.subi %div3A_187, %sub3A_207 : i32
    %select_n3A_209 = arith.select %and3A_206, %sub3A_208, %div3A_187 : i32
    %max3A = arith.constant 1 : i32
    %max3A_210 = arith.maxsi %max3A, %select_n3A_209 : i32
    %broadcast_in_dim3A = arith.constant 1.000000e+00 : f32
    %broadcast_in_dim3A_211 = vector.broadcast %broadcast_in_dim3A : f32 to vector<16xf32>
    %dma_start3A = arith.constant 0 : i32
    %dma_start3A_212 = arith.constant 0 : i32
    %dma_start3A_213 = tpu.memref_slice %arg18[%dma_start3A, %dma_start3A_212] : memref<5008x128xf32, #tpu.memory_space<vmem_shared>> -> memref<5008x128xf32, #tpu.memory_space<vmem_shared>>
    tpu.enqueue_indirect_dma source(%arg7 : memref<128x128xf32, #tpu.memory_space<vmem>>) target(%dma_start3A_213 : memref<5008x128xf32, #tpu.memory_space<vmem_shared>>) offsets(%arg9 : memref<128xi32, #tpu.memory_space<vmem>>) semaphore(%arg17 : memref<!tpu.dma_semaphore, #tpu.memory_space<semaphore_mem>>) {add = true}
    %add3A_214 = arith.constant 0 : i32
    %add3A_215 = arith.addi %add3A, %add3A_214 : i32
    %min3A = arith.constant 319872 : i32
    %min3A_216 = arith.minsi %add3A_215, %min3A : i32
    %multiple_of3A = tpu.assume_multiple %min3A_216, 8 : i32
    %dma_start3A_217 = arith.constant 0 : i32
    %dma_start3A_218 = tpu.memref_slice %arg2[%multiple_of3A, %dma_start3A_217] : memref<320000x128xf32, #tpu.memory_space<hbm>> -> memref<128x128xf32, #tpu.memory_space<hbm>>
    %dma_start3A_219 = arith.constant 0 : i32
    %dma_start3A_220 = tpu.memref_slice %arg2[%multiple_of3A, %dma_start3A_219] : memref<320000x128xf32, #tpu.memory_space<hbm>> -> memref<128x128xf32, #tpu.memory_space<hbm>>
    tpu.enqueue_dma source(%dma_start3A_220 : memref<128x128xf32, #tpu.memory_space<hbm>>) target(%arg6 : memref<128x128xf32, #tpu.memory_space<vmem>>) target_semaphore(%arg14 : memref<!tpu.dma_semaphore, #tpu.memory_space<semaphore_mem>>)
    %dma_start3A_221 = tpu.memref_slice %arg3[%multiple_of3A] : memref<320000xi32, #tpu.memory_space<hbm>> -> memref<128xi32, #tpu.memory_space<hbm>>
    %dma_start3A_222 = tpu.memref_slice %arg3[%multiple_of3A] : memref<320000xi32, #tpu.memory_space<hbm>> -> memref<128xi32, #tpu.memory_space<hbm>>
    tpu.enqueue_dma source(%dma_start3A_222 : memref<128xi32, #tpu.memory_space<hbm>>) target(%arg8 : memref<128xi32, #tpu.memory_space<vmem>>) target_semaphore(%arg14 : memref<!tpu.dma_semaphore, #tpu.memory_space<semaphore_mem>>)
    %while3A = arith.constant 0 : i32
    %while3A_223 = arith.constant 0 : i32
    %while3A_224 = arith.subi %max3A_210, %while3A_223 : i32
    %while3A_225 = arith.addi %while3A_223, %while3A_224 : i32
    %while3A_226 = arith.constant 1 : i32
    %while3A_227 = arith.divsi %while3A_224, %while3A_226 : i32
    %while3A_228 = arith.muli %while3A_227, %while3A_226 : i32
    %while3A_229 = arith.addi %while3A_223, %while3A_228 : i32
    %while3A_230 = arith.constant 1 : i32
    scf.for %while3A_1976 = %while3A_223 to %while3A_229 step %while3A_230  : i32 {
      %mul3A_1977 = arith.constant 2 : i32
      %mul3A_1978 = arith.muli %mul3A_1977, %while3A_1976 : i32
      %dma_wait3A_1979 = arith.constant 0 : i32
      %dma_wait3A_1980 = arith.constant 0 : i32
      %dma_wait3A_1981 = tpu.memref_slice %arg2[%dma_wait3A_1979, %dma_wait3A_1980] : memref<320000x128xf32, #tpu.memory_space<hbm>> -> memref<128x128xf32, #tpu.memory_space<hbm>>
      %dma_wait3A_1982 = arith.constant 0 : i32
      %dma_wait3A_1983 = arith.constant 0 : i32
      %dma_wait3A_1984 = tpu.memref_slice %arg2[%dma_wait3A_1982, %dma_wait3A_1983] : memref<320000x128xf32, #tpu.memory_space<hbm>> -> memref<128x128xf32, #tpu.memory_space<hbm>>
      tpu.wait_dma2 semaphore(%arg14 : memref<!tpu.dma_semaphore, #tpu.memory_space<semaphore_mem>>) src(%dma_wait3A_1984 : memref<128x128xf32, #tpu.memory_space<hbm>>) dst(%arg6 : memref<128x128xf32, #tpu.memory_space<vmem>>)
      %dma_wait3A_1985 = arith.constant 0 : i32
      %dma_wait3A_1986 = tpu.memref_slice %arg3[%dma_wait3A_1985] : memref<320000xi32, #tpu.memory_space<hbm>> -> memref<128xi32, #tpu.memory_space<hbm>>
      %dma_wait3A_1987 = arith.constant 0 : i32
      %dma_wait3A_1988 = tpu.memref_slice %arg3[%dma_wait3A_1987] : memref<320000xi32, #tpu.memory_space<hbm>> -> memref<128xi32, #tpu.memory_space<hbm>>
      tpu.wait_dma2 semaphore(%arg14 : memref<!tpu.dma_semaphore, #tpu.memory_space<semaphore_mem>>) src(%dma_wait3A_1988 : memref<128xi32, #tpu.memory_space<hbm>>) dst(%arg8 : memref<128xi32, #tpu.memory_space<vmem>>)
      %dma_wait3A_1989 = arith.constant 0 : i32
      %dma_wait3A_1990 = arith.constant 0 : i32
      %dma_wait3A_1991 = tpu.memref_slice %arg18[%dma_wait3A_1989, %dma_wait3A_1990] : memref<5008x128xf32, #tpu.memory_space<vmem_shared>> -> memref<5008x128xf32, #tpu.memory_space<vmem_shared>>
      tpu.wait_indirect_dma semaphore(%arg17 : memref<!tpu.dma_semaphore, #tpu.memory_space<semaphore_mem>>) src(%arg7 : memref<128x128xf32, #tpu.memory_space<vmem>>) dst(%dma_wait3A_1991 : memref<5008x128xf32, #tpu.memory_space<vmem_shared>>)
      %add3A_1992 = arith.constant 1 : i32
      %add3A_1993 = arith.addi %mul3A_1978, %add3A_1992 : i32
      %mul3A_1994 = arith.constant 128 : i32
      %mul3A_1995 = arith.muli %add3A_1993, %mul3A_1994 : i32
      %add3A_1996 = arith.addi %add3A, %mul3A_1995 : i32
      %min3A_1997 = arith.constant 319872 : i32
      %min3A_1998 = arith.minsi %add3A_1996, %min3A_1997 : i32
      %multiple_of3A_1999 = tpu.assume_multiple %min3A_1998, 8 : i32
      %dma_start3A_2000 = arith.constant 0 : i32
      %dma_start3A_2001 = tpu.memref_slice %arg2[%multiple_of3A_1999, %dma_start3A_2000] : memref<320000x128xf32, #tpu.memory_space<hbm>> -> memref<128x128xf32, #tpu.memory_space<hbm>>
      %dma_start3A_2002 = arith.constant 0 : i32
      %dma_start3A_2003 = tpu.memref_slice %arg2[%multiple_of3A_1999, %dma_start3A_2002] : memref<320000x128xf32, #tpu.memory_space<hbm>> -> memref<128x128xf32, #tpu.memory_space<hbm>>
      tpu.enqueue_dma source(%dma_start3A_2003 : memref<128x128xf32, #tpu.memory_space<hbm>>) target(%arg7 : memref<128x128xf32, #tpu.memory_space<vmem>>) target_semaphore(%arg15 : memref<!tpu.dma_semaphore, #tpu.memory_space<semaphore_mem>>)
      %dma_start3A_2004 = tpu.memref_slice %arg3[%multiple_of3A_1999] : memref<320000xi32, #tpu.memory_space<hbm>> -> memref<128xi32, #tpu.memory_space<hbm>>
      %dma_start3A_2005 = tpu.memref_slice %arg3[%multiple_of3A_1999] : memref<320000xi32, #tpu.memory_space<hbm>> -> memref<128xi32, #tpu.memory_space<hbm>>
      tpu.enqueue_dma source(%dma_start3A_2005 : memref<128xi32, #tpu.memory_space<hbm>>) target(%arg9 : memref<128xi32, #tpu.memory_space<vmem>>) target_semaphore(%arg15 : memref<!tpu.dma_semaphore, #tpu.memory_space<semaphore_mem>>)
      %mul3A_2006 = arith.constant 128 : i32
      %mul3A_2007 = arith.muli %mul3A_1978, %mul3A_2006 : i32
      %add3A_2008 = arith.addi %add3A, %mul3A_2007 : i32
      %mul3A_2009 = arith.constant 128 : i32
      %mul3A_2010 = arith.muli %mul3A_1978, %mul3A_2009 : i32
      %add3A_2011 = arith.addi %add3A, %mul3A_2010 : i32
      %min3A_2012 = arith.constant 319872 : i32
      %min3A_2013 = arith.minsi %add3A_2011, %min3A_2012 : i32
      %multiple_of3A_2014 = tpu.assume_multiple %min3A_2013, 8 : i32
      %get3A_2015 = arith.constant 0 : index
      %get3A_2016 = tpu.vector_load %arg8[%get3A_2015] {strides = array<i32>} : memref<128xi32, #tpu.memory_space<vmem>>, vector<16xi32>,
      %add3A_2017 = arith.constant 0 : i32
      %add3A_2018 = arith.addi %multiple_of3A_2014, %add3A_2017 : i32
      %iota3A = tpu.iota {dimensions = array<i32: 0>} : vector<16xi32>
      %add3A_2019 = vector.broadcast %add3A_2018 : i32 to vector<16xi32>
      %add3A_2020 = arith.addi %add3A_2019, %iota3A : vector<16xi32>
      %sub3A_2021 = vector.broadcast %mul3A_135 : i32 to vector<16xi32>
      %sub3A_2022 = arith.subi %get3A_2016, %sub3A_2021 : vector<16xi32>
      %ge3A = vector.broadcast %add3A_2008 : i32 to vector<16xi32>
      %ge3A_2023 = arith.cmpi sge, %add3A_2020, %ge3A : vector<16xi32>
      %lt3A = vector.broadcast %select_n3A_133 : i32 to vector<16xi32>
      %lt3A_2024 = arith.cmpi slt, %add3A_2020, %lt3A : vector<16xi32>
      %and3A_2025 = arith.andi %ge3A_2023, %lt3A_2024 : vector<16xi1>
      %ge3A_2026 = arith.constant 0 : i32
      %ge3A_2027 = vector.broadcast %ge3A_2026 : i32 to vector<16xi32>
      %ge3A_2028 = arith.cmpi sge, %sub3A_2022, %ge3A_2027 : vector<16xi32>
      %and3A_2029 = arith.andi %and3A_2025, %ge3A_2028 : vector<16xi1>
      %lt3A_2030 = arith.constant 5000 : i32
      %lt3A_2031 = vector.broadcast %lt3A_2030 : i32 to vector<16xi32>
      %lt3A_2032 = arith.cmpi slt, %sub3A_2022, %lt3A_2031 : vector<16xi32>
      %and3A_2033 = arith.andi %and3A_2029, %lt3A_2032 : vector<16xi1>
      %jit3A_2034 = arith.constant 5000 : i32
      %broadcast_in_dim3A_2035 = vector.broadcast %jit3A_2034 : i32 to vector<16xi32>
      %select_n3A_2036 = arith.select %and3A_2033, %sub3A_2022, %broadcast_in_dim3A_2035 : vector<16xi1>, vector<16xi32>
      %swap3A_2037 = arith.constant 0 : index
      %swap3A_2038 = tpu.vector_load %arg8[%swap3A_2037] {strides = array<i32>} : memref<128xi32, #tpu.memory_space<vmem>>, vector<16xi32>,
      tpu.vector_store %arg8[%swap3A_2037], %select_n3A_2036 {strides = array<i32>} : memref<128xi32, #tpu.memory_space<vmem>>, vector<16xi32>,
      tpu.vector_store_idx %arg10[%select_n3A_2036], %broadcast_in_dim3A_211 {add = true} : memref<5008xf32, #tpu.memory_space<vmem>>[vector<16xi32>], vector<16xf32>,
      %get3A_2039 = arith.constant 16 : index
      %get3A_2040 = tpu.vector_load %arg8[%get3A_2039] {strides = array<i32>} : memref<128xi32, #tpu.memory_space<vmem>>, vector<16xi32>,
      %add3A_2041 = arith.constant 16 : i32
      %add3A_2042 = arith.addi %multiple_of3A_2014, %add3A_2041 : i32
      %iota3A_2043 = tpu.iota {dimensions = array<i32: 0>} : vector<16xi32>
      %add3A_2044 = vector.broadcast %add3A_2042 : i32 to vector<16xi32>
      %add3A_2045 = arith.addi %add3A_2044, %iota3A_2043 : vector<16xi32>
      %sub3A_2046 = vector.broadcast %mul3A_135 : i32 to vector<16xi32>
      %sub3A_2047 = arith.subi %get3A_2040, %sub3A_2046 : vector<16xi32>
      %ge3A_2048 = vector.broadcast %add3A_2008 : i32 to vector<16xi32>
      %ge3A_2049 = arith.cmpi sge, %add3A_2045, %ge3A_2048 : vector<16xi32>
      %lt3A_2050 = vector.broadcast %select_n3A_133 : i32 to vector<16xi32>
      %lt3A_2051 = arith.cmpi slt, %add3A_2045, %lt3A_2050 : vector<16xi32>
      %and3A_2052 = arith.andi %ge3A_2049, %lt3A_2051 : vector<16xi1>
      %ge3A_2053 = arith.constant 0 : i32
      %ge3A_2054 = vector.broadcast %ge3A_2053 : i32 to vector<16xi32>
      %ge3A_2055 = arith.cmpi sge, %sub3A_2047, %ge3A_2054 : vector<16xi32>
      %and3A_2056 = arith.andi %and3A_2052, %ge3A_2055 : vector<16xi1>
      %lt3A_2057 = arith.constant 5000 : i32
      %lt3A_2058 = vector.broadcast %lt3A_2057 : i32 to vector<16xi32>
      %lt3A_2059 = arith.cmpi slt, %sub3A_2047, %lt3A_2058 : vector<16xi32>
      %and3A_2060 = arith.andi %and3A_2056, %lt3A_2059 : vector<16xi1>
      %jit3A_2061 = arith.constant 5000 : i32
      %broadcast_in_dim3A_2062 = vector.broadcast %jit3A_2061 : i32 to vector<16xi32>
      %select_n3A_2063 = arith.select %and3A_2060, %sub3A_2047, %broadcast_in_dim3A_2062 : vector<16xi1>, vector<16xi32>
      %swap3A_2064 = arith.constant 16 : index
      %swap3A_2065 = tpu.vector_load %arg8[%swap3A_2064] {strides = array<i32>} : memref<128xi32, #tpu.memory_space<vmem>>, vector<16xi32>,
      tpu.vector_store %arg8[%swap3A_2064], %select_n3A_2063 {strides = array<i32>} : memref<128xi32, #tpu.memory_space<vmem>>, vector<16xi32>,
      tpu.vector_store_idx %arg10[%select_n3A_2063], %broadcast_in_dim3A_211 {add = true} : memref<5008xf32, #tpu.memory_space<vmem>>[vector<16xi32>], vector<16xf32>,
      %get3A_2066 = arith.constant 32 : index
      %get3A_2067 = tpu.vector_load %arg8[%get3A_2066] {strides = array<i32>} : memref<128xi32, #tpu.memory_space<vmem>>, vector<16xi32>,
      %add3A_2068 = arith.constant 32 : i32
      %add3A_2069 = arith.addi %multiple_of3A_2014, %add3A_2068 : i32
      %iota3A_2070 = tpu.iota {dimensions = array<i32: 0>} : vector<16xi32>
      %add3A_2071 = vector.broadcast %add3A_2069 : i32 to vector<16xi32>
      %add3A_2072 = arith.addi %add3A_2071, %iota3A_2070 : vector<16xi32>
      %sub3A_2073 = vector.broadcast %mul3A_135 : i32 to vector<16xi32>
      %sub3A_2074 = arith.subi %get3A_2067, %sub3A_2073 : vector<16xi32>
      %ge3A_2075 = vector.broadcast %add3A_2008 : i32 to vector<16xi32>
      %ge3A_2076 = arith.cmpi sge, %add3A_2072, %ge3A_2075 : vector<16xi32>
      %lt3A_2077 = vector.broadcast %select_n3A_133 : i32 to vector<16xi32>
      %lt3A_2078 = arith.cmpi slt, %add3A_2072, %lt3A_2077 : vector<16xi32>
      %and3A_2079 = arith.andi %ge3A_2076, %lt3A_2078 : vector<16xi1>
      %ge3A_2080 = arith.constant 0 : i32
      %ge3A_2081 = vector.broadcast %ge3A_2080 : i32 to vector<16xi32>
      %ge3A_2082 = arith.cmpi sge, %sub3A_2074, %ge3A_2081 : vector<16xi32>
      %and3A_2083 = arith.andi %and3A_2079, %ge3A_2082 : vector<16xi1>
      %lt3A_2084 = arith.constant 5000 : i32
      %lt3A_2085 = vector.broadcast %lt3A_2084 : i32 to vector<16xi32>
      %lt3A_2086 = arith.cmpi slt, %sub3A_2074, %lt3A_2085 : vector<16xi32>
      %and3A_2087 = arith.andi %and3A_2083, %lt3A_2086 : vector<16xi1>
      %jit3A_2088 = arith.constant 5000 : i32
      %broadcast_in_dim3A_2089 = vector.broadcast %jit3A_2088 : i32 to vector<16xi32>
      %select_n3A_2090 = arith.select %and3A_2087, %sub3A_2074, %broadcast_in_dim3A_2089 : vector<16xi1>, vector<16xi32>
      %swap3A_2091 = arith.constant 32 : index
      %swap3A_2092 = tpu.vector_load %arg8[%swap3A_2091] {strides = array<i32>} : memref<128xi32, #tpu.memory_space<vmem>>, vector<16xi32>,
      tpu.vector_store %arg8[%swap3A_2091], %select_n3A_2090 {strides = array<i32>} : memref<128xi32, #tpu.memory_space<vmem>>, vector<16xi32>,
      tpu.vector_store_idx %arg10[%select_n3A_2090], %broadcast_in_dim3A_211 {add = true} : memref<5008xf32, #tpu.memory_space<vmem>>[vector<16xi32>], vector<16xf32>,
      %get3A_2093 = arith.constant 48 : index
      %get3A_2094 = tpu.vector_load %arg8[%get3A_2093] {strides = array<i32>} : memref<128xi32, #tpu.memory_space<vmem>>, vector<16xi32>,
      %add3A_2095 = arith.constant 48 : i32
      %add3A_2096 = arith.addi %multiple_of3A_2014, %add3A_2095 : i32
      %iota3A_2097 = tpu.iota {dimensions = array<i32: 0>} : vector<16xi32>
      %add3A_2098 = vector.broadcast %add3A_2096 : i32 to vector<16xi32>
      %add3A_2099 = arith.addi %add3A_2098, %iota3A_2097 : vector<16xi32>
      %sub3A_2100 = vector.broadcast %mul3A_135 : i32 to vector<16xi32>
      %sub3A_2101 = arith.subi %get3A_2094, %sub3A_2100 : vector<16xi32>
      %ge3A_2102 = vector.broadcast %add3A_2008 : i32 to vector<16xi32>
      %ge3A_2103 = arith.cmpi sge, %add3A_2099, %ge3A_2102 : vector<16xi32>
      %lt3A_2104 = vector.broadcast %select_n3A_133 : i32 to vector<16xi32>
      %lt3A_2105 = arith.cmpi slt, %add3A_2099, %lt3A_2104 : vector<16xi32>
      %and3A_2106 = arith.andi %ge3A_2103, %lt3A_2105 : vector<16xi1>
      %ge3A_2107 = arith.constant 0 : i32
      %ge3A_2108 = vector.broadcast %ge3A_2107 : i32 to vector<16xi32>
      %ge3A_2109 = arith.cmpi sge, %sub3A_2101, %ge3A_2108 : vector<16xi32>
      %and3A_2110 = arith.andi %and3A_2106, %ge3A_2109 : vector<16xi1>
      %lt3A_2111 = arith.constant 5000 : i32
      %lt3A_2112 = vector.broadcast %lt3A_2111 : i32 to vector<16xi32>
      %lt3A_2113 = arith.cmpi slt, %sub3A_2101, %lt3A_2112 : vector<16xi32>
      %and3A_2114 = arith.andi %and3A_2110, %lt3A_2113 : vector<16xi1>
      %jit3A_2115 = arith.constant 5000 : i32
      %broadcast_in_dim3A_2116 = vector.broadcast %jit3A_2115 : i32 to vector<16xi32>
      %select_n3A_2117 = arith.select %and3A_2114, %sub3A_2101, %broadcast_in_dim3A_2116 : vector<16xi1>, vector<16xi32>
      %swap3A_2118 = arith.constant 48 : index
      %swap3A_2119 = tpu.vector_load %arg8[%swap3A_2118] {strides = array<i32>} : memref<128xi32, #tpu.memory_space<vmem>>, vector<16xi32>,
      tpu.vector_store %arg8[%swap3A_2118], %select_n3A_2117 {strides = array<i32>} : memref<128xi32, #tpu.memory_space<vmem>>, vector<16xi32>,
      tpu.vector_store_idx %arg10[%select_n3A_2117], %broadcast_in_dim3A_211 {add = true} : memref<5008xf32, #tpu.memory_space<vmem>>[vector<16xi32>], vector<16xf32>,
      %get3A_2120 = arith.constant 64 : index
      %get3A_2121 = tpu.vector_load %arg8[%get3A_2120] {strides = array<i32>} : memref<128xi32, #tpu.memory_space<vmem>>, vector<16xi32>,
      %add3A_2122 = arith.constant 64 : i32
      %add3A_2123 = arith.addi %multiple_of3A_2014, %add3A_2122 : i32
      %iota3A_2124 = tpu.iota {dimensions = array<i32: 0>} : vector<16xi32>
      %add3A_2125 = vector.broadcast %add3A_2123 : i32 to vector<16xi32>
      %add3A_2126 = arith.addi %add3A_2125, %iota3A_2124 : vector<16xi32>
      %sub3A_2127 = vector.broadcast %mul3A_135 : i32 to vector<16xi32>
      %sub3A_2128 = arith.subi %get3A_2121, %sub3A_2127 : vector<16xi32>
      %ge3A_2129 = vector.broadcast %add3A_2008 : i32 to vector<16xi32>
      %ge3A_2130 = arith.cmpi sge, %add3A_2126, %ge3A_2129 : vector<16xi32>
      %lt3A_2131 = vector.broadcast %select_n3A_133 : i32 to vector<16xi32>
      %lt3A_2132 = arith.cmpi slt, %add3A_2126, %lt3A_2131 : vector<16xi32>
      %and3A_2133 = arith.andi %ge3A_2130, %lt3A_2132 : vector<16xi1>
      %ge3A_2134 = arith.constant 0 : i32
      %ge3A_2135 = vector.broadcast %ge3A_2134 : i32 to vector<16xi32>
      %ge3A_2136 = arith.cmpi sge, %sub3A_2128, %ge3A_2135 : vector<16xi32>
      %and3A_2137 = arith.andi %and3A_2133, %ge3A_2136 : vector<16xi1>
      %lt3A_2138 = arith.constant 5000 : i32
      %lt3A_2139 = vector.broadcast %lt3A_2138 : i32 to vector<16xi32>
      %lt3A_2140 = arith.cmpi slt, %sub3A_2128, %lt3A_2139 : vector<16xi32>
      %and3A_2141 = arith.andi %and3A_2137, %lt3A_2140 : vector<16xi1>
      %jit3A_2142 = arith.constant 5000 : i32
      %broadcast_in_dim3A_2143 = vector.broadcast %jit3A_2142 : i32 to vector<16xi32>
      %select_n3A_2144 = arith.select %and3A_2141, %sub3A_2128, %broadcast_in_dim3A_2143 : vector<16xi1>, vector<16xi32>
      %swap3A_2145 = arith.constant 64 : index
      %swap3A_2146 = tpu.vector_load %arg8[%swap3A_2145] {strides = array<i32>} : memref<128xi32, #tpu.memory_space<vmem>>, vector<16xi32>,
      tpu.vector_store %arg8[%swap3A_2145], %select_n3A_2144 {strides = array<i32>} : memref<128xi32, #tpu.memory_space<vmem>>, vector<16xi32>,
      tpu.vector_store_idx %arg10[%select_n3A_2144], %broadcast_in_dim3A_211 {add = true} : memref<5008xf32, #tpu.memory_space<vmem>>[vector<16xi32>], vector<16xf32>,
      %get3A_2147 = arith.constant 80 : index
      %get3A_2148 = tpu.vector_load %arg8[%get3A_2147] {strides = array<i32>} : memref<128xi32, #tpu.memory_space<vmem>>, vector<16xi32>,
      %add3A_2149 = arith.constant 80 : i32
      %add3A_2150 = arith.addi %multiple_of3A_2014, %add3A_2149 : i32
      %iota3A_2151 = tpu.iota {dimensions = array<i32: 0>} : vector<16xi32>
      %add3A_2152 = vector.broadcast %add3A_2150 : i32 to vector<16xi32>
      %add3A_2153 = arith.addi %add3A_2152, %iota3A_2151 : vector<16xi32>
      %sub3A_2154 = vector.broadcast %mul3A_135 : i32 to vector<16xi32>
      %sub3A_2155 = arith.subi %get3A_2148, %sub3A_2154 : vector<16xi32>
      %ge3A_2156 = vector.broadcast %add3A_2008 : i32 to vector<16xi32>
      %ge3A_2157 = arith.cmpi sge, %add3A_2153, %ge3A_2156 : vector<16xi32>
      %lt3A_2158 = vector.broadcast %select_n3A_133 : i32 to vector<16xi32>
      %lt3A_2159 = arith.cmpi slt, %add3A_2153, %lt3A_2158 : vector<16xi32>
      %and3A_2160 = arith.andi %ge3A_2157, %lt3A_2159 : vector<16xi1>
      %ge3A_2161 = arith.constant 0 : i32
      %ge3A_2162 = vector.broadcast %ge3A_2161 : i32 to vector<16xi32>
      %ge3A_2163 = arith.cmpi sge, %sub3A_2155, %ge3A_2162 : vector<16xi32>
      %and3A_2164 = arith.andi %and3A_2160, %ge3A_2163 : vector<16xi1>
      %lt3A_2165 = arith.constant 5000 : i32
      %lt3A_2166 = vector.broadcast %lt3A_2165 : i32 to vector<16xi32>
      %lt3A_2167 = arith.cmpi slt, %sub3A_2155, %lt3A_2166 : vector<16xi32>
      %and3A_2168 = arith.andi %and3A_2164, %lt3A_2167 : vector<16xi1>
      %jit3A_2169 = arith.constant 5000 : i32
      %broadcast_in_dim3A_2170 = vector.broadcast %jit3A_2169 : i32 to vector<16xi32>
      %select_n3A_2171 = arith.select %and3A_2168, %sub3A_2155, %broadcast_in_dim3A_2170 : vector<16xi1>, vector<16xi32>
      %swap3A_2172 = arith.constant 80 : index
      %swap3A_2173 = tpu.vector_load %arg8[%swap3A_2172] {strides = array<i32>} : memref<128xi32, #tpu.memory_space<vmem>>, vector<16xi32>,
      tpu.vector_store %arg8[%swap3A_2172], %select_n3A_2171 {strides = array<i32>} : memref<128xi32, #tpu.memory_space<vmem>>, vector<16xi32>,
      tpu.vector_store_idx %arg10[%select_n3A_2171], %broadcast_in_dim3A_211 {add = true} : memref<5008xf32, #tpu.memory_space<vmem>>[vector<16xi32>], vector<16xf32>,
      %get3A_2174 = arith.constant 96 : index
      %get3A_2175 = tpu.vector_load %arg8[%get3A_2174] {strides = array<i32>} : memref<128xi32, #tpu.memory_space<vmem>>, vector<16xi32>,
      %add3A_2176 = arith.constant 96 : i32
      %add3A_2177 = arith.addi %multiple_of3A_2014, %add3A_2176 : i32
      %iota3A_2178 = tpu.iota {dimensions = array<i32: 0>} : vector<16xi32>
      %add3A_2179 = vector.broadcast %add3A_2177 : i32 to vector<16xi32>
      %add3A_2180 = arith.addi %add3A_2179, %iota3A_2178 : vector<16xi32>
      %sub3A_2181 = vector.broadcast %mul3A_135 : i32 to vector<16xi32>
      %sub3A_2182 = arith.subi %get3A_2175, %sub3A_2181 : vector<16xi32>
      %ge3A_2183 = vector.broadcast %add3A_2008 : i32 to vector<16xi32>
      %ge3A_2184 = arith.cmpi sge, %add3A_2180, %ge3A_2183 : vector<16xi32>
      %lt3A_2185 = vector.broadcast %select_n3A_133 : i32 to vector<16xi32>
      %lt3A_2186 = arith.cmpi slt, %add3A_2180, %lt3A_2185 : vector<16xi32>
      %and3A_2187 = arith.andi %ge3A_2184, %lt3A_2186 : vector<16xi1>
      %ge3A_2188 = arith.constant 0 : i32
      %ge3A_2189 = vector.broadcast %ge3A_2188 : i32 to vector<16xi32>
      %ge3A_2190 = arith.cmpi sge, %sub3A_2182, %ge3A_2189 : vector<16xi32>
      %and3A_2191 = arith.andi %and3A_2187, %ge3A_2190 : vector<16xi1>
      %lt3A_2192 = arith.constant 5000 : i32
      %lt3A_2193 = vector.broadcast %lt3A_2192 : i32 to vector<16xi32>
      %lt3A_2194 = arith.cmpi slt, %sub3A_2182, %lt3A_2193 : vector<16xi32>
      %and3A_2195 = arith.andi %and3A_2191, %lt3A_2194 : vector<16xi1>
      %jit3A_2196 = arith.constant 5000 : i32
      %broadcast_in_dim3A_2197 = vector.broadcast %jit3A_2196 : i32 to vector<16xi32>
      %select_n3A_2198 = arith.select %and3A_2195, %sub3A_2182, %broadcast_in_dim3A_2197 : vector<16xi1>, vector<16xi32>
      %swap3A_2199 = arith.constant 96 : index
      %swap3A_2200 = tpu.vector_load %arg8[%swap3A_2199] {strides = array<i32>} : memref<128xi32, #tpu.memory_space<vmem>>, vector<16xi32>,
      tpu.vector_store %arg8[%swap3A_2199], %select_n3A_2198 {strides = array<i32>} : memref<128xi32, #tpu.memory_space<vmem>>, vector<16xi32>,
      tpu.vector_store_idx %arg10[%select_n3A_2198], %broadcast_in_dim3A_211 {add = true} : memref<5008xf32, #tpu.memory_space<vmem>>[vector<16xi32>], vector<16xf32>,
      %get3A_2201 = arith.constant 112 : index
      %get3A_2202 = tpu.vector_load %arg8[%get3A_2201] {strides = array<i32>} : memref<128xi32, #tpu.memory_space<vmem>>, vector<16xi32>,
      %add3A_2203 = arith.constant 112 : i32
      %add3A_2204 = arith.addi %multiple_of3A_2014, %add3A_2203 : i32
      %iota3A_2205 = tpu.iota {dimensions = array<i32: 0>} : vector<16xi32>
      %add3A_2206 = vector.broadcast %add3A_2204 : i32 to vector<16xi32>
      %add3A_2207 = arith.addi %add3A_2206, %iota3A_2205 : vector<16xi32>
      %sub3A_2208 = vector.broadcast %mul3A_135 : i32 to vector<16xi32>
      %sub3A_2209 = arith.subi %get3A_2202, %sub3A_2208 : vector<16xi32>
      %ge3A_2210 = vector.broadcast %add3A_2008 : i32 to vector<16xi32>
      %ge3A_2211 = arith.cmpi sge, %add3A_2207, %ge3A_2210 : vector<16xi32>
      %lt3A_2212 = vector.broadcast %select_n3A_133 : i32 to vector<16xi32>
      %lt3A_2213 = arith.cmpi slt, %add3A_2207, %lt3A_2212 : vector<16xi32>
      %and3A_2214 = arith.andi %ge3A_2211, %lt3A_2213 : vector<16xi1>
      %ge3A_2215 = arith.constant 0 : i32
      %ge3A_2216 = vector.broadcast %ge3A_2215 : i32 to vector<16xi32>
      %ge3A_2217 = arith.cmpi sge, %sub3A_2209, %ge3A_2216 : vector<16xi32>
      %and3A_2218 = arith.andi %and3A_2214, %ge3A_2217 : vector<16xi1>
      %lt3A_2219 = arith.constant 5000 : i32
      %lt3A_2220 = vector.broadcast %lt3A_2219 : i32 to vector<16xi32>
      %lt3A_2221 = arith.cmpi slt, %sub3A_2209, %lt3A_2220 : vector<16xi32>
      %and3A_2222 = arith.andi %and3A_2218, %lt3A_2221 : vector<16xi1>
      %jit3A_2223 = arith.constant 5000 : i32
      %broadcast_in_dim3A_2224 = vector.broadcast %jit3A_2223 : i32 to vector<16xi32>
      %select_n3A_2225 = arith.select %and3A_2222, %sub3A_2209, %broadcast_in_dim3A_2224 : vector<16xi1>, vector<16xi32>
      %swap3A_2226 = arith.constant 112 : index
      %swap3A_2227 = tpu.vector_load %arg8[%swap3A_2226] {strides = array<i32>} : memref<128xi32, #tpu.memory_space<vmem>>, vector<16xi32>,
      tpu.vector_store %arg8[%swap3A_2226], %select_n3A_2225 {strides = array<i32>} : memref<128xi32, #tpu.memory_space<vmem>>, vector<16xi32>,
      tpu.vector_store_idx %arg10[%select_n3A_2225], %broadcast_in_dim3A_211 {add = true} : memref<5008xf32, #tpu.memory_space<vmem>>[vector<16xi32>], vector<16xf32>,
      %dma_start3A_2228 = arith.constant 0 : i32
      %dma_start3A_2229 = arith.constant 0 : i32
      %dma_start3A_2230 = tpu.memref_slice %arg18[%dma_start3A_2228, %dma_start3A_2229] : memref<5008x128xf32, #tpu.memory_space<vmem_shared>> -> memref<5008x128xf32, #tpu.memory_space<vmem_shared>>
      tpu.enqueue_indirect_dma source(%arg6 : memref<128x128xf32, #tpu.memory_space<vmem>>) target(%dma_start3A_2230 : memref<5008x128xf32, #tpu.memory_space<vmem_shared>>) offsets(%arg8 : memref<128xi32, #tpu.memory_space<vmem>>) semaphore(%arg16 : memref<!tpu.dma_semaphore, #tpu.memory_space<semaphore_mem>>) {add = true}
      %dma_wait3A_2231 = arith.constant 0 : i32
      %dma_wait3A_2232 = arith.constant 0 : i32
      %dma_wait3A_2233 = tpu.memref_slice %arg2[%dma_wait3A_2231, %dma_wait3A_2232] : memref<320000x128xf32, #tpu.memory_space<hbm>> -> memref<128x128xf32, #tpu.memory_space<hbm>>
      %dma_wait3A_2234 = arith.constant 0 : i32
      %dma_wait3A_2235 = arith.constant 0 : i32
      %dma_wait3A_2236 = tpu.memref_slice %arg2[%dma_wait3A_2234, %dma_wait3A_2235] : memref<320000x128xf32, #tpu.memory_space<hbm>> -> memref<128x128xf32, #tpu.memory_space<hbm>>
      tpu.wait_dma2 semaphore(%arg15 : memref<!tpu.dma_semaphore, #tpu.memory_space<semaphore_mem>>) src(%dma_wait3A_2236 : memref<128x128xf32, #tpu.memory_space<hbm>>) dst(%arg7 : memref<128x128xf32, #tpu.memory_space<vmem>>)
      %dma_wait3A_2237 = arith.constant 0 : i32
      %dma_wait3A_2238 = tpu.memref_slice %arg3[%dma_wait3A_2237] : memref<320000xi32, #tpu.memory_space<hbm>> -> memref<128xi32, #tpu.memory_space<hbm>>
      %dma_wait3A_2239 = arith.constant 0 : i32
      %dma_wait3A_2240 = tpu.memref_slice %arg3[%dma_wait3A_2239] : memref<320000xi32, #tpu.memory_space<hbm>> -> memref<128xi32, #tpu.memory_space<hbm>>
      tpu.wait_dma2 semaphore(%arg15 : memref<!tpu.dma_semaphore, #tpu.memory_space<semaphore_mem>>) src(%dma_wait3A_2240 : memref<128xi32, #tpu.memory_space<hbm>>) dst(%arg9 : memref<128xi32, #tpu.memory_space<vmem>>)
      %dma_wait3A_2241 = arith.constant 0 : i32
      %dma_wait3A_2242 = arith.constant 0 : i32
      %dma_wait3A_2243 = tpu.memref_slice %arg18[%dma_wait3A_2241, %dma_wait3A_2242] : memref<5008x128xf32, #tpu.memory_space<vmem_shared>> -> memref<5008x128xf32, #tpu.memory_space<vmem_shared>>
      tpu.wait_indirect_dma semaphore(%arg16 : memref<!tpu.dma_semaphore, #tpu.memory_space<semaphore_mem>>) src(%arg6 : memref<128x128xf32, #tpu.memory_space<vmem>>) dst(%dma_wait3A_2243 : memref<5008x128xf32, #tpu.memory_space<vmem_shared>>)
      %add3A_2244 = arith.constant 2 : i32
      %add3A_2245 = arith.addi %mul3A_1978, %add3A_2244 : i32
      %mul3A_2246 = arith.constant 128 : i32
      %mul3A_2247 = arith.muli %add3A_2245, %mul3A_2246 : i32
      %add3A_2248 = arith.addi %add3A, %mul3A_2247 : i32
      %min3A_2249 = arith.constant 319872 : i32
      %min3A_2250 = arith.minsi %add3A_2248, %min3A_2249 : i32
      %multiple_of3A_2251 = tpu.assume_multiple %min3A_2250, 8 : i32
      %dma_start3A_2252 = arith.constant 0 : i32
      %dma_start3A_2253 = tpu.memref_slice %arg2[%multiple_of3A_2251, %dma_start3A_2252] : memref<320000x128xf32, #tpu.memory_space<hbm>> -> memref<128x128xf32, #tpu.memory_space<hbm>>
      %dma_start3A_2254 = arith.constant 0 : i32
      %dma_start3A_2255 = tpu.memref_slice %arg2[%multiple_of3A_2251, %dma_start3A_2254] : memref<320000x128xf32, #tpu.memory_space<hbm>> -> memref<128x128xf32, #tpu.memory_space<hbm>>
      tpu.enqueue_dma source(%dma_start3A_2255 : memref<128x128xf32, #tpu.memory_space<hbm>>) target(%arg6 : memref<128x128xf32, #tpu.memory_space<vmem>>) target_semaphore(%arg14 : memref<!tpu.dma_semaphore, #tpu.memory_space<semaphore_mem>>)
      %dma_start3A_2256 = tpu.memref_slice %arg3[%multiple_of3A_2251] : memref<320000xi32, #tpu.memory_space<hbm>> -> memref<128xi32, #tpu.memory_space<hbm>>
      %dma_start3A_2257 = tpu.memref_slice %arg3[%multiple_of3A_2251] : memref<320000xi32, #tpu.memory_space<hbm>> -> memref<128xi32, #tpu.memory_space<hbm>>
      tpu.enqueue_dma source(%dma_start3A_2257 : memref<128xi32, #tpu.memory_space<hbm>>) target(%arg8 : memref<128xi32, #tpu.memory_space<vmem>>) target_semaphore(%arg14 : memref<!tpu.dma_semaphore, #tpu.memory_space<semaphore_mem>>)
      %add3A_2258 = arith.constant 1 : i32
      %add3A_2259 = arith.addi %mul3A_1978, %add3A_2258 : i32
      %mul3A_2260 = arith.constant 128 : i32
      %mul3A_2261 = arith.muli %add3A_2259, %mul3A_2260 : i32
      %add3A_2262 = arith.addi %add3A, %mul3A_2261 : i32
      %mul3A_2263 = arith.constant 128 : i32
      %mul3A_2264 = arith.muli %add3A_2259, %mul3A_2263 : i32
      %add3A_2265 = arith.addi %add3A, %mul3A_2264 : i32
      %min3A_2266 = arith.constant 319872 : i32
      %min3A_2267 = arith.minsi %add3A_2265, %min3A_2266 : i32
      %multiple_of3A_2268 = tpu.assume_multiple %min3A_2267, 8 : i32
      %get3A_2269 = arith.constant 0 : index
      %get3A_2270 = tpu.vector_load %arg9[%get3A_2269] {strides = array<i32>} : memref<128xi32, #tpu.memory_space<vmem>>, vector<16xi32>,
      %add3A_2271 = arith.constant 0 : i32
      %add3A_2272 = arith.addi %multiple_of3A_2268, %add3A_2271 : i32
      %iota3A_2273 = tpu.iota {dimensions = array<i32: 0>} : vector<16xi32>
      %add3A_2274 = vector.broadcast %add3A_2272 : i32 to vector<16xi32>
      %add3A_2275 = arith.addi %add3A_2274, %iota3A_2273 : vector<16xi32>
      %sub3A_2276 = vector.broadcast %mul3A_135 : i32 to vector<16xi32>
      %sub3A_2277 = arith.subi %get3A_2270, %sub3A_2276 : vector<16xi32>
      %ge3A_2278 = vector.broadcast %add3A_2262 : i32 to vector<16xi32>
      %ge3A_2279 = arith.cmpi sge, %add3A_2275, %ge3A_2278 : vector<16xi32>
      %lt3A_2280 = vector.broadcast %select_n3A_133 : i32 to vector<16xi32>
      %lt3A_2281 = arith.cmpi slt, %add3A_2275, %lt3A_2280 : vector<16xi32>
      %and3A_2282 = arith.andi %ge3A_2279, %lt3A_2281 : vector<16xi1>
      %ge3A_2283 = arith.constant 0 : i32
      %ge3A_2284 = vector.broadcast %ge3A_2283 : i32 to vector<16xi32>
      %ge3A_2285 = arith.cmpi sge, %sub3A_2277, %ge3A_2284 : vector<16xi32>
      %and3A_2286 = arith.andi %and3A_2282, %ge3A_2285 : vector<16xi1>
      %lt3A_2287 = arith.constant 5000 : i32
      %lt3A_2288 = vector.broadcast %lt3A_2287 : i32 to vector<16xi32>
      %lt3A_2289 = arith.cmpi slt, %sub3A_2277, %lt3A_2288 : vector<16xi32>
      %and3A_2290 = arith.andi %and3A_2286, %lt3A_2289 : vector<16xi1>
      %jit3A_2291 = arith.constant 5000 : i32
      %broadcast_in_dim3A_2292 = vector.broadcast %jit3A_2291 : i32 to vector<16xi32>
      %select_n3A_2293 = arith.select %and3A_2290, %sub3A_2277, %broadcast_in_dim3A_2292 : vector<16xi1>, vector<16xi32>
      %swap3A_2294 = arith.constant 0 : index
      %swap3A_2295 = tpu.vector_load %arg9[%swap3A_2294] {strides = array<i32>} : memref<128xi32, #tpu.memory_space<vmem>>, vector<16xi32>,
      tpu.vector_store %arg9[%swap3A_2294], %select_n3A_2293 {strides = array<i32>} : memref<128xi32, #tpu.memory_space<vmem>>, vector<16xi32>,
      tpu.vector_store_idx %arg10[%select_n3A_2293], %broadcast_in_dim3A_211 {add = true} : memref<5008xf32, #tpu.memory_space<vmem>>[vector<16xi32>], vector<16xf32>,
      %get3A_2296 = arith.constant 16 : index
      %get3A_2297 = tpu.vector_load %arg9[%get3A_2296] {strides = array<i32>} : memref<128xi32, #tpu.memory_space<vmem>>, vector<16xi32>,
      %add3A_2298 = arith.constant 16 : i32
      %add3A_2299 = arith.addi %multiple_of3A_2268, %add3A_2298 : i32
      %iota3A_2300 = tpu.iota {dimensions = array<i32: 0>} : vector<16xi32>
      %add3A_2301 = vector.broadcast %add3A_2299 : i32 to vector<16xi32>
      %add3A_2302 = arith.addi %add3A_2301, %iota3A_2300 : vector<16xi32>
      %sub3A_2303 = vector.broadcast %mul3A_135 : i32 to vector<16xi32>
      %sub3A_2304 = arith.subi %get3A_2297, %sub3A_2303 : vector<16xi32>
      %ge3A_2305 = vector.broadcast %add3A_2262 : i32 to vector<16xi32>
      %ge3A_2306 = arith.cmpi sge, %add3A_2302, %ge3A_2305 : vector<16xi32>
      %lt3A_2307 = vector.broadcast %select_n3A_133 : i32 to vector<16xi32>
      %lt3A_2308 = arith.cmpi slt, %add3A_2302, %lt3A_2307 : vector<16xi32>
      %and3A_2309 = arith.andi %ge3A_2306, %lt3A_2308 : vector<16xi1>
      %ge3A_2310 = arith.constant 0 : i32
      %ge3A_2311 = vector.broadcast %ge3A_2310 : i32 to vector<16xi32>
      %ge3A_2312 = arith.cmpi sge, %sub3A_2304, %ge3A_2311 : vector<16xi32>
      %and3A_2313 = arith.andi %and3A_2309, %ge3A_2312 : vector<16xi1>
      %lt3A_2314 = arith.constant 5000 : i32
      %lt3A_2315 = vector.broadcast %lt3A_2314 : i32 to vector<16xi32>
      %lt3A_2316 = arith.cmpi slt, %sub3A_2304, %lt3A_2315 : vector<16xi32>
      %and3A_2317 = arith.andi %and3A_2313, %lt3A_2316 : vector<16xi1>
      %jit3A_2318 = arith.constant 5000 : i32
      %broadcast_in_dim3A_2319 = vector.broadcast %jit3A_2318 : i32 to vector<16xi32>
      %select_n3A_2320 = arith.select %and3A_2317, %sub3A_2304, %broadcast_in_dim3A_2319 : vector<16xi1>, vector<16xi32>
      %swap3A_2321 = arith.constant 16 : index
      %swap3A_2322 = tpu.vector_load %arg9[%swap3A_2321] {strides = array<i32>} : memref<128xi32, #tpu.memory_space<vmem>>, vector<16xi32>,
      tpu.vector_store %arg9[%swap3A_2321], %select_n3A_2320 {strides = array<i32>} : memref<128xi32, #tpu.memory_space<vmem>>, vector<16xi32>,
      tpu.vector_store_idx %arg10[%select_n3A_2320], %broadcast_in_dim3A_211 {add = true} : memref<5008xf32, #tpu.memory_space<vmem>>[vector<16xi32>], vector<16xf32>,
      %get3A_2323 = arith.constant 32 : index
      %get3A_2324 = tpu.vector_load %arg9[%get3A_2323] {strides = array<i32>} : memref<128xi32, #tpu.memory_space<vmem>>, vector<16xi32>,
      %add3A_2325 = arith.constant 32 : i32
      %add3A_2326 = arith.addi %multiple_of3A_2268, %add3A_2325 : i32
      %iota3A_2327 = tpu.iota {dimensions = array<i32: 0>} : vector<16xi32>
      %add3A_2328 = vector.broadcast %add3A_2326 : i32 to vector<16xi32>
      %add3A_2329 = arith.addi %add3A_2328, %iota3A_2327 : vector<16xi32>
      %sub3A_2330 = vector.broadcast %mul3A_135 : i32 to vector<16xi32>
      %sub3A_2331 = arith.subi %get3A_2324, %sub3A_2330 : vector<16xi32>
      %ge3A_2332 = vector.broadcast %add3A_2262 : i32 to vector<16xi32>
      %ge3A_2333 = arith.cmpi sge, %add3A_2329, %ge3A_2332 : vector<16xi32>
      %lt3A_2334 = vector.broadcast %select_n3A_133 : i32 to vector<16xi32>
      %lt3A_2335 = arith.cmpi slt, %add3A_2329, %lt3A_2334 : vector<16xi32>
      %and3A_2336 = arith.andi %ge3A_2333, %lt3A_2335 : vector<16xi1>
      %ge3A_2337 = arith.constant 0 : i32
      %ge3A_2338 = vector.broadcast %ge3A_2337 : i32 to vector<16xi32>
      %ge3A_2339 = arith.cmpi sge, %sub3A_2331, %ge3A_2338 : vector<16xi32>
      %and3A_2340 = arith.andi %and3A_2336, %ge3A_2339 : vector<16xi1>
      %lt3A_2341 = arith.constant 5000 : i32
      %lt3A_2342 = vector.broadcast %lt3A_2341 : i32 to vector<16xi32>
      %lt3A_2343 = arith.cmpi slt, %sub3A_2331, %lt3A_2342 : vector<16xi32>
      %and3A_2344 = arith.andi %and3A_2340, %lt3A_2343 : vector<16xi1>
      %jit3A_2345 = arith.constant 5000 : i32
      %broadcast_in_dim3A_2346 = vector.broadcast %jit3A_2345 : i32 to vector<16xi32>
      %select_n3A_2347 = arith.select %and3A_2344, %sub3A_2331, %broadcast_in_dim3A_2346 : vector<16xi1>, vector<16xi32>
      %swap3A_2348 = arith.constant 32 : index
      %swap3A_2349 = tpu.vector_load %arg9[%swap3A_2348] {strides = array<i32>} : memref<128xi32, #tpu.memory_space<vmem>>, vector<16xi32>,
      tpu.vector_store %arg9[%swap3A_2348], %select_n3A_2347 {strides = array<i32>} : memref<128xi32, #tpu.memory_space<vmem>>, vector<16xi32>,
      tpu.vector_store_idx %arg10[%select_n3A_2347], %broadcast_in_dim3A_211 {add = true} : memref<5008xf32, #tpu.memory_space<vmem>>[vector<16xi32>], vector<16xf32>,
      %get3A_2350 = arith.constant 48 : index
      %get3A_2351 = tpu.vector_load %arg9[%get3A_2350] {strides = array<i32>} : memref<128xi32, #tpu.memory_space<vmem>>, vector<16xi32>,
      %add3A_2352 = arith.constant 48 : i32
      %add3A_2353 = arith.addi %multiple_of3A_2268, %add3A_2352 : i32
      %iota3A_2354 = tpu.iota {dimensions = array<i32: 0>} : vector<16xi32>
      %add3A_2355 = vector.broadcast %add3A_2353 : i32 to vector<16xi32>
      %add3A_2356 = arith.addi %add3A_2355, %iota3A_2354 : vector<16xi32>
      %sub3A_2357 = vector.broadcast %mul3A_135 : i32 to vector<16xi32>
      %sub3A_2358 = arith.subi %get3A_2351, %sub3A_2357 : vector<16xi32>
      %ge3A_2359 = vector.broadcast %add3A_2262 : i32 to vector<16xi32>
      %ge3A_2360 = arith.cmpi sge, %add3A_2356, %ge3A_2359 : vector<16xi32>
      %lt3A_2361 = vector.broadcast %select_n3A_133 : i32 to vector<16xi32>
      %lt3A_2362 = arith.cmpi slt, %add3A_2356, %lt3A_2361 : vector<16xi32>
      %and3A_2363 = arith.andi %ge3A_2360, %lt3A_2362 : vector<16xi1>
      %ge3A_2364 = arith.constant 0 : i32
      %ge3A_2365 = vector.broadcast %ge3A_2364 : i32 to vector<16xi32>
      %ge3A_2366 = arith.cmpi sge, %sub3A_2358, %ge3A_2365 : vector<16xi32>
      %and3A_2367 = arith.andi %and3A_2363, %ge3A_2366 : vector<16xi1>
      %lt3A_2368 = arith.constant 5000 : i32
      %lt3A_2369 = vector.broadcast %lt3A_2368 : i32 to vector<16xi32>
      %lt3A_2370 = arith.cmpi slt, %sub3A_2358, %lt3A_2369 : vector<16xi32>
      %and3A_2371 = arith.andi %and3A_2367, %lt3A_2370 : vector<16xi1>
      %jit3A_2372 = arith.constant 5000 : i32
      %broadcast_in_dim3A_2373 = vector.broadcast %jit3A_2372 : i32 to vector<16xi32>
      %select_n3A_2374 = arith.select %and3A_2371, %sub3A_2358, %broadcast_in_dim3A_2373 : vector<16xi1>, vector<16xi32>
      %swap3A_2375 = arith.constant 48 : index
      %swap3A_2376 = tpu.vector_load %arg9[%swap3A_2375] {strides = array<i32>} : memref<128xi32, #tpu.memory_space<vmem>>, vector<16xi32>,
      tpu.vector_store %arg9[%swap3A_2375], %select_n3A_2374 {strides = array<i32>} : memref<128xi32, #tpu.memory_space<vmem>>, vector<16xi32>,
      tpu.vector_store_idx %arg10[%select_n3A_2374], %broadcast_in_dim3A_211 {add = true} : memref<5008xf32, #tpu.memory_space<vmem>>[vector<16xi32>], vector<16xf32>,
      %get3A_2377 = arith.constant 64 : index
      %get3A_2378 = tpu.vector_load %arg9[%get3A_2377] {strides = array<i32>} : memref<128xi32, #tpu.memory_space<vmem>>, vector<16xi32>,
      %add3A_2379 = arith.constant 64 : i32
      %add3A_2380 = arith.addi %multiple_of3A_2268, %add3A_2379 : i32
      %iota3A_2381 = tpu.iota {dimensions = array<i32: 0>} : vector<16xi32>
      %add3A_2382 = vector.broadcast %add3A_2380 : i32 to vector<16xi32>
      %add3A_2383 = arith.addi %add3A_2382, %iota3A_2381 : vector<16xi32>
      %sub3A_2384 = vector.broadcast %mul3A_135 : i32 to vector<16xi32>
      %sub3A_2385 = arith.subi %get3A_2378, %sub3A_2384 : vector<16xi32>
      %ge3A_2386 = vector.broadcast %add3A_2262 : i32 to vector<16xi32>
      %ge3A_2387 = arith.cmpi sge, %add3A_2383, %ge3A_2386 : vector<16xi32>
      %lt3A_2388 = vector.broadcast %select_n3A_133 : i32 to vector<16xi32>
      %lt3A_2389 = arith.cmpi slt, %add3A_2383, %lt3A_2388 : vector<16xi32>
      %and3A_2390 = arith.andi %ge3A_2387, %lt3A_2389 : vector<16xi1>
      %ge3A_2391 = arith.constant 0 : i32
      %ge3A_2392 = vector.broadcast %ge3A_2391 : i32 to vector<16xi32>
      %ge3A_2393 = arith.cmpi sge, %sub3A_2385, %ge3A_2392 : vector<16xi32>
      %and3A_2394 = arith.andi %and3A_2390, %ge3A_2393 : vector<16xi1>
      %lt3A_2395 = arith.constant 5000 : i32
      %lt3A_2396 = vector.broadcast %lt3A_2395 : i32 to vector<16xi32>
      %lt3A_2397 = arith.cmpi slt, %sub3A_2385, %lt3A_2396 : vector<16xi32>
      %and3A_2398 = arith.andi %and3A_2394, %lt3A_2397 : vector<16xi1>
      %jit3A_2399 = arith.constant 5000 : i32
      %broadcast_in_dim3A_2400 = vector.broadcast %jit3A_2399 : i32 to vector<16xi32>
      %select_n3A_2401 = arith.select %and3A_2398, %sub3A_2385, %broadcast_in_dim3A_2400 : vector<16xi1>, vector<16xi32>
      %swap3A_2402 = arith.constant 64 : index
      %swap3A_2403 = tpu.vector_load %arg9[%swap3A_2402] {strides = array<i32>} : memref<128xi32, #tpu.memory_space<vmem>>, vector<16xi32>,
      tpu.vector_store %arg9[%swap3A_2402], %select_n3A_2401 {strides = array<i32>} : memref<128xi32, #tpu.memory_space<vmem>>, vector<16xi32>,
      tpu.vector_store_idx %arg10[%select_n3A_2401], %broadcast_in_dim3A_211 {add = true} : memref<5008xf32, #tpu.memory_space<vmem>>[vector<16xi32>], vector<16xf32>,
      %get3A_2404 = arith.constant 80 : index
      %get3A_2405 = tpu.vector_load %arg9[%get3A_2404] {strides = array<i32>} : memref<128xi32, #tpu.memory_space<vmem>>, vector<16xi32>,
      %add3A_2406 = arith.constant 80 : i32
      %add3A_2407 = arith.addi %multiple_of3A_2268, %add3A_2406 : i32
      %iota3A_2408 = tpu.iota {dimensions = array<i32: 0>} : vector<16xi32>
      %add3A_2409 = vector.broadcast %add3A_2407 : i32 to vector<16xi32>
      %add3A_2410 = arith.addi %add3A_2409, %iota3A_2408 : vector<16xi32>
      %sub3A_2411 = vector.broadcast %mul3A_135 : i32 to vector<16xi32>
      %sub3A_2412 = arith.subi %get3A_2405, %sub3A_2411 : vector<16xi32>
      %ge3A_2413 = vector.broadcast %add3A_2262 : i32 to vector<16xi32>
      %ge3A_2414 = arith.cmpi sge, %add3A_2410, %ge3A_2413 : vector<16xi32>
      %lt3A_2415 = vector.broadcast %select_n3A_133 : i32 to vector<16xi32>
      %lt3A_2416 = arith.cmpi slt, %add3A_2410, %lt3A_2415 : vector<16xi32>
      %and3A_2417 = arith.andi %ge3A_2414, %lt3A_2416 : vector<16xi1>
      %ge3A_2418 = arith.constant 0 : i32
      %ge3A_2419 = vector.broadcast %ge3A_2418 : i32 to vector<16xi32>
      %ge3A_2420 = arith.cmpi sge, %sub3A_2412, %ge3A_2419 : vector<16xi32>
      %and3A_2421 = arith.andi %and3A_2417, %ge3A_2420 : vector<16xi1>
      %lt3A_2422 = arith.constant 5000 : i32
      %lt3A_2423 = vector.broadcast %lt3A_2422 : i32 to vector<16xi32>
      %lt3A_2424 = arith.cmpi slt, %sub3A_2412, %lt3A_2423 : vector<16xi32>
      %and3A_2425 = arith.andi %and3A_2421, %lt3A_2424 : vector<16xi1>
      %jit3A_2426 = arith.constant 5000 : i32
      %broadcast_in_dim3A_2427 = vector.broadcast %jit3A_2426 : i32 to vector<16xi32>
      %select_n3A_2428 = arith.select %and3A_2425, %sub3A_2412, %broadcast_in_dim3A_2427 : vector<16xi1>, vector<16xi32>
      %swap3A_2429 = arith.constant 80 : index
      %swap3A_2430 = tpu.vector_load %arg9[%swap3A_2429] {strides = array<i32>} : memref<128xi32, #tpu.memory_space<vmem>>, vector<16xi32>,
      tpu.vector_store %arg9[%swap3A_2429], %select_n3A_2428 {strides = array<i32>} : memref<128xi32, #tpu.memory_space<vmem>>, vector<16xi32>,
      tpu.vector_store_idx %arg10[%select_n3A_2428], %broadcast_in_dim3A_211 {add = true} : memref<5008xf32, #tpu.memory_space<vmem>>[vector<16xi32>], vector<16xf32>,
      %get3A_2431 = arith.constant 96 : index
      %get3A_2432 = tpu.vector_load %arg9[%get3A_2431] {strides = array<i32>} : memref<128xi32, #tpu.memory_space<vmem>>, vector<16xi32>,
      %add3A_2433 = arith.constant 96 : i32
      %add3A_2434 = arith.addi %multiple_of3A_2268, %add3A_2433 : i32
      %iota3A_2435 = tpu.iota {dimensions = array<i32: 0>} : vector<16xi32>
      %add3A_2436 = vector.broadcast %add3A_2434 : i32 to vector<16xi32>
      %add3A_2437 = arith.addi %add3A_2436, %iota3A_2435 : vector<16xi32>
      %sub3A_2438 = vector.broadcast %mul3A_135 : i32 to vector<16xi32>
      %sub3A_2439 = arith.subi %get3A_2432, %sub3A_2438 : vector<16xi32>
      %ge3A_2440 = vector.broadcast %add3A_2262 : i32 to vector<16xi32>
      %ge3A_2441 = arith.cmpi sge, %add3A_2437, %ge3A_2440 : vector<16xi32>
      %lt3A_2442 = vector.broadcast %select_n3A_133 : i32 to vector<16xi32>
      %lt3A_2443 = arith.cmpi slt, %add3A_2437, %lt3A_2442 : vector<16xi32>
      %and3A_2444 = arith.andi %ge3A_2441, %lt3A_2443 : vector<16xi1>
      %ge3A_2445 = arith.constant 0 : i32
      %ge3A_2446 = vector.broadcast %ge3A_2445 : i32 to vector<16xi32>
      %ge3A_2447 = arith.cmpi sge, %sub3A_2439, %ge3A_2446 : vector<16xi32>
      %and3A_2448 = arith.andi %and3A_2444, %ge3A_2447 : vector<16xi1>
      %lt3A_2449 = arith.constant 5000 : i32
      %lt3A_2450 = vector.broadcast %lt3A_2449 : i32 to vector<16xi32>
      %lt3A_2451 = arith.cmpi slt, %sub3A_2439, %lt3A_2450 : vector<16xi32>
      %and3A_2452 = arith.andi %and3A_2448, %lt3A_2451 : vector<16xi1>
      %jit3A_2453 = arith.constant 5000 : i32
      %broadcast_in_dim3A_2454 = vector.broadcast %jit3A_2453 : i32 to vector<16xi32>
      %select_n3A_2455 = arith.select %and3A_2452, %sub3A_2439, %broadcast_in_dim3A_2454 : vector<16xi1>, vector<16xi32>
      %swap3A_2456 = arith.constant 96 : index
      %swap3A_2457 = tpu.vector_load %arg9[%swap3A_2456] {strides = array<i32>} : memref<128xi32, #tpu.memory_space<vmem>>, vector<16xi32>,
      tpu.vector_store %arg9[%swap3A_2456], %select_n3A_2455 {strides = array<i32>} : memref<128xi32, #tpu.memory_space<vmem>>, vector<16xi32>,
      tpu.vector_store_idx %arg10[%select_n3A_2455], %broadcast_in_dim3A_211 {add = true} : memref<5008xf32, #tpu.memory_space<vmem>>[vector<16xi32>], vector<16xf32>,
      %get3A_2458 = arith.constant 112 : index
      %get3A_2459 = tpu.vector_load %arg9[%get3A_2458] {strides = array<i32>} : memref<128xi32, #tpu.memory_space<vmem>>, vector<16xi32>,
      %add3A_2460 = arith.constant 112 : i32
      %add3A_2461 = arith.addi %multiple_of3A_2268, %add3A_2460 : i32
      %iota3A_2462 = tpu.iota {dimensions = array<i32: 0>} : vector<16xi32>
      %add3A_2463 = vector.broadcast %add3A_2461 : i32 to vector<16xi32>
      %add3A_2464 = arith.addi %add3A_2463, %iota3A_2462 : vector<16xi32>
      %sub3A_2465 = vector.broadcast %mul3A_135 : i32 to vector<16xi32>
      %sub3A_2466 = arith.subi %get3A_2459, %sub3A_2465 : vector<16xi32>
      %ge3A_2467 = vector.broadcast %add3A_2262 : i32 to vector<16xi32>
      %ge3A_2468 = arith.cmpi sge, %add3A_2464, %ge3A_2467 : vector<16xi32>
      %lt3A_2469 = vector.broadcast %select_n3A_133 : i32 to vector<16xi32>
      %lt3A_2470 = arith.cmpi slt, %add3A_2464, %lt3A_2469 : vector<16xi32>
      %and3A_2471 = arith.andi %ge3A_2468, %lt3A_2470 : vector<16xi1>
      %ge3A_2472 = arith.constant 0 : i32
      %ge3A_2473 = vector.broadcast %ge3A_2472 : i32 to vector<16xi32>
      %ge3A_2474 = arith.cmpi sge, %sub3A_2466, %ge3A_2473 : vector<16xi32>
      %and3A_2475 = arith.andi %and3A_2471, %ge3A_2474 : vector<16xi1>
      %lt3A_2476 = arith.constant 5000 : i32
      %lt3A_2477 = vector.broadcast %lt3A_2476 : i32 to vector<16xi32>
      %lt3A_2478 = arith.cmpi slt, %sub3A_2466, %lt3A_2477 : vector<16xi32>
      %and3A_2479 = arith.andi %and3A_2475, %lt3A_2478 : vector<16xi1>
      %jit3A_2480 = arith.constant 5000 : i32
      %broadcast_in_dim3A_2481 = vector.broadcast %jit3A_2480 : i32 to vector<16xi32>
      %select_n3A_2482 = arith.select %and3A_2479, %sub3A_2466, %broadcast_in_dim3A_2481 : vector<16xi1>, vector<16xi32>
      %swap3A_2483 = arith.constant 112 : index
      %swap3A_2484 = tpu.vector_load %arg9[%swap3A_2483] {strides = array<i32>} : memref<128xi32, #tpu.memory_space<vmem>>, vector<16xi32>,
      tpu.vector_store %arg9[%swap3A_2483], %select_n3A_2482 {strides = array<i32>} : memref<128xi32, #tpu.memory_space<vmem>>, vector<16xi32>,
      tpu.vector_store_idx %arg10[%select_n3A_2482], %broadcast_in_dim3A_211 {add = true} : memref<5008xf32, #tpu.memory_space<vmem>>[vector<16xi32>], vector<16xf32>,
      %dma_start3A_2485 = arith.constant 0 : i32
      %dma_start3A_2486 = arith.constant 0 : i32
      %dma_start3A_2487 = tpu.memref_slice %arg18[%dma_start3A_2485, %dma_start3A_2486] : memref<5008x128xf32, #tpu.memory_space<vmem_shared>> -> memref<5008x128xf32, #tpu.memory_space<vmem_shared>>
      tpu.enqueue_indirect_dma source(%arg7 : memref<128x128xf32, #tpu.memory_space<vmem>>) target(%dma_start3A_2487 : memref<5008x128xf32, #tpu.memory_space<vmem_shared>>) offsets(%arg9 : memref<128xi32, #tpu.memory_space<vmem>>) semaphore(%arg17 : memref<!tpu.dma_semaphore, #tpu.memory_space<semaphore_mem>>) {add = true}
    }
    %while3A_231 = arith.constant 1 : i32
    scf.for %while3A_1976 = %while3A_229 to %while3A_225 step %while3A_231  : i32 {
      %mul3A_1977 = arith.constant 2 : i32
      %mul3A_1978 = arith.muli %mul3A_1977, %while3A_1976 : i32
      %dma_wait3A_1979 = arith.constant 0 : i32
      %dma_wait3A_1980 = arith.constant 0 : i32
      %dma_wait3A_1981 = tpu.memref_slice %arg2[%dma_wait3A_1979, %dma_wait3A_1980] : memref<320000x128xf32, #tpu.memory_space<hbm>> -> memref<128x128xf32, #tpu.memory_space<hbm>>
      %dma_wait3A_1982 = arith.constant 0 : i32
      %dma_wait3A_1983 = arith.constant 0 : i32
      %dma_wait3A_1984 = tpu.memref_slice %arg2[%dma_wait3A_1982, %dma_wait3A_1983] : memref<320000x128xf32, #tpu.memory_space<hbm>> -> memref<128x128xf32, #tpu.memory_space<hbm>>
      tpu.wait_dma2 semaphore(%arg14 : memref<!tpu.dma_semaphore, #tpu.memory_space<semaphore_mem>>) src(%dma_wait3A_1984 : memref<128x128xf32, #tpu.memory_space<hbm>>) dst(%arg6 : memref<128x128xf32, #tpu.memory_space<vmem>>)
      %dma_wait3A_1985 = arith.constant 0 : i32
      %dma_wait3A_1986 = tpu.memref_slice %arg3[%dma_wait3A_1985] : memref<320000xi32, #tpu.memory_space<hbm>> -> memref<128xi32, #tpu.memory_space<hbm>>
      %dma_wait3A_1987 = arith.constant 0 : i32
      %dma_wait3A_1988 = tpu.memref_slice %arg3[%dma_wait3A_1987] : memref<320000xi32, #tpu.memory_space<hbm>> -> memref<128xi32, #tpu.memory_space<hbm>>
      tpu.wait_dma2 semaphore(%arg14 : memref<!tpu.dma_semaphore, #tpu.memory_space<semaphore_mem>>) src(%dma_wait3A_1988 : memref<128xi32, #tpu.memory_space<hbm>>) dst(%arg8 : memref<128xi32, #tpu.memory_space<vmem>>)
      %dma_wait3A_1989 = arith.constant 0 : i32
      %dma_wait3A_1990 = arith.constant 0 : i32
      %dma_wait3A_1991 = tpu.memref_slice %arg18[%dma_wait3A_1989, %dma_wait3A_1990] : memref<5008x128xf32, #tpu.memory_space<vmem_shared>> -> memref<5008x128xf32, #tpu.memory_space<vmem_shared>>
      tpu.wait_indirect_dma semaphore(%arg17 : memref<!tpu.dma_semaphore, #tpu.memory_space<semaphore_mem>>) src(%arg7 : memref<128x128xf32, #tpu.memory_space<vmem>>) dst(%dma_wait3A_1991 : memref<5008x128xf32, #tpu.memory_space<vmem_shared>>)
      %add3A_1992 = arith.constant 1 : i32
      %add3A_1993 = arith.addi %mul3A_1978, %add3A_1992 : i32
      %mul3A_1994 = arith.constant 128 : i32
      %mul3A_1995 = arith.muli %add3A_1993, %mul3A_1994 : i32
      %add3A_1996 = arith.addi %add3A, %mul3A_1995 : i32
      %min3A_1997 = arith.constant 319872 : i32
      %min3A_1998 = arith.minsi %add3A_1996, %min3A_1997 : i32
      %multiple_of3A_1999 = tpu.assume_multiple %min3A_1998, 8 : i32
      %dma_start3A_2000 = arith.constant 0 : i32
      %dma_start3A_2001 = tpu.memref_slice %arg2[%multiple_of3A_1999, %dma_start3A_2000] : memref<320000x128xf32, #tpu.memory_space<hbm>> -> memref<128x128xf32, #tpu.memory_space<hbm>>
      %dma_start3A_2002 = arith.constant 0 : i32
      %dma_start3A_2003 = tpu.memref_slice %arg2[%multiple_of3A_1999, %dma_start3A_2002] : memref<320000x128xf32, #tpu.memory_space<hbm>> -> memref<128x128xf32, #tpu.memory_space<hbm>>
      tpu.enqueue_dma source(%dma_start3A_2003 : memref<128x128xf32, #tpu.memory_space<hbm>>) target(%arg7 : memref<128x128xf32, #tpu.memory_space<vmem>>) target_semaphore(%arg15 : memref<!tpu.dma_semaphore, #tpu.memory_space<semaphore_mem>>)
      %dma_start3A_2004 = tpu.memref_slice %arg3[%multiple_of3A_1999] : memref<320000xi32, #tpu.memory_space<hbm>> -> memref<128xi32, #tpu.memory_space<hbm>>
      %dma_start3A_2005 = tpu.memref_slice %arg3[%multiple_of3A_1999] : memref<320000xi32, #tpu.memory_space<hbm>> -> memref<128xi32, #tpu.memory_space<hbm>>
      tpu.enqueue_dma source(%dma_start3A_2005 : memref<128xi32, #tpu.memory_space<hbm>>) target(%arg9 : memref<128xi32, #tpu.memory_space<vmem>>) target_semaphore(%arg15 : memref<!tpu.dma_semaphore, #tpu.memory_space<semaphore_mem>>)
      %mul3A_2006 = arith.constant 128 : i32
      %mul3A_2007 = arith.muli %mul3A_1978, %mul3A_2006 : i32
      %add3A_2008 = arith.addi %add3A, %mul3A_2007 : i32
      %mul3A_2009 = arith.constant 128 : i32
      %mul3A_2010 = arith.muli %mul3A_1978, %mul3A_2009 : i32
      %add3A_2011 = arith.addi %add3A, %mul3A_2010 : i32
      %min3A_2012 = arith.constant 319872 : i32
      %min3A_2013 = arith.minsi %add3A_2011, %min3A_2012 : i32
      %multiple_of3A_2014 = tpu.assume_multiple %min3A_2013, 8 : i32
      %get3A_2015 = arith.constant 0 : index
      %get3A_2016 = tpu.vector_load %arg8[%get3A_2015] {strides = array<i32>} : memref<128xi32, #tpu.memory_space<vmem>>, vector<16xi32>,
      %add3A_2017 = arith.constant 0 : i32
      %add3A_2018 = arith.addi %multiple_of3A_2014, %add3A_2017 : i32
      %iota3A = tpu.iota {dimensions = array<i32: 0>} : vector<16xi32>
      %add3A_2019 = vector.broadcast %add3A_2018 : i32 to vector<16xi32>
      %add3A_2020 = arith.addi %add3A_2019, %iota3A : vector<16xi32>
      %sub3A_2021 = vector.broadcast %mul3A_135 : i32 to vector<16xi32>
      %sub3A_2022 = arith.subi %get3A_2016, %sub3A_2021 : vector<16xi32>
      %ge3A = vector.broadcast %add3A_2008 : i32 to vector<16xi32>
      %ge3A_2023 = arith.cmpi sge, %add3A_2020, %ge3A : vector<16xi32>
      %lt3A = vector.broadcast %select_n3A_133 : i32 to vector<16xi32>
      %lt3A_2024 = arith.cmpi slt, %add3A_2020, %lt3A : vector<16xi32>
      %and3A_2025 = arith.andi %ge3A_2023, %lt3A_2024 : vector<16xi1>
      %ge3A_2026 = arith.constant 0 : i32
      %ge3A_2027 = vector.broadcast %ge3A_2026 : i32 to vector<16xi32>
      %ge3A_2028 = arith.cmpi sge, %sub3A_2022, %ge3A_2027 : vector<16xi32>
      %and3A_2029 = arith.andi %and3A_2025, %ge3A_2028 : vector<16xi1>
      %lt3A_2030 = arith.constant 5000 : i32
      %lt3A_2031 = vector.broadcast %lt3A_2030 : i32 to vector<16xi32>
      %lt3A_2032 = arith.cmpi slt, %sub3A_2022, %lt3A_2031 : vector<16xi32>
      %and3A_2033 = arith.andi %and3A_2029, %lt3A_2032 : vector<16xi1>
      %jit3A_2034 = arith.constant 5000 : i32
      %broadcast_in_dim3A_2035 = vector.broadcast %jit3A_2034 : i32 to vector<16xi32>
      %select_n3A_2036 = arith.select %and3A_2033, %sub3A_2022, %broadcast_in_dim3A_2035 : vector<16xi1>, vector<16xi32>
      %swap3A_2037 = arith.constant 0 : index
      %swap3A_2038 = tpu.vector_load %arg8[%swap3A_2037] {strides = array<i32>} : memref<128xi32, #tpu.memory_space<vmem>>, vector<16xi32>,
      tpu.vector_store %arg8[%swap3A_2037], %select_n3A_2036 {strides = array<i32>} : memref<128xi32, #tpu.memory_space<vmem>>, vector<16xi32>,
      tpu.vector_store_idx %arg10[%select_n3A_2036], %broadcast_in_dim3A_211 {add = true} : memref<5008xf32, #tpu.memory_space<vmem>>[vector<16xi32>], vector<16xf32>,
      %get3A_2039 = arith.constant 16 : index
      %get3A_2040 = tpu.vector_load %arg8[%get3A_2039] {strides = array<i32>} : memref<128xi32, #tpu.memory_space<vmem>>, vector<16xi32>,
      %add3A_2041 = arith.constant 16 : i32
      %add3A_2042 = arith.addi %multiple_of3A_2014, %add3A_2041 : i32
      %iota3A_2043 = tpu.iota {dimensions = array<i32: 0>} : vector<16xi32>
      %add3A_2044 = vector.broadcast %add3A_2042 : i32 to vector<16xi32>
      %add3A_2045 = arith.addi %add3A_2044, %iota3A_2043 : vector<16xi32>
      %sub3A_2046 = vector.broadcast %mul3A_135 : i32 to vector<16xi32>
      %sub3A_2047 = arith.subi %get3A_2040, %sub3A_2046 : vector<16xi32>
      %ge3A_2048 = vector.broadcast %add3A_2008 : i32 to vector<16xi32>
      %ge3A_2049 = arith.cmpi sge, %add3A_2045, %ge3A_2048 : vector<16xi32>
      %lt3A_2050 = vector.broadcast %select_n3A_133 : i32 to vector<16xi32>
      %lt3A_2051 = arith.cmpi slt, %add3A_2045, %lt3A_2050 : vector<16xi32>
      %and3A_2052 = arith.andi %ge3A_2049, %lt3A_2051 : vector<16xi1>
      %ge3A_2053 = arith.constant 0 : i32
      %ge3A_2054 = vector.broadcast %ge3A_2053 : i32 to vector<16xi32>
      %ge3A_2055 = arith.cmpi sge, %sub3A_2047, %ge3A_2054 : vector<16xi32>
      %and3A_2056 = arith.andi %and3A_2052, %ge3A_2055 : vector<16xi1>
      %lt3A_2057 = arith.constant 5000 : i32
      %lt3A_2058 = vector.broadcast %lt3A_2057 : i32 to vector<16xi32>
      %lt3A_2059 = arith.cmpi slt, %sub3A_2047, %lt3A_2058 : vector<16xi32>
      %and3A_2060 = arith.andi %and3A_2056, %lt3A_2059 : vector<16xi1>
      %jit3A_2061 = arith.constant 5000 : i32
      %broadcast_in_dim3A_2062 = vector.broadcast %jit3A_2061 : i32 to vector<16xi32>
      %select_n3A_2063 = arith.select %and3A_2060, %sub3A_2047, %broadcast_in_dim3A_2062 : vector<16xi1>, vector<16xi32>
      %swap3A_2064 = arith.constant 16 : index
      %swap3A_2065 = tpu.vector_load %arg8[%swap3A_2064] {strides = array<i32>} : memref<128xi32, #tpu.memory_space<vmem>>, vector<16xi32>,
      tpu.vector_store %arg8[%swap3A_2064], %select_n3A_2063 {strides = array<i32>} : memref<128xi32, #tpu.memory_space<vmem>>, vector<16xi32>,
      tpu.vector_store_idx %arg10[%select_n3A_2063], %broadcast_in_dim3A_211 {add = true} : memref<5008xf32, #tpu.memory_space<vmem>>[vector<16xi32>], vector<16xf32>,
      %get3A_2066 = arith.constant 32 : index
      %get3A_2067 = tpu.vector_load %arg8[%get3A_2066] {strides = array<i32>} : memref<128xi32, #tpu.memory_space<vmem>>, vector<16xi32>,
      %add3A_2068 = arith.constant 32 : i32
      %add3A_2069 = arith.addi %multiple_of3A_2014, %add3A_2068 : i32
      %iota3A_2070 = tpu.iota {dimensions = array<i32: 0>} : vector<16xi32>
      %add3A_2071 = vector.broadcast %add3A_2069 : i32 to vector<16xi32>
      %add3A_2072 = arith.addi %add3A_2071, %iota3A_2070 : vector<16xi32>
      %sub3A_2073 = vector.broadcast %mul3A_135 : i32 to vector<16xi32>
      %sub3A_2074 = arith.subi %get3A_2067, %sub3A_2073 : vector<16xi32>
      %ge3A_2075 = vector.broadcast %add3A_2008 : i32 to vector<16xi32>
      %ge3A_2076 = arith.cmpi sge, %add3A_2072, %ge3A_2075 : vector<16xi32>
      %lt3A_2077 = vector.broadcast %select_n3A_133 : i32 to vector<16xi32>
      %lt3A_2078 = arith.cmpi slt, %add3A_2072, %lt3A_2077 : vector<16xi32>
      %and3A_2079 = arith.andi %ge3A_2076, %lt3A_2078 : vector<16xi1>
      %ge3A_2080 = arith.constant 0 : i32
      %ge3A_2081 = vector.broadcast %ge3A_2080 : i32 to vector<16xi32>
      %ge3A_2082 = arith.cmpi sge, %sub3A_2074, %ge3A_2081 : vector<16xi32>
      %and3A_2083 = arith.andi %and3A_2079, %ge3A_2082 : vector<16xi1>
      %lt3A_2084 = arith.constant 5000 : i32
      %lt3A_2085 = vector.broadcast %lt3A_2084 : i32 to vector<16xi32>
      %lt3A_2086 = arith.cmpi slt, %sub3A_2074, %lt3A_2085 : vector<16xi32>
      %and3A_2087 = arith.andi %and3A_2083, %lt3A_2086 : vector<16xi1>
      %jit3A_2088 = arith.constant 5000 : i32
      %broadcast_in_dim3A_2089 = vector.broadcast %jit3A_2088 : i32 to vector<16xi32>
      %select_n3A_2090 = arith.select %and3A_2087, %sub3A_2074, %broadcast_in_dim3A_2089 : vector<16xi1>, vector<16xi32>
      %swap3A_2091 = arith.constant 32 : index
      %swap3A_2092 = tpu.vector_load %arg8[%swap3A_2091] {strides = array<i32>} : memref<128xi32, #tpu.memory_space<vmem>>, vector<16xi32>,
      tpu.vector_store %arg8[%swap3A_2091], %select_n3A_2090 {strides = array<i32>} : memref<128xi32, #tpu.memory_space<vmem>>, vector<16xi32>,
      tpu.vector_store_idx %arg10[%select_n3A_2090], %broadcast_in_dim3A_211 {add = true} : memref<5008xf32, #tpu.memory_space<vmem>>[vector<16xi32>], vector<16xf32>,
      %get3A_2093 = arith.constant 48 : index
      %get3A_2094 = tpu.vector_load %arg8[%get3A_2093] {strides = array<i32>} : memref<128xi32, #tpu.memory_space<vmem>>, vector<16xi32>,
      %add3A_2095 = arith.constant 48 : i32
      %add3A_2096 = arith.addi %multiple_of3A_2014, %add3A_2095 : i32
      %iota3A_2097 = tpu.iota {dimensions = array<i32: 0>} : vector<16xi32>
      %add3A_2098 = vector.broadcast %add3A_2096 : i32 to vector<16xi32>
      %add3A_2099 = arith.addi %add3A_2098, %iota3A_2097 : vector<16xi32>
      %sub3A_2100 = vector.broadcast %mul3A_135 : i32 to vector<16xi32>
      %sub3A_2101 = arith.subi %get3A_2094, %sub3A_2100 : vector<16xi32>
      %ge3A_2102 = vector.broadcast %add3A_2008 : i32 to vector<16xi32>
      %ge3A_2103 = arith.cmpi sge, %add3A_2099, %ge3A_2102 : vector<16xi32>
      %lt3A_2104 = vector.broadcast %select_n3A_133 : i32 to vector<16xi32>
      %lt3A_2105 = arith.cmpi slt, %add3A_2099, %lt3A_2104 : vector<16xi32>
      %and3A_2106 = arith.andi %ge3A_2103, %lt3A_2105 : vector<16xi1>
      %ge3A_2107 = arith.constant 0 : i32
      %ge3A_2108 = vector.broadcast %ge3A_2107 : i32 to vector<16xi32>
      %ge3A_2109 = arith.cmpi sge, %sub3A_2101, %ge3A_2108 : vector<16xi32>
      %and3A_2110 = arith.andi %and3A_2106, %ge3A_2109 : vector<16xi1>
      %lt3A_2111 = arith.constant 5000 : i32
      %lt3A_2112 = vector.broadcast %lt3A_2111 : i32 to vector<16xi32>
      %lt3A_2113 = arith.cmpi slt, %sub3A_2101, %lt3A_2112 : vector<16xi32>
      %and3A_2114 = arith.andi %and3A_2110, %lt3A_2113 : vector<16xi1>
      %jit3A_2115 = arith.constant 5000 : i32
      %broadcast_in_dim3A_2116 = vector.broadcast %jit3A_2115 : i32 to vector<16xi32>
      %select_n3A_2117 = arith.select %and3A_2114, %sub3A_2101, %broadcast_in_dim3A_2116 : vector<16xi1>, vector<16xi32>
      %swap3A_2118 = arith.constant 48 : index
      %swap3A_2119 = tpu.vector_load %arg8[%swap3A_2118] {strides = array<i32>} : memref<128xi32, #tpu.memory_space<vmem>>, vector<16xi32>,
      tpu.vector_store %arg8[%swap3A_2118], %select_n3A_2117 {strides = array<i32>} : memref<128xi32, #tpu.memory_space<vmem>>, vector<16xi32>,
      tpu.vector_store_idx %arg10[%select_n3A_2117], %broadcast_in_dim3A_211 {add = true} : memref<5008xf32, #tpu.memory_space<vmem>>[vector<16xi32>], vector<16xf32>,
      %get3A_2120 = arith.constant 64 : index
      %get3A_2121 = tpu.vector_load %arg8[%get3A_2120] {strides = array<i32>} : memref<128xi32, #tpu.memory_space<vmem>>, vector<16xi32>,
      %add3A_2122 = arith.constant 64 : i32
      %add3A_2123 = arith.addi %multiple_of3A_2014, %add3A_2122 : i32
      %iota3A_2124 = tpu.iota {dimensions = array<i32: 0>} : vector<16xi32>
      %add3A_2125 = vector.broadcast %add3A_2123 : i32 to vector<16xi32>
      %add3A_2126 = arith.addi %add3A_2125, %iota3A_2124 : vector<16xi32>
      %sub3A_2127 = vector.broadcast %mul3A_135 : i32 to vector<16xi32>
      %sub3A_2128 = arith.subi %get3A_2121, %sub3A_2127 : vector<16xi32>
      %ge3A_2129 = vector.broadcast %add3A_2008 : i32 to vector<16xi32>
      %ge3A_2130 = arith.cmpi sge, %add3A_2126, %ge3A_2129 : vector<16xi32>
      %lt3A_2131 = vector.broadcast %select_n3A_133 : i32 to vector<16xi32>
      %lt3A_2132 = arith.cmpi slt, %add3A_2126, %lt3A_2131 : vector<16xi32>
      %and3A_2133 = arith.andi %ge3A_2130, %lt3A_2132 : vector<16xi1>
      %ge3A_2134 = arith.constant 0 : i32
      %ge3A_2135 = vector.broadcast %ge3A_2134 : i32 to vector<16xi32>
      %ge3A_2136 = arith.cmpi sge, %sub3A_2128, %ge3A_2135 : vector<16xi32>
      %and3A_2137 = arith.andi %and3A_2133, %ge3A_2136 : vector<16xi1>
      %lt3A_2138 = arith.constant 5000 : i32
      %lt3A_2139 = vector.broadcast %lt3A_2138 : i32 to vector<16xi32>
      %lt3A_2140 = arith.cmpi slt, %sub3A_2128, %lt3A_2139 : vector<16xi32>
      %and3A_2141 = arith.andi %and3A_2137, %lt3A_2140 : vector<16xi1>
      %jit3A_2142 = arith.constant 5000 : i32
      %broadcast_in_dim3A_2143 = vector.broadcast %jit3A_2142 : i32 to vector<16xi32>
      %select_n3A_2144 = arith.select %and3A_2141, %sub3A_2128, %broadcast_in_dim3A_2143 : vector<16xi1>, vector<16xi32>
      %swap3A_2145 = arith.constant 64 : index
      %swap3A_2146 = tpu.vector_load %arg8[%swap3A_2145] {strides = array<i32>} : memref<128xi32, #tpu.memory_space<vmem>>, vector<16xi32>,
      tpu.vector_store %arg8[%swap3A_2145], %select_n3A_2144 {strides = array<i32>} : memref<128xi32, #tpu.memory_space<vmem>>, vector<16xi32>,
      tpu.vector_store_idx %arg10[%select_n3A_2144], %broadcast_in_dim3A_211 {add = true} : memref<5008xf32, #tpu.memory_space<vmem>>[vector<16xi32>], vector<16xf32>,
      %get3A_2147 = arith.constant 80 : index
      %get3A_2148 = tpu.vector_load %arg8[%get3A_2147] {strides = array<i32>} : memref<128xi32, #tpu.memory_space<vmem>>, vector<16xi32>,
      %add3A_2149 = arith.constant 80 : i32
      %add3A_2150 = arith.addi %multiple_of3A_2014, %add3A_2149 : i32
      %iota3A_2151 = tpu.iota {dimensions = array<i32: 0>} : vector<16xi32>
      %add3A_2152 = vector.broadcast %add3A_2150 : i32 to vector<16xi32>
      %add3A_2153 = arith.addi %add3A_2152, %iota3A_2151 : vector<16xi32>
      %sub3A_2154 = vector.broadcast %mul3A_135 : i32 to vector<16xi32>
      %sub3A_2155 = arith.subi %get3A_2148, %sub3A_2154 : vector<16xi32>
      %ge3A_2156 = vector.broadcast %add3A_2008 : i32 to vector<16xi32>
      %ge3A_2157 = arith.cmpi sge, %add3A_2153, %ge3A_2156 : vector<16xi32>
      %lt3A_2158 = vector.broadcast %select_n3A_133 : i32 to vector<16xi32>
      %lt3A_2159 = arith.cmpi slt, %add3A_2153, %lt3A_2158 : vector<16xi32>
      %and3A_2160 = arith.andi %ge3A_2157, %lt3A_2159 : vector<16xi1>
      %ge3A_2161 = arith.constant 0 : i32
      %ge3A_2162 = vector.broadcast %ge3A_2161 : i32 to vector<16xi32>
      %ge3A_2163 = arith.cmpi sge, %sub3A_2155, %ge3A_2162 : vector<16xi32>
      %and3A_2164 = arith.andi %and3A_2160, %ge3A_2163 : vector<16xi1>
      %lt3A_2165 = arith.constant 5000 : i32
      %lt3A_2166 = vector.broadcast %lt3A_2165 : i32 to vector<16xi32>
      %lt3A_2167 = arith.cmpi slt, %sub3A_2155, %lt3A_2166 : vector<16xi32>
      %and3A_2168 = arith.andi %and3A_2164, %lt3A_2167 : vector<16xi1>
      %jit3A_2169 = arith.constant 5000 : i32
      %broadcast_in_dim3A_2170 = vector.broadcast %jit3A_2169 : i32 to vector<16xi32>
      %select_n3A_2171 = arith.select %and3A_2168, %sub3A_2155, %broadcast_in_dim3A_2170 : vector<16xi1>, vector<16xi32>
      %swap3A_2172 = arith.constant 80 : index
      %swap3A_2173 = tpu.vector_load %arg8[%swap3A_2172] {strides = array<i32>} : memref<128xi32, #tpu.memory_space<vmem>>, vector<16xi32>,
      tpu.vector_store %arg8[%swap3A_2172], %select_n3A_2171 {strides = array<i32>} : memref<128xi32, #tpu.memory_space<vmem>>, vector<16xi32>,
      tpu.vector_store_idx %arg10[%select_n3A_2171], %broadcast_in_dim3A_211 {add = true} : memref<5008xf32, #tpu.memory_space<vmem>>[vector<16xi32>], vector<16xf32>,
      %get3A_2174 = arith.constant 96 : index
      %get3A_2175 = tpu.vector_load %arg8[%get3A_2174] {strides = array<i32>} : memref<128xi32, #tpu.memory_space<vmem>>, vector<16xi32>,
      %add3A_2176 = arith.constant 96 : i32
      %add3A_2177 = arith.addi %multiple_of3A_2014, %add3A_2176 : i32
      %iota3A_2178 = tpu.iota {dimensions = array<i32: 0>} : vector<16xi32>
      %add3A_2179 = vector.broadcast %add3A_2177 : i32 to vector<16xi32>
      %add3A_2180 = arith.addi %add3A_2179, %iota3A_2178 : vector<16xi32>
      %sub3A_2181 = vector.broadcast %mul3A_135 : i32 to vector<16xi32>
      %sub3A_2182 = arith.subi %get3A_2175, %sub3A_2181 : vector<16xi32>
      %ge3A_2183 = vector.broadcast %add3A_2008 : i32 to vector<16xi32>
      %ge3A_2184 = arith.cmpi sge, %add3A_2180, %ge3A_2183 : vector<16xi32>
      %lt3A_2185 = vector.broadcast %select_n3A_133 : i32 to vector<16xi32>
      %lt3A_2186 = arith.cmpi slt, %add3A_2180, %lt3A_2185 : vector<16xi32>
      %and3A_2187 = arith.andi %ge3A_2184, %lt3A_2186 : vector<16xi1>
      %ge3A_2188 = arith.constant 0 : i32
      %ge3A_2189 = vector.broadcast %ge3A_2188 : i32 to vector<16xi32>
      %ge3A_2190 = arith.cmpi sge, %sub3A_2182, %ge3A_2189 : vector<16xi32>
      %and3A_2191 = arith.andi %and3A_2187, %ge3A_2190 : vector<16xi1>
      %lt3A_2192 = arith.constant 5000 : i32
      %lt3A_2193 = vector.broadcast %lt3A_2192 : i32 to vector<16xi32>
      %lt3A_2194 = arith.cmpi slt, %sub3A_2182, %lt3A_2193 : vector<16xi32>
      %and3A_2195 = arith.andi %and3A_2191, %lt3A_2194 : vector<16xi1>
      %jit3A_2196 = arith.constant 5000 : i32
      %broadcast_in_dim3A_2197 = vector.broadcast %jit3A_2196 : i32 to vector<16xi32>
      %select_n3A_2198 = arith.select %and3A_2195, %sub3A_2182, %broadcast_in_dim3A_2197 : vector<16xi1>, vector<16xi32>
      %swap3A_2199 = arith.constant 96 : index
      %swap3A_2200 = tpu.vector_load %arg8[%swap3A_2199] {strides = array<i32>} : memref<128xi32, #tpu.memory_space<vmem>>, vector<16xi32>,
      tpu.vector_store %arg8[%swap3A_2199], %select_n3A_2198 {strides = array<i32>} : memref<128xi32, #tpu.memory_space<vmem>>, vector<16xi32>,
      tpu.vector_store_idx %arg10[%select_n3A_2198], %broadcast_in_dim3A_211 {add = true} : memref<5008xf32, #tpu.memory_space<vmem>>[vector<16xi32>], vector<16xf32>,
      %get3A_2201 = arith.constant 112 : index
      %get3A_2202 = tpu.vector_load %arg8[%get3A_2201] {strides = array<i32>} : memref<128xi32, #tpu.memory_space<vmem>>, vector<16xi32>,
      %add3A_2203 = arith.constant 112 : i32
      %add3A_2204 = arith.addi %multiple_of3A_2014, %add3A_2203 : i32
      %iota3A_2205 = tpu.iota {dimensions = array<i32: 0>} : vector<16xi32>
      %add3A_2206 = vector.broadcast %add3A_2204 : i32 to vector<16xi32>
      %add3A_2207 = arith.addi %add3A_2206, %iota3A_2205 : vector<16xi32>
      %sub3A_2208 = vector.broadcast %mul3A_135 : i32 to vector<16xi32>
      %sub3A_2209 = arith.subi %get3A_2202, %sub3A_2208 : vector<16xi32>
      %ge3A_2210 = vector.broadcast %add3A_2008 : i32 to vector<16xi32>
      %ge3A_2211 = arith.cmpi sge, %add3A_2207, %ge3A_2210 : vector<16xi32>
      %lt3A_2212 = vector.broadcast %select_n3A_133 : i32 to vector<16xi32>
      %lt3A_2213 = arith.cmpi slt, %add3A_2207, %lt3A_2212 : vector<16xi32>
      %and3A_2214 = arith.andi %ge3A_2211, %lt3A_2213 : vector<16xi1>
      %ge3A_2215 = arith.constant 0 : i32
      %ge3A_2216 = vector.broadcast %ge3A_2215 : i32 to vector<16xi32>
      %ge3A_2217 = arith.cmpi sge, %sub3A_2209, %ge3A_2216 : vector<16xi32>
      %and3A_2218 = arith.andi %and3A_2214, %ge3A_2217 : vector<16xi1>
      %lt3A_2219 = arith.constant 5000 : i32
      %lt3A_2220 = vector.broadcast %lt3A_2219 : i32 to vector<16xi32>
      %lt3A_2221 = arith.cmpi slt, %sub3A_2209, %lt3A_2220 : vector<16xi32>
      %and3A_2222 = arith.andi %and3A_2218, %lt3A_2221 : vector<16xi1>
      %jit3A_2223 = arith.constant 5000 : i32
      %broadcast_in_dim3A_2224 = vector.broadcast %jit3A_2223 : i32 to vector<16xi32>
      %select_n3A_2225 = arith.select %and3A_2222, %sub3A_2209, %broadcast_in_dim3A_2224 : vector<16xi1>, vector<16xi32>
      %swap3A_2226 = arith.constant 112 : index
      %swap3A_2227 = tpu.vector_load %arg8[%swap3A_2226] {strides = array<i32>} : memref<128xi32, #tpu.memory_space<vmem>>, vector<16xi32>,
      tpu.vector_store %arg8[%swap3A_2226], %select_n3A_2225 {strides = array<i32>} : memref<128xi32, #tpu.memory_space<vmem>>, vector<16xi32>,
      tpu.vector_store_idx %arg10[%select_n3A_2225], %broadcast_in_dim3A_211 {add = true} : memref<5008xf32, #tpu.memory_space<vmem>>[vector<16xi32>], vector<16xf32>,
      %dma_start3A_2228 = arith.constant 0 : i32
      %dma_start3A_2229 = arith.constant 0 : i32
      %dma_start3A_2230 = tpu.memref_slice %arg18[%dma_start3A_2228, %dma_start3A_2229] : memref<5008x128xf32, #tpu.memory_space<vmem_shared>> -> memref<5008x128xf32, #tpu.memory_space<vmem_shared>>
      tpu.enqueue_indirect_dma source(%arg6 : memref<128x128xf32, #tpu.memory_space<vmem>>) target(%dma_start3A_2230 : memref<5008x128xf32, #tpu.memory_space<vmem_shared>>) offsets(%arg8 : memref<128xi32, #tpu.memory_space<vmem>>) semaphore(%arg16 : memref<!tpu.dma_semaphore, #tpu.memory_space<semaphore_mem>>) {add = true}
      %dma_wait3A_2231 = arith.constant 0 : i32
      %dma_wait3A_2232 = arith.constant 0 : i32
      %dma_wait3A_2233 = tpu.memref_slice %arg2[%dma_wait3A_2231, %dma_wait3A_2232] : memref<320000x128xf32, #tpu.memory_space<hbm>> -> memref<128x128xf32, #tpu.memory_space<hbm>>
      %dma_wait3A_2234 = arith.constant 0 : i32
      %dma_wait3A_2235 = arith.constant 0 : i32
      %dma_wait3A_2236 = tpu.memref_slice %arg2[%dma_wait3A_2234, %dma_wait3A_2235] : memref<320000x128xf32, #tpu.memory_space<hbm>> -> memref<128x128xf32, #tpu.memory_space<hbm>>
      tpu.wait_dma2 semaphore(%arg15 : memref<!tpu.dma_semaphore, #tpu.memory_space<semaphore_mem>>) src(%dma_wait3A_2236 : memref<128x128xf32, #tpu.memory_space<hbm>>) dst(%arg7 : memref<128x128xf32, #tpu.memory_space<vmem>>)
      %dma_wait3A_2237 = arith.constant 0 : i32
      %dma_wait3A_2238 = tpu.memref_slice %arg3[%dma_wait3A_2237] : memref<320000xi32, #tpu.memory_space<hbm>> -> memref<128xi32, #tpu.memory_space<hbm>>
      %dma_wait3A_2239 = arith.constant 0 : i32
      %dma_wait3A_2240 = tpu.memref_slice %arg3[%dma_wait3A_2239] : memref<320000xi32, #tpu.memory_space<hbm>> -> memref<128xi32, #tpu.memory_space<hbm>>
      tpu.wait_dma2 semaphore(%arg15 : memref<!tpu.dma_semaphore, #tpu.memory_space<semaphore_mem>>) src(%dma_wait3A_2240 : memref<128xi32, #tpu.memory_space<hbm>>) dst(%arg9 : memref<128xi32, #tpu.memory_space<vmem>>)
      %dma_wait3A_2241 = arith.constant 0 : i32
      %dma_wait3A_2242 = arith.constant 0 : i32
      %dma_wait3A_2243 = tpu.memref_slice %arg18[%dma_wait3A_2241, %dma_wait3A_2242] : memref<5008x128xf32, #tpu.memory_space<vmem_shared>> -> memref<5008x128xf32, #tpu.memory_space<vmem_shared>>
      tpu.wait_indirect_dma semaphore(%arg16 : memref<!tpu.dma_semaphore, #tpu.memory_space<semaphore_mem>>) src(%arg6 : memref<128x128xf32, #tpu.memory_space<vmem>>) dst(%dma_wait3A_2243 : memref<5008x128xf32, #tpu.memory_space<vmem_shared>>)
      %add3A_2244 = arith.constant 2 : i32
      %add3A_2245 = arith.addi %mul3A_1978, %add3A_2244 : i32
      %mul3A_2246 = arith.constant 128 : i32
      %mul3A_2247 = arith.muli %add3A_2245, %mul3A_2246 : i32
      %add3A_2248 = arith.addi %add3A, %mul3A_2247 : i32
      %min3A_2249 = arith.constant 319872 : i32
      %min3A_2250 = arith.minsi %add3A_2248, %min3A_2249 : i32
      %multiple_of3A_2251 = tpu.assume_multiple %min3A_2250, 8 : i32
      %dma_start3A_2252 = arith.constant 0 : i32
      %dma_start3A_2253 = tpu.memref_slice %arg2[%multiple_of3A_2251, %dma_start3A_2252] : memref<320000x128xf32, #tpu.memory_space<hbm>> -> memref<128x128xf32, #tpu.memory_space<hbm>>
      %dma_start3A_2254 = arith.constant 0 : i32
      %dma_start3A_2255 = tpu.memref_slice %arg2[%multiple_of3A_2251, %dma_start3A_2254] : memref<320000x128xf32, #tpu.memory_space<hbm>> -> memref<128x128xf32, #tpu.memory_space<hbm>>
      tpu.enqueue_dma source(%dma_start3A_2255 : memref<128x128xf32, #tpu.memory_space<hbm>>) target(%arg6 : memref<128x128xf32, #tpu.memory_space<vmem>>) target_semaphore(%arg14 : memref<!tpu.dma_semaphore, #tpu.memory_space<semaphore_mem>>)
      %dma_start3A_2256 = tpu.memref_slice %arg3[%multiple_of3A_2251] : memref<320000xi32, #tpu.memory_space<hbm>> -> memref<128xi32, #tpu.memory_space<hbm>>
      %dma_start3A_2257 = tpu.memref_slice %arg3[%multiple_of3A_2251] : memref<320000xi32, #tpu.memory_space<hbm>> -> memref<128xi32, #tpu.memory_space<hbm>>
      tpu.enqueue_dma source(%dma_start3A_2257 : memref<128xi32, #tpu.memory_space<hbm>>) target(%arg8 : memref<128xi32, #tpu.memory_space<vmem>>) target_semaphore(%arg14 : memref<!tpu.dma_semaphore, #tpu.memory_space<semaphore_mem>>)
      %add3A_2258 = arith.constant 1 : i32
      %add3A_2259 = arith.addi %mul3A_1978, %add3A_2258 : i32
      %mul3A_2260 = arith.constant 128 : i32
      %mul3A_2261 = arith.muli %add3A_2259, %mul3A_2260 : i32
      %add3A_2262 = arith.addi %add3A, %mul3A_2261 : i32
      %mul3A_2263 = arith.constant 128 : i32
      %mul3A_2264 = arith.muli %add3A_2259, %mul3A_2263 : i32
      %add3A_2265 = arith.addi %add3A, %mul3A_2264 : i32
      %min3A_2266 = arith.constant 319872 : i32
      %min3A_2267 = arith.minsi %add3A_2265, %min3A_2266 : i32
      %multiple_of3A_2268 = tpu.assume_multiple %min3A_2267, 8 : i32
      %get3A_2269 = arith.constant 0 : index
      %get3A_2270 = tpu.vector_load %arg9[%get3A_2269] {strides = array<i32>} : memref<128xi32, #tpu.memory_space<vmem>>, vector<16xi32>,
      %add3A_2271 = arith.constant 0 : i32
      %add3A_2272 = arith.addi %multiple_of3A_2268, %add3A_2271 : i32
      %iota3A_2273 = tpu.iota {dimensions = array<i32: 0>} : vector<16xi32>
      %add3A_2274 = vector.broadcast %add3A_2272 : i32 to vector<16xi32>
      %add3A_2275 = arith.addi %add3A_2274, %iota3A_2273 : vector<16xi32>
      %sub3A_2276 = vector.broadcast %mul3A_135 : i32 to vector<16xi32>
      %sub3A_2277 = arith.subi %get3A_2270, %sub3A_2276 : vector<16xi32>
      %ge3A_2278 = vector.broadcast %add3A_2262 : i32 to vector<16xi32>
      %ge3A_2279 = arith.cmpi sge, %add3A_2275, %ge3A_2278 : vector<16xi32>
      %lt3A_2280 = vector.broadcast %select_n3A_133 : i32 to vector<16xi32>
      %lt3A_2281 = arith.cmpi slt, %add3A_2275, %lt3A_2280 : vector<16xi32>
      %and3A_2282 = arith.andi %ge3A_2279, %lt3A_2281 : vector<16xi1>
      %ge3A_2283 = arith.constant 0 : i32
      %ge3A_2284 = vector.broadcast %ge3A_2283 : i32 to vector<16xi32>
      %ge3A_2285 = arith.cmpi sge, %sub3A_2277, %ge3A_2284 : vector<16xi32>
      %and3A_2286 = arith.andi %and3A_2282, %ge3A_2285 : vector<16xi1>
      %lt3A_2287 = arith.constant 5000 : i32
      %lt3A_2288 = vector.broadcast %lt3A_2287 : i32 to vector<16xi32>
      %lt3A_2289 = arith.cmpi slt, %sub3A_2277, %lt3A_2288 : vector<16xi32>
      %and3A_2290 = arith.andi %and3A_2286, %lt3A_2289 : vector<16xi1>
      %jit3A_2291 = arith.constant 5000 : i32
      %broadcast_in_dim3A_2292 = vector.broadcast %jit3A_2291 : i32 to vector<16xi32>
      %select_n3A_2293 = arith.select %and3A_2290, %sub3A_2277, %broadcast_in_dim3A_2292 : vector<16xi1>, vector<16xi32>
      %swap3A_2294 = arith.constant 0 : index
      %swap3A_2295 = tpu.vector_load %arg9[%swap3A_2294] {strides = array<i32>} : memref<128xi32, #tpu.memory_space<vmem>>, vector<16xi32>,
      tpu.vector_store %arg9[%swap3A_2294], %select_n3A_2293 {strides = array<i32>} : memref<128xi32, #tpu.memory_space<vmem>>, vector<16xi32>,
      tpu.vector_store_idx %arg10[%select_n3A_2293], %broadcast_in_dim3A_211 {add = true} : memref<5008xf32, #tpu.memory_space<vmem>>[vector<16xi32>], vector<16xf32>,
      %get3A_2296 = arith.constant 16 : index
      %get3A_2297 = tpu.vector_load %arg9[%get3A_2296] {strides = array<i32>} : memref<128xi32, #tpu.memory_space<vmem>>, vector<16xi32>,
      %add3A_2298 = arith.constant 16 : i32
      %add3A_2299 = arith.addi %multiple_of3A_2268, %add3A_2298 : i32
      %iota3A_2300 = tpu.iota {dimensions = array<i32: 0>} : vector<16xi32>
      %add3A_2301 = vector.broadcast %add3A_2299 : i32 to vector<16xi32>
      %add3A_2302 = arith.addi %add3A_2301, %iota3A_2300 : vector<16xi32>
      %sub3A_2303 = vector.broadcast %mul3A_135 : i32 to vector<16xi32>
      %sub3A_2304 = arith.subi %get3A_2297, %sub3A_2303 : vector<16xi32>
      %ge3A_2305 = vector.broadcast %add3A_2262 : i32 to vector<16xi32>
      %ge3A_2306 = arith.cmpi sge, %add3A_2302, %ge3A_2305 : vector<16xi32>
      %lt3A_2307 = vector.broadcast %select_n3A_133 : i32 to vector<16xi32>
      %lt3A_2308 = arith.cmpi slt, %add3A_2302, %lt3A_2307 : vector<16xi32>
      %and3A_2309 = arith.andi %ge3A_2306, %lt3A_2308 : vector<16xi1>
      %ge3A_2310 = arith.constant 0 : i32
      %ge3A_2311 = vector.broadcast %ge3A_2310 : i32 to vector<16xi32>
      %ge3A_2312 = arith.cmpi sge, %sub3A_2304, %ge3A_2311 : vector<16xi32>
      %and3A_2313 = arith.andi %and3A_2309, %ge3A_2312 : vector<16xi1>
      %lt3A_2314 = arith.constant 5000 : i32
      %lt3A_2315 = vector.broadcast %lt3A_2314 : i32 to vector<16xi32>
      %lt3A_2316 = arith.cmpi slt, %sub3A_2304, %lt3A_2315 : vector<16xi32>
      %and3A_2317 = arith.andi %and3A_2313, %lt3A_2316 : vector<16xi1>
      %jit3A_2318 = arith.constant 5000 : i32
      %broadcast_in_dim3A_2319 = vector.broadcast %jit3A_2318 : i32 to vector<16xi32>
      %select_n3A_2320 = arith.select %and3A_2317, %sub3A_2304, %broadcast_in_dim3A_2319 : vector<16xi1>, vector<16xi32>
      %swap3A_2321 = arith.constant 16 : index
      %swap3A_2322 = tpu.vector_load %arg9[%swap3A_2321] {strides = array<i32>} : memref<128xi32, #tpu.memory_space<vmem>>, vector<16xi32>,
      tpu.vector_store %arg9[%swap3A_2321], %select_n3A_2320 {strides = array<i32>} : memref<128xi32, #tpu.memory_space<vmem>>, vector<16xi32>,
      tpu.vector_store_idx %arg10[%select_n3A_2320], %broadcast_in_dim3A_211 {add = true} : memref<5008xf32, #tpu.memory_space<vmem>>[vector<16xi32>], vector<16xf32>,
      %get3A_2323 = arith.constant 32 : index
      %get3A_2324 = tpu.vector_load %arg9[%get3A_2323] {strides = array<i32>} : memref<128xi32, #tpu.memory_space<vmem>>, vector<16xi32>,
      %add3A_2325 = arith.constant 32 : i32
      %add3A_2326 = arith.addi %multiple_of3A_2268, %add3A_2325 : i32
      %iota3A_2327 = tpu.iota {dimensions = array<i32: 0>} : vector<16xi32>
      %add3A_2328 = vector.broadcast %add3A_2326 : i32 to vector<16xi32>
      %add3A_2329 = arith.addi %add3A_2328, %iota3A_2327 : vector<16xi32>
      %sub3A_2330 = vector.broadcast %mul3A_135 : i32 to vector<16xi32>
      %sub3A_2331 = arith.subi %get3A_2324, %sub3A_2330 : vector<16xi32>
      %ge3A_2332 = vector.broadcast %add3A_2262 : i32 to vector<16xi32>
      %ge3A_2333 = arith.cmpi sge, %add3A_2329, %ge3A_2332 : vector<16xi32>
      %lt3A_2334 = vector.broadcast %select_n3A_133 : i32 to vector<16xi32>
      %lt3A_2335 = arith.cmpi slt, %add3A_2329, %lt3A_2334 : vector<16xi32>
      %and3A_2336 = arith.andi %ge3A_2333, %lt3A_2335 : vector<16xi1>
      %ge3A_2337 = arith.constant 0 : i32
      %ge3A_2338 = vector.broadcast %ge3A_2337 : i32 to vector<16xi32>
      %ge3A_2339 = arith.cmpi sge, %sub3A_2331, %ge3A_2338 : vector<16xi32>
      %and3A_2340 = arith.andi %and3A_2336, %ge3A_2339 : vector<16xi1>
      %lt3A_2341 = arith.constant 5000 : i32
      %lt3A_2342 = vector.broadcast %lt3A_2341 : i32 to vector<16xi32>
      %lt3A_2343 = arith.cmpi slt, %sub3A_2331, %lt3A_2342 : vector<16xi32>
      %and3A_2344 = arith.andi %and3A_2340, %lt3A_2343 : vector<16xi1>
      %jit3A_2345 = arith.constant 5000 : i32
      %broadcast_in_dim3A_2346 = vector.broadcast %jit3A_2345 : i32 to vector<16xi32>
      %select_n3A_2347 = arith.select %and3A_2344, %sub3A_2331, %broadcast_in_dim3A_2346 : vector<16xi1>, vector<16xi32>
      %swap3A_2348 = arith.constant 32 : index
      %swap3A_2349 = tpu.vector_load %arg9[%swap3A_2348] {strides = array<i32>} : memref<128xi32, #tpu.memory_space<vmem>>, vector<16xi32>,
      tpu.vector_store %arg9[%swap3A_2348], %select_n3A_2347 {strides = array<i32>} : memref<128xi32, #tpu.memory_space<vmem>>, vector<16xi32>,
      tpu.vector_store_idx %arg10[%select_n3A_2347], %broadcast_in_dim3A_211 {add = true} : memref<5008xf32, #tpu.memory_space<vmem>>[vector<16xi32>], vector<16xf32>,
      %get3A_2350 = arith.constant 48 : index
      %get3A_2351 = tpu.vector_load %arg9[%get3A_2350] {strides = array<i32>} : memref<128xi32, #tpu.memory_space<vmem>>, vector<16xi32>,
      %add3A_2352 = arith.constant 48 : i32
      %add3A_2353 = arith.addi %multiple_of3A_2268, %add3A_2352 : i32
      %iota3A_2354 = tpu.iota {dimensions = array<i32: 0>} : vector<16xi32>
      %add3A_2355 = vector.broadcast %add3A_2353 : i32 to vector<16xi32>
      %add3A_2356 = arith.addi %add3A_2355, %iota3A_2354 : vector<16xi32>
      %sub3A_2357 = vector.broadcast %mul3A_135 : i32 to vector<16xi32>
      %sub3A_2358 = arith.subi %get3A_2351, %sub3A_2357 : vector<16xi32>
      %ge3A_2359 = vector.broadcast %add3A_2262 : i32 to vector<16xi32>
      %ge3A_2360 = arith.cmpi sge, %add3A_2356, %ge3A_2359 : vector<16xi32>
      %lt3A_2361 = vector.broadcast %select_n3A_133 : i32 to vector<16xi32>
      %lt3A_2362 = arith.cmpi slt, %add3A_2356, %lt3A_2361 : vector<16xi32>
      %and3A_2363 = arith.andi %ge3A_2360, %lt3A_2362 : vector<16xi1>
      %ge3A_2364 = arith.constant 0 : i32
      %ge3A_2365 = vector.broadcast %ge3A_2364 : i32 to vector<16xi32>
      %ge3A_2366 = arith.cmpi sge, %sub3A_2358, %ge3A_2365 : vector<16xi32>
      %and3A_2367 = arith.andi %and3A_2363, %ge3A_2366 : vector<16xi1>
      %lt3A_2368 = arith.constant 5000 : i32
      %lt3A_2369 = vector.broadcast %lt3A_2368 : i32 to vector<16xi32>
      %lt3A_2370 = arith.cmpi slt, %sub3A_2358, %lt3A_2369 : vector<16xi32>
      %and3A_2371 = arith.andi %and3A_2367, %lt3A_2370 : vector<16xi1>
      %jit3A_2372 = arith.constant 5000 : i32
      %broadcast_in_dim3A_2373 = vector.broadcast %jit3A_2372 : i32 to vector<16xi32>
      %select_n3A_2374 = arith.select %and3A_2371, %sub3A_2358, %broadcast_in_dim3A_2373 : vector<16xi1>, vector<16xi32>
      %swap3A_2375 = arith.constant 48 : index
      %swap3A_2376 = tpu.vector_load %arg9[%swap3A_2375] {strides = array<i32>} : memref<128xi32, #tpu.memory_space<vmem>>, vector<16xi32>,
      tpu.vector_store %arg9[%swap3A_2375], %select_n3A_2374 {strides = array<i32>} : memref<128xi32, #tpu.memory_space<vmem>>, vector<16xi32>,
      tpu.vector_store_idx %arg10[%select_n3A_2374], %broadcast_in_dim3A_211 {add = true} : memref<5008xf32, #tpu.memory_space<vmem>>[vector<16xi32>], vector<16xf32>,
      %get3A_2377 = arith.constant 64 : index
      %get3A_2378 = tpu.vector_load %arg9[%get3A_2377] {strides = array<i32>} : memref<128xi32, #tpu.memory_space<vmem>>, vector<16xi32>,
      %add3A_2379 = arith.constant 64 : i32
      %add3A_2380 = arith.addi %multiple_of3A_2268, %add3A_2379 : i32
      %iota3A_2381 = tpu.iota {dimensions = array<i32: 0>} : vector<16xi32>
      %add3A_2382 = vector.broadcast %add3A_2380 : i32 to vector<16xi32>
      %add3A_2383 = arith.addi %add3A_2382, %iota3A_2381 : vector<16xi32>
      %sub3A_2384 = vector.broadcast %mul3A_135 : i32 to vector<16xi32>
      %sub3A_2385 = arith.subi %get3A_2378, %sub3A_2384 : vector<16xi32>
      %ge3A_2386 = vector.broadcast %add3A_2262 : i32 to vector<16xi32>
      %ge3A_2387 = arith.cmpi sge, %add3A_2383, %ge3A_2386 : vector<16xi32>
      %lt3A_2388 = vector.broadcast %select_n3A_133 : i32 to vector<16xi32>
      %lt3A_2389 = arith.cmpi slt, %add3A_2383, %lt3A_2388 : vector<16xi32>
      %and3A_2390 = arith.andi %ge3A_2387, %lt3A_2389 : vector<16xi1>
      %ge3A_2391 = arith.constant 0 : i32
      %ge3A_2392 = vector.broadcast %ge3A_2391 : i32 to vector<16xi32>
      %ge3A_2393 = arith.cmpi sge, %sub3A_2385, %ge3A_2392 : vector<16xi32>
      %and3A_2394 = arith.andi %and3A_2390, %ge3A_2393 : vector<16xi1>
      %lt3A_2395 = arith.constant 5000 : i32
      %lt3A_2396 = vector.broadcast %lt3A_2395 : i32 to vector<16xi32>
      %lt3A_2397 = arith.cmpi slt, %sub3A_2385, %lt3A_2396 : vector<16xi32>
      %and3A_2398 = arith.andi %and3A_2394, %lt3A_2397 : vector<16xi1>
      %jit3A_2399 = arith.constant 5000 : i32
      %broadcast_in_dim3A_2400 = vector.broadcast %jit3A_2399 : i32 to vector<16xi32>
      %select_n3A_2401 = arith.select %and3A_2398, %sub3A_2385, %broadcast_in_dim3A_2400 : vector<16xi1>, vector<16xi32>
      %swap3A_2402 = arith.constant 64 : index
      %swap3A_2403 = tpu.vector_load %arg9[%swap3A_2402] {strides = array<i32>} : memref<128xi32, #tpu.memory_space<vmem>>, vector<16xi32>,
      tpu.vector_store %arg9[%swap3A_2402], %select_n3A_2401 {strides = array<i32>} : memref<128xi32, #tpu.memory_space<vmem>>, vector<16xi32>,
      tpu.vector_store_idx %arg10[%select_n3A_2401], %broadcast_in_dim3A_211 {add = true} : memref<5008xf32, #tpu.memory_space<vmem>>[vector<16xi32>], vector<16xf32>,
      %get3A_2404 = arith.constant 80 : index
      %get3A_2405 = tpu.vector_load %arg9[%get3A_2404] {strides = array<i32>} : memref<128xi32, #tpu.memory_space<vmem>>, vector<16xi32>,
      %add3A_2406 = arith.constant 80 : i32
      %add3A_2407 = arith.addi %multiple_of3A_2268, %add3A_2406 : i32
      %iota3A_2408 = tpu.iota {dimensions = array<i32: 0>} : vector<16xi32>
      %add3A_2409 = vector.broadcast %add3A_2407 : i32 to vector<16xi32>
      %add3A_2410 = arith.addi %add3A_2409, %iota3A_2408 : vector<16xi32>
      %sub3A_2411 = vector.broadcast %mul3A_135 : i32 to vector<16xi32>
      %sub3A_2412 = arith.subi %get3A_2405, %sub3A_2411 : vector<16xi32>
      %ge3A_2413 = vector.broadcast %add3A_2262 : i32 to vector<16xi32>
      %ge3A_2414 = arith.cmpi sge, %add3A_2410, %ge3A_2413 : vector<16xi32>
      %lt3A_2415 = vector.broadcast %select_n3A_133 : i32 to vector<16xi32>
      %lt3A_2416 = arith.cmpi slt, %add3A_2410, %lt3A_2415 : vector<16xi32>
      %and3A_2417 = arith.andi %ge3A_2414, %lt3A_2416 : vector<16xi1>
      %ge3A_2418 = arith.constant 0 : i32
      %ge3A_2419 = vector.broadcast %ge3A_2418 : i32 to vector<16xi32>
      %ge3A_2420 = arith.cmpi sge, %sub3A_2412, %ge3A_2419 : vector<16xi32>
      %and3A_2421 = arith.andi %and3A_2417, %ge3A_2420 : vector<16xi1>
      %lt3A_2422 = arith.constant 5000 : i32
      %lt3A_2423 = vector.broadcast %lt3A_2422 : i32 to vector<16xi32>
      %lt3A_2424 = arith.cmpi slt, %sub3A_2412, %lt3A_2423 : vector<16xi32>
      %and3A_2425 = arith.andi %and3A_2421, %lt3A_2424 : vector<16xi1>
      %jit3A_2426 = arith.constant 5000 : i32
      %broadcast_in_dim3A_2427 = vector.broadcast %jit3A_2426 : i32 to vector<16xi32>
      %select_n3A_2428 = arith.select %and3A_2425, %sub3A_2412, %broadcast_in_dim3A_2427 : vector<16xi1>, vector<16xi32>
      %swap3A_2429 = arith.constant 80 : index
      %swap3A_2430 = tpu.vector_load %arg9[%swap3A_2429] {strides = array<i32>} : memref<128xi32, #tpu.memory_space<vmem>>, vector<16xi32>,
      tpu.vector_store %arg9[%swap3A_2429], %select_n3A_2428 {strides = array<i32>} : memref<128xi32, #tpu.memory_space<vmem>>, vector<16xi32>,
      tpu.vector_store_idx %arg10[%select_n3A_2428], %broadcast_in_dim3A_211 {add = true} : memref<5008xf32, #tpu.memory_space<vmem>>[vector<16xi32>], vector<16xf32>,
      %get3A_2431 = arith.constant 96 : index
      %get3A_2432 = tpu.vector_load %arg9[%get3A_2431] {strides = array<i32>} : memref<128xi32, #tpu.memory_space<vmem>>, vector<16xi32>,
      %add3A_2433 = arith.constant 96 : i32
      %add3A_2434 = arith.addi %multiple_of3A_2268, %add3A_2433 : i32
      %iota3A_2435 = tpu.iota {dimensions = array<i32: 0>} : vector<16xi32>
      %add3A_2436 = vector.broadcast %add3A_2434 : i32 to vector<16xi32>
      %add3A_2437 = arith.addi %add3A_2436, %iota3A_2435 : vector<16xi32>
      %sub3A_2438 = vector.broadcast %mul3A_135 : i32 to vector<16xi32>
      %sub3A_2439 = arith.subi %get3A_2432, %sub3A_2438 : vector<16xi32>
      %ge3A_2440 = vector.broadcast %add3A_2262 : i32 to vector<16xi32>
      %ge3A_2441 = arith.cmpi sge, %add3A_2437, %ge3A_2440 : vector<16xi32>
      %lt3A_2442 = vector.broadcast %select_n3A_133 : i32 to vector<16xi32>
      %lt3A_2443 = arith.cmpi slt, %add3A_2437, %lt3A_2442 : vector<16xi32>
      %and3A_2444 = arith.andi %ge3A_2441, %lt3A_2443 : vector<16xi1>
      %ge3A_2445 = arith.constant 0 : i32
      %ge3A_2446 = vector.broadcast %ge3A_2445 : i32 to vector<16xi32>
      %ge3A_2447 = arith.cmpi sge, %sub3A_2439, %ge3A_2446 : vector<16xi32>
      %and3A_2448 = arith.andi %and3A_2444, %ge3A_2447 : vector<16xi1>
      %lt3A_2449 = arith.constant 5000 : i32
      %lt3A_2450 = vector.broadcast %lt3A_2449 : i32 to vector<16xi32>
      %lt3A_2451 = arith.cmpi slt, %sub3A_2439, %lt3A_2450 : vector<16xi32>
      %and3A_2452 = arith.andi %and3A_2448, %lt3A_2451 : vector<16xi1>
      %jit3A_2453 = arith.constant 5000 : i32
      %broadcast_in_dim3A_2454 = vector.broadcast %jit3A_2453 : i32 to vector<16xi32>
      %select_n3A_2455 = arith.select %and3A_2452, %sub3A_2439, %broadcast_in_dim3A_2454 : vector<16xi1>, vector<16xi32>
      %swap3A_2456 = arith.constant 96 : index
      %swap3A_2457 = tpu.vector_load %arg9[%swap3A_2456] {strides = array<i32>} : memref<128xi32, #tpu.memory_space<vmem>>, vector<16xi32>,
      tpu.vector_store %arg9[%swap3A_2456], %select_n3A_2455 {strides = array<i32>} : memref<128xi32, #tpu.memory_space<vmem>>, vector<16xi32>,
      tpu.vector_store_idx %arg10[%select_n3A_2455], %broadcast_in_dim3A_211 {add = true} : memref<5008xf32, #tpu.memory_space<vmem>>[vector<16xi32>], vector<16xf32>,
      %get3A_2458 = arith.constant 112 : index
      %get3A_2459 = tpu.vector_load %arg9[%get3A_2458] {strides = array<i32>} : memref<128xi32, #tpu.memory_space<vmem>>, vector<16xi32>,
      %add3A_2460 = arith.constant 112 : i32
      %add3A_2461 = arith.addi %multiple_of3A_2268, %add3A_2460 : i32
      %iota3A_2462 = tpu.iota {dimensions = array<i32: 0>} : vector<16xi32>
      %add3A_2463 = vector.broadcast %add3A_2461 : i32 to vector<16xi32>
      %add3A_2464 = arith.addi %add3A_2463, %iota3A_2462 : vector<16xi32>
      %sub3A_2465 = vector.broadcast %mul3A_135 : i32 to vector<16xi32>
      %sub3A_2466 = arith.subi %get3A_2459, %sub3A_2465 : vector<16xi32>
      %ge3A_2467 = vector.broadcast %add3A_2262 : i32 to vector<16xi32>
      %ge3A_2468 = arith.cmpi sge, %add3A_2464, %ge3A_2467 : vector<16xi32>
      %lt3A_2469 = vector.broadcast %select_n3A_133 : i32 to vector<16xi32>
      %lt3A_2470 = arith.cmpi slt, %add3A_2464, %lt3A_2469 : vector<16xi32>
      %and3A_2471 = arith.andi %ge3A_2468, %lt3A_2470 : vector<16xi1>
      %ge3A_2472 = arith.constant 0 : i32
      %ge3A_2473 = vector.broadcast %ge3A_2472 : i32 to vector<16xi32>
      %ge3A_2474 = arith.cmpi sge, %sub3A_2466, %ge3A_2473 : vector<16xi32>
      %and3A_2475 = arith.andi %and3A_2471, %ge3A_2474 : vector<16xi1>
      %lt3A_2476 = arith.constant 5000 : i32
      %lt3A_2477 = vector.broadcast %lt3A_2476 : i32 to vector<16xi32>
      %lt3A_2478 = arith.cmpi slt, %sub3A_2466, %lt3A_2477 : vector<16xi32>
      %and3A_2479 = arith.andi %and3A_2475, %lt3A_2478 : vector<16xi1>
      %jit3A_2480 = arith.constant 5000 : i32
      %broadcast_in_dim3A_2481 = vector.broadcast %jit3A_2480 : i32 to vector<16xi32>
      %select_n3A_2482 = arith.select %and3A_2479, %sub3A_2466, %broadcast_in_dim3A_2481 : vector<16xi1>, vector<16xi32>
      %swap3A_2483 = arith.constant 112 : index
      %swap3A_2484 = tpu.vector_load %arg9[%swap3A_2483] {strides = array<i32>} : memref<128xi32, #tpu.memory_space<vmem>>, vector<16xi32>,
      tpu.vector_store %arg9[%swap3A_2483], %select_n3A_2482 {strides = array<i32>} : memref<128xi32, #tpu.memory_space<vmem>>, vector<16xi32>,
      tpu.vector_store_idx %arg10[%select_n3A_2482], %broadcast_in_dim3A_211 {add = true} : memref<5008xf32, #tpu.memory_space<vmem>>[vector<16xi32>], vector<16xf32>,
      %dma_start3A_2485 = arith.constant 0 : i32
      %dma_start3A_2486 = arith.constant 0 : i32
      %dma_start3A_2487 = tpu.memref_slice %arg18[%dma_start3A_2485, %dma_start3A_2486] : memref<5008x128xf32, #tpu.memory_space<vmem_shared>> -> memref<5008x128xf32, #tpu.memory_space<vmem_shared>>
      tpu.enqueue_indirect_dma source(%arg7 : memref<128x128xf32, #tpu.memory_space<vmem>>) target(%dma_start3A_2487 : memref<5008x128xf32, #tpu.memory_space<vmem_shared>>) offsets(%arg9 : memref<128xi32, #tpu.memory_space<vmem>>) semaphore(%arg17 : memref<!tpu.dma_semaphore, #tpu.memory_space<semaphore_mem>>) {add = true}
    }
    %dma_wait3A = arith.constant 0 : i32
    %dma_wait3A_232 = arith.constant 0 : i32
    %dma_wait3A_233 = tpu.memref_slice %arg2[%dma_wait3A, %dma_wait3A_232] : memref<320000x128xf32, #tpu.memory_space<hbm>> -> memref<128x128xf32, #tpu.memory_space<hbm>>
    %dma_wait3A_234 = arith.constant 0 : i32
    %dma_wait3A_235 = arith.constant 0 : i32
    %dma_wait3A_236 = tpu.memref_slice %arg2[%dma_wait3A_234, %dma_wait3A_235] : memref<320000x128xf32, #tpu.memory_space<hbm>> -> memref<128x128xf32, #tpu.memory_space<hbm>>
    tpu.wait_dma2 semaphore(%arg14 : memref<!tpu.dma_semaphore, #tpu.memory_space<semaphore_mem>>) src(%dma_wait3A_236 : memref<128x128xf32, #tpu.memory_space<hbm>>) dst(%arg6 : memref<128x128xf32, #tpu.memory_space<vmem>>)
    %dma_wait3A_237 = arith.constant 0 : i32
    %dma_wait3A_238 = tpu.memref_slice %arg3[%dma_wait3A_237] : memref<320000xi32, #tpu.memory_space<hbm>> -> memref<128xi32, #tpu.memory_space<hbm>>
    %dma_wait3A_239 = arith.constant 0 : i32
    %dma_wait3A_240 = tpu.memref_slice %arg3[%dma_wait3A_239] : memref<320000xi32, #tpu.memory_space<hbm>> -> memref<128xi32, #tpu.memory_space<hbm>>
    tpu.wait_dma2 semaphore(%arg14 : memref<!tpu.dma_semaphore, #tpu.memory_space<semaphore_mem>>) src(%dma_wait3A_240 : memref<128xi32, #tpu.memory_space<hbm>>) dst(%arg8 : memref<128xi32, #tpu.memory_space<vmem>>)
    %dma_wait3A_241 = arith.constant 0 : i32
    %dma_wait3A_242 = arith.constant 0 : i32
    %dma_wait3A_243 = tpu.memref_slice %arg18[%dma_wait3A_241, %dma_wait3A_242] : memref<5008x128xf32, #tpu.memory_space<vmem_shared>> -> memref<5008x128xf32, #tpu.memory_space<vmem_shared>>
    tpu.wait_indirect_dma semaphore(%arg17 : memref<!tpu.dma_semaphore, #tpu.memory_space<semaphore_mem>>) src(%arg7 : memref<128x128xf32, #tpu.memory_space<vmem>>) dst(%dma_wait3A_243 : memref<5008x128xf32, #tpu.memory_space<vmem_shared>>)
    "tpu.region"() ({
      %run_scoped3A = tpu.sem_alloc : memref<!tpu.dma_semaphore, #tpu.memory_space<semaphore_mem>>
      %dma_start3A_1976 = arith.constant 0 : i32
      %dma_start3A_1977 = tpu.memref_slice %arg19[%arg1, %dma_start3A_1976] : memref<16x5008xf32, #tpu.memory_space<vmem_shared>> -> memref<1x5008xf32, #tpu.memory_space<vmem_shared>>
      %dma_start3A_1978 = tpu.memref_squeeze %dma_start3A_1977 : memref<1x5008xf32, #tpu.memory_space<vmem_shared>> -> memref<5008xf32, #tpu.memory_space<vmem_shared>>
      %dma_start3A_1979 = arith.constant 0 : i32
      %dma_start3A_1980 = tpu.memref_slice %arg19[%arg1, %dma_start3A_1979] : memref<16x5008xf32, #tpu.memory_space<vmem_shared>> -> memref<1x5008xf32, #tpu.memory_space<vmem_shared>>
      %dma_start3A_1981 = tpu.memref_squeeze %dma_start3A_1980 : memref<1x5008xf32, #tpu.memory_space<vmem_shared>> -> memref<5008xf32, #tpu.memory_space<vmem_shared>>
      tpu.enqueue_dma source(%arg10 : memref<5008xf32, #tpu.memory_space<vmem>>) target(%dma_start3A_1981 : memref<5008xf32, #tpu.memory_space<vmem_shared>>) target_semaphore(%run_scoped3A : memref<!tpu.dma_semaphore, #tpu.memory_space<semaphore_mem>>)
      %dma_wait3A_1982 = arith.constant 0 : i32
      %dma_wait3A_1983 = tpu.memref_slice %arg19[%arg1, %dma_wait3A_1982] : memref<16x5008xf32, #tpu.memory_space<vmem_shared>> -> memref<1x5008xf32, #tpu.memory_space<vmem_shared>>
      %dma_wait3A_1984 = tpu.memref_squeeze %dma_wait3A_1983 : memref<1x5008xf32, #tpu.memory_space<vmem_shared>> -> memref<5008xf32, #tpu.memory_space<vmem_shared>>
      %dma_wait3A_1985 = arith.constant 0 : i32
      %dma_wait3A_1986 = tpu.memref_slice %arg19[%arg1, %dma_wait3A_1985] : memref<16x5008xf32, #tpu.memory_space<vmem_shared>> -> memref<1x5008xf32, #tpu.memory_space<vmem_shared>>
      %dma_wait3A_1987 = tpu.memref_squeeze %dma_wait3A_1986 : memref<1x5008xf32, #tpu.memory_space<vmem_shared>> -> memref<5008xf32, #tpu.memory_space<vmem_shared>>
      tpu.wait_dma2 semaphore(%run_scoped3A : memref<!tpu.dma_semaphore, #tpu.memory_space<semaphore_mem>>) src(%arg10 : memref<5008xf32, #tpu.memory_space<vmem>>) dst(%dma_wait3A_1987 : memref<5008xf32, #tpu.memory_space<vmem_shared>>)
      tpu.yield
    }) : () -> ()
    %barrier3A_244 = arith.constant 0 : index
    tpu.barrier barrier_id(%barrier3A_244)
    %add3A_245 = arith.constant 0 : i32
    %add3A_246 = arith.addi %mul3A_148, %add3A_245 : i32
    "tpu.region"() ({
      %run_scoped3A = tpu.sem_alloc : memref<!tpu.dma_semaphore, #tpu.memory_space<semaphore_mem>>
      %dma_start3A_1976 = arith.constant 0 : i32
      %dma_start3A_1977 = arith.constant 0 : i32
      %dma_start3A_1978 = tpu.memref_slice %arg6[%dma_start3A_1976, %dma_start3A_1977] : memref<128x128xf32, #tpu.memory_space<vmem>> -> memref<80x128xf32, #tpu.memory_space<vmem>>
      %dma_start3A_1979 = arith.constant 0 : i32
      %dma_start3A_1980 = tpu.memref_slice %arg18[%add3A_246, %dma_start3A_1979] : memref<5008x128xf32, #tpu.memory_space<vmem_shared>> -> memref<80x128xf32, #tpu.memory_space<vmem_shared>>
      %dma_start3A_1981 = arith.constant 0 : i32
      %dma_start3A_1982 = arith.constant 0 : i32
      %dma_start3A_1983 = tpu.memref_slice %arg6[%dma_start3A_1981, %dma_start3A_1982] : memref<128x128xf32, #tpu.memory_space<vmem>> -> memref<80x128xf32, #tpu.memory_space<vmem>>
      %dma_start3A_1984 = arith.constant 0 : i32
      %dma_start3A_1985 = tpu.memref_slice %arg18[%add3A_246, %dma_start3A_1984] : memref<5008x128xf32, #tpu.memory_space<vmem_shared>> -> memref<80x128xf32, #tpu.memory_space<vmem_shared>>
      tpu.enqueue_dma source(%dma_start3A_1985 : memref<80x128xf32, #tpu.memory_space<vmem_shared>>) target(%dma_start3A_1983 : memref<80x128xf32, #tpu.memory_space<vmem>>) target_semaphore(%run_scoped3A : memref<!tpu.dma_semaphore, #tpu.memory_space<semaphore_mem>>)
      %dma_wait3A_1986 = arith.constant 0 : i32
      %dma_wait3A_1987 = arith.constant 0 : i32
      %dma_wait3A_1988 = tpu.memref_slice %arg6[%dma_wait3A_1986, %dma_wait3A_1987] : memref<128x128xf32, #tpu.memory_space<vmem>> -> memref<80x128xf32, #tpu.memory_space<vmem>>
      %dma_wait3A_1989 = arith.constant 0 : i32
      %dma_wait3A_1990 = tpu.memref_slice %arg18[%add3A_246, %dma_wait3A_1989] : memref<5008x128xf32, #tpu.memory_space<vmem_shared>> -> memref<80x128xf32, #tpu.memory_space<vmem_shared>>
      %dma_wait3A_1991 = arith.constant 0 : i32
      %dma_wait3A_1992 = arith.constant 0 : i32
      %dma_wait3A_1993 = tpu.memref_slice %arg6[%dma_wait3A_1991, %dma_wait3A_1992] : memref<128x128xf32, #tpu.memory_space<vmem>> -> memref<80x128xf32, #tpu.memory_space<vmem>>
      %dma_wait3A_1994 = arith.constant 0 : i32
      %dma_wait3A_1995 = tpu.memref_slice %arg18[%add3A_246, %dma_wait3A_1994] : memref<5008x128xf32, #tpu.memory_space<vmem_shared>> -> memref<80x128xf32, #tpu.memory_space<vmem_shared>>
      tpu.wait_dma2 semaphore(%run_scoped3A : memref<!tpu.dma_semaphore, #tpu.memory_space<semaphore_mem>>) src(%dma_wait3A_1995 : memref<80x128xf32, #tpu.memory_space<vmem_shared>>) dst(%dma_wait3A_1993 : memref<80x128xf32, #tpu.memory_space<vmem>>)
      tpu.yield
    }) : () -> ()
    %add3A_247 = arith.constant 0 : i32
    %add3A_248 = arith.addi %mul3A_148, %add3A_247 : i32
    "tpu.region"() ({
      %run_scoped3A = tpu.sem_alloc : memref<!tpu.dma_semaphore, #tpu.memory_space<semaphore_mem>>
      %dma_start3A_1976 = arith.constant 0 : i32
      %dma_start3A_1977 = tpu.memref_slice %arg19[%dma_start3A_1976, %add3A_248] : memref<16x5008xf32, #tpu.memory_space<vmem_shared>> -> memref<16x80xf32, #tpu.memory_space<vmem_shared>>
      %dma_start3A_1978 = arith.constant 0 : i32
      %dma_start3A_1979 = tpu.memref_slice %arg19[%dma_start3A_1978, %add3A_248] : memref<16x5008xf32, #tpu.memory_space<vmem_shared>> -> memref<16x80xf32, #tpu.memory_space<vmem_shared>>
      tpu.enqueue_dma source(%dma_start3A_1979 : memref<16x80xf32, #tpu.memory_space<vmem_shared>>) target(%arg11 : memref<16x80xf32, #tpu.memory_space<vmem>>) target_semaphore(%run_scoped3A : memref<!tpu.dma_semaphore, #tpu.memory_space<semaphore_mem>>)
      %dma_wait3A_1980 = arith.constant 0 : i32
      %dma_wait3A_1981 = tpu.memref_slice %arg19[%dma_wait3A_1980, %add3A_248] : memref<16x5008xf32, #tpu.memory_space<vmem_shared>> -> memref<16x80xf32, #tpu.memory_space<vmem_shared>>
      %dma_wait3A_1982 = arith.constant 0 : i32
      %dma_wait3A_1983 = tpu.memref_slice %arg19[%dma_wait3A_1982, %add3A_248] : memref<16x5008xf32, #tpu.memory_space<vmem_shared>> -> memref<16x80xf32, #tpu.memory_space<vmem_shared>>
      tpu.wait_dma2 semaphore(%run_scoped3A : memref<!tpu.dma_semaphore, #tpu.memory_space<semaphore_mem>>) src(%dma_wait3A_1983 : memref<16x80xf32, #tpu.memory_space<vmem_shared>>) dst(%arg11 : memref<16x80xf32, #tpu.memory_space<vmem>>)
      tpu.yield
    }) : () -> ()
    %get3A_249 = arith.constant 0 : i32
    %get3A_250 = arith.index_cast %get3A_249 : i32 to index
    %get3A_251 = arith.constant 0 : index
    %get3A_252 = tpu.vector_load %arg11[%get3A_250, %get3A_251] {strides = array<i32>} : memref<16x80xf32, #tpu.memory_space<vmem>>, vector<16xf32>,
    %get3A_253 = arith.constant 1 : i32
    %get3A_254 = arith.index_cast %get3A_253 : i32 to index
    %get3A_255 = arith.constant 0 : index
    %get3A_256 = tpu.vector_load %arg11[%get3A_254, %get3A_255] {strides = array<i32>} : memref<16x80xf32, #tpu.memory_space<vmem>>, vector<16xf32>,
    %add3A_257 = arith.addf %get3A_252, %get3A_256 : vector<16xf32>
    %get3A_258 = arith.constant 2 : i32
    %get3A_259 = arith.index_cast %get3A_258 : i32 to index
    %get3A_260 = arith.constant 0 : index
    %get3A_261 = tpu.vector_load %arg11[%get3A_259, %get3A_260] {strides = array<i32>} : memref<16x80xf32, #tpu.memory_space<vmem>>, vector<16xf32>,
    %add3A_262 = arith.addf %add3A_257, %get3A_261 : vector<16xf32>
    %get3A_263 = arith.constant 3 : i32
    %get3A_264 = arith.index_cast %get3A_263 : i32 to index
    %get3A_265 = arith.constant 0 : index
    %get3A_266 = tpu.vector_load %arg11[%get3A_264, %get3A_265] {strides = array<i32>} : memref<16x80xf32, #tpu.memory_space<vmem>>, vector<16xf32>,
    %add3A_267 = arith.addf %add3A_262, %get3A_266 : vector<16xf32>
    %get3A_268 = arith.constant 4 : i32
    %get3A_269 = arith.index_cast %get3A_268 : i32 to index
    %get3A_270 = arith.constant 0 : index
    %get3A_271 = tpu.vector_load %arg11[%get3A_269, %get3A_270] {strides = array<i32>} : memref<16x80xf32, #tpu.memory_space<vmem>>, vector<16xf32>,
    %add3A_272 = arith.addf %add3A_267, %get3A_271 : vector<16xf32>
    %get3A_273 = arith.constant 5 : i32
    %get3A_274 = arith.index_cast %get3A_273 : i32 to index
    %get3A_275 = arith.constant 0 : index
    %get3A_276 = tpu.vector_load %arg11[%get3A_274, %get3A_275] {strides = array<i32>} : memref<16x80xf32, #tpu.memory_space<vmem>>, vector<16xf32>,
    %add3A_277 = arith.addf %add3A_272, %get3A_276 : vector<16xf32>
    %get3A_278 = arith.constant 6 : i32
    %get3A_279 = arith.index_cast %get3A_278 : i32 to index
    %get3A_280 = arith.constant 0 : index
    %get3A_281 = tpu.vector_load %arg11[%get3A_279, %get3A_280] {strides = array<i32>} : memref<16x80xf32, #tpu.memory_space<vmem>>, vector<16xf32>,
    %add3A_282 = arith.addf %add3A_277, %get3A_281 : vector<16xf32>
    %get3A_283 = arith.constant 7 : i32
    %get3A_284 = arith.index_cast %get3A_283 : i32 to index
    %get3A_285 = arith.constant 0 : index
    %get3A_286 = tpu.vector_load %arg11[%get3A_284, %get3A_285] {strides = array<i32>} : memref<16x80xf32, #tpu.memory_space<vmem>>, vector<16xf32>,
    %add3A_287 = arith.addf %add3A_282, %get3A_286 : vector<16xf32>
    %get3A_288 = arith.constant 8 : i32
    %get3A_289 = arith.index_cast %get3A_288 : i32 to index
    %get3A_290 = arith.constant 0 : index
    %get3A_291 = tpu.vector_load %arg11[%get3A_289, %get3A_290] {strides = array<i32>} : memref<16x80xf32, #tpu.memory_space<vmem>>, vector<16xf32>,
    %add3A_292 = arith.addf %add3A_287, %get3A_291 : vector<16xf32>
    %get3A_293 = arith.constant 9 : i32
    %get3A_294 = arith.index_cast %get3A_293 : i32 to index
    %get3A_295 = arith.constant 0 : index
    %get3A_296 = tpu.vector_load %arg11[%get3A_294, %get3A_295] {strides = array<i32>} : memref<16x80xf32, #tpu.memory_space<vmem>>, vector<16xf32>,
    %add3A_297 = arith.addf %add3A_292, %get3A_296 : vector<16xf32>
    %get3A_298 = arith.constant 10 : i32
    %get3A_299 = arith.index_cast %get3A_298 : i32 to index
    %get3A_300 = arith.constant 0 : index
    %get3A_301 = tpu.vector_load %arg11[%get3A_299, %get3A_300] {strides = array<i32>} : memref<16x80xf32, #tpu.memory_space<vmem>>, vector<16xf32>,
    %add3A_302 = arith.addf %add3A_297, %get3A_301 : vector<16xf32>
    %get3A_303 = arith.constant 11 : i32
    %get3A_304 = arith.index_cast %get3A_303 : i32 to index
    %get3A_305 = arith.constant 0 : index
    %get3A_306 = tpu.vector_load %arg11[%get3A_304, %get3A_305] {strides = array<i32>} : memref<16x80xf32, #tpu.memory_space<vmem>>, vector<16xf32>,
    %add3A_307 = arith.addf %add3A_302, %get3A_306 : vector<16xf32>
    %get3A_308 = arith.constant 12 : i32
    %get3A_309 = arith.index_cast %get3A_308 : i32 to index
    %get3A_310 = arith.constant 0 : index
    %get3A_311 = tpu.vector_load %arg11[%get3A_309, %get3A_310] {strides = array<i32>} : memref<16x80xf32, #tpu.memory_space<vmem>>, vector<16xf32>,
    %add3A_312 = arith.addf %add3A_307, %get3A_311 : vector<16xf32>
    %get3A_313 = arith.constant 13 : i32
    %get3A_314 = arith.index_cast %get3A_313 : i32 to index
    %get3A_315 = arith.constant 0 : index
    %get3A_316 = tpu.vector_load %arg11[%get3A_314, %get3A_315] {strides = array<i32>} : memref<16x80xf32, #tpu.memory_space<vmem>>, vector<16xf32>,
    %add3A_317 = arith.addf %add3A_312, %get3A_316 : vector<16xf32>
    %get3A_318 = arith.constant 14 : i32
    %get3A_319 = arith.index_cast %get3A_318 : i32 to index
    %get3A_320 = arith.constant 0 : index
    %get3A_321 = tpu.vector_load %arg11[%get3A_319, %get3A_320] {strides = array<i32>} : memref<16x80xf32, #tpu.memory_space<vmem>>, vector<16xf32>,
    %add3A_322 = arith.addf %add3A_317, %get3A_321 : vector<16xf32>
    %get3A_323 = arith.constant 15 : i32
    %get3A_324 = arith.index_cast %get3A_323 : i32 to index
    %get3A_325 = arith.constant 0 : index
    %get3A_326 = tpu.vector_load %arg11[%get3A_324, %get3A_325] {strides = array<i32>} : memref<16x80xf32, #tpu.memory_space<vmem>>, vector<16xf32>,
    %add3A_327 = arith.addf %add3A_322, %get3A_326 : vector<16xf32>
    %max3A_328 = arith.constant 1.000000e+00 : f32
    %max3A_329 = vector.broadcast %max3A_328 : f32 to vector<16xf32>
    %max3A_330 = arith.maximumf %add3A_327, %max3A_329 : vector<16xf32>
    %swap3A = arith.constant 0 : index
    %swap3A_331 = tpu.vector_load %arg12[%swap3A] {strides = array<i32>} : memref<80xf32, #tpu.memory_space<vmem>>, vector<16xf32>,
    tpu.vector_store %arg12[%swap3A], %max3A_330 {strides = array<i32>} : memref<80xf32, #tpu.memory_space<vmem>>, vector<16xf32>,
    %get3A_332 = arith.constant 0 : i32
    %get3A_333 = arith.index_cast %get3A_332 : i32 to index
    %get3A_334 = arith.constant 16 : index
    %get3A_335 = tpu.vector_load %arg11[%get3A_333, %get3A_334] {strides = array<i32>} : memref<16x80xf32, #tpu.memory_space<vmem>>, vector<16xf32>,
    %get3A_336 = arith.constant 1 : i32
    %get3A_337 = arith.index_cast %get3A_336 : i32 to index
    %get3A_338 = arith.constant 16 : index
    %get3A_339 = tpu.vector_load %arg11[%get3A_337, %get3A_338] {strides = array<i32>} : memref<16x80xf32, #tpu.memory_space<vmem>>, vector<16xf32>,
    %add3A_340 = arith.addf %get3A_335, %get3A_339 : vector<16xf32>
    %get3A_341 = arith.constant 2 : i32
    %get3A_342 = arith.index_cast %get3A_341 : i32 to index
    %get3A_343 = arith.constant 16 : index
    %get3A_344 = tpu.vector_load %arg11[%get3A_342, %get3A_343] {strides = array<i32>} : memref<16x80xf32, #tpu.memory_space<vmem>>, vector<16xf32>,
    %add3A_345 = arith.addf %add3A_340, %get3A_344 : vector<16xf32>
    %get3A_346 = arith.constant 3 : i32
    %get3A_347 = arith.index_cast %get3A_346 : i32 to index
    %get3A_348 = arith.constant 16 : index
    %get3A_349 = tpu.vector_load %arg11[%get3A_347, %get3A_348] {strides = array<i32>} : memref<16x80xf32, #tpu.memory_space<vmem>>, vector<16xf32>,
    %add3A_350 = arith.addf %add3A_345, %get3A_349 : vector<16xf32>
    %get3A_351 = arith.constant 4 : i32
    %get3A_352 = arith.index_cast %get3A_351 : i32 to index
    %get3A_353 = arith.constant 16 : index
    %get3A_354 = tpu.vector_load %arg11[%get3A_352, %get3A_353] {strides = array<i32>} : memref<16x80xf32, #tpu.memory_space<vmem>>, vector<16xf32>,
    %add3A_355 = arith.addf %add3A_350, %get3A_354 : vector<16xf32>
    %get3A_356 = arith.constant 5 : i32
    %get3A_357 = arith.index_cast %get3A_356 : i32 to index
    %get3A_358 = arith.constant 16 : index
    %get3A_359 = tpu.vector_load %arg11[%get3A_357, %get3A_358] {strides = array<i32>} : memref<16x80xf32, #tpu.memory_space<vmem>>, vector<16xf32>,
    %add3A_360 = arith.addf %add3A_355, %get3A_359 : vector<16xf32>
    %get3A_361 = arith.constant 6 : i32
    %get3A_362 = arith.index_cast %get3A_361 : i32 to index
    %get3A_363 = arith.constant 16 : index
    %get3A_364 = tpu.vector_load %arg11[%get3A_362, %get3A_363] {strides = array<i32>} : memref<16x80xf32, #tpu.memory_space<vmem>>, vector<16xf32>,
    %add3A_365 = arith.addf %add3A_360, %get3A_364 : vector<16xf32>
    %get3A_366 = arith.constant 7 : i32
    %get3A_367 = arith.index_cast %get3A_366 : i32 to index
    %get3A_368 = arith.constant 16 : index
    %get3A_369 = tpu.vector_load %arg11[%get3A_367, %get3A_368] {strides = array<i32>} : memref<16x80xf32, #tpu.memory_space<vmem>>, vector<16xf32>,
    %add3A_370 = arith.addf %add3A_365, %get3A_369 : vector<16xf32>
    %get3A_371 = arith.constant 8 : i32
    %get3A_372 = arith.index_cast %get3A_371 : i32 to index
    %get3A_373 = arith.constant 16 : index
    %get3A_374 = tpu.vector_load %arg11[%get3A_372, %get3A_373] {strides = array<i32>} : memref<16x80xf32, #tpu.memory_space<vmem>>, vector<16xf32>,
    %add3A_375 = arith.addf %add3A_370, %get3A_374 : vector<16xf32>
    %get3A_376 = arith.constant 9 : i32
    %get3A_377 = arith.index_cast %get3A_376 : i32 to index
    %get3A_378 = arith.constant 16 : index
    %get3A_379 = tpu.vector_load %arg11[%get3A_377, %get3A_378] {strides = array<i32>} : memref<16x80xf32, #tpu.memory_space<vmem>>, vector<16xf32>,
    %add3A_380 = arith.addf %add3A_375, %get3A_379 : vector<16xf32>
    %get3A_381 = arith.constant 10 : i32
    %get3A_382 = arith.index_cast %get3A_381 : i32 to index
    %get3A_383 = arith.constant 16 : index
    %get3A_384 = tpu.vector_load %arg11[%get3A_382, %get3A_383] {strides = array<i32>} : memref<16x80xf32, #tpu.memory_space<vmem>>, vector<16xf32>,
    %add3A_385 = arith.addf %add3A_380, %get3A_384 : vector<16xf32>
    %get3A_386 = arith.constant 11 : i32
    %get3A_387 = arith.index_cast %get3A_386 : i32 to index
    %get3A_388 = arith.constant 16 : index
    %get3A_389 = tpu.vector_load %arg11[%get3A_387, %get3A_388] {strides = array<i32>} : memref<16x80xf32, #tpu.memory_space<vmem>>, vector<16xf32>,
    %add3A_390 = arith.addf %add3A_385, %get3A_389 : vector<16xf32>
    %get3A_391 = arith.constant 12 : i32
    %get3A_392 = arith.index_cast %get3A_391 : i32 to index
    %get3A_393 = arith.constant 16 : index
    %get3A_394 = tpu.vector_load %arg11[%get3A_392, %get3A_393] {strides = array<i32>} : memref<16x80xf32, #tpu.memory_space<vmem>>, vector<16xf32>,
    %add3A_395 = arith.addf %add3A_390, %get3A_394 : vector<16xf32>
    %get3A_396 = arith.constant 13 : i32
    %get3A_397 = arith.index_cast %get3A_396 : i32 to index
    %get3A_398 = arith.constant 16 : index
    %get3A_399 = tpu.vector_load %arg11[%get3A_397, %get3A_398] {strides = array<i32>} : memref<16x80xf32, #tpu.memory_space<vmem>>, vector<16xf32>,
    %add3A_400 = arith.addf %add3A_395, %get3A_399 : vector<16xf32>
    %get3A_401 = arith.constant 14 : i32
    %get3A_402 = arith.index_cast %get3A_401 : i32 to index
    %get3A_403 = arith.constant 16 : index
    %get3A_404 = tpu.vector_load %arg11[%get3A_402, %get3A_403] {strides = array<i32>} : memref<16x80xf32, #tpu.memory_space<vmem>>, vector<16xf32>,
    %add3A_405 = arith.addf %add3A_400, %get3A_404 : vector<16xf32>
    %get3A_406 = arith.constant 15 : i32
    %get3A_407 = arith.index_cast %get3A_406 : i32 to index
    %get3A_408 = arith.constant 16 : index
    %get3A_409 = tpu.vector_load %arg11[%get3A_407, %get3A_408] {strides = array<i32>} : memref<16x80xf32, #tpu.memory_space<vmem>>, vector<16xf32>,
    %add3A_410 = arith.addf %add3A_405, %get3A_409 : vector<16xf32>
    %max3A_411 = arith.constant 1.000000e+00 : f32
    %max3A_412 = vector.broadcast %max3A_411 : f32 to vector<16xf32>
    %max3A_413 = arith.maximumf %add3A_410, %max3A_412 : vector<16xf32>
    %swap3A_414 = arith.constant 16 : index
    %swap3A_415 = tpu.vector_load %arg12[%swap3A_414] {strides = array<i32>} : memref<80xf32, #tpu.memory_space<vmem>>, vector<16xf32>,
    tpu.vector_store %arg12[%swap3A_414], %max3A_413 {strides = array<i32>} : memref<80xf32, #tpu.memory_space<vmem>>, vector<16xf32>,
    %get3A_416 = arith.constant 0 : i32
    %get3A_417 = arith.index_cast %get3A_416 : i32 to index
    %get3A_418 = arith.constant 32 : index
    %get3A_419 = tpu.vector_load %arg11[%get3A_417, %get3A_418] {strides = array<i32>} : memref<16x80xf32, #tpu.memory_space<vmem>>, vector<16xf32>,
    %get3A_420 = arith.constant 1 : i32
    %get3A_421 = arith.index_cast %get3A_420 : i32 to index
    %get3A_422 = arith.constant 32 : index
    %get3A_423 = tpu.vector_load %arg11[%get3A_421, %get3A_422] {strides = array<i32>} : memref<16x80xf32, #tpu.memory_space<vmem>>, vector<16xf32>,
    %add3A_424 = arith.addf %get3A_419, %get3A_423 : vector<16xf32>
    %get3A_425 = arith.constant 2 : i32
    %get3A_426 = arith.index_cast %get3A_425 : i32 to index
    %get3A_427 = arith.constant 32 : index
    %get3A_428 = tpu.vector_load %arg11[%get3A_426, %get3A_427] {strides = array<i32>} : memref<16x80xf32, #tpu.memory_space<vmem>>, vector<16xf32>,
    %add3A_429 = arith.addf %add3A_424, %get3A_428 : vector<16xf32>
    %get3A_430 = arith.constant 3 : i32
    %get3A_431 = arith.index_cast %get3A_430 : i32 to index
    %get3A_432 = arith.constant 32 : index
    %get3A_433 = tpu.vector_load %arg11[%get3A_431, %get3A_432] {strides = array<i32>} : memref<16x80xf32, #tpu.memory_space<vmem>>, vector<16xf32>,
    %add3A_434 = arith.addf %add3A_429, %get3A_433 : vector<16xf32>
    %get3A_435 = arith.constant 4 : i32
    %get3A_436 = arith.index_cast %get3A_435 : i32 to index
    %get3A_437 = arith.constant 32 : index
    %get3A_438 = tpu.vector_load %arg11[%get3A_436, %get3A_437] {strides = array<i32>} : memref<16x80xf32, #tpu.memory_space<vmem>>, vector<16xf32>,
    %add3A_439 = arith.addf %add3A_434, %get3A_438 : vector<16xf32>
    %get3A_440 = arith.constant 5 : i32
    %get3A_441 = arith.index_cast %get3A_440 : i32 to index
    %get3A_442 = arith.constant 32 : index
    %get3A_443 = tpu.vector_load %arg11[%get3A_441, %get3A_442] {strides = array<i32>} : memref<16x80xf32, #tpu.memory_space<vmem>>, vector<16xf32>,
    %add3A_444 = arith.addf %add3A_439, %get3A_443 : vector<16xf32>
    %get3A_445 = arith.constant 6 : i32
    %get3A_446 = arith.index_cast %get3A_445 : i32 to index
    %get3A_447 = arith.constant 32 : index
    %get3A_448 = tpu.vector_load %arg11[%get3A_446, %get3A_447] {strides = array<i32>} : memref<16x80xf32, #tpu.memory_space<vmem>>, vector<16xf32>,
    %add3A_449 = arith.addf %add3A_444, %get3A_448 : vector<16xf32>
    %get3A_450 = arith.constant 7 : i32
    %get3A_451 = arith.index_cast %get3A_450 : i32 to index
    %get3A_452 = arith.constant 32 : index
    %get3A_453 = tpu.vector_load %arg11[%get3A_451, %get3A_452] {strides = array<i32>} : memref<16x80xf32, #tpu.memory_space<vmem>>, vector<16xf32>,
    %add3A_454 = arith.addf %add3A_449, %get3A_453 : vector<16xf32>
    %get3A_455 = arith.constant 8 : i32
    %get3A_456 = arith.index_cast %get3A_455 : i32 to index
    %get3A_457 = arith.constant 32 : index
    %get3A_458 = tpu.vector_load %arg11[%get3A_456, %get3A_457] {strides = array<i32>} : memref<16x80xf32, #tpu.memory_space<vmem>>, vector<16xf32>,
    %add3A_459 = arith.addf %add3A_454, %get3A_458 : vector<16xf32>
    %get3A_460 = arith.constant 9 : i32
    %get3A_461 = arith.index_cast %get3A_460 : i32 to index
    %get3A_462 = arith.constant 32 : index
    %get3A_463 = tpu.vector_load %arg11[%get3A_461, %get3A_462] {strides = array<i32>} : memref<16x80xf32, #tpu.memory_space<vmem>>, vector<16xf32>,
    %add3A_464 = arith.addf %add3A_459, %get3A_463 : vector<16xf32>
    %get3A_465 = arith.constant 10 : i32
    %get3A_466 = arith.index_cast %get3A_465 : i32 to index
    %get3A_467 = arith.constant 32 : index
    %get3A_468 = tpu.vector_load %arg11[%get3A_466, %get3A_467] {strides = array<i32>} : memref<16x80xf32, #tpu.memory_space<vmem>>, vector<16xf32>,
    %add3A_469 = arith.addf %add3A_464, %get3A_468 : vector<16xf32>
    %get3A_470 = arith.constant 11 : i32
    %get3A_471 = arith.index_cast %get3A_470 : i32 to index
    %get3A_472 = arith.constant 32 : index
    %get3A_473 = tpu.vector_load %arg11[%get3A_471, %get3A_472] {strides = array<i32>} : memref<16x80xf32, #tpu.memory_space<vmem>>, vector<16xf32>,
    %add3A_474 = arith.addf %add3A_469, %get3A_473 : vector<16xf32>
    %get3A_475 = arith.constant 12 : i32
    %get3A_476 = arith.index_cast %get3A_475 : i32 to index
    %get3A_477 = arith.constant 32 : index
    %get3A_478 = tpu.vector_load %arg11[%get3A_476, %get3A_477] {strides = array<i32>} : memref<16x80xf32, #tpu.memory_space<vmem>>, vector<16xf32>,
    %add3A_479 = arith.addf %add3A_474, %get3A_478 : vector<16xf32>
    %get3A_480 = arith.constant 13 : i32
    %get3A_481 = arith.index_cast %get3A_480 : i32 to index
    %get3A_482 = arith.constant 32 : index
    %get3A_483 = tpu.vector_load %arg11[%get3A_481, %get3A_482] {strides = array<i32>} : memref<16x80xf32, #tpu.memory_space<vmem>>, vector<16xf32>,
    %add3A_484 = arith.addf %add3A_479, %get3A_483 : vector<16xf32>
    %get3A_485 = arith.constant 14 : i32
    %get3A_486 = arith.index_cast %get3A_485 : i32 to index
    %get3A_487 = arith.constant 32 : index
    %get3A_488 = tpu.vector_load %arg11[%get3A_486, %get3A_487] {strides = array<i32>} : memref<16x80xf32, #tpu.memory_space<vmem>>, vector<16xf32>,
    %add3A_489 = arith.addf %add3A_484, %get3A_488 : vector<16xf32>
    %get3A_490 = arith.constant 15 : i32
    %get3A_491 = arith.index_cast %get3A_490 : i32 to index
    %get3A_492 = arith.constant 32 : index
    %get3A_493 = tpu.vector_load %arg11[%get3A_491, %get3A_492] {strides = array<i32>} : memref<16x80xf32, #tpu.memory_space<vmem>>, vector<16xf32>,
    %add3A_494 = arith.addf %add3A_489, %get3A_493 : vector<16xf32>
    %max3A_495 = arith.constant 1.000000e+00 : f32
    %max3A_496 = vector.broadcast %max3A_495 : f32 to vector<16xf32>
    %max3A_497 = arith.maximumf %add3A_494, %max3A_496 : vector<16xf32>
    %swap3A_498 = arith.constant 32 : index
    %swap3A_499 = tpu.vector_load %arg12[%swap3A_498] {strides = array<i32>} : memref<80xf32, #tpu.memory_space<vmem>>, vector<16xf32>,
    tpu.vector_store %arg12[%swap3A_498], %max3A_497 {strides = array<i32>} : memref<80xf32, #tpu.memory_space<vmem>>, vector<16xf32>,
    %get3A_500 = arith.constant 0 : i32
    %get3A_501 = arith.index_cast %get3A_500 : i32 to index
    %get3A_502 = arith.constant 48 : index
    %get3A_503 = tpu.vector_load %arg11[%get3A_501, %get3A_502] {strides = array<i32>} : memref<16x80xf32, #tpu.memory_space<vmem>>, vector<16xf32>,
    %get3A_504 = arith.constant 1 : i32
    %get3A_505 = arith.index_cast %get3A_504 : i32 to index
    %get3A_506 = arith.constant 48 : index
    %get3A_507 = tpu.vector_load %arg11[%get3A_505, %get3A_506] {strides = array<i32>} : memref<16x80xf32, #tpu.memory_space<vmem>>, vector<16xf32>,
    %add3A_508 = arith.addf %get3A_503, %get3A_507 : vector<16xf32>
    %get3A_509 = arith.constant 2 : i32
    %get3A_510 = arith.index_cast %get3A_509 : i32 to index
    %get3A_511 = arith.constant 48 : index
    %get3A_512 = tpu.vector_load %arg11[%get3A_510, %get3A_511] {strides = array<i32>} : memref<16x80xf32, #tpu.memory_space<vmem>>, vector<16xf32>,
    %add3A_513 = arith.addf %add3A_508, %get3A_512 : vector<16xf32>
    %get3A_514 = arith.constant 3 : i32
    %get3A_515 = arith.index_cast %get3A_514 : i32 to index
    %get3A_516 = arith.constant 48 : index
    %get3A_517 = tpu.vector_load %arg11[%get3A_515, %get3A_516] {strides = array<i32>} : memref<16x80xf32, #tpu.memory_space<vmem>>, vector<16xf32>,
    %add3A_518 = arith.addf %add3A_513, %get3A_517 : vector<16xf32>
    %get3A_519 = arith.constant 4 : i32
    %get3A_520 = arith.index_cast %get3A_519 : i32 to index
    %get3A_521 = arith.constant 48 : index
    %get3A_522 = tpu.vector_load %arg11[%get3A_520, %get3A_521] {strides = array<i32>} : memref<16x80xf32, #tpu.memory_space<vmem>>, vector<16xf32>,
    %add3A_523 = arith.addf %add3A_518, %get3A_522 : vector<16xf32>
    %get3A_524 = arith.constant 5 : i32
    %get3A_525 = arith.index_cast %get3A_524 : i32 to index
    %get3A_526 = arith.constant 48 : index
    %get3A_527 = tpu.vector_load %arg11[%get3A_525, %get3A_526] {strides = array<i32>} : memref<16x80xf32, #tpu.memory_space<vmem>>, vector<16xf32>,
    %add3A_528 = arith.addf %add3A_523, %get3A_527 : vector<16xf32>
    %get3A_529 = arith.constant 6 : i32
    %get3A_530 = arith.index_cast %get3A_529 : i32 to index
    %get3A_531 = arith.constant 48 : index
    %get3A_532 = tpu.vector_load %arg11[%get3A_530, %get3A_531] {strides = array<i32>} : memref<16x80xf32, #tpu.memory_space<vmem>>, vector<16xf32>,
    %add3A_533 = arith.addf %add3A_528, %get3A_532 : vector<16xf32>
    %get3A_534 = arith.constant 7 : i32
    %get3A_535 = arith.index_cast %get3A_534 : i32 to index
    %get3A_536 = arith.constant 48 : index
    %get3A_537 = tpu.vector_load %arg11[%get3A_535, %get3A_536] {strides = array<i32>} : memref<16x80xf32, #tpu.memory_space<vmem>>, vector<16xf32>,
    %add3A_538 = arith.addf %add3A_533, %get3A_537 : vector<16xf32>
    %get3A_539 = arith.constant 8 : i32
    %get3A_540 = arith.index_cast %get3A_539 : i32 to index
    %get3A_541 = arith.constant 48 : index
    %get3A_542 = tpu.vector_load %arg11[%get3A_540, %get3A_541] {strides = array<i32>} : memref<16x80xf32, #tpu.memory_space<vmem>>, vector<16xf32>,
    %add3A_543 = arith.addf %add3A_538, %get3A_542 : vector<16xf32>
    %get3A_544 = arith.constant 9 : i32
    %get3A_545 = arith.index_cast %get3A_544 : i32 to index
    %get3A_546 = arith.constant 48 : index
    %get3A_547 = tpu.vector_load %arg11[%get3A_545, %get3A_546] {strides = array<i32>} : memref<16x80xf32, #tpu.memory_space<vmem>>, vector<16xf32>,
    %add3A_548 = arith.addf %add3A_543, %get3A_547 : vector<16xf32>
    %get3A_549 = arith.constant 10 : i32
    %get3A_550 = arith.index_cast %get3A_549 : i32 to index
    %get3A_551 = arith.constant 48 : index
    %get3A_552 = tpu.vector_load %arg11[%get3A_550, %get3A_551] {strides = array<i32>} : memref<16x80xf32, #tpu.memory_space<vmem>>, vector<16xf32>,
    %add3A_553 = arith.addf %add3A_548, %get3A_552 : vector<16xf32>
    %get3A_554 = arith.constant 11 : i32
    %get3A_555 = arith.index_cast %get3A_554 : i32 to index
    %get3A_556 = arith.constant 48 : index
    %get3A_557 = tpu.vector_load %arg11[%get3A_555, %get3A_556] {strides = array<i32>} : memref<16x80xf32, #tpu.memory_space<vmem>>, vector<16xf32>,
    %add3A_558 = arith.addf %add3A_553, %get3A_557 : vector<16xf32>
    %get3A_559 = arith.constant 12 : i32
    %get3A_560 = arith.index_cast %get3A_559 : i32 to index
    %get3A_561 = arith.constant 48 : index
    %get3A_562 = tpu.vector_load %arg11[%get3A_560, %get3A_561] {strides = array<i32>} : memref<16x80xf32, #tpu.memory_space<vmem>>, vector<16xf32>,
    %add3A_563 = arith.addf %add3A_558, %get3A_562 : vector<16xf32>
    %get3A_564 = arith.constant 13 : i32
    %get3A_565 = arith.index_cast %get3A_564 : i32 to index
    %get3A_566 = arith.constant 48 : index
    %get3A_567 = tpu.vector_load %arg11[%get3A_565, %get3A_566] {strides = array<i32>} : memref<16x80xf32, #tpu.memory_space<vmem>>, vector<16xf32>,
    %add3A_568 = arith.addf %add3A_563, %get3A_567 : vector<16xf32>
    %get3A_569 = arith.constant 14 : i32
    %get3A_570 = arith.index_cast %get3A_569 : i32 to index
    %get3A_571 = arith.constant 48 : index
    %get3A_572 = tpu.vector_load %arg11[%get3A_570, %get3A_571] {strides = array<i32>} : memref<16x80xf32, #tpu.memory_space<vmem>>, vector<16xf32>,
    %add3A_573 = arith.addf %add3A_568, %get3A_572 : vector<16xf32>
    %get3A_574 = arith.constant 15 : i32
    %get3A_575 = arith.index_cast %get3A_574 : i32 to index
    %get3A_576 = arith.constant 48 : index
    %get3A_577 = tpu.vector_load %arg11[%get3A_575, %get3A_576] {strides = array<i32>} : memref<16x80xf32, #tpu.memory_space<vmem>>, vector<16xf32>,
    %add3A_578 = arith.addf %add3A_573, %get3A_577 : vector<16xf32>
    %max3A_579 = arith.constant 1.000000e+00 : f32
    %max3A_580 = vector.broadcast %max3A_579 : f32 to vector<16xf32>
    %max3A_581 = arith.maximumf %add3A_578, %max3A_580 : vector<16xf32>
    %swap3A_582 = arith.constant 48 : index
    %swap3A_583 = tpu.vector_load %arg12[%swap3A_582] {strides = array<i32>} : memref<80xf32, #tpu.memory_space<vmem>>, vector<16xf32>,
    tpu.vector_store %arg12[%swap3A_582], %max3A_581 {strides = array<i32>} : memref<80xf32, #tpu.memory_space<vmem>>, vector<16xf32>,
    %get3A_584 = arith.constant 0 : i32
    %get3A_585 = arith.index_cast %get3A_584 : i32 to index
    %get3A_586 = arith.constant 64 : index
    %get3A_587 = tpu.vector_load %arg11[%get3A_585, %get3A_586] {strides = array<i32>} : memref<16x80xf32, #tpu.memory_space<vmem>>, vector<16xf32>,
    %get3A_588 = arith.constant 1 : i32
    %get3A_589 = arith.index_cast %get3A_588 : i32 to index
    %get3A_590 = arith.constant 64 : index
    %get3A_591 = tpu.vector_load %arg11[%get3A_589, %get3A_590] {strides = array<i32>} : memref<16x80xf32, #tpu.memory_space<vmem>>, vector<16xf32>,
    %add3A_592 = arith.addf %get3A_587, %get3A_591 : vector<16xf32>
    %get3A_593 = arith.constant 2 : i32
    %get3A_594 = arith.index_cast %get3A_593 : i32 to index
    %get3A_595 = arith.constant 64 : index
    %get3A_596 = tpu.vector_load %arg11[%get3A_594, %get3A_595] {strides = array<i32>} : memref<16x80xf32, #tpu.memory_space<vmem>>, vector<16xf32>,
    %add3A_597 = arith.addf %add3A_592, %get3A_596 : vector<16xf32>
    %get3A_598 = arith.constant 3 : i32
    %get3A_599 = arith.index_cast %get3A_598 : i32 to index
    %get3A_600 = arith.constant 64 : index
    %get3A_601 = tpu.vector_load %arg11[%get3A_599, %get3A_600] {strides = array<i32>} : memref<16x80xf32, #tpu.memory_space<vmem>>, vector<16xf32>,
    %add3A_602 = arith.addf %add3A_597, %get3A_601 : vector<16xf32>
    %get3A_603 = arith.constant 4 : i32
    %get3A_604 = arith.index_cast %get3A_603 : i32 to index
    %get3A_605 = arith.constant 64 : index
    %get3A_606 = tpu.vector_load %arg11[%get3A_604, %get3A_605] {strides = array<i32>} : memref<16x80xf32, #tpu.memory_space<vmem>>, vector<16xf32>,
    %add3A_607 = arith.addf %add3A_602, %get3A_606 : vector<16xf32>
    %get3A_608 = arith.constant 5 : i32
    %get3A_609 = arith.index_cast %get3A_608 : i32 to index
    %get3A_610 = arith.constant 64 : index
    %get3A_611 = tpu.vector_load %arg11[%get3A_609, %get3A_610] {strides = array<i32>} : memref<16x80xf32, #tpu.memory_space<vmem>>, vector<16xf32>,
    %add3A_612 = arith.addf %add3A_607, %get3A_611 : vector<16xf32>
    %get3A_613 = arith.constant 6 : i32
    %get3A_614 = arith.index_cast %get3A_613 : i32 to index
    %get3A_615 = arith.constant 64 : index
    %get3A_616 = tpu.vector_load %arg11[%get3A_614, %get3A_615] {strides = array<i32>} : memref<16x80xf32, #tpu.memory_space<vmem>>, vector<16xf32>,
    %add3A_617 = arith.addf %add3A_612, %get3A_616 : vector<16xf32>
    %get3A_618 = arith.constant 7 : i32
    %get3A_619 = arith.index_cast %get3A_618 : i32 to index
    %get3A_620 = arith.constant 64 : index
    %get3A_621 = tpu.vector_load %arg11[%get3A_619, %get3A_620] {strides = array<i32>} : memref<16x80xf32, #tpu.memory_space<vmem>>, vector<16xf32>,
    %add3A_622 = arith.addf %add3A_617, %get3A_621 : vector<16xf32>
    %get3A_623 = arith.constant 8 : i32
    %get3A_624 = arith.index_cast %get3A_623 : i32 to index
    %get3A_625 = arith.constant 64 : index
    %get3A_626 = tpu.vector_load %arg11[%get3A_624, %get3A_625] {strides = array<i32>} : memref<16x80xf32, #tpu.memory_space<vmem>>, vector<16xf32>,
    %add3A_627 = arith.addf %add3A_622, %get3A_626 : vector<16xf32>
    %get3A_628 = arith.constant 9 : i32
    %get3A_629 = arith.index_cast %get3A_628 : i32 to index
    %get3A_630 = arith.constant 64 : index
    %get3A_631 = tpu.vector_load %arg11[%get3A_629, %get3A_630] {strides = array<i32>} : memref<16x80xf32, #tpu.memory_space<vmem>>, vector<16xf32>,
    %add3A_632 = arith.addf %add3A_627, %get3A_631 : vector<16xf32>
    %get3A_633 = arith.constant 10 : i32
    %get3A_634 = arith.index_cast %get3A_633 : i32 to index
    %get3A_635 = arith.constant 64 : index
    %get3A_636 = tpu.vector_load %arg11[%get3A_634, %get3A_635] {strides = array<i32>} : memref<16x80xf32, #tpu.memory_space<vmem>>, vector<16xf32>,
    %add3A_637 = arith.addf %add3A_632, %get3A_636 : vector<16xf32>
    %get3A_638 = arith.constant 11 : i32
    %get3A_639 = arith.index_cast %get3A_638 : i32 to index
    %get3A_640 = arith.constant 64 : index
    %get3A_641 = tpu.vector_load %arg11[%get3A_639, %get3A_640] {strides = array<i32>} : memref<16x80xf32, #tpu.memory_space<vmem>>, vector<16xf32>,
    %add3A_642 = arith.addf %add3A_637, %get3A_641 : vector<16xf32>
    %get3A_643 = arith.constant 12 : i32
    %get3A_644 = arith.index_cast %get3A_643 : i32 to index
    %get3A_645 = arith.constant 64 : index
    %get3A_646 = tpu.vector_load %arg11[%get3A_644, %get3A_645] {strides = array<i32>} : memref<16x80xf32, #tpu.memory_space<vmem>>, vector<16xf32>,
    %add3A_647 = arith.addf %add3A_642, %get3A_646 : vector<16xf32>
    %get3A_648 = arith.constant 13 : i32
    %get3A_649 = arith.index_cast %get3A_648 : i32 to index
    %get3A_650 = arith.constant 64 : index
    %get3A_651 = tpu.vector_load %arg11[%get3A_649, %get3A_650] {strides = array<i32>} : memref<16x80xf32, #tpu.memory_space<vmem>>, vector<16xf32>,
    %add3A_652 = arith.addf %add3A_647, %get3A_651 : vector<16xf32>
    %get3A_653 = arith.constant 14 : i32
    %get3A_654 = arith.index_cast %get3A_653 : i32 to index
    %get3A_655 = arith.constant 64 : index
    %get3A_656 = tpu.vector_load %arg11[%get3A_654, %get3A_655] {strides = array<i32>} : memref<16x80xf32, #tpu.memory_space<vmem>>, vector<16xf32>,
    %add3A_657 = arith.addf %add3A_652, %get3A_656 : vector<16xf32>
    %get3A_658 = arith.constant 15 : i32
    %get3A_659 = arith.index_cast %get3A_658 : i32 to index
    %get3A_660 = arith.constant 64 : index
    %get3A_661 = tpu.vector_load %arg11[%get3A_659, %get3A_660] {strides = array<i32>} : memref<16x80xf32, #tpu.memory_space<vmem>>, vector<16xf32>,
    %add3A_662 = arith.addf %add3A_657, %get3A_661 : vector<16xf32>
    %max3A_663 = arith.constant 1.000000e+00 : f32
    %max3A_664 = vector.broadcast %max3A_663 : f32 to vector<16xf32>
    %max3A_665 = arith.maximumf %add3A_662, %max3A_664 : vector<16xf32>
    %swap3A_666 = arith.constant 64 : index
    %swap3A_667 = tpu.vector_load %arg12[%swap3A_666] {strides = array<i32>} : memref<80xf32, #tpu.memory_space<vmem>>, vector<16xf32>,
    tpu.vector_store %arg12[%swap3A_666], %max3A_665 {strides = array<i32>} : memref<80xf32, #tpu.memory_space<vmem>>, vector<16xf32>,
    %scan3A_668 = arith.constant 0 : i32
    %scan3A_669 = arith.constant 0 : i32
    %scan3A_670 = arith.constant 80 : i32
    %scan3A_671 = arith.addi %scan3A_669, %scan3A_670 : i32
    %scan3A_672 = arith.constant 1 : i32
    scf.for %scan3A_1976 = %scan3A_669 to %scan3A_671 step %scan3A_672  : i32 {
      %broadcast_in_dim3A_1977 = vector.broadcast %scan3A_1976 : i32 to vector<16xi32>
      %gather3A = tpu.vector_load_idx %arg12[%broadcast_in_dim3A_1977] : memref<80xf32, #tpu.memory_space<vmem>>[vector<16xi32>], vector<16xf32>,
      %get3A_1978 = arith.index_cast %scan3A_1976 : i32 to index
      %get3A_1979 = arith.constant 0 : index
      %get3A_1980 = tpu.vector_load %arg6[%get3A_1978, %get3A_1979] {strides = array<i32>} : memref<128x128xf32, #tpu.memory_space<vmem>>, vector<16xf32>,
      %div3A_1981 = arith.divf %get3A_1980, %gather3A : vector<16xf32>
      %swap3A_1982 = arith.index_cast %scan3A_1976 : i32 to index
      %swap3A_1983 = arith.constant 0 : index
      %swap3A_1984 = tpu.vector_load %arg6[%swap3A_1982, %swap3A_1983] {strides = array<i32>} : memref<128x128xf32, #tpu.memory_space<vmem>>, vector<16xf32>,
      tpu.vector_store %arg6[%swap3A_1982, %swap3A_1983], %div3A_1981 {strides = array<i32>} : memref<128x128xf32, #tpu.memory_space<vmem>>, vector<16xf32>,
      %get3A_1985 = arith.index_cast %scan3A_1976 : i32 to index
      %get3A_1986 = arith.constant 16 : index
      %get3A_1987 = tpu.vector_load %arg6[%get3A_1985, %get3A_1986] {strides = array<i32>} : memref<128x128xf32, #tpu.memory_space<vmem>>, vector<16xf32>,
      %div3A_1988 = arith.divf %get3A_1987, %gather3A : vector<16xf32>
      %swap3A_1989 = arith.index_cast %scan3A_1976 : i32 to index
      %swap3A_1990 = arith.constant 16 : index
      %swap3A_1991 = tpu.vector_load %arg6[%swap3A_1989, %swap3A_1990] {strides = array<i32>} : memref<128x128xf32, #tpu.memory_space<vmem>>, vector<16xf32>,
      tpu.vector_store %arg6[%swap3A_1989, %swap3A_1990], %div3A_1988 {strides = array<i32>} : memref<128x128xf32, #tpu.memory_space<vmem>>, vector<16xf32>,
      %get3A_1992 = arith.index_cast %scan3A_1976 : i32 to index
      %get3A_1993 = arith.constant 32 : index
      %get3A_1994 = tpu.vector_load %arg6[%get3A_1992, %get3A_1993] {strides = array<i32>} : memref<128x128xf32, #tpu.memory_space<vmem>>, vector<16xf32>,
      %div3A_1995 = arith.divf %get3A_1994, %gather3A : vector<16xf32>
      %swap3A_1996 = arith.index_cast %scan3A_1976 : i32 to index
      %swap3A_1997 = arith.constant 32 : index
      %swap3A_1998 = tpu.vector_load %arg6[%swap3A_1996, %swap3A_1997] {strides = array<i32>} : memref<128x128xf32, #tpu.memory_space<vmem>>, vector<16xf32>,
      tpu.vector_store %arg6[%swap3A_1996, %swap3A_1997], %div3A_1995 {strides = array<i32>} : memref<128x128xf32, #tpu.memory_space<vmem>>, vector<16xf32>,
      %get3A_1999 = arith.index_cast %scan3A_1976 : i32 to index
      %get3A_2000 = arith.constant 48 : index
      %get3A_2001 = tpu.vector_load %arg6[%get3A_1999, %get3A_2000] {strides = array<i32>} : memref<128x128xf32, #tpu.memory_space<vmem>>, vector<16xf32>,
      %div3A_2002 = arith.divf %get3A_2001, %gather3A : vector<16xf32>
      %swap3A_2003 = arith.index_cast %scan3A_1976 : i32 to index
      %swap3A_2004 = arith.constant 48 : index
      %swap3A_2005 = tpu.vector_load %arg6[%swap3A_2003, %swap3A_2004] {strides = array<i32>} : memref<128x128xf32, #tpu.memory_space<vmem>>, vector<16xf32>,
      tpu.vector_store %arg6[%swap3A_2003, %swap3A_2004], %div3A_2002 {strides = array<i32>} : memref<128x128xf32, #tpu.memory_space<vmem>>, vector<16xf32>,
      %get3A_2006 = arith.index_cast %scan3A_1976 : i32 to index
      %get3A_2007 = arith.constant 64 : index
      %get3A_2008 = tpu.vector_load %arg6[%get3A_2006, %get3A_2007] {strides = array<i32>} : memref<128x128xf32, #tpu.memory_space<vmem>>, vector<16xf32>,
      %div3A_2009 = arith.divf %get3A_2008, %gather3A : vector<16xf32>
      %swap3A_2010 = arith.index_cast %scan3A_1976 : i32 to index
      %swap3A_2011 = arith.constant 64 : index
      %swap3A_2012 = tpu.vector_load %arg6[%swap3A_2010, %swap3A_2011] {strides = array<i32>} : memref<128x128xf32, #tpu.memory_space<vmem>>, vector<16xf32>,
      tpu.vector_store %arg6[%swap3A_2010, %swap3A_2011], %div3A_2009 {strides = array<i32>} : memref<128x128xf32, #tpu.memory_space<vmem>>, vector<16xf32>,
      %get3A_2013 = arith.index_cast %scan3A_1976 : i32 to index
      %get3A_2014 = arith.constant 80 : index
      %get3A_2015 = tpu.vector_load %arg6[%get3A_2013, %get3A_2014] {strides = array<i32>} : memref<128x128xf32, #tpu.memory_space<vmem>>, vector<16xf32>,
      %div3A_2016 = arith.divf %get3A_2015, %gather3A : vector<16xf32>
      %swap3A_2017 = arith.index_cast %scan3A_1976 : i32 to index
      %swap3A_2018 = arith.constant 80 : index
      %swap3A_2019 = tpu.vector_load %arg6[%swap3A_2017, %swap3A_2018] {strides = array<i32>} : memref<128x128xf32, #tpu.memory_space<vmem>>, vector<16xf32>,
      tpu.vector_store %arg6[%swap3A_2017, %swap3A_2018], %div3A_2016 {strides = array<i32>} : memref<128x128xf32, #tpu.memory_space<vmem>>, vector<16xf32>,
      %get3A_2020 = arith.index_cast %scan3A_1976 : i32 to index
      %get3A_2021 = arith.constant 96 : index
      %get3A_2022 = tpu.vector_load %arg6[%get3A_2020, %get3A_2021] {strides = array<i32>} : memref<128x128xf32, #tpu.memory_space<vmem>>, vector<16xf32>,
      %div3A_2023 = arith.divf %get3A_2022, %gather3A : vector<16xf32>
      %swap3A_2024 = arith.index_cast %scan3A_1976 : i32 to index
      %swap3A_2025 = arith.constant 96 : index
      %swap3A_2026 = tpu.vector_load %arg6[%swap3A_2024, %swap3A_2025] {strides = array<i32>} : memref<128x128xf32, #tpu.memory_space<vmem>>, vector<16xf32>,
      tpu.vector_store %arg6[%swap3A_2024, %swap3A_2025], %div3A_2023 {strides = array<i32>} : memref<128x128xf32, #tpu.memory_space<vmem>>, vector<16xf32>,
      %get3A_2027 = arith.index_cast %scan3A_1976 : i32 to index
      %get3A_2028 = arith.constant 112 : index
      %get3A_2029 = tpu.vector_load %arg6[%get3A_2027, %get3A_2028] {strides = array<i32>} : memref<128x128xf32, #tpu.memory_space<vmem>>, vector<16xf32>,
      %div3A_2030 = arith.divf %get3A_2029, %gather3A : vector<16xf32>
      %swap3A_2031 = arith.index_cast %scan3A_1976 : i32 to index
      %swap3A_2032 = arith.constant 112 : index
      %swap3A_2033 = tpu.vector_load %arg6[%swap3A_2031, %swap3A_2032] {strides = array<i32>} : memref<128x128xf32, #tpu.memory_space<vmem>>, vector<16xf32>,
      tpu.vector_store %arg6[%swap3A_2031, %swap3A_2032], %div3A_2030 {strides = array<i32>} : memref<128x128xf32, #tpu.memory_space<vmem>>, vector<16xf32>,
    }
    %scan3A_673 = arith.constant 80 : i32
    %add3A_674 = arith.addi %mul3A_135, %mul3A_148 : i32
    %add3A_675 = arith.constant 0 : i32
    %add3A_676 = arith.addi %add3A_674, %add3A_675 : i32
    "tpu.region"() ({
      %run_scoped3A = tpu.sem_alloc : memref<!tpu.dma_semaphore, #tpu.memory_space<semaphore_mem>>
      %dma_start3A_1976 = arith.constant 0 : i32
      %dma_start3A_1977 = arith.constant 0 : i32
      %dma_start3A_1978 = tpu.memref_slice %arg6[%dma_start3A_1976, %dma_start3A_1977] : memref<128x128xf32, #tpu.memory_space<vmem>> -> memref<80x128xf32, #tpu.memory_space<vmem>>
      %dma_start3A_1979 = arith.constant 0 : i32
      %dma_start3A_1980 = tpu.memref_slice %arg5[%add3A_676, %dma_start3A_1979] : memref<10000x128xf32, #tpu.memory_space<hbm>> -> memref<80x128xf32, #tpu.memory_space<hbm>>
      %dma_start3A_1981 = arith.constant 0 : i32
      %dma_start3A_1982 = tpu.memref_slice %arg5[%add3A_676, %dma_start3A_1981] : memref<10000x128xf32, #tpu.memory_space<hbm>> -> memref<80x128xf32, #tpu.memory_space<hbm>>
      %dma_start3A_1983 = arith.constant 0 : i32
      %dma_start3A_1984 = arith.constant 0 : i32
      %dma_start3A_1985 = tpu.memref_slice %arg6[%dma_start3A_1983, %dma_start3A_1984] : memref<128x128xf32, #tpu.memory_space<vmem>> -> memref<80x128xf32, #tpu.memory_space<vmem>>
      tpu.enqueue_dma source(%dma_start3A_1985 : memref<80x128xf32, #tpu.memory_space<vmem>>) target(%dma_start3A_1982 : memref<80x128xf32, #tpu.memory_space<hbm>>) target_semaphore(%run_scoped3A : memref<!tpu.dma_semaphore, #tpu.memory_space<semaphore_mem>>)
      %dma_wait3A_1986 = arith.constant 0 : i32
      %dma_wait3A_1987 = arith.constant 0 : i32
      %dma_wait3A_1988 = tpu.memref_slice %arg6[%dma_wait3A_1986, %dma_wait3A_1987] : memref<128x128xf32, #tpu.memory_space<vmem>> -> memref<80x128xf32, #tpu.memory_space<vmem>>
      %dma_wait3A_1989 = arith.constant 0 : i32
      %dma_wait3A_1990 = tpu.memref_slice %arg5[%add3A_676, %dma_wait3A_1989] : memref<10000x128xf32, #tpu.memory_space<hbm>> -> memref<80x128xf32, #tpu.memory_space<hbm>>
      %dma_wait3A_1991 = arith.constant 0 : i32
      %dma_wait3A_1992 = tpu.memref_slice %arg5[%add3A_676, %dma_wait3A_1991] : memref<10000x128xf32, #tpu.memory_space<hbm>> -> memref<80x128xf32, #tpu.memory_space<hbm>>
      %dma_wait3A_1993 = arith.constant 0 : i32
      %dma_wait3A_1994 = arith.constant 0 : i32
      %dma_wait3A_1995 = tpu.memref_slice %arg6[%dma_wait3A_1993, %dma_wait3A_1994] : memref<128x128xf32, #tpu.memory_space<vmem>> -> memref<80x128xf32, #tpu.memory_space<vmem>>
      tpu.wait_dma2 semaphore(%run_scoped3A : memref<!tpu.dma_semaphore, #tpu.memory_space<semaphore_mem>>) src(%dma_wait3A_1995 : memref<80x128xf32, #tpu.memory_space<vmem>>) dst(%dma_wait3A_1992 : memref<80x128xf32, #tpu.memory_space<hbm>>)
      tpu.yield
    }) : () -> ()
    %add3A_677 = arith.constant 80 : i32
    %add3A_678 = arith.addi %mul3A_148, %add3A_677 : i32
    "tpu.region"() ({
      %run_scoped3A = tpu.sem_alloc : memref<!tpu.dma_semaphore, #tpu.memory_space<semaphore_mem>>
      %dma_start3A_1976 = arith.constant 0 : i32
      %dma_start3A_1977 = arith.constant 0 : i32
      %dma_start3A_1978 = tpu.memref_slice %arg6[%dma_start3A_1976, %dma_start3A_1977] : memref<128x128xf32, #tpu.memory_space<vmem>> -> memref<80x128xf32, #tpu.memory_space<vmem>>
      %dma_start3A_1979 = arith.constant 0 : i32
      %dma_start3A_1980 = tpu.memref_slice %arg18[%add3A_678, %dma_start3A_1979] : memref<5008x128xf32, #tpu.memory_space<vmem_shared>> -> memref<80x128xf32, #tpu.memory_space<vmem_shared>>
      %dma_start3A_1981 = arith.constant 0 : i32
      %dma_start3A_1982 = arith.constant 0 : i32
      %dma_start3A_1983 = tpu.memref_slice %arg6[%dma_start3A_1981, %dma_start3A_1982] : memref<128x128xf32, #tpu.memory_space<vmem>> -> memref<80x128xf32, #tpu.memory_space<vmem>>
      %dma_start3A_1984 = arith.constant 0 : i32
      %dma_start3A_1985 = tpu.memref_slice %arg18[%add3A_678, %dma_start3A_1984] : memref<5008x128xf32, #tpu.memory_space<vmem_shared>> -> memref<80x128xf32, #tpu.memory_space<vmem_shared>>
      tpu.enqueue_dma source(%dma_start3A_1985 : memref<80x128xf32, #tpu.memory_space<vmem_shared>>) target(%dma_start3A_1983 : memref<80x128xf32, #tpu.memory_space<vmem>>) target_semaphore(%run_scoped3A : memref<!tpu.dma_semaphore, #tpu.memory_space<semaphore_mem>>)
      %dma_wait3A_1986 = arith.constant 0 : i32
      %dma_wait3A_1987 = arith.constant 0 : i32
      %dma_wait3A_1988 = tpu.memref_slice %arg6[%dma_wait3A_1986, %dma_wait3A_1987] : memref<128x128xf32, #tpu.memory_space<vmem>> -> memref<80x128xf32, #tpu.memory_space<vmem>>
      %dma_wait3A_1989 = arith.constant 0 : i32
      %dma_wait3A_1990 = tpu.memref_slice %arg18[%add3A_678, %dma_wait3A_1989] : memref<5008x128xf32, #tpu.memory_space<vmem_shared>> -> memref<80x128xf32, #tpu.memory_space<vmem_shared>>
      %dma_wait3A_1991 = arith.constant 0 : i32
      %dma_wait3A_1992 = arith.constant 0 : i32
      %dma_wait3A_1993 = tpu.memref_slice %arg6[%dma_wait3A_1991, %dma_wait3A_1992] : memref<128x128xf32, #tpu.memory_space<vmem>> -> memref<80x128xf32, #tpu.memory_space<vmem>>
      %dma_wait3A_1994 = arith.constant 0 : i32
      %dma_wait3A_1995 = tpu.memref_slice %arg18[%add3A_678, %dma_wait3A_1994] : memref<5008x128xf32, #tpu.memory_space<vmem_shared>> -> memref<80x128xf32, #tpu.memory_space<vmem_shared>>
      tpu.wait_dma2 semaphore(%run_scoped3A : memref<!tpu.dma_semaphore, #tpu.memory_space<semaphore_mem>>) src(%dma_wait3A_1995 : memref<80x128xf32, #tpu.memory_space<vmem_shared>>) dst(%dma_wait3A_1993 : memref<80x128xf32, #tpu.memory_space<vmem>>)
      tpu.yield
    }) : () -> ()
    %add3A_679 = arith.constant 80 : i32
    %add3A_680 = arith.addi %mul3A_148, %add3A_679 : i32
    "tpu.region"() ({
      %run_scoped3A = tpu.sem_alloc : memref<!tpu.dma_semaphore, #tpu.memory_space<semaphore_mem>>
      %dma_start3A_1976 = arith.constant 0 : i32
      %dma_start3A_1977 = tpu.memref_slice %arg19[%dma_start3A_1976, %add3A_680] : memref<16x5008xf32, #tpu.memory_space<vmem_shared>> -> memref<16x80xf32, #tpu.memory_space<vmem_shared>>
      %dma_start3A_1978 = arith.constant 0 : i32
      %dma_start3A_1979 = tpu.memref_slice %arg19[%dma_start3A_1978, %add3A_680] : memref<16x5008xf32, #tpu.memory_space<vmem_shared>> -> memref<16x80xf32, #tpu.memory_space<vmem_shared>>
      tpu.enqueue_dma source(%dma_start3A_1979 : memref<16x80xf32, #tpu.memory_space<vmem_shared>>) target(%arg11 : memref<16x80xf32, #tpu.memory_space<vmem>>) target_semaphore(%run_scoped3A : memref<!tpu.dma_semaphore, #tpu.memory_space<semaphore_mem>>)
      %dma_wait3A_1980 = arith.constant 0 : i32
      %dma_wait3A_1981 = tpu.memref_slice %arg19[%dma_wait3A_1980, %add3A_680] : memref<16x5008xf32, #tpu.memory_space<vmem_shared>> -> memref<16x80xf32, #tpu.memory_space<vmem_shared>>
      %dma_wait3A_1982 = arith.constant 0 : i32
      %dma_wait3A_1983 = tpu.memref_slice %arg19[%dma_wait3A_1982, %add3A_680] : memref<16x5008xf32, #tpu.memory_space<vmem_shared>> -> memref<16x80xf32, #tpu.memory_space<vmem_shared>>
      tpu.wait_dma2 semaphore(%run_scoped3A : memref<!tpu.dma_semaphore, #tpu.memory_space<semaphore_mem>>) src(%dma_wait3A_1983 : memref<16x80xf32, #tpu.memory_space<vmem_shared>>) dst(%arg11 : memref<16x80xf32, #tpu.memory_space<vmem>>)
      tpu.yield
    }) : () -> ()
    %get3A_681 = arith.constant 0 : i32
    %get3A_682 = arith.index_cast %get3A_681 : i32 to index
    %get3A_683 = arith.constant 0 : index
    %get3A_684 = tpu.vector_load %arg11[%get3A_682, %get3A_683] {strides = array<i32>} : memref<16x80xf32, #tpu.memory_space<vmem>>, vector<16xf32>,
    %get3A_685 = arith.constant 1 : i32
    %get3A_686 = arith.index_cast %get3A_685 : i32 to index
    %get3A_687 = arith.constant 0 : index
    %get3A_688 = tpu.vector_load %arg11[%get3A_686, %get3A_687] {strides = array<i32>} : memref<16x80xf32, #tpu.memory_space<vmem>>, vector<16xf32>,
    %add3A_689 = arith.addf %get3A_684, %get3A_688 : vector<16xf32>
    %get3A_690 = arith.constant 2 : i32
    %get3A_691 = arith.index_cast %get3A_690 : i32 to index
    %get3A_692 = arith.constant 0 : index
    %get3A_693 = tpu.vector_load %arg11[%get3A_691, %get3A_692] {strides = array<i32>} : memref<16x80xf32, #tpu.memory_space<vmem>>, vector<16xf32>,
    %add3A_694 = arith.addf %add3A_689, %get3A_693 : vector<16xf32>
    %get3A_695 = arith.constant 3 : i32
    %get3A_696 = arith.index_cast %get3A_695 : i32 to index
    %get3A_697 = arith.constant 0 : index
    %get3A_698 = tpu.vector_load %arg11[%get3A_696, %get3A_697] {strides = array<i32>} : memref<16x80xf32, #tpu.memory_space<vmem>>, vector<16xf32>,
    %add3A_699 = arith.addf %add3A_694, %get3A_698 : vector<16xf32>
    %get3A_700 = arith.constant 4 : i32
    %get3A_701 = arith.index_cast %get3A_700 : i32 to index
    %get3A_702 = arith.constant 0 : index
    %get3A_703 = tpu.vector_load %arg11[%get3A_701, %get3A_702] {strides = array<i32>} : memref<16x80xf32, #tpu.memory_space<vmem>>, vector<16xf32>,
    %add3A_704 = arith.addf %add3A_699, %get3A_703 : vector<16xf32>
    %get3A_705 = arith.constant 5 : i32
    %get3A_706 = arith.index_cast %get3A_705 : i32 to index
    %get3A_707 = arith.constant 0 : index
    %get3A_708 = tpu.vector_load %arg11[%get3A_706, %get3A_707] {strides = array<i32>} : memref<16x80xf32, #tpu.memory_space<vmem>>, vector<16xf32>,
    %add3A_709 = arith.addf %add3A_704, %get3A_708 : vector<16xf32>
    %get3A_710 = arith.constant 6 : i32
    %get3A_711 = arith.index_cast %get3A_710 : i32 to index
    %get3A_712 = arith.constant 0 : index
    %get3A_713 = tpu.vector_load %arg11[%get3A_711, %get3A_712] {strides = array<i32>} : memref<16x80xf32, #tpu.memory_space<vmem>>, vector<16xf32>,
    %add3A_714 = arith.addf %add3A_709, %get3A_713 : vector<16xf32>
    %get3A_715 = arith.constant 7 : i32
    %get3A_716 = arith.index_cast %get3A_715 : i32 to index
    %get3A_717 = arith.constant 0 : index
    %get3A_718 = tpu.vector_load %arg11[%get3A_716, %get3A_717] {strides = array<i32>} : memref<16x80xf32, #tpu.memory_space<vmem>>, vector<16xf32>,
    %add3A_719 = arith.addf %add3A_714, %get3A_718 : vector<16xf32>
    %get3A_720 = arith.constant 8 : i32
    %get3A_721 = arith.index_cast %get3A_720 : i32 to index
    %get3A_722 = arith.constant 0 : index
    %get3A_723 = tpu.vector_load %arg11[%get3A_721, %get3A_722] {strides = array<i32>} : memref<16x80xf32, #tpu.memory_space<vmem>>, vector<16xf32>,
    %add3A_724 = arith.addf %add3A_719, %get3A_723 : vector<16xf32>
    %get3A_725 = arith.constant 9 : i32
    %get3A_726 = arith.index_cast %get3A_725 : i32 to index
    %get3A_727 = arith.constant 0 : index
    %get3A_728 = tpu.vector_load %arg11[%get3A_726, %get3A_727] {strides = array<i32>} : memref<16x80xf32, #tpu.memory_space<vmem>>, vector<16xf32>,
    %add3A_729 = arith.addf %add3A_724, %get3A_728 : vector<16xf32>
    %get3A_730 = arith.constant 10 : i32
    %get3A_731 = arith.index_cast %get3A_730 : i32 to index
    %get3A_732 = arith.constant 0 : index
    %get3A_733 = tpu.vector_load %arg11[%get3A_731, %get3A_732] {strides = array<i32>} : memref<16x80xf32, #tpu.memory_space<vmem>>, vector<16xf32>,
    %add3A_734 = arith.addf %add3A_729, %get3A_733 : vector<16xf32>
    %get3A_735 = arith.constant 11 : i32
    %get3A_736 = arith.index_cast %get3A_735 : i32 to index
    %get3A_737 = arith.constant 0 : index
    %get3A_738 = tpu.vector_load %arg11[%get3A_736, %get3A_737] {strides = array<i32>} : memref<16x80xf32, #tpu.memory_space<vmem>>, vector<16xf32>,
    %add3A_739 = arith.addf %add3A_734, %get3A_738 : vector<16xf32>
    %get3A_740 = arith.constant 12 : i32
    %get3A_741 = arith.index_cast %get3A_740 : i32 to index
    %get3A_742 = arith.constant 0 : index
    %get3A_743 = tpu.vector_load %arg11[%get3A_741, %get3A_742] {strides = array<i32>} : memref<16x80xf32, #tpu.memory_space<vmem>>, vector<16xf32>,
    %add3A_744 = arith.addf %add3A_739, %get3A_743 : vector<16xf32>
    %get3A_745 = arith.constant 13 : i32
    %get3A_746 = arith.index_cast %get3A_745 : i32 to index
    %get3A_747 = arith.constant 0 : index
    %get3A_748 = tpu.vector_load %arg11[%get3A_746, %get3A_747] {strides = array<i32>} : memref<16x80xf32, #tpu.memory_space<vmem>>, vector<16xf32>,
    %add3A_749 = arith.addf %add3A_744, %get3A_748 : vector<16xf32>
    %get3A_750 = arith.constant 14 : i32
    %get3A_751 = arith.index_cast %get3A_750 : i32 to index
    %get3A_752 = arith.constant 0 : index
    %get3A_753 = tpu.vector_load %arg11[%get3A_751, %get3A_752] {strides = array<i32>} : memref<16x80xf32, #tpu.memory_space<vmem>>, vector<16xf32>,
    %add3A_754 = arith.addf %add3A_749, %get3A_753 : vector<16xf32>
    %get3A_755 = arith.constant 15 : i32
    %get3A_756 = arith.index_cast %get3A_755 : i32 to index
    %get3A_757 = arith.constant 0 : index
    %get3A_758 = tpu.vector_load %arg11[%get3A_756, %get3A_757] {strides = array<i32>} : memref<16x80xf32, #tpu.memory_space<vmem>>, vector<16xf32>,
    %add3A_759 = arith.addf %add3A_754, %get3A_758 : vector<16xf32>
    %max3A_760 = arith.constant 1.000000e+00 : f32
    %max3A_761 = vector.broadcast %max3A_760 : f32 to vector<16xf32>
    %max3A_762 = arith.maximumf %add3A_759, %max3A_761 : vector<16xf32>
    %swap3A_763 = arith.constant 0 : index
    %swap3A_764 = tpu.vector_load %arg12[%swap3A_763] {strides = array<i32>} : memref<80xf32, #tpu.memory_space<vmem>>, vector<16xf32>,
    tpu.vector_store %arg12[%swap3A_763], %max3A_762 {strides = array<i32>} : memref<80xf32, #tpu.memory_space<vmem>>, vector<16xf32>,
    %get3A_765 = arith.constant 0 : i32
    %get3A_766 = arith.index_cast %get3A_765 : i32 to index
    %get3A_767 = arith.constant 16 : index
    %get3A_768 = tpu.vector_load %arg11[%get3A_766, %get3A_767] {strides = array<i32>} : memref<16x80xf32, #tpu.memory_space<vmem>>, vector<16xf32>,
    %get3A_769 = arith.constant 1 : i32
    %get3A_770 = arith.index_cast %get3A_769 : i32 to index
    %get3A_771 = arith.constant 16 : index
    %get3A_772 = tpu.vector_load %arg11[%get3A_770, %get3A_771] {strides = array<i32>} : memref<16x80xf32, #tpu.memory_space<vmem>>, vector<16xf32>,
    %add3A_773 = arith.addf %get3A_768, %get3A_772 : vector<16xf32>
    %get3A_774 = arith.constant 2 : i32
    %get3A_775 = arith.index_cast %get3A_774 : i32 to index
    %get3A_776 = arith.constant 16 : index
    %get3A_777 = tpu.vector_load %arg11[%get3A_775, %get3A_776] {strides = array<i32>} : memref<16x80xf32, #tpu.memory_space<vmem>>, vector<16xf32>,
    %add3A_778 = arith.addf %add3A_773, %get3A_777 : vector<16xf32>
    %get3A_779 = arith.constant 3 : i32
    %get3A_780 = arith.index_cast %get3A_779 : i32 to index
    %get3A_781 = arith.constant 16 : index
    %get3A_782 = tpu.vector_load %arg11[%get3A_780, %get3A_781] {strides = array<i32>} : memref<16x80xf32, #tpu.memory_space<vmem>>, vector<16xf32>,
    %add3A_783 = arith.addf %add3A_778, %get3A_782 : vector<16xf32>
    %get3A_784 = arith.constant 4 : i32
    %get3A_785 = arith.index_cast %get3A_784 : i32 to index
    %get3A_786 = arith.constant 16 : index
    %get3A_787 = tpu.vector_load %arg11[%get3A_785, %get3A_786] {strides = array<i32>} : memref<16x80xf32, #tpu.memory_space<vmem>>, vector<16xf32>,
    %add3A_788 = arith.addf %add3A_783, %get3A_787 : vector<16xf32>
    %get3A_789 = arith.constant 5 : i32
    %get3A_790 = arith.index_cast %get3A_789 : i32 to index
    %get3A_791 = arith.constant 16 : index
    %get3A_792 = tpu.vector_load %arg11[%get3A_790, %get3A_791] {strides = array<i32>} : memref<16x80xf32, #tpu.memory_space<vmem>>, vector<16xf32>,
    %add3A_793 = arith.addf %add3A_788, %get3A_792 : vector<16xf32>
    %get3A_794 = arith.constant 6 : i32
    %get3A_795 = arith.index_cast %get3A_794 : i32 to index
    %get3A_796 = arith.constant 16 : index
    %get3A_797 = tpu.vector_load %arg11[%get3A_795, %get3A_796] {strides = array<i32>} : memref<16x80xf32, #tpu.memory_space<vmem>>, vector<16xf32>,
    %add3A_798 = arith.addf %add3A_793, %get3A_797 : vector<16xf32>
    %get3A_799 = arith.constant 7 : i32
    %get3A_800 = arith.index_cast %get3A_799 : i32 to index
    %get3A_801 = arith.constant 16 : index
    %get3A_802 = tpu.vector_load %arg11[%get3A_800, %get3A_801] {strides = array<i32>} : memref<16x80xf32, #tpu.memory_space<vmem>>, vector<16xf32>,
    %add3A_803 = arith.addf %add3A_798, %get3A_802 : vector<16xf32>
    %get3A_804 = arith.constant 8 : i32
    %get3A_805 = arith.index_cast %get3A_804 : i32 to index
    %get3A_806 = arith.constant 16 : index
    %get3A_807 = tpu.vector_load %arg11[%get3A_805, %get3A_806] {strides = array<i32>} : memref<16x80xf32, #tpu.memory_space<vmem>>, vector<16xf32>,
    %add3A_808 = arith.addf %add3A_803, %get3A_807 : vector<16xf32>
    %get3A_809 = arith.constant 9 : i32
    %get3A_810 = arith.index_cast %get3A_809 : i32 to index
    %get3A_811 = arith.constant 16 : index
    %get3A_812 = tpu.vector_load %arg11[%get3A_810, %get3A_811] {strides = array<i32>} : memref<16x80xf32, #tpu.memory_space<vmem>>, vector<16xf32>,
    %add3A_813 = arith.addf %add3A_808, %get3A_812 : vector<16xf32>
    %get3A_814 = arith.constant 10 : i32
    %get3A_815 = arith.index_cast %get3A_814 : i32 to index
    %get3A_816 = arith.constant 16 : index
    %get3A_817 = tpu.vector_load %arg11[%get3A_815, %get3A_816] {strides = array<i32>} : memref<16x80xf32, #tpu.memory_space<vmem>>, vector<16xf32>,
    %add3A_818 = arith.addf %add3A_813, %get3A_817 : vector<16xf32>
    %get3A_819 = arith.constant 11 : i32
    %get3A_820 = arith.index_cast %get3A_819 : i32 to index
    %get3A_821 = arith.constant 16 : index
    %get3A_822 = tpu.vector_load %arg11[%get3A_820, %get3A_821] {strides = array<i32>} : memref<16x80xf32, #tpu.memory_space<vmem>>, vector<16xf32>,
    %add3A_823 = arith.addf %add3A_818, %get3A_822 : vector<16xf32>
    %get3A_824 = arith.constant 12 : i32
    %get3A_825 = arith.index_cast %get3A_824 : i32 to index
    %get3A_826 = arith.constant 16 : index
    %get3A_827 = tpu.vector_load %arg11[%get3A_825, %get3A_826] {strides = array<i32>} : memref<16x80xf32, #tpu.memory_space<vmem>>, vector<16xf32>,
    %add3A_828 = arith.addf %add3A_823, %get3A_827 : vector<16xf32>
    %get3A_829 = arith.constant 13 : i32
    %get3A_830 = arith.index_cast %get3A_829 : i32 to index
    %get3A_831 = arith.constant 16 : index
    %get3A_832 = tpu.vector_load %arg11[%get3A_830, %get3A_831] {strides = array<i32>} : memref<16x80xf32, #tpu.memory_space<vmem>>, vector<16xf32>,
    %add3A_833 = arith.addf %add3A_828, %get3A_832 : vector<16xf32>
    %get3A_834 = arith.constant 14 : i32
    %get3A_835 = arith.index_cast %get3A_834 : i32 to index
    %get3A_836 = arith.constant 16 : index
    %get3A_837 = tpu.vector_load %arg11[%get3A_835, %get3A_836] {strides = array<i32>} : memref<16x80xf32, #tpu.memory_space<vmem>>, vector<16xf32>,
    %add3A_838 = arith.addf %add3A_833, %get3A_837 : vector<16xf32>
    %get3A_839 = arith.constant 15 : i32
    %get3A_840 = arith.index_cast %get3A_839 : i32 to index
    %get3A_841 = arith.constant 16 : index
    %get3A_842 = tpu.vector_load %arg11[%get3A_840, %get3A_841] {strides = array<i32>} : memref<16x80xf32, #tpu.memory_space<vmem>>, vector<16xf32>,
    %add3A_843 = arith.addf %add3A_838, %get3A_842 : vector<16xf32>
    %max3A_844 = arith.constant 1.000000e+00 : f32
    %max3A_845 = vector.broadcast %max3A_844 : f32 to vector<16xf32>
    %max3A_846 = arith.maximumf %add3A_843, %max3A_845 : vector<16xf32>
    %swap3A_847 = arith.constant 16 : index
    %swap3A_848 = tpu.vector_load %arg12[%swap3A_847] {strides = array<i32>} : memref<80xf32, #tpu.memory_space<vmem>>, vector<16xf32>,
    tpu.vector_store %arg12[%swap3A_847], %max3A_846 {strides = array<i32>} : memref<80xf32, #tpu.memory_space<vmem>>, vector<16xf32>,
    %get3A_849 = arith.constant 0 : i32
    %get3A_850 = arith.index_cast %get3A_849 : i32 to index
    %get3A_851 = arith.constant 32 : index
    %get3A_852 = tpu.vector_load %arg11[%get3A_850, %get3A_851] {strides = array<i32>} : memref<16x80xf32, #tpu.memory_space<vmem>>, vector<16xf32>,
    %get3A_853 = arith.constant 1 : i32
    %get3A_854 = arith.index_cast %get3A_853 : i32 to index
    %get3A_855 = arith.constant 32 : index
    %get3A_856 = tpu.vector_load %arg11[%get3A_854, %get3A_855] {strides = array<i32>} : memref<16x80xf32, #tpu.memory_space<vmem>>, vector<16xf32>,
    %add3A_857 = arith.addf %get3A_852, %get3A_856 : vector<16xf32>
    %get3A_858 = arith.constant 2 : i32
    %get3A_859 = arith.index_cast %get3A_858 : i32 to index
    %get3A_860 = arith.constant 32 : index
    %get3A_861 = tpu.vector_load %arg11[%get3A_859, %get3A_860] {strides = array<i32>} : memref<16x80xf32, #tpu.memory_space<vmem>>, vector<16xf32>,
    %add3A_862 = arith.addf %add3A_857, %get3A_861 : vector<16xf32>
    %get3A_863 = arith.constant 3 : i32
    %get3A_864 = arith.index_cast %get3A_863 : i32 to index
    %get3A_865 = arith.constant 32 : index
    %get3A_866 = tpu.vector_load %arg11[%get3A_864, %get3A_865] {strides = array<i32>} : memref<16x80xf32, #tpu.memory_space<vmem>>, vector<16xf32>,
    %add3A_867 = arith.addf %add3A_862, %get3A_866 : vector<16xf32>
    %get3A_868 = arith.constant 4 : i32
    %get3A_869 = arith.index_cast %get3A_868 : i32 to index
    %get3A_870 = arith.constant 32 : index
    %get3A_871 = tpu.vector_load %arg11[%get3A_869, %get3A_870] {strides = array<i32>} : memref<16x80xf32, #tpu.memory_space<vmem>>, vector<16xf32>,
    %add3A_872 = arith.addf %add3A_867, %get3A_871 : vector<16xf32>
    %get3A_873 = arith.constant 5 : i32
    %get3A_874 = arith.index_cast %get3A_873 : i32 to index
    %get3A_875 = arith.constant 32 : index
    %get3A_876 = tpu.vector_load %arg11[%get3A_874, %get3A_875] {strides = array<i32>} : memref<16x80xf32, #tpu.memory_space<vmem>>, vector<16xf32>,
    %add3A_877 = arith.addf %add3A_872, %get3A_876 : vector<16xf32>
    %get3A_878 = arith.constant 6 : i32
    %get3A_879 = arith.index_cast %get3A_878 : i32 to index
    %get3A_880 = arith.constant 32 : index
    %get3A_881 = tpu.vector_load %arg11[%get3A_879, %get3A_880] {strides = array<i32>} : memref<16x80xf32, #tpu.memory_space<vmem>>, vector<16xf32>,
    %add3A_882 = arith.addf %add3A_877, %get3A_881 : vector<16xf32>
    %get3A_883 = arith.constant 7 : i32
    %get3A_884 = arith.index_cast %get3A_883 : i32 to index
    %get3A_885 = arith.constant 32 : index
    %get3A_886 = tpu.vector_load %arg11[%get3A_884, %get3A_885] {strides = array<i32>} : memref<16x80xf32, #tpu.memory_space<vmem>>, vector<16xf32>,
    %add3A_887 = arith.addf %add3A_882, %get3A_886 : vector<16xf32>
    %get3A_888 = arith.constant 8 : i32
    %get3A_889 = arith.index_cast %get3A_888 : i32 to index
    %get3A_890 = arith.constant 32 : index
    %get3A_891 = tpu.vector_load %arg11[%get3A_889, %get3A_890] {strides = array<i32>} : memref<16x80xf32, #tpu.memory_space<vmem>>, vector<16xf32>,
    %add3A_892 = arith.addf %add3A_887, %get3A_891 : vector<16xf32>
    %get3A_893 = arith.constant 9 : i32
    %get3A_894 = arith.index_cast %get3A_893 : i32 to index
    %get3A_895 = arith.constant 32 : index
    %get3A_896 = tpu.vector_load %arg11[%get3A_894, %get3A_895] {strides = array<i32>} : memref<16x80xf32, #tpu.memory_space<vmem>>, vector<16xf32>,
    %add3A_897 = arith.addf %add3A_892, %get3A_896 : vector<16xf32>
    %get3A_898 = arith.constant 10 : i32
    %get3A_899 = arith.index_cast %get3A_898 : i32 to index
    %get3A_900 = arith.constant 32 : index
    %get3A_901 = tpu.vector_load %arg11[%get3A_899, %get3A_900] {strides = array<i32>} : memref<16x80xf32, #tpu.memory_space<vmem>>, vector<16xf32>,
    %add3A_902 = arith.addf %add3A_897, %get3A_901 : vector<16xf32>
    %get3A_903 = arith.constant 11 : i32
    %get3A_904 = arith.index_cast %get3A_903 : i32 to index
    %get3A_905 = arith.constant 32 : index
    %get3A_906 = tpu.vector_load %arg11[%get3A_904, %get3A_905] {strides = array<i32>} : memref<16x80xf32, #tpu.memory_space<vmem>>, vector<16xf32>,
    %add3A_907 = arith.addf %add3A_902, %get3A_906 : vector<16xf32>
    %get3A_908 = arith.constant 12 : i32
    %get3A_909 = arith.index_cast %get3A_908 : i32 to index
    %get3A_910 = arith.constant 32 : index
    %get3A_911 = tpu.vector_load %arg11[%get3A_909, %get3A_910] {strides = array<i32>} : memref<16x80xf32, #tpu.memory_space<vmem>>, vector<16xf32>,
    %add3A_912 = arith.addf %add3A_907, %get3A_911 : vector<16xf32>
    %get3A_913 = arith.constant 13 : i32
    %get3A_914 = arith.index_cast %get3A_913 : i32 to index
    %get3A_915 = arith.constant 32 : index
    %get3A_916 = tpu.vector_load %arg11[%get3A_914, %get3A_915] {strides = array<i32>} : memref<16x80xf32, #tpu.memory_space<vmem>>, vector<16xf32>,
    %add3A_917 = arith.addf %add3A_912, %get3A_916 : vector<16xf32>
    %get3A_918 = arith.constant 14 : i32
    %get3A_919 = arith.index_cast %get3A_918 : i32 to index
    %get3A_920 = arith.constant 32 : index
    %get3A_921 = tpu.vector_load %arg11[%get3A_919, %get3A_920] {strides = array<i32>} : memref<16x80xf32, #tpu.memory_space<vmem>>, vector<16xf32>,
    %add3A_922 = arith.addf %add3A_917, %get3A_921 : vector<16xf32>
    %get3A_923 = arith.constant 15 : i32
    %get3A_924 = arith.index_cast %get3A_923 : i32 to index
    %get3A_925 = arith.constant 32 : index
    %get3A_926 = tpu.vector_load %arg11[%get3A_924, %get3A_925] {strides = array<i32>} : memref<16x80xf32, #tpu.memory_space<vmem>>, vector<16xf32>,
    %add3A_927 = arith.addf %add3A_922, %get3A_926 : vector<16xf32>
    %max3A_928 = arith.constant 1.000000e+00 : f32
    %max3A_929 = vector.broadcast %max3A_928 : f32 to vector<16xf32>
    %max3A_930 = arith.maximumf %add3A_927, %max3A_929 : vector<16xf32>
    %swap3A_931 = arith.constant 32 : index
    %swap3A_932 = tpu.vector_load %arg12[%swap3A_931] {strides = array<i32>} : memref<80xf32, #tpu.memory_space<vmem>>, vector<16xf32>,
    tpu.vector_store %arg12[%swap3A_931], %max3A_930 {strides = array<i32>} : memref<80xf32, #tpu.memory_space<vmem>>, vector<16xf32>,
    %get3A_933 = arith.constant 0 : i32
    %get3A_934 = arith.index_cast %get3A_933 : i32 to index
    %get3A_935 = arith.constant 48 : index
    %get3A_936 = tpu.vector_load %arg11[%get3A_934, %get3A_935] {strides = array<i32>} : memref<16x80xf32, #tpu.memory_space<vmem>>, vector<16xf32>,
    %get3A_937 = arith.constant 1 : i32
    %get3A_938 = arith.index_cast %get3A_937 : i32 to index
    %get3A_939 = arith.constant 48 : index
    %get3A_940 = tpu.vector_load %arg11[%get3A_938, %get3A_939] {strides = array<i32>} : memref<16x80xf32, #tpu.memory_space<vmem>>, vector<16xf32>,
    %add3A_941 = arith.addf %get3A_936, %get3A_940 : vector<16xf32>
    %get3A_942 = arith.constant 2 : i32
    %get3A_943 = arith.index_cast %get3A_942 : i32 to index
    %get3A_944 = arith.constant 48 : index
    %get3A_945 = tpu.vector_load %arg11[%get3A_943, %get3A_944] {strides = array<i32>} : memref<16x80xf32, #tpu.memory_space<vmem>>, vector<16xf32>,
    %add3A_946 = arith.addf %add3A_941, %get3A_945 : vector<16xf32>
    %get3A_947 = arith.constant 3 : i32
    %get3A_948 = arith.index_cast %get3A_947 : i32 to index
    %get3A_949 = arith.constant 48 : index
    %get3A_950 = tpu.vector_load %arg11[%get3A_948, %get3A_949] {strides = array<i32>} : memref<16x80xf32, #tpu.memory_space<vmem>>, vector<16xf32>,
    %add3A_951 = arith.addf %add3A_946, %get3A_950 : vector<16xf32>
    %get3A_952 = arith.constant 4 : i32
    %get3A_953 = arith.index_cast %get3A_952 : i32 to index
    %get3A_954 = arith.constant 48 : index
    %get3A_955 = tpu.vector_load %arg11[%get3A_953, %get3A_954] {strides = array<i32>} : memref<16x80xf32, #tpu.memory_space<vmem>>, vector<16xf32>,
    %add3A_956 = arith.addf %add3A_951, %get3A_955 : vector<16xf32>
    %get3A_957 = arith.constant 5 : i32
    %get3A_958 = arith.index_cast %get3A_957 : i32 to index
    %get3A_959 = arith.constant 48 : index
    %get3A_960 = tpu.vector_load %arg11[%get3A_958, %get3A_959] {strides = array<i32>} : memref<16x80xf32, #tpu.memory_space<vmem>>, vector<16xf32>,
    %add3A_961 = arith.addf %add3A_956, %get3A_960 : vector<16xf32>
    %get3A_962 = arith.constant 6 : i32
    %get3A_963 = arith.index_cast %get3A_962 : i32 to index
    %get3A_964 = arith.constant 48 : index
    %get3A_965 = tpu.vector_load %arg11[%get3A_963, %get3A_964] {strides = array<i32>} : memref<16x80xf32, #tpu.memory_space<vmem>>, vector<16xf32>,
    %add3A_966 = arith.addf %add3A_961, %get3A_965 : vector<16xf32>
    %get3A_967 = arith.constant 7 : i32
    %get3A_968 = arith.index_cast %get3A_967 : i32 to index
    %get3A_969 = arith.constant 48 : index
    %get3A_970 = tpu.vector_load %arg11[%get3A_968, %get3A_969] {strides = array<i32>} : memref<16x80xf32, #tpu.memory_space<vmem>>, vector<16xf32>,
    %add3A_971 = arith.addf %add3A_966, %get3A_970 : vector<16xf32>
    %get3A_972 = arith.constant 8 : i32
    %get3A_973 = arith.index_cast %get3A_972 : i32 to index
    %get3A_974 = arith.constant 48 : index
    %get3A_975 = tpu.vector_load %arg11[%get3A_973, %get3A_974] {strides = array<i32>} : memref<16x80xf32, #tpu.memory_space<vmem>>, vector<16xf32>,
    %add3A_976 = arith.addf %add3A_971, %get3A_975 : vector<16xf32>
    %get3A_977 = arith.constant 9 : i32
    %get3A_978 = arith.index_cast %get3A_977 : i32 to index
    %get3A_979 = arith.constant 48 : index
    %get3A_980 = tpu.vector_load %arg11[%get3A_978, %get3A_979] {strides = array<i32>} : memref<16x80xf32, #tpu.memory_space<vmem>>, vector<16xf32>,
    %add3A_981 = arith.addf %add3A_976, %get3A_980 : vector<16xf32>
    %get3A_982 = arith.constant 10 : i32
    %get3A_983 = arith.index_cast %get3A_982 : i32 to index
    %get3A_984 = arith.constant 48 : index
    %get3A_985 = tpu.vector_load %arg11[%get3A_983, %get3A_984] {strides = array<i32>} : memref<16x80xf32, #tpu.memory_space<vmem>>, vector<16xf32>,
    %add3A_986 = arith.addf %add3A_981, %get3A_985 : vector<16xf32>
    %get3A_987 = arith.constant 11 : i32
    %get3A_988 = arith.index_cast %get3A_987 : i32 to index
    %get3A_989 = arith.constant 48 : index
    %get3A_990 = tpu.vector_load %arg11[%get3A_988, %get3A_989] {strides = array<i32>} : memref<16x80xf32, #tpu.memory_space<vmem>>, vector<16xf32>,
    %add3A_991 = arith.addf %add3A_986, %get3A_990 : vector<16xf32>
    %get3A_992 = arith.constant 12 : i32
    %get3A_993 = arith.index_cast %get3A_992 : i32 to index
    %get3A_994 = arith.constant 48 : index
    %get3A_995 = tpu.vector_load %arg11[%get3A_993, %get3A_994] {strides = array<i32>} : memref<16x80xf32, #tpu.memory_space<vmem>>, vector<16xf32>,
    %add3A_996 = arith.addf %add3A_991, %get3A_995 : vector<16xf32>
    %get3A_997 = arith.constant 13 : i32
    %get3A_998 = arith.index_cast %get3A_997 : i32 to index
    %get3A_999 = arith.constant 48 : index
    %get3A_1000 = tpu.vector_load %arg11[%get3A_998, %get3A_999] {strides = array<i32>} : memref<16x80xf32, #tpu.memory_space<vmem>>, vector<16xf32>,
    %add3A_1001 = arith.addf %add3A_996, %get3A_1000 : vector<16xf32>
    %get3A_1002 = arith.constant 14 : i32
    %get3A_1003 = arith.index_cast %get3A_1002 : i32 to index
    %get3A_1004 = arith.constant 48 : index
    %get3A_1005 = tpu.vector_load %arg11[%get3A_1003, %get3A_1004] {strides = array<i32>} : memref<16x80xf32, #tpu.memory_space<vmem>>, vector<16xf32>,
    %add3A_1006 = arith.addf %add3A_1001, %get3A_1005 : vector<16xf32>
    %get3A_1007 = arith.constant 15 : i32
    %get3A_1008 = arith.index_cast %get3A_1007 : i32 to index
    %get3A_1009 = arith.constant 48 : index
    %get3A_1010 = tpu.vector_load %arg11[%get3A_1008, %get3A_1009] {strides = array<i32>} : memref<16x80xf32, #tpu.memory_space<vmem>>, vector<16xf32>,
    %add3A_1011 = arith.addf %add3A_1006, %get3A_1010 : vector<16xf32>
    %max3A_1012 = arith.constant 1.000000e+00 : f32
    %max3A_1013 = vector.broadcast %max3A_1012 : f32 to vector<16xf32>
    %max3A_1014 = arith.maximumf %add3A_1011, %max3A_1013 : vector<16xf32>
    %swap3A_1015 = arith.constant 48 : index
    %swap3A_1016 = tpu.vector_load %arg12[%swap3A_1015] {strides = array<i32>} : memref<80xf32, #tpu.memory_space<vmem>>, vector<16xf32>,
    tpu.vector_store %arg12[%swap3A_1015], %max3A_1014 {strides = array<i32>} : memref<80xf32, #tpu.memory_space<vmem>>, vector<16xf32>,
    %get3A_1017 = arith.constant 0 : i32
    %get3A_1018 = arith.index_cast %get3A_1017 : i32 to index
    %get3A_1019 = arith.constant 64 : index
    %get3A_1020 = tpu.vector_load %arg11[%get3A_1018, %get3A_1019] {strides = array<i32>} : memref<16x80xf32, #tpu.memory_space<vmem>>, vector<16xf32>,
    %get3A_1021 = arith.constant 1 : i32
    %get3A_1022 = arith.index_cast %get3A_1021 : i32 to index
    %get3A_1023 = arith.constant 64 : index
    %get3A_1024 = tpu.vector_load %arg11[%get3A_1022, %get3A_1023] {strides = array<i32>} : memref<16x80xf32, #tpu.memory_space<vmem>>, vector<16xf32>,
    %add3A_1025 = arith.addf %get3A_1020, %get3A_1024 : vector<16xf32>
    %get3A_1026 = arith.constant 2 : i32
    %get3A_1027 = arith.index_cast %get3A_1026 : i32 to index
    %get3A_1028 = arith.constant 64 : index
    %get3A_1029 = tpu.vector_load %arg11[%get3A_1027, %get3A_1028] {strides = array<i32>} : memref<16x80xf32, #tpu.memory_space<vmem>>, vector<16xf32>,
    %add3A_1030 = arith.addf %add3A_1025, %get3A_1029 : vector<16xf32>
    %get3A_1031 = arith.constant 3 : i32
    %get3A_1032 = arith.index_cast %get3A_1031 : i32 to index
    %get3A_1033 = arith.constant 64 : index
    %get3A_1034 = tpu.vector_load %arg11[%get3A_1032, %get3A_1033] {strides = array<i32>} : memref<16x80xf32, #tpu.memory_space<vmem>>, vector<16xf32>,
    %add3A_1035 = arith.addf %add3A_1030, %get3A_1034 : vector<16xf32>
    %get3A_1036 = arith.constant 4 : i32
    %get3A_1037 = arith.index_cast %get3A_1036 : i32 to index
    %get3A_1038 = arith.constant 64 : index
    %get3A_1039 = tpu.vector_load %arg11[%get3A_1037, %get3A_1038] {strides = array<i32>} : memref<16x80xf32, #tpu.memory_space<vmem>>, vector<16xf32>,
    %add3A_1040 = arith.addf %add3A_1035, %get3A_1039 : vector<16xf32>
    %get3A_1041 = arith.constant 5 : i32
    %get3A_1042 = arith.index_cast %get3A_1041 : i32 to index
    %get3A_1043 = arith.constant 64 : index
    %get3A_1044 = tpu.vector_load %arg11[%get3A_1042, %get3A_1043] {strides = array<i32>} : memref<16x80xf32, #tpu.memory_space<vmem>>, vector<16xf32>,
    %add3A_1045 = arith.addf %add3A_1040, %get3A_1044 : vector<16xf32>
    %get3A_1046 = arith.constant 6 : i32
    %get3A_1047 = arith.index_cast %get3A_1046 : i32 to index
    %get3A_1048 = arith.constant 64 : index
    %get3A_1049 = tpu.vector_load %arg11[%get3A_1047, %get3A_1048] {strides = array<i32>} : memref<16x80xf32, #tpu.memory_space<vmem>>, vector<16xf32>,
    %add3A_1050 = arith.addf %add3A_1045, %get3A_1049 : vector<16xf32>
    %get3A_1051 = arith.constant 7 : i32
    %get3A_1052 = arith.index_cast %get3A_1051 : i32 to index
    %get3A_1053 = arith.constant 64 : index
    %get3A_1054 = tpu.vector_load %arg11[%get3A_1052, %get3A_1053] {strides = array<i32>} : memref<16x80xf32, #tpu.memory_space<vmem>>, vector<16xf32>,
    %add3A_1055 = arith.addf %add3A_1050, %get3A_1054 : vector<16xf32>
    %get3A_1056 = arith.constant 8 : i32
    %get3A_1057 = arith.index_cast %get3A_1056 : i32 to index
    %get3A_1058 = arith.constant 64 : index
    %get3A_1059 = tpu.vector_load %arg11[%get3A_1057, %get3A_1058] {strides = array<i32>} : memref<16x80xf32, #tpu.memory_space<vmem>>, vector<16xf32>,
    %add3A_1060 = arith.addf %add3A_1055, %get3A_1059 : vector<16xf32>
    %get3A_1061 = arith.constant 9 : i32
    %get3A_1062 = arith.index_cast %get3A_1061 : i32 to index
    %get3A_1063 = arith.constant 64 : index
    %get3A_1064 = tpu.vector_load %arg11[%get3A_1062, %get3A_1063] {strides = array<i32>} : memref<16x80xf32, #tpu.memory_space<vmem>>, vector<16xf32>,
    %add3A_1065 = arith.addf %add3A_1060, %get3A_1064 : vector<16xf32>
    %get3A_1066 = arith.constant 10 : i32
    %get3A_1067 = arith.index_cast %get3A_1066 : i32 to index
    %get3A_1068 = arith.constant 64 : index
    %get3A_1069 = tpu.vector_load %arg11[%get3A_1067, %get3A_1068] {strides = array<i32>} : memref<16x80xf32, #tpu.memory_space<vmem>>, vector<16xf32>,
    %add3A_1070 = arith.addf %add3A_1065, %get3A_1069 : vector<16xf32>
    %get3A_1071 = arith.constant 11 : i32
    %get3A_1072 = arith.index_cast %get3A_1071 : i32 to index
    %get3A_1073 = arith.constant 64 : index
    %get3A_1074 = tpu.vector_load %arg11[%get3A_1072, %get3A_1073] {strides = array<i32>} : memref<16x80xf32, #tpu.memory_space<vmem>>, vector<16xf32>,
    %add3A_1075 = arith.addf %add3A_1070, %get3A_1074 : vector<16xf32>
    %get3A_1076 = arith.constant 12 : i32
    %get3A_1077 = arith.index_cast %get3A_1076 : i32 to index
    %get3A_1078 = arith.constant 64 : index
    %get3A_1079 = tpu.vector_load %arg11[%get3A_1077, %get3A_1078] {strides = array<i32>} : memref<16x80xf32, #tpu.memory_space<vmem>>, vector<16xf32>,
    %add3A_1080 = arith.addf %add3A_1075, %get3A_1079 : vector<16xf32>
    %get3A_1081 = arith.constant 13 : i32
    %get3A_1082 = arith.index_cast %get3A_1081 : i32 to index
    %get3A_1083 = arith.constant 64 : index
    %get3A_1084 = tpu.vector_load %arg11[%get3A_1082, %get3A_1083] {strides = array<i32>} : memref<16x80xf32, #tpu.memory_space<vmem>>, vector<16xf32>,
    %add3A_1085 = arith.addf %add3A_1080, %get3A_1084 : vector<16xf32>
    %get3A_1086 = arith.constant 14 : i32
    %get3A_1087 = arith.index_cast %get3A_1086 : i32 to index
    %get3A_1088 = arith.constant 64 : index
    %get3A_1089 = tpu.vector_load %arg11[%get3A_1087, %get3A_1088] {strides = array<i32>} : memref<16x80xf32, #tpu.memory_space<vmem>>, vector<16xf32>,
    %add3A_1090 = arith.addf %add3A_1085, %get3A_1089 : vector<16xf32>
    %get3A_1091 = arith.constant 15 : i32
    %get3A_1092 = arith.index_cast %get3A_1091 : i32 to index
    %get3A_1093 = arith.constant 64 : index
    %get3A_1094 = tpu.vector_load %arg11[%get3A_1092, %get3A_1093] {strides = array<i32>} : memref<16x80xf32, #tpu.memory_space<vmem>>, vector<16xf32>,
    %add3A_1095 = arith.addf %add3A_1090, %get3A_1094 : vector<16xf32>
    %max3A_1096 = arith.constant 1.000000e+00 : f32
    %max3A_1097 = vector.broadcast %max3A_1096 : f32 to vector<16xf32>
    %max3A_1098 = arith.maximumf %add3A_1095, %max3A_1097 : vector<16xf32>
    %swap3A_1099 = arith.constant 64 : index
    %swap3A_1100 = tpu.vector_load %arg12[%swap3A_1099] {strides = array<i32>} : memref<80xf32, #tpu.memory_space<vmem>>, vector<16xf32>,
    tpu.vector_store %arg12[%swap3A_1099], %max3A_1098 {strides = array<i32>} : memref<80xf32, #tpu.memory_space<vmem>>, vector<16xf32>,
    %scan3A_1101 = arith.constant 0 : i32
    %scan3A_1102 = arith.constant 0 : i32
    %scan3A_1103 = arith.constant 80 : i32
    %scan3A_1104 = arith.addi %scan3A_1102, %scan3A_1103 : i32
    %scan3A_1105 = arith.constant 1 : i32
    scf.for %scan3A_1976 = %scan3A_1102 to %scan3A_1104 step %scan3A_1105  : i32 {
      %broadcast_in_dim3A_1977 = vector.broadcast %scan3A_1976 : i32 to vector<16xi32>
      %gather3A = tpu.vector_load_idx %arg12[%broadcast_in_dim3A_1977] : memref<80xf32, #tpu.memory_space<vmem>>[vector<16xi32>], vector<16xf32>,
      %get3A_1978 = arith.index_cast %scan3A_1976 : i32 to index
      %get3A_1979 = arith.constant 0 : index
      %get3A_1980 = tpu.vector_load %arg6[%get3A_1978, %get3A_1979] {strides = array<i32>} : memref<128x128xf32, #tpu.memory_space<vmem>>, vector<16xf32>,
      %div3A_1981 = arith.divf %get3A_1980, %gather3A : vector<16xf32>
      %swap3A_1982 = arith.index_cast %scan3A_1976 : i32 to index
      %swap3A_1983 = arith.constant 0 : index
      %swap3A_1984 = tpu.vector_load %arg6[%swap3A_1982, %swap3A_1983] {strides = array<i32>} : memref<128x128xf32, #tpu.memory_space<vmem>>, vector<16xf32>,
      tpu.vector_store %arg6[%swap3A_1982, %swap3A_1983], %div3A_1981 {strides = array<i32>} : memref<128x128xf32, #tpu.memory_space<vmem>>, vector<16xf32>,
      %get3A_1985 = arith.index_cast %scan3A_1976 : i32 to index
      %get3A_1986 = arith.constant 16 : index
      %get3A_1987 = tpu.vector_load %arg6[%get3A_1985, %get3A_1986] {strides = array<i32>} : memref<128x128xf32, #tpu.memory_space<vmem>>, vector<16xf32>,
      %div3A_1988 = arith.divf %get3A_1987, %gather3A : vector<16xf32>
      %swap3A_1989 = arith.index_cast %scan3A_1976 : i32 to index
      %swap3A_1990 = arith.constant 16 : index
      %swap3A_1991 = tpu.vector_load %arg6[%swap3A_1989, %swap3A_1990] {strides = array<i32>} : memref<128x128xf32, #tpu.memory_space<vmem>>, vector<16xf32>,
      tpu.vector_store %arg6[%swap3A_1989, %swap3A_1990], %div3A_1988 {strides = array<i32>} : memref<128x128xf32, #tpu.memory_space<vmem>>, vector<16xf32>,
      %get3A_1992 = arith.index_cast %scan3A_1976 : i32 to index
      %get3A_1993 = arith.constant 32 : index
      %get3A_1994 = tpu.vector_load %arg6[%get3A_1992, %get3A_1993] {strides = array<i32>} : memref<128x128xf32, #tpu.memory_space<vmem>>, vector<16xf32>,
      %div3A_1995 = arith.divf %get3A_1994, %gather3A : vector<16xf32>
      %swap3A_1996 = arith.index_cast %scan3A_1976 : i32 to index
      %swap3A_1997 = arith.constant 32 : index
      %swap3A_1998 = tpu.vector_load %arg6[%swap3A_1996, %swap3A_1997] {strides = array<i32>} : memref<128x128xf32, #tpu.memory_space<vmem>>, vector<16xf32>,
      tpu.vector_store %arg6[%swap3A_1996, %swap3A_1997], %div3A_1995 {strides = array<i32>} : memref<128x128xf32, #tpu.memory_space<vmem>>, vector<16xf32>,
      %get3A_1999 = arith.index_cast %scan3A_1976 : i32 to index
      %get3A_2000 = arith.constant 48 : index
      %get3A_2001 = tpu.vector_load %arg6[%get3A_1999, %get3A_2000] {strides = array<i32>} : memref<128x128xf32, #tpu.memory_space<vmem>>, vector<16xf32>,
      %div3A_2002 = arith.divf %get3A_2001, %gather3A : vector<16xf32>
      %swap3A_2003 = arith.index_cast %scan3A_1976 : i32 to index
      %swap3A_2004 = arith.constant 48 : index
      %swap3A_2005 = tpu.vector_load %arg6[%swap3A_2003, %swap3A_2004] {strides = array<i32>} : memref<128x128xf32, #tpu.memory_space<vmem>>, vector<16xf32>,
      tpu.vector_store %arg6[%swap3A_2003, %swap3A_2004], %div3A_2002 {strides = array<i32>} : memref<128x128xf32, #tpu.memory_space<vmem>>, vector<16xf32>,
      %get3A_2006 = arith.index_cast %scan3A_1976 : i32 to index
      %get3A_2007 = arith.constant 64 : index
      %get3A_2008 = tpu.vector_load %arg6[%get3A_2006, %get3A_2007] {strides = array<i32>} : memref<128x128xf32, #tpu.memory_space<vmem>>, vector<16xf32>,
      %div3A_2009 = arith.divf %get3A_2008, %gather3A : vector<16xf32>
      %swap3A_2010 = arith.index_cast %scan3A_1976 : i32 to index
      %swap3A_2011 = arith.constant 64 : index
      %swap3A_2012 = tpu.vector_load %arg6[%swap3A_2010, %swap3A_2011] {strides = array<i32>} : memref<128x128xf32, #tpu.memory_space<vmem>>, vector<16xf32>,
      tpu.vector_store %arg6[%swap3A_2010, %swap3A_2011], %div3A_2009 {strides = array<i32>} : memref<128x128xf32, #tpu.memory_space<vmem>>, vector<16xf32>,
      %get3A_2013 = arith.index_cast %scan3A_1976 : i32 to index
      %get3A_2014 = arith.constant 80 : index
      %get3A_2015 = tpu.vector_load %arg6[%get3A_2013, %get3A_2014] {strides = array<i32>} : memref<128x128xf32, #tpu.memory_space<vmem>>, vector<16xf32>,
      %div3A_2016 = arith.divf %get3A_2015, %gather3A : vector<16xf32>
      %swap3A_2017 = arith.index_cast %scan3A_1976 : i32 to index
      %swap3A_2018 = arith.constant 80 : index
      %swap3A_2019 = tpu.vector_load %arg6[%swap3A_2017, %swap3A_2018] {strides = array<i32>} : memref<128x128xf32, #tpu.memory_space<vmem>>, vector<16xf32>,
      tpu.vector_store %arg6[%swap3A_2017, %swap3A_2018], %div3A_2016 {strides = array<i32>} : memref<128x128xf32, #tpu.memory_space<vmem>>, vector<16xf32>,
      %get3A_2020 = arith.index_cast %scan3A_1976 : i32 to index
      %get3A_2021 = arith.constant 96 : index
      %get3A_2022 = tpu.vector_load %arg6[%get3A_2020, %get3A_2021] {strides = array<i32>} : memref<128x128xf32, #tpu.memory_space<vmem>>, vector<16xf32>,
      %div3A_2023 = arith.divf %get3A_2022, %gather3A : vector<16xf32>
      %swap3A_2024 = arith.index_cast %scan3A_1976 : i32 to index
      %swap3A_2025 = arith.constant 96 : index
      %swap3A_2026 = tpu.vector_load %arg6[%swap3A_2024, %swap3A_2025] {strides = array<i32>} : memref<128x128xf32, #tpu.memory_space<vmem>>, vector<16xf32>,
      tpu.vector_store %arg6[%swap3A_2024, %swap3A_2025], %div3A_2023 {strides = array<i32>} : memref<128x128xf32, #tpu.memory_space<vmem>>, vector<16xf32>,
      %get3A_2027 = arith.index_cast %scan3A_1976 : i32 to index
      %get3A_2028 = arith.constant 112 : index
      %get3A_2029 = tpu.vector_load %arg6[%get3A_2027, %get3A_2028] {strides = array<i32>} : memref<128x128xf32, #tpu.memory_space<vmem>>, vector<16xf32>,
      %div3A_2030 = arith.divf %get3A_2029, %gather3A : vector<16xf32>
      %swap3A_2031 = arith.index_cast %scan3A_1976 : i32 to index
      %swap3A_2032 = arith.constant 112 : index
      %swap3A_2033 = tpu.vector_load %arg6[%swap3A_2031, %swap3A_2032] {strides = array<i32>} : memref<128x128xf32, #tpu.memory_space<vmem>>, vector<16xf32>,
      tpu.vector_store %arg6[%swap3A_2031, %swap3A_2032], %div3A_2030 {strides = array<i32>} : memref<128x128xf32, #tpu.memory_space<vmem>>, vector<16xf32>,
    }
    %scan3A_1106 = arith.constant 80 : i32
    %add3A_1107 = arith.addi %mul3A_135, %mul3A_148 : i32
    %add3A_1108 = arith.constant 80 : i32
    %add3A_1109 = arith.addi %add3A_1107, %add3A_1108 : i32
    "tpu.region"() ({
      %run_scoped3A = tpu.sem_alloc : memref<!tpu.dma_semaphore, #tpu.memory_space<semaphore_mem>>
      %dma_start3A_1976 = arith.constant 0 : i32
      %dma_start3A_1977 = arith.constant 0 : i32
      %dma_start3A_1978 = tpu.memref_slice %arg6[%dma_start3A_1976, %dma_start3A_1977] : memref<128x128xf32, #tpu.memory_space<vmem>> -> memref<80x128xf32, #tpu.memory_space<vmem>>
      %dma_start3A_1979 = arith.constant 0 : i32
      %dma_start3A_1980 = tpu.memref_slice %arg5[%add3A_1109, %dma_start3A_1979] : memref<10000x128xf32, #tpu.memory_space<hbm>> -> memref<80x128xf32, #tpu.memory_space<hbm>>
      %dma_start3A_1981 = arith.constant 0 : i32
      %dma_start3A_1982 = tpu.memref_slice %arg5[%add3A_1109, %dma_start3A_1981] : memref<10000x128xf32, #tpu.memory_space<hbm>> -> memref<80x128xf32, #tpu.memory_space<hbm>>
      %dma_start3A_1983 = arith.constant 0 : i32
      %dma_start3A_1984 = arith.constant 0 : i32
      %dma_start3A_1985 = tpu.memref_slice %arg6[%dma_start3A_1983, %dma_start3A_1984] : memref<128x128xf32, #tpu.memory_space<vmem>> -> memref<80x128xf32, #tpu.memory_space<vmem>>
      tpu.enqueue_dma source(%dma_start3A_1985 : memref<80x128xf32, #tpu.memory_space<vmem>>) target(%dma_start3A_1982 : memref<80x128xf32, #tpu.memory_space<hbm>>) target_semaphore(%run_scoped3A : memref<!tpu.dma_semaphore, #tpu.memory_space<semaphore_mem>>)
      %dma_wait3A_1986 = arith.constant 0 : i32
      %dma_wait3A_1987 = arith.constant 0 : i32
      %dma_wait3A_1988 = tpu.memref_slice %arg6[%dma_wait3A_1986, %dma_wait3A_1987] : memref<128x128xf32, #tpu.memory_space<vmem>> -> memref<80x128xf32, #tpu.memory_space<vmem>>
      %dma_wait3A_1989 = arith.constant 0 : i32
      %dma_wait3A_1990 = tpu.memref_slice %arg5[%add3A_1109, %dma_wait3A_1989] : memref<10000x128xf32, #tpu.memory_space<hbm>> -> memref<80x128xf32, #tpu.memory_space<hbm>>
      %dma_wait3A_1991 = arith.constant 0 : i32
      %dma_wait3A_1992 = tpu.memref_slice %arg5[%add3A_1109, %dma_wait3A_1991] : memref<10000x128xf32, #tpu.memory_space<hbm>> -> memref<80x128xf32, #tpu.memory_space<hbm>>
      %dma_wait3A_1993 = arith.constant 0 : i32
      %dma_wait3A_1994 = arith.constant 0 : i32
      %dma_wait3A_1995 = tpu.memref_slice %arg6[%dma_wait3A_1993, %dma_wait3A_1994] : memref<128x128xf32, #tpu.memory_space<vmem>> -> memref<80x128xf32, #tpu.memory_space<vmem>>
      tpu.wait_dma2 semaphore(%run_scoped3A : memref<!tpu.dma_semaphore, #tpu.memory_space<semaphore_mem>>) src(%dma_wait3A_1995 : memref<80x128xf32, #tpu.memory_space<vmem>>) dst(%dma_wait3A_1992 : memref<80x128xf32, #tpu.memory_space<hbm>>)
      tpu.yield
    }) : () -> ()
    %add3A_1110 = arith.constant 160 : i32
    %add3A_1111 = arith.addi %mul3A_148, %add3A_1110 : i32
    "tpu.region"() ({
      %run_scoped3A = tpu.sem_alloc : memref<!tpu.dma_semaphore, #tpu.memory_space<semaphore_mem>>
      %dma_start3A_1976 = arith.constant 0 : i32
      %dma_start3A_1977 = arith.constant 0 : i32
      %dma_start3A_1978 = tpu.memref_slice %arg6[%dma_start3A_1976, %dma_start3A_1977] : memref<128x128xf32, #tpu.memory_space<vmem>> -> memref<80x128xf32, #tpu.memory_space<vmem>>
      %dma_start3A_1979 = arith.constant 0 : i32
      %dma_start3A_1980 = tpu.memref_slice %arg18[%add3A_1111, %dma_start3A_1979] : memref<5008x128xf32, #tpu.memory_space<vmem_shared>> -> memref<80x128xf32, #tpu.memory_space<vmem_shared>>
      %dma_start3A_1981 = arith.constant 0 : i32
      %dma_start3A_1982 = arith.constant 0 : i32
      %dma_start3A_1983 = tpu.memref_slice %arg6[%dma_start3A_1981, %dma_start3A_1982] : memref<128x128xf32, #tpu.memory_space<vmem>> -> memref<80x128xf32, #tpu.memory_space<vmem>>
      %dma_start3A_1984 = arith.constant 0 : i32
      %dma_start3A_1985 = tpu.memref_slice %arg18[%add3A_1111, %dma_start3A_1984] : memref<5008x128xf32, #tpu.memory_space<vmem_shared>> -> memref<80x128xf32, #tpu.memory_space<vmem_shared>>
      tpu.enqueue_dma source(%dma_start3A_1985 : memref<80x128xf32, #tpu.memory_space<vmem_shared>>) target(%dma_start3A_1983 : memref<80x128xf32, #tpu.memory_space<vmem>>) target_semaphore(%run_scoped3A : memref<!tpu.dma_semaphore, #tpu.memory_space<semaphore_mem>>)
      %dma_wait3A_1986 = arith.constant 0 : i32
      %dma_wait3A_1987 = arith.constant 0 : i32
      %dma_wait3A_1988 = tpu.memref_slice %arg6[%dma_wait3A_1986, %dma_wait3A_1987] : memref<128x128xf32, #tpu.memory_space<vmem>> -> memref<80x128xf32, #tpu.memory_space<vmem>>
      %dma_wait3A_1989 = arith.constant 0 : i32
      %dma_wait3A_1990 = tpu.memref_slice %arg18[%add3A_1111, %dma_wait3A_1989] : memref<5008x128xf32, #tpu.memory_space<vmem_shared>> -> memref<80x128xf32, #tpu.memory_space<vmem_shared>>
      %dma_wait3A_1991 = arith.constant 0 : i32
      %dma_wait3A_1992 = arith.constant 0 : i32
      %dma_wait3A_1993 = tpu.memref_slice %arg6[%dma_wait3A_1991, %dma_wait3A_1992] : memref<128x128xf32, #tpu.memory_space<vmem>> -> memref<80x128xf32, #tpu.memory_space<vmem>>
      %dma_wait3A_1994 = arith.constant 0 : i32
      %dma_wait3A_1995 = tpu.memref_slice %arg18[%add3A_1111, %dma_wait3A_1994] : memref<5008x128xf32, #tpu.memory_space<vmem_shared>> -> memref<80x128xf32, #tpu.memory_space<vmem_shared>>
      tpu.wait_dma2 semaphore(%run_scoped3A : memref<!tpu.dma_semaphore, #tpu.memory_space<semaphore_mem>>) src(%dma_wait3A_1995 : memref<80x128xf32, #tpu.memory_space<vmem_shared>>) dst(%dma_wait3A_1993 : memref<80x128xf32, #tpu.memory_space<vmem>>)
      tpu.yield
    }) : () -> ()
    %add3A_1112 = arith.constant 160 : i32
    %add3A_1113 = arith.addi %mul3A_148, %add3A_1112 : i32
    "tpu.region"() ({
      %run_scoped3A = tpu.sem_alloc : memref<!tpu.dma_semaphore, #tpu.memory_space<semaphore_mem>>
      %dma_start3A_1976 = arith.constant 0 : i32
      %dma_start3A_1977 = tpu.memref_slice %arg19[%dma_start3A_1976, %add3A_1113] : memref<16x5008xf32, #tpu.memory_space<vmem_shared>> -> memref<16x80xf32, #tpu.memory_space<vmem_shared>>
      %dma_start3A_1978 = arith.constant 0 : i32
      %dma_start3A_1979 = tpu.memref_slice %arg19[%dma_start3A_1978, %add3A_1113] : memref<16x5008xf32, #tpu.memory_space<vmem_shared>> -> memref<16x80xf32, #tpu.memory_space<vmem_shared>>
      tpu.enqueue_dma source(%dma_start3A_1979 : memref<16x80xf32, #tpu.memory_space<vmem_shared>>) target(%arg11 : memref<16x80xf32, #tpu.memory_space<vmem>>) target_semaphore(%run_scoped3A : memref<!tpu.dma_semaphore, #tpu.memory_space<semaphore_mem>>)
      %dma_wait3A_1980 = arith.constant 0 : i32
      %dma_wait3A_1981 = tpu.memref_slice %arg19[%dma_wait3A_1980, %add3A_1113] : memref<16x5008xf32, #tpu.memory_space<vmem_shared>> -> memref<16x80xf32, #tpu.memory_space<vmem_shared>>
      %dma_wait3A_1982 = arith.constant 0 : i32
      %dma_wait3A_1983 = tpu.memref_slice %arg19[%dma_wait3A_1982, %add3A_1113] : memref<16x5008xf32, #tpu.memory_space<vmem_shared>> -> memref<16x80xf32, #tpu.memory_space<vmem_shared>>
      tpu.wait_dma2 semaphore(%run_scoped3A : memref<!tpu.dma_semaphore, #tpu.memory_space<semaphore_mem>>) src(%dma_wait3A_1983 : memref<16x80xf32, #tpu.memory_space<vmem_shared>>) dst(%arg11 : memref<16x80xf32, #tpu.memory_space<vmem>>)
      tpu.yield
    }) : () -> ()
    %get3A_1114 = arith.constant 0 : i32
    %get3A_1115 = arith.index_cast %get3A_1114 : i32 to index
    %get3A_1116 = arith.constant 0 : index
    %get3A_1117 = tpu.vector_load %arg11[%get3A_1115, %get3A_1116] {strides = array<i32>} : memref<16x80xf32, #tpu.memory_space<vmem>>, vector<16xf32>,
    %get3A_1118 = arith.constant 1 : i32
    %get3A_1119 = arith.index_cast %get3A_1118 : i32 to index
    %get3A_1120 = arith.constant 0 : index
    %get3A_1121 = tpu.vector_load %arg11[%get3A_1119, %get3A_1120] {strides = array<i32>} : memref<16x80xf32, #tpu.memory_space<vmem>>, vector<16xf32>,
    %add3A_1122 = arith.addf %get3A_1117, %get3A_1121 : vector<16xf32>
    %get3A_1123 = arith.constant 2 : i32
    %get3A_1124 = arith.index_cast %get3A_1123 : i32 to index
    %get3A_1125 = arith.constant 0 : index
    %get3A_1126 = tpu.vector_load %arg11[%get3A_1124, %get3A_1125] {strides = array<i32>} : memref<16x80xf32, #tpu.memory_space<vmem>>, vector<16xf32>,
    %add3A_1127 = arith.addf %add3A_1122, %get3A_1126 : vector<16xf32>
    %get3A_1128 = arith.constant 3 : i32
    %get3A_1129 = arith.index_cast %get3A_1128 : i32 to index
    %get3A_1130 = arith.constant 0 : index
    %get3A_1131 = tpu.vector_load %arg11[%get3A_1129, %get3A_1130] {strides = array<i32>} : memref<16x80xf32, #tpu.memory_space<vmem>>, vector<16xf32>,
    %add3A_1132 = arith.addf %add3A_1127, %get3A_1131 : vector<16xf32>
    %get3A_1133 = arith.constant 4 : i32
    %get3A_1134 = arith.index_cast %get3A_1133 : i32 to index
    %get3A_1135 = arith.constant 0 : index
    %get3A_1136 = tpu.vector_load %arg11[%get3A_1134, %get3A_1135] {strides = array<i32>} : memref<16x80xf32, #tpu.memory_space<vmem>>, vector<16xf32>,
    %add3A_1137 = arith.addf %add3A_1132, %get3A_1136 : vector<16xf32>
    %get3A_1138 = arith.constant 5 : i32
    %get3A_1139 = arith.index_cast %get3A_1138 : i32 to index
    %get3A_1140 = arith.constant 0 : index
    %get3A_1141 = tpu.vector_load %arg11[%get3A_1139, %get3A_1140] {strides = array<i32>} : memref<16x80xf32, #tpu.memory_space<vmem>>, vector<16xf32>,
    %add3A_1142 = arith.addf %add3A_1137, %get3A_1141 : vector<16xf32>
    %get3A_1143 = arith.constant 6 : i32
    %get3A_1144 = arith.index_cast %get3A_1143 : i32 to index
    %get3A_1145 = arith.constant 0 : index
    %get3A_1146 = tpu.vector_load %arg11[%get3A_1144, %get3A_1145] {strides = array<i32>} : memref<16x80xf32, #tpu.memory_space<vmem>>, vector<16xf32>,
    %add3A_1147 = arith.addf %add3A_1142, %get3A_1146 : vector<16xf32>
    %get3A_1148 = arith.constant 7 : i32
    %get3A_1149 = arith.index_cast %get3A_1148 : i32 to index
    %get3A_1150 = arith.constant 0 : index
    %get3A_1151 = tpu.vector_load %arg11[%get3A_1149, %get3A_1150] {strides = array<i32>} : memref<16x80xf32, #tpu.memory_space<vmem>>, vector<16xf32>,
    %add3A_1152 = arith.addf %add3A_1147, %get3A_1151 : vector<16xf32>
    %get3A_1153 = arith.constant 8 : i32
    %get3A_1154 = arith.index_cast %get3A_1153 : i32 to index
    %get3A_1155 = arith.constant 0 : index
    %get3A_1156 = tpu.vector_load %arg11[%get3A_1154, %get3A_1155] {strides = array<i32>} : memref<16x80xf32, #tpu.memory_space<vmem>>, vector<16xf32>,
    %add3A_1157 = arith.addf %add3A_1152, %get3A_1156 : vector<16xf32>
    %get3A_1158 = arith.constant 9 : i32
    %get3A_1159 = arith.index_cast %get3A_1158 : i32 to index
    %get3A_1160 = arith.constant 0 : index
    %get3A_1161 = tpu.vector_load %arg11[%get3A_1159, %get3A_1160] {strides = array<i32>} : memref<16x80xf32, #tpu.memory_space<vmem>>, vector<16xf32>,
    %add3A_1162 = arith.addf %add3A_1157, %get3A_1161 : vector<16xf32>
    %get3A_1163 = arith.constant 10 : i32
    %get3A_1164 = arith.index_cast %get3A_1163 : i32 to index
    %get3A_1165 = arith.constant 0 : index
    %get3A_1166 = tpu.vector_load %arg11[%get3A_1164, %get3A_1165] {strides = array<i32>} : memref<16x80xf32, #tpu.memory_space<vmem>>, vector<16xf32>,
    %add3A_1167 = arith.addf %add3A_1162, %get3A_1166 : vector<16xf32>
    %get3A_1168 = arith.constant 11 : i32
    %get3A_1169 = arith.index_cast %get3A_1168 : i32 to index
    %get3A_1170 = arith.constant 0 : index
    %get3A_1171 = tpu.vector_load %arg11[%get3A_1169, %get3A_1170] {strides = array<i32>} : memref<16x80xf32, #tpu.memory_space<vmem>>, vector<16xf32>,
    %add3A_1172 = arith.addf %add3A_1167, %get3A_1171 : vector<16xf32>
    %get3A_1173 = arith.constant 12 : i32
    %get3A_1174 = arith.index_cast %get3A_1173 : i32 to index
    %get3A_1175 = arith.constant 0 : index
    %get3A_1176 = tpu.vector_load %arg11[%get3A_1174, %get3A_1175] {strides = array<i32>} : memref<16x80xf32, #tpu.memory_space<vmem>>, vector<16xf32>,
    %add3A_1177 = arith.addf %add3A_1172, %get3A_1176 : vector<16xf32>
    %get3A_1178 = arith.constant 13 : i32
    %get3A_1179 = arith.index_cast %get3A_1178 : i32 to index
    %get3A_1180 = arith.constant 0 : index
    %get3A_1181 = tpu.vector_load %arg11[%get3A_1179, %get3A_1180] {strides = array<i32>} : memref<16x80xf32, #tpu.memory_space<vmem>>, vector<16xf32>,
    %add3A_1182 = arith.addf %add3A_1177, %get3A_1181 : vector<16xf32>
    %get3A_1183 = arith.constant 14 : i32
    %get3A_1184 = arith.index_cast %get3A_1183 : i32 to index
    %get3A_1185 = arith.constant 0 : index
    %get3A_1186 = tpu.vector_load %arg11[%get3A_1184, %get3A_1185] {strides = array<i32>} : memref<16x80xf32, #tpu.memory_space<vmem>>, vector<16xf32>,
    %add3A_1187 = arith.addf %add3A_1182, %get3A_1186 : vector<16xf32>
    %get3A_1188 = arith.constant 15 : i32
    %get3A_1189 = arith.index_cast %get3A_1188 : i32 to index
    %get3A_1190 = arith.constant 0 : index
    %get3A_1191 = tpu.vector_load %arg11[%get3A_1189, %get3A_1190] {strides = array<i32>} : memref<16x80xf32, #tpu.memory_space<vmem>>, vector<16xf32>,
    %add3A_1192 = arith.addf %add3A_1187, %get3A_1191 : vector<16xf32>
    %max3A_1193 = arith.constant 1.000000e+00 : f32
    %max3A_1194 = vector.broadcast %max3A_1193 : f32 to vector<16xf32>
    %max3A_1195 = arith.maximumf %add3A_1192, %max3A_1194 : vector<16xf32>
    %swap3A_1196 = arith.constant 0 : index
    %swap3A_1197 = tpu.vector_load %arg12[%swap3A_1196] {strides = array<i32>} : memref<80xf32, #tpu.memory_space<vmem>>, vector<16xf32>,
    tpu.vector_store %arg12[%swap3A_1196], %max3A_1195 {strides = array<i32>} : memref<80xf32, #tpu.memory_space<vmem>>, vector<16xf32>,
    %get3A_1198 = arith.constant 0 : i32
    %get3A_1199 = arith.index_cast %get3A_1198 : i32 to index
    %get3A_1200 = arith.constant 16 : index
    %get3A_1201 = tpu.vector_load %arg11[%get3A_1199, %get3A_1200] {strides = array<i32>} : memref<16x80xf32, #tpu.memory_space<vmem>>, vector<16xf32>,
    %get3A_1202 = arith.constant 1 : i32
    %get3A_1203 = arith.index_cast %get3A_1202 : i32 to index
    %get3A_1204 = arith.constant 16 : index
    %get3A_1205 = tpu.vector_load %arg11[%get3A_1203, %get3A_1204] {strides = array<i32>} : memref<16x80xf32, #tpu.memory_space<vmem>>, vector<16xf32>,
    %add3A_1206 = arith.addf %get3A_1201, %get3A_1205 : vector<16xf32>
    %get3A_1207 = arith.constant 2 : i32
    %get3A_1208 = arith.index_cast %get3A_1207 : i32 to index
    %get3A_1209 = arith.constant 16 : index
    %get3A_1210 = tpu.vector_load %arg11[%get3A_1208, %get3A_1209] {strides = array<i32>} : memref<16x80xf32, #tpu.memory_space<vmem>>, vector<16xf32>,
    %add3A_1211 = arith.addf %add3A_1206, %get3A_1210 : vector<16xf32>
    %get3A_1212 = arith.constant 3 : i32
    %get3A_1213 = arith.index_cast %get3A_1212 : i32 to index
    %get3A_1214 = arith.constant 16 : index
    %get3A_1215 = tpu.vector_load %arg11[%get3A_1213, %get3A_1214] {strides = array<i32>} : memref<16x80xf32, #tpu.memory_space<vmem>>, vector<16xf32>,
    %add3A_1216 = arith.addf %add3A_1211, %get3A_1215 : vector<16xf32>
    %get3A_1217 = arith.constant 4 : i32
    %get3A_1218 = arith.index_cast %get3A_1217 : i32 to index
    %get3A_1219 = arith.constant 16 : index
    %get3A_1220 = tpu.vector_load %arg11[%get3A_1218, %get3A_1219] {strides = array<i32>} : memref<16x80xf32, #tpu.memory_space<vmem>>, vector<16xf32>,
    %add3A_1221 = arith.addf %add3A_1216, %get3A_1220 : vector<16xf32>
    %get3A_1222 = arith.constant 5 : i32
    %get3A_1223 = arith.index_cast %get3A_1222 : i32 to index
    %get3A_1224 = arith.constant 16 : index
    %get3A_1225 = tpu.vector_load %arg11[%get3A_1223, %get3A_1224] {strides = array<i32>} : memref<16x80xf32, #tpu.memory_space<vmem>>, vector<16xf32>,
    %add3A_1226 = arith.addf %add3A_1221, %get3A_1225 : vector<16xf32>
    %get3A_1227 = arith.constant 6 : i32
    %get3A_1228 = arith.index_cast %get3A_1227 : i32 to index
    %get3A_1229 = arith.constant 16 : index
    %get3A_1230 = tpu.vector_load %arg11[%get3A_1228, %get3A_1229] {strides = array<i32>} : memref<16x80xf32, #tpu.memory_space<vmem>>, vector<16xf32>,
    %add3A_1231 = arith.addf %add3A_1226, %get3A_1230 : vector<16xf32>
    %get3A_1232 = arith.constant 7 : i32
    %get3A_1233 = arith.index_cast %get3A_1232 : i32 to index
    %get3A_1234 = arith.constant 16 : index
    %get3A_1235 = tpu.vector_load %arg11[%get3A_1233, %get3A_1234] {strides = array<i32>} : memref<16x80xf32, #tpu.memory_space<vmem>>, vector<16xf32>,
    %add3A_1236 = arith.addf %add3A_1231, %get3A_1235 : vector<16xf32>
    %get3A_1237 = arith.constant 8 : i32
    %get3A_1238 = arith.index_cast %get3A_1237 : i32 to index
    %get3A_1239 = arith.constant 16 : index
    %get3A_1240 = tpu.vector_load %arg11[%get3A_1238, %get3A_1239] {strides = array<i32>} : memref<16x80xf32, #tpu.memory_space<vmem>>, vector<16xf32>,
    %add3A_1241 = arith.addf %add3A_1236, %get3A_1240 : vector<16xf32>
    %get3A_1242 = arith.constant 9 : i32
    %get3A_1243 = arith.index_cast %get3A_1242 : i32 to index
    %get3A_1244 = arith.constant 16 : index
    %get3A_1245 = tpu.vector_load %arg11[%get3A_1243, %get3A_1244] {strides = array<i32>} : memref<16x80xf32, #tpu.memory_space<vmem>>, vector<16xf32>,
    %add3A_1246 = arith.addf %add3A_1241, %get3A_1245 : vector<16xf32>
    %get3A_1247 = arith.constant 10 : i32
    %get3A_1248 = arith.index_cast %get3A_1247 : i32 to index
    %get3A_1249 = arith.constant 16 : index
    %get3A_1250 = tpu.vector_load %arg11[%get3A_1248, %get3A_1249] {strides = array<i32>} : memref<16x80xf32, #tpu.memory_space<vmem>>, vector<16xf32>,
    %add3A_1251 = arith.addf %add3A_1246, %get3A_1250 : vector<16xf32>
    %get3A_1252 = arith.constant 11 : i32
    %get3A_1253 = arith.index_cast %get3A_1252 : i32 to index
    %get3A_1254 = arith.constant 16 : index
    %get3A_1255 = tpu.vector_load %arg11[%get3A_1253, %get3A_1254] {strides = array<i32>} : memref<16x80xf32, #tpu.memory_space<vmem>>, vector<16xf32>,
    %add3A_1256 = arith.addf %add3A_1251, %get3A_1255 : vector<16xf32>
    %get3A_1257 = arith.constant 12 : i32
    %get3A_1258 = arith.index_cast %get3A_1257 : i32 to index
    %get3A_1259 = arith.constant 16 : index
    %get3A_1260 = tpu.vector_load %arg11[%get3A_1258, %get3A_1259] {strides = array<i32>} : memref<16x80xf32, #tpu.memory_space<vmem>>, vector<16xf32>,
    %add3A_1261 = arith.addf %add3A_1256, %get3A_1260 : vector<16xf32>
    %get3A_1262 = arith.constant 13 : i32
    %get3A_1263 = arith.index_cast %get3A_1262 : i32 to index
    %get3A_1264 = arith.constant 16 : index
    %get3A_1265 = tpu.vector_load %arg11[%get3A_1263, %get3A_1264] {strides = array<i32>} : memref<16x80xf32, #tpu.memory_space<vmem>>, vector<16xf32>,
    %add3A_1266 = arith.addf %add3A_1261, %get3A_1265 : vector<16xf32>
    %get3A_1267 = arith.constant 14 : i32
    %get3A_1268 = arith.index_cast %get3A_1267 : i32 to index
    %get3A_1269 = arith.constant 16 : index
    %get3A_1270 = tpu.vector_load %arg11[%get3A_1268, %get3A_1269] {strides = array<i32>} : memref<16x80xf32, #tpu.memory_space<vmem>>, vector<16xf32>,
    %add3A_1271 = arith.addf %add3A_1266, %get3A_1270 : vector<16xf32>
    %get3A_1272 = arith.constant 15 : i32
    %get3A_1273 = arith.index_cast %get3A_1272 : i32 to index
    %get3A_1274 = arith.constant 16 : index
    %get3A_1275 = tpu.vector_load %arg11[%get3A_1273, %get3A_1274] {strides = array<i32>} : memref<16x80xf32, #tpu.memory_space<vmem>>, vector<16xf32>,
    %add3A_1276 = arith.addf %add3A_1271, %get3A_1275 : vector<16xf32>
    %max3A_1277 = arith.constant 1.000000e+00 : f32
    %max3A_1278 = vector.broadcast %max3A_1277 : f32 to vector<16xf32>
    %max3A_1279 = arith.maximumf %add3A_1276, %max3A_1278 : vector<16xf32>
    %swap3A_1280 = arith.constant 16 : index
    %swap3A_1281 = tpu.vector_load %arg12[%swap3A_1280] {strides = array<i32>} : memref<80xf32, #tpu.memory_space<vmem>>, vector<16xf32>,
    tpu.vector_store %arg12[%swap3A_1280], %max3A_1279 {strides = array<i32>} : memref<80xf32, #tpu.memory_space<vmem>>, vector<16xf32>,
    %get3A_1282 = arith.constant 0 : i32
    %get3A_1283 = arith.index_cast %get3A_1282 : i32 to index
    %get3A_1284 = arith.constant 32 : index
    %get3A_1285 = tpu.vector_load %arg11[%get3A_1283, %get3A_1284] {strides = array<i32>} : memref<16x80xf32, #tpu.memory_space<vmem>>, vector<16xf32>,
    %get3A_1286 = arith.constant 1 : i32
    %get3A_1287 = arith.index_cast %get3A_1286 : i32 to index
    %get3A_1288 = arith.constant 32 : index
    %get3A_1289 = tpu.vector_load %arg11[%get3A_1287, %get3A_1288] {strides = array<i32>} : memref<16x80xf32, #tpu.memory_space<vmem>>, vector<16xf32>,
    %add3A_1290 = arith.addf %get3A_1285, %get3A_1289 : vector<16xf32>
    %get3A_1291 = arith.constant 2 : i32
    %get3A_1292 = arith.index_cast %get3A_1291 : i32 to index
    %get3A_1293 = arith.constant 32 : index
    %get3A_1294 = tpu.vector_load %arg11[%get3A_1292, %get3A_1293] {strides = array<i32>} : memref<16x80xf32, #tpu.memory_space<vmem>>, vector<16xf32>,
    %add3A_1295 = arith.addf %add3A_1290, %get3A_1294 : vector<16xf32>
    %get3A_1296 = arith.constant 3 : i32
    %get3A_1297 = arith.index_cast %get3A_1296 : i32 to index
    %get3A_1298 = arith.constant 32 : index
    %get3A_1299 = tpu.vector_load %arg11[%get3A_1297, %get3A_1298] {strides = array<i32>} : memref<16x80xf32, #tpu.memory_space<vmem>>, vector<16xf32>,
    %add3A_1300 = arith.addf %add3A_1295, %get3A_1299 : vector<16xf32>
    %get3A_1301 = arith.constant 4 : i32
    %get3A_1302 = arith.index_cast %get3A_1301 : i32 to index
    %get3A_1303 = arith.constant 32 : index
    %get3A_1304 = tpu.vector_load %arg11[%get3A_1302, %get3A_1303] {strides = array<i32>} : memref<16x80xf32, #tpu.memory_space<vmem>>, vector<16xf32>,
    %add3A_1305 = arith.addf %add3A_1300, %get3A_1304 : vector<16xf32>
    %get3A_1306 = arith.constant 5 : i32
    %get3A_1307 = arith.index_cast %get3A_1306 : i32 to index
    %get3A_1308 = arith.constant 32 : index
    %get3A_1309 = tpu.vector_load %arg11[%get3A_1307, %get3A_1308] {strides = array<i32>} : memref<16x80xf32, #tpu.memory_space<vmem>>, vector<16xf32>,
    %add3A_1310 = arith.addf %add3A_1305, %get3A_1309 : vector<16xf32>
    %get3A_1311 = arith.constant 6 : i32
    %get3A_1312 = arith.index_cast %get3A_1311 : i32 to index
    %get3A_1313 = arith.constant 32 : index
    %get3A_1314 = tpu.vector_load %arg11[%get3A_1312, %get3A_1313] {strides = array<i32>} : memref<16x80xf32, #tpu.memory_space<vmem>>, vector<16xf32>,
    %add3A_1315 = arith.addf %add3A_1310, %get3A_1314 : vector<16xf32>
    %get3A_1316 = arith.constant 7 : i32
    %get3A_1317 = arith.index_cast %get3A_1316 : i32 to index
    %get3A_1318 = arith.constant 32 : index
    %get3A_1319 = tpu.vector_load %arg11[%get3A_1317, %get3A_1318] {strides = array<i32>} : memref<16x80xf32, #tpu.memory_space<vmem>>, vector<16xf32>,
    %add3A_1320 = arith.addf %add3A_1315, %get3A_1319 : vector<16xf32>
    %get3A_1321 = arith.constant 8 : i32
    %get3A_1322 = arith.index_cast %get3A_1321 : i32 to index
    %get3A_1323 = arith.constant 32 : index
    %get3A_1324 = tpu.vector_load %arg11[%get3A_1322, %get3A_1323] {strides = array<i32>} : memref<16x80xf32, #tpu.memory_space<vmem>>, vector<16xf32>,
    %add3A_1325 = arith.addf %add3A_1320, %get3A_1324 : vector<16xf32>
    %get3A_1326 = arith.constant 9 : i32
    %get3A_1327 = arith.index_cast %get3A_1326 : i32 to index
    %get3A_1328 = arith.constant 32 : index
    %get3A_1329 = tpu.vector_load %arg11[%get3A_1327, %get3A_1328] {strides = array<i32>} : memref<16x80xf32, #tpu.memory_space<vmem>>, vector<16xf32>,
    %add3A_1330 = arith.addf %add3A_1325, %get3A_1329 : vector<16xf32>
    %get3A_1331 = arith.constant 10 : i32
    %get3A_1332 = arith.index_cast %get3A_1331 : i32 to index
    %get3A_1333 = arith.constant 32 : index
    %get3A_1334 = tpu.vector_load %arg11[%get3A_1332, %get3A_1333] {strides = array<i32>} : memref<16x80xf32, #tpu.memory_space<vmem>>, vector<16xf32>,
    %add3A_1335 = arith.addf %add3A_1330, %get3A_1334 : vector<16xf32>
    %get3A_1336 = arith.constant 11 : i32
    %get3A_1337 = arith.index_cast %get3A_1336 : i32 to index
    %get3A_1338 = arith.constant 32 : index
    %get3A_1339 = tpu.vector_load %arg11[%get3A_1337, %get3A_1338] {strides = array<i32>} : memref<16x80xf32, #tpu.memory_space<vmem>>, vector<16xf32>,
    %add3A_1340 = arith.addf %add3A_1335, %get3A_1339 : vector<16xf32>
    %get3A_1341 = arith.constant 12 : i32
    %get3A_1342 = arith.index_cast %get3A_1341 : i32 to index
    %get3A_1343 = arith.constant 32 : index
    %get3A_1344 = tpu.vector_load %arg11[%get3A_1342, %get3A_1343] {strides = array<i32>} : memref<16x80xf32, #tpu.memory_space<vmem>>, vector<16xf32>,
    %add3A_1345 = arith.addf %add3A_1340, %get3A_1344 : vector<16xf32>
    %get3A_1346 = arith.constant 13 : i32
    %get3A_1347 = arith.index_cast %get3A_1346 : i32 to index
    %get3A_1348 = arith.constant 32 : index
    %get3A_1349 = tpu.vector_load %arg11[%get3A_1347, %get3A_1348] {strides = array<i32>} : memref<16x80xf32, #tpu.memory_space<vmem>>, vector<16xf32>,
    %add3A_1350 = arith.addf %add3A_1345, %get3A_1349 : vector<16xf32>
    %get3A_1351 = arith.constant 14 : i32
    %get3A_1352 = arith.index_cast %get3A_1351 : i32 to index
    %get3A_1353 = arith.constant 32 : index
    %get3A_1354 = tpu.vector_load %arg11[%get3A_1352, %get3A_1353] {strides = array<i32>} : memref<16x80xf32, #tpu.memory_space<vmem>>, vector<16xf32>,
    %add3A_1355 = arith.addf %add3A_1350, %get3A_1354 : vector<16xf32>
    %get3A_1356 = arith.constant 15 : i32
    %get3A_1357 = arith.index_cast %get3A_1356 : i32 to index
    %get3A_1358 = arith.constant 32 : index
    %get3A_1359 = tpu.vector_load %arg11[%get3A_1357, %get3A_1358] {strides = array<i32>} : memref<16x80xf32, #tpu.memory_space<vmem>>, vector<16xf32>,
    %add3A_1360 = arith.addf %add3A_1355, %get3A_1359 : vector<16xf32>
    %max3A_1361 = arith.constant 1.000000e+00 : f32
    %max3A_1362 = vector.broadcast %max3A_1361 : f32 to vector<16xf32>
    %max3A_1363 = arith.maximumf %add3A_1360, %max3A_1362 : vector<16xf32>
    %swap3A_1364 = arith.constant 32 : index
    %swap3A_1365 = tpu.vector_load %arg12[%swap3A_1364] {strides = array<i32>} : memref<80xf32, #tpu.memory_space<vmem>>, vector<16xf32>,
    tpu.vector_store %arg12[%swap3A_1364], %max3A_1363 {strides = array<i32>} : memref<80xf32, #tpu.memory_space<vmem>>, vector<16xf32>,
    %get3A_1366 = arith.constant 0 : i32
    %get3A_1367 = arith.index_cast %get3A_1366 : i32 to index
    %get3A_1368 = arith.constant 48 : index
    %get3A_1369 = tpu.vector_load %arg11[%get3A_1367, %get3A_1368] {strides = array<i32>} : memref<16x80xf32, #tpu.memory_space<vmem>>, vector<16xf32>,
    %get3A_1370 = arith.constant 1 : i32
    %get3A_1371 = arith.index_cast %get3A_1370 : i32 to index
    %get3A_1372 = arith.constant 48 : index
    %get3A_1373 = tpu.vector_load %arg11[%get3A_1371, %get3A_1372] {strides = array<i32>} : memref<16x80xf32, #tpu.memory_space<vmem>>, vector<16xf32>,
    %add3A_1374 = arith.addf %get3A_1369, %get3A_1373 : vector<16xf32>
    %get3A_1375 = arith.constant 2 : i32
    %get3A_1376 = arith.index_cast %get3A_1375 : i32 to index
    %get3A_1377 = arith.constant 48 : index
    %get3A_1378 = tpu.vector_load %arg11[%get3A_1376, %get3A_1377] {strides = array<i32>} : memref<16x80xf32, #tpu.memory_space<vmem>>, vector<16xf32>,
    %add3A_1379 = arith.addf %add3A_1374, %get3A_1378 : vector<16xf32>
    %get3A_1380 = arith.constant 3 : i32
    %get3A_1381 = arith.index_cast %get3A_1380 : i32 to index
    %get3A_1382 = arith.constant 48 : index
    %get3A_1383 = tpu.vector_load %arg11[%get3A_1381, %get3A_1382] {strides = array<i32>} : memref<16x80xf32, #tpu.memory_space<vmem>>, vector<16xf32>,
    %add3A_1384 = arith.addf %add3A_1379, %get3A_1383 : vector<16xf32>
    %get3A_1385 = arith.constant 4 : i32
    %get3A_1386 = arith.index_cast %get3A_1385 : i32 to index
    %get3A_1387 = arith.constant 48 : index
    %get3A_1388 = tpu.vector_load %arg11[%get3A_1386, %get3A_1387] {strides = array<i32>} : memref<16x80xf32, #tpu.memory_space<vmem>>, vector<16xf32>,
    %add3A_1389 = arith.addf %add3A_1384, %get3A_1388 : vector<16xf32>
    %get3A_1390 = arith.constant 5 : i32
    %get3A_1391 = arith.index_cast %get3A_1390 : i32 to index
    %get3A_1392 = arith.constant 48 : index
    %get3A_1393 = tpu.vector_load %arg11[%get3A_1391, %get3A_1392] {strides = array<i32>} : memref<16x80xf32, #tpu.memory_space<vmem>>, vector<16xf32>,
    %add3A_1394 = arith.addf %add3A_1389, %get3A_1393 : vector<16xf32>
    %get3A_1395 = arith.constant 6 : i32
    %get3A_1396 = arith.index_cast %get3A_1395 : i32 to index
    %get3A_1397 = arith.constant 48 : index
    %get3A_1398 = tpu.vector_load %arg11[%get3A_1396, %get3A_1397] {strides = array<i32>} : memref<16x80xf32, #tpu.memory_space<vmem>>, vector<16xf32>,
    %add3A_1399 = arith.addf %add3A_1394, %get3A_1398 : vector<16xf32>
    %get3A_1400 = arith.constant 7 : i32
    %get3A_1401 = arith.index_cast %get3A_1400 : i32 to index
    %get3A_1402 = arith.constant 48 : index
    %get3A_1403 = tpu.vector_load %arg11[%get3A_1401, %get3A_1402] {strides = array<i32>} : memref<16x80xf32, #tpu.memory_space<vmem>>, vector<16xf32>,
    %add3A_1404 = arith.addf %add3A_1399, %get3A_1403 : vector<16xf32>
    %get3A_1405 = arith.constant 8 : i32
    %get3A_1406 = arith.index_cast %get3A_1405 : i32 to index
    %get3A_1407 = arith.constant 48 : index
    %get3A_1408 = tpu.vector_load %arg11[%get3A_1406, %get3A_1407] {strides = array<i32>} : memref<16x80xf32, #tpu.memory_space<vmem>>, vector<16xf32>,
    %add3A_1409 = arith.addf %add3A_1404, %get3A_1408 : vector<16xf32>
    %get3A_1410 = arith.constant 9 : i32
    %get3A_1411 = arith.index_cast %get3A_1410 : i32 to index
    %get3A_1412 = arith.constant 48 : index
    %get3A_1413 = tpu.vector_load %arg11[%get3A_1411, %get3A_1412] {strides = array<i32>} : memref<16x80xf32, #tpu.memory_space<vmem>>, vector<16xf32>,
    %add3A_1414 = arith.addf %add3A_1409, %get3A_1413 : vector<16xf32>
    %get3A_1415 = arith.constant 10 : i32
    %get3A_1416 = arith.index_cast %get3A_1415 : i32 to index
    %get3A_1417 = arith.constant 48 : index
    %get3A_1418 = tpu.vector_load %arg11[%get3A_1416, %get3A_1417] {strides = array<i32>} : memref<16x80xf32, #tpu.memory_space<vmem>>, vector<16xf32>,
    %add3A_1419 = arith.addf %add3A_1414, %get3A_1418 : vector<16xf32>
    %get3A_1420 = arith.constant 11 : i32
    %get3A_1421 = arith.index_cast %get3A_1420 : i32 to index
    %get3A_1422 = arith.constant 48 : index
    %get3A_1423 = tpu.vector_load %arg11[%get3A_1421, %get3A_1422] {strides = array<i32>} : memref<16x80xf32, #tpu.memory_space<vmem>>, vector<16xf32>,
    %add3A_1424 = arith.addf %add3A_1419, %get3A_1423 : vector<16xf32>
    %get3A_1425 = arith.constant 12 : i32
    %get3A_1426 = arith.index_cast %get3A_1425 : i32 to index
    %get3A_1427 = arith.constant 48 : index
    %get3A_1428 = tpu.vector_load %arg11[%get3A_1426, %get3A_1427] {strides = array<i32>} : memref<16x80xf32, #tpu.memory_space<vmem>>, vector<16xf32>,
    %add3A_1429 = arith.addf %add3A_1424, %get3A_1428 : vector<16xf32>
    %get3A_1430 = arith.constant 13 : i32
    %get3A_1431 = arith.index_cast %get3A_1430 : i32 to index
    %get3A_1432 = arith.constant 48 : index
    %get3A_1433 = tpu.vector_load %arg11[%get3A_1431, %get3A_1432] {strides = array<i32>} : memref<16x80xf32, #tpu.memory_space<vmem>>, vector<16xf32>,
    %add3A_1434 = arith.addf %add3A_1429, %get3A_1433 : vector<16xf32>
    %get3A_1435 = arith.constant 14 : i32
    %get3A_1436 = arith.index_cast %get3A_1435 : i32 to index
    %get3A_1437 = arith.constant 48 : index
    %get3A_1438 = tpu.vector_load %arg11[%get3A_1436, %get3A_1437] {strides = array<i32>} : memref<16x80xf32, #tpu.memory_space<vmem>>, vector<16xf32>,
    %add3A_1439 = arith.addf %add3A_1434, %get3A_1438 : vector<16xf32>
    %get3A_1440 = arith.constant 15 : i32
    %get3A_1441 = arith.index_cast %get3A_1440 : i32 to index
    %get3A_1442 = arith.constant 48 : index
    %get3A_1443 = tpu.vector_load %arg11[%get3A_1441, %get3A_1442] {strides = array<i32>} : memref<16x80xf32, #tpu.memory_space<vmem>>, vector<16xf32>,
    %add3A_1444 = arith.addf %add3A_1439, %get3A_1443 : vector<16xf32>
    %max3A_1445 = arith.constant 1.000000e+00 : f32
    %max3A_1446 = vector.broadcast %max3A_1445 : f32 to vector<16xf32>
    %max3A_1447 = arith.maximumf %add3A_1444, %max3A_1446 : vector<16xf32>
    %swap3A_1448 = arith.constant 48 : index
    %swap3A_1449 = tpu.vector_load %arg12[%swap3A_1448] {strides = array<i32>} : memref<80xf32, #tpu.memory_space<vmem>>, vector<16xf32>,
    tpu.vector_store %arg12[%swap3A_1448], %max3A_1447 {strides = array<i32>} : memref<80xf32, #tpu.memory_space<vmem>>, vector<16xf32>,
    %get3A_1450 = arith.constant 0 : i32
    %get3A_1451 = arith.index_cast %get3A_1450 : i32 to index
    %get3A_1452 = arith.constant 64 : index
    %get3A_1453 = tpu.vector_load %arg11[%get3A_1451, %get3A_1452] {strides = array<i32>} : memref<16x80xf32, #tpu.memory_space<vmem>>, vector<16xf32>,
    %get3A_1454 = arith.constant 1 : i32
    %get3A_1455 = arith.index_cast %get3A_1454 : i32 to index
    %get3A_1456 = arith.constant 64 : index
    %get3A_1457 = tpu.vector_load %arg11[%get3A_1455, %get3A_1456] {strides = array<i32>} : memref<16x80xf32, #tpu.memory_space<vmem>>, vector<16xf32>,
    %add3A_1458 = arith.addf %get3A_1453, %get3A_1457 : vector<16xf32>
    %get3A_1459 = arith.constant 2 : i32
    %get3A_1460 = arith.index_cast %get3A_1459 : i32 to index
    %get3A_1461 = arith.constant 64 : index
    %get3A_1462 = tpu.vector_load %arg11[%get3A_1460, %get3A_1461] {strides = array<i32>} : memref<16x80xf32, #tpu.memory_space<vmem>>, vector<16xf32>,
    %add3A_1463 = arith.addf %add3A_1458, %get3A_1462 : vector<16xf32>
    %get3A_1464 = arith.constant 3 : i32
    %get3A_1465 = arith.index_cast %get3A_1464 : i32 to index
    %get3A_1466 = arith.constant 64 : index
    %get3A_1467 = tpu.vector_load %arg11[%get3A_1465, %get3A_1466] {strides = array<i32>} : memref<16x80xf32, #tpu.memory_space<vmem>>, vector<16xf32>,
    %add3A_1468 = arith.addf %add3A_1463, %get3A_1467 : vector<16xf32>
    %get3A_1469 = arith.constant 4 : i32
    %get3A_1470 = arith.index_cast %get3A_1469 : i32 to index
    %get3A_1471 = arith.constant 64 : index
    %get3A_1472 = tpu.vector_load %arg11[%get3A_1470, %get3A_1471] {strides = array<i32>} : memref<16x80xf32, #tpu.memory_space<vmem>>, vector<16xf32>,
    %add3A_1473 = arith.addf %add3A_1468, %get3A_1472 : vector<16xf32>
    %get3A_1474 = arith.constant 5 : i32
    %get3A_1475 = arith.index_cast %get3A_1474 : i32 to index
    %get3A_1476 = arith.constant 64 : index
    %get3A_1477 = tpu.vector_load %arg11[%get3A_1475, %get3A_1476] {strides = array<i32>} : memref<16x80xf32, #tpu.memory_space<vmem>>, vector<16xf32>,
    %add3A_1478 = arith.addf %add3A_1473, %get3A_1477 : vector<16xf32>
    %get3A_1479 = arith.constant 6 : i32
    %get3A_1480 = arith.index_cast %get3A_1479 : i32 to index
    %get3A_1481 = arith.constant 64 : index
    %get3A_1482 = tpu.vector_load %arg11[%get3A_1480, %get3A_1481] {strides = array<i32>} : memref<16x80xf32, #tpu.memory_space<vmem>>, vector<16xf32>,
    %add3A_1483 = arith.addf %add3A_1478, %get3A_1482 : vector<16xf32>
    %get3A_1484 = arith.constant 7 : i32
    %get3A_1485 = arith.index_cast %get3A_1484 : i32 to index
    %get3A_1486 = arith.constant 64 : index
    %get3A_1487 = tpu.vector_load %arg11[%get3A_1485, %get3A_1486] {strides = array<i32>} : memref<16x80xf32, #tpu.memory_space<vmem>>, vector<16xf32>,
    %add3A_1488 = arith.addf %add3A_1483, %get3A_1487 : vector<16xf32>
    %get3A_1489 = arith.constant 8 : i32
    %get3A_1490 = arith.index_cast %get3A_1489 : i32 to index
    %get3A_1491 = arith.constant 64 : index
    %get3A_1492 = tpu.vector_load %arg11[%get3A_1490, %get3A_1491] {strides = array<i32>} : memref<16x80xf32, #tpu.memory_space<vmem>>, vector<16xf32>,
    %add3A_1493 = arith.addf %add3A_1488, %get3A_1492 : vector<16xf32>
    %get3A_1494 = arith.constant 9 : i32
    %get3A_1495 = arith.index_cast %get3A_1494 : i32 to index
    %get3A_1496 = arith.constant 64 : index
    %get3A_1497 = tpu.vector_load %arg11[%get3A_1495, %get3A_1496] {strides = array<i32>} : memref<16x80xf32, #tpu.memory_space<vmem>>, vector<16xf32>,
    %add3A_1498 = arith.addf %add3A_1493, %get3A_1497 : vector<16xf32>
    %get3A_1499 = arith.constant 10 : i32
    %get3A_1500 = arith.index_cast %get3A_1499 : i32 to index
    %get3A_1501 = arith.constant 64 : index
    %get3A_1502 = tpu.vector_load %arg11[%get3A_1500, %get3A_1501] {strides = array<i32>} : memref<16x80xf32, #tpu.memory_space<vmem>>, vector<16xf32>,
    %add3A_1503 = arith.addf %add3A_1498, %get3A_1502 : vector<16xf32>
    %get3A_1504 = arith.constant 11 : i32
    %get3A_1505 = arith.index_cast %get3A_1504 : i32 to index
    %get3A_1506 = arith.constant 64 : index
    %get3A_1507 = tpu.vector_load %arg11[%get3A_1505, %get3A_1506] {strides = array<i32>} : memref<16x80xf32, #tpu.memory_space<vmem>>, vector<16xf32>,
    %add3A_1508 = arith.addf %add3A_1503, %get3A_1507 : vector<16xf32>
    %get3A_1509 = arith.constant 12 : i32
    %get3A_1510 = arith.index_cast %get3A_1509 : i32 to index
    %get3A_1511 = arith.constant 64 : index
    %get3A_1512 = tpu.vector_load %arg11[%get3A_1510, %get3A_1511] {strides = array<i32>} : memref<16x80xf32, #tpu.memory_space<vmem>>, vector<16xf32>,
    %add3A_1513 = arith.addf %add3A_1508, %get3A_1512 : vector<16xf32>
    %get3A_1514 = arith.constant 13 : i32
    %get3A_1515 = arith.index_cast %get3A_1514 : i32 to index
    %get3A_1516 = arith.constant 64 : index
    %get3A_1517 = tpu.vector_load %arg11[%get3A_1515, %get3A_1516] {strides = array<i32>} : memref<16x80xf32, #tpu.memory_space<vmem>>, vector<16xf32>,
    %add3A_1518 = arith.addf %add3A_1513, %get3A_1517 : vector<16xf32>
    %get3A_1519 = arith.constant 14 : i32
    %get3A_1520 = arith.index_cast %get3A_1519 : i32 to index
    %get3A_1521 = arith.constant 64 : index
    %get3A_1522 = tpu.vector_load %arg11[%get3A_1520, %get3A_1521] {strides = array<i32>} : memref<16x80xf32, #tpu.memory_space<vmem>>, vector<16xf32>,
    %add3A_1523 = arith.addf %add3A_1518, %get3A_1522 : vector<16xf32>
    %get3A_1524 = arith.constant 15 : i32
    %get3A_1525 = arith.index_cast %get3A_1524 : i32 to index
    %get3A_1526 = arith.constant 64 : index
    %get3A_1527 = tpu.vector_load %arg11[%get3A_1525, %get3A_1526] {strides = array<i32>} : memref<16x80xf32, #tpu.memory_space<vmem>>, vector<16xf32>,
    %add3A_1528 = arith.addf %add3A_1523, %get3A_1527 : vector<16xf32>
    %max3A_1529 = arith.constant 1.000000e+00 : f32
    %max3A_1530 = vector.broadcast %max3A_1529 : f32 to vector<16xf32>
    %max3A_1531 = arith.maximumf %add3A_1528, %max3A_1530 : vector<16xf32>
    %swap3A_1532 = arith.constant 64 : index
    %swap3A_1533 = tpu.vector_load %arg12[%swap3A_1532] {strides = array<i32>} : memref<80xf32, #tpu.memory_space<vmem>>, vector<16xf32>,
    tpu.vector_store %arg12[%swap3A_1532], %max3A_1531 {strides = array<i32>} : memref<80xf32, #tpu.memory_space<vmem>>, vector<16xf32>,
    %scan3A_1534 = arith.constant 0 : i32
    %scan3A_1535 = arith.constant 0 : i32
    %scan3A_1536 = arith.constant 80 : i32
    %scan3A_1537 = arith.addi %scan3A_1535, %scan3A_1536 : i32
    %scan3A_1538 = arith.constant 1 : i32
    scf.for %scan3A_1976 = %scan3A_1535 to %scan3A_1537 step %scan3A_1538  : i32 {
      %broadcast_in_dim3A_1977 = vector.broadcast %scan3A_1976 : i32 to vector<16xi32>
      %gather3A = tpu.vector_load_idx %arg12[%broadcast_in_dim3A_1977] : memref<80xf32, #tpu.memory_space<vmem>>[vector<16xi32>], vector<16xf32>,
      %get3A_1978 = arith.index_cast %scan3A_1976 : i32 to index
      %get3A_1979 = arith.constant 0 : index
      %get3A_1980 = tpu.vector_load %arg6[%get3A_1978, %get3A_1979] {strides = array<i32>} : memref<128x128xf32, #tpu.memory_space<vmem>>, vector<16xf32>,
      %div3A_1981 = arith.divf %get3A_1980, %gather3A : vector<16xf32>
      %swap3A_1982 = arith.index_cast %scan3A_1976 : i32 to index
      %swap3A_1983 = arith.constant 0 : index
      %swap3A_1984 = tpu.vector_load %arg6[%swap3A_1982, %swap3A_1983] {strides = array<i32>} : memref<128x128xf32, #tpu.memory_space<vmem>>, vector<16xf32>,
      tpu.vector_store %arg6[%swap3A_1982, %swap3A_1983], %div3A_1981 {strides = array<i32>} : memref<128x128xf32, #tpu.memory_space<vmem>>, vector<16xf32>,
      %get3A_1985 = arith.index_cast %scan3A_1976 : i32 to index
      %get3A_1986 = arith.constant 16 : index
      %get3A_1987 = tpu.vector_load %arg6[%get3A_1985, %get3A_1986] {strides = array<i32>} : memref<128x128xf32, #tpu.memory_space<vmem>>, vector<16xf32>,
      %div3A_1988 = arith.divf %get3A_1987, %gather3A : vector<16xf32>
      %swap3A_1989 = arith.index_cast %scan3A_1976 : i32 to index
      %swap3A_1990 = arith.constant 16 : index
      %swap3A_1991 = tpu.vector_load %arg6[%swap3A_1989, %swap3A_1990] {strides = array<i32>} : memref<128x128xf32, #tpu.memory_space<vmem>>, vector<16xf32>,
      tpu.vector_store %arg6[%swap3A_1989, %swap3A_1990], %div3A_1988 {strides = array<i32>} : memref<128x128xf32, #tpu.memory_space<vmem>>, vector<16xf32>,
      %get3A_1992 = arith.index_cast %scan3A_1976 : i32 to index
      %get3A_1993 = arith.constant 32 : index
      %get3A_1994 = tpu.vector_load %arg6[%get3A_1992, %get3A_1993] {strides = array<i32>} : memref<128x128xf32, #tpu.memory_space<vmem>>, vector<16xf32>,
      %div3A_1995 = arith.divf %get3A_1994, %gather3A : vector<16xf32>
      %swap3A_1996 = arith.index_cast %scan3A_1976 : i32 to index
      %swap3A_1997 = arith.constant 32 : index
      %swap3A_1998 = tpu.vector_load %arg6[%swap3A_1996, %swap3A_1997] {strides = array<i32>} : memref<128x128xf32, #tpu.memory_space<vmem>>, vector<16xf32>,
      tpu.vector_store %arg6[%swap3A_1996, %swap3A_1997], %div3A_1995 {strides = array<i32>} : memref<128x128xf32, #tpu.memory_space<vmem>>, vector<16xf32>,
      %get3A_1999 = arith.index_cast %scan3A_1976 : i32 to index
      %get3A_2000 = arith.constant 48 : index
      %get3A_2001 = tpu.vector_load %arg6[%get3A_1999, %get3A_2000] {strides = array<i32>} : memref<128x128xf32, #tpu.memory_space<vmem>>, vector<16xf32>,
      %div3A_2002 = arith.divf %get3A_2001, %gather3A : vector<16xf32>
      %swap3A_2003 = arith.index_cast %scan3A_1976 : i32 to index
      %swap3A_2004 = arith.constant 48 : index
      %swap3A_2005 = tpu.vector_load %arg6[%swap3A_2003, %swap3A_2004] {strides = array<i32>} : memref<128x128xf32, #tpu.memory_space<vmem>>, vector<16xf32>,
      tpu.vector_store %arg6[%swap3A_2003, %swap3A_2004], %div3A_2002 {strides = array<i32>} : memref<128x128xf32, #tpu.memory_space<vmem>>, vector<16xf32>,
      %get3A_2006 = arith.index_cast %scan3A_1976 : i32 to index
      %get3A_2007 = arith.constant 64 : index
      %get3A_2008 = tpu.vector_load %arg6[%get3A_2006, %get3A_2007] {strides = array<i32>} : memref<128x128xf32, #tpu.memory_space<vmem>>, vector<16xf32>,
      %div3A_2009 = arith.divf %get3A_2008, %gather3A : vector<16xf32>
      %swap3A_2010 = arith.index_cast %scan3A_1976 : i32 to index
      %swap3A_2011 = arith.constant 64 : index
      %swap3A_2012 = tpu.vector_load %arg6[%swap3A_2010, %swap3A_2011] {strides = array<i32>} : memref<128x128xf32, #tpu.memory_space<vmem>>, vector<16xf32>,
      tpu.vector_store %arg6[%swap3A_2010, %swap3A_2011], %div3A_2009 {strides = array<i32>} : memref<128x128xf32, #tpu.memory_space<vmem>>, vector<16xf32>,
      %get3A_2013 = arith.index_cast %scan3A_1976 : i32 to index
      %get3A_2014 = arith.constant 80 : index
      %get3A_2015 = tpu.vector_load %arg6[%get3A_2013, %get3A_2014] {strides = array<i32>} : memref<128x128xf32, #tpu.memory_space<vmem>>, vector<16xf32>,
      %div3A_2016 = arith.divf %get3A_2015, %gather3A : vector<16xf32>
      %swap3A_2017 = arith.index_cast %scan3A_1976 : i32 to index
      %swap3A_2018 = arith.constant 80 : index
      %swap3A_2019 = tpu.vector_load %arg6[%swap3A_2017, %swap3A_2018] {strides = array<i32>} : memref<128x128xf32, #tpu.memory_space<vmem>>, vector<16xf32>,
      tpu.vector_store %arg6[%swap3A_2017, %swap3A_2018], %div3A_2016 {strides = array<i32>} : memref<128x128xf32, #tpu.memory_space<vmem>>, vector<16xf32>,
      %get3A_2020 = arith.index_cast %scan3A_1976 : i32 to index
      %get3A_2021 = arith.constant 96 : index
      %get3A_2022 = tpu.vector_load %arg6[%get3A_2020, %get3A_2021] {strides = array<i32>} : memref<128x128xf32, #tpu.memory_space<vmem>>, vector<16xf32>,
      %div3A_2023 = arith.divf %get3A_2022, %gather3A : vector<16xf32>
      %swap3A_2024 = arith.index_cast %scan3A_1976 : i32 to index
      %swap3A_2025 = arith.constant 96 : index
      %swap3A_2026 = tpu.vector_load %arg6[%swap3A_2024, %swap3A_2025] {strides = array<i32>} : memref<128x128xf32, #tpu.memory_space<vmem>>, vector<16xf32>,
      tpu.vector_store %arg6[%swap3A_2024, %swap3A_2025], %div3A_2023 {strides = array<i32>} : memref<128x128xf32, #tpu.memory_space<vmem>>, vector<16xf32>,
      %get3A_2027 = arith.index_cast %scan3A_1976 : i32 to index
      %get3A_2028 = arith.constant 112 : index
      %get3A_2029 = tpu.vector_load %arg6[%get3A_2027, %get3A_2028] {strides = array<i32>} : memref<128x128xf32, #tpu.memory_space<vmem>>, vector<16xf32>,
      %div3A_2030 = arith.divf %get3A_2029, %gather3A : vector<16xf32>
      %swap3A_2031 = arith.index_cast %scan3A_1976 : i32 to index
      %swap3A_2032 = arith.constant 112 : index
      %swap3A_2033 = tpu.vector_load %arg6[%swap3A_2031, %swap3A_2032] {strides = array<i32>} : memref<128x128xf32, #tpu.memory_space<vmem>>, vector<16xf32>,
      tpu.vector_store %arg6[%swap3A_2031, %swap3A_2032], %div3A_2030 {strides = array<i32>} : memref<128x128xf32, #tpu.memory_space<vmem>>, vector<16xf32>,
    }
    %scan3A_1539 = arith.constant 80 : i32
    %add3A_1540 = arith.addi %mul3A_135, %mul3A_148 : i32
    %add3A_1541 = arith.constant 160 : i32
    %add3A_1542 = arith.addi %add3A_1540, %add3A_1541 : i32
    "tpu.region"() ({
      %run_scoped3A = tpu.sem_alloc : memref<!tpu.dma_semaphore, #tpu.memory_space<semaphore_mem>>
      %dma_start3A_1976 = arith.constant 0 : i32
      %dma_start3A_1977 = arith.constant 0 : i32
      %dma_start3A_1978 = tpu.memref_slice %arg6[%dma_start3A_1976, %dma_start3A_1977] : memref<128x128xf32, #tpu.memory_space<vmem>> -> memref<80x128xf32, #tpu.memory_space<vmem>>
      %dma_start3A_1979 = arith.constant 0 : i32
      %dma_start3A_1980 = tpu.memref_slice %arg5[%add3A_1542, %dma_start3A_1979] : memref<10000x128xf32, #tpu.memory_space<hbm>> -> memref<80x128xf32, #tpu.memory_space<hbm>>
      %dma_start3A_1981 = arith.constant 0 : i32
      %dma_start3A_1982 = tpu.memref_slice %arg5[%add3A_1542, %dma_start3A_1981] : memref<10000x128xf32, #tpu.memory_space<hbm>> -> memref<80x128xf32, #tpu.memory_space<hbm>>
      %dma_start3A_1983 = arith.constant 0 : i32
      %dma_start3A_1984 = arith.constant 0 : i32
      %dma_start3A_1985 = tpu.memref_slice %arg6[%dma_start3A_1983, %dma_start3A_1984] : memref<128x128xf32, #tpu.memory_space<vmem>> -> memref<80x128xf32, #tpu.memory_space<vmem>>
      tpu.enqueue_dma source(%dma_start3A_1985 : memref<80x128xf32, #tpu.memory_space<vmem>>) target(%dma_start3A_1982 : memref<80x128xf32, #tpu.memory_space<hbm>>) target_semaphore(%run_scoped3A : memref<!tpu.dma_semaphore, #tpu.memory_space<semaphore_mem>>)
      %dma_wait3A_1986 = arith.constant 0 : i32
      %dma_wait3A_1987 = arith.constant 0 : i32
      %dma_wait3A_1988 = tpu.memref_slice %arg6[%dma_wait3A_1986, %dma_wait3A_1987] : memref<128x128xf32, #tpu.memory_space<vmem>> -> memref<80x128xf32, #tpu.memory_space<vmem>>
      %dma_wait3A_1989 = arith.constant 0 : i32
      %dma_wait3A_1990 = tpu.memref_slice %arg5[%add3A_1542, %dma_wait3A_1989] : memref<10000x128xf32, #tpu.memory_space<hbm>> -> memref<80x128xf32, #tpu.memory_space<hbm>>
      %dma_wait3A_1991 = arith.constant 0 : i32
      %dma_wait3A_1992 = tpu.memref_slice %arg5[%add3A_1542, %dma_wait3A_1991] : memref<10000x128xf32, #tpu.memory_space<hbm>> -> memref<80x128xf32, #tpu.memory_space<hbm>>
      %dma_wait3A_1993 = arith.constant 0 : i32
      %dma_wait3A_1994 = arith.constant 0 : i32
      %dma_wait3A_1995 = tpu.memref_slice %arg6[%dma_wait3A_1993, %dma_wait3A_1994] : memref<128x128xf32, #tpu.memory_space<vmem>> -> memref<80x128xf32, #tpu.memory_space<vmem>>
      tpu.wait_dma2 semaphore(%run_scoped3A : memref<!tpu.dma_semaphore, #tpu.memory_space<semaphore_mem>>) src(%dma_wait3A_1995 : memref<80x128xf32, #tpu.memory_space<vmem>>) dst(%dma_wait3A_1992 : memref<80x128xf32, #tpu.memory_space<hbm>>)
      tpu.yield
    }) : () -> ()
    %add3A_1543 = arith.constant 240 : i32
    %add3A_1544 = arith.addi %mul3A_148, %add3A_1543 : i32
    "tpu.region"() ({
      %run_scoped3A = tpu.sem_alloc : memref<!tpu.dma_semaphore, #tpu.memory_space<semaphore_mem>>
      %dma_start3A_1976 = arith.constant 0 : i32
      %dma_start3A_1977 = arith.constant 0 : i32
      %dma_start3A_1978 = tpu.memref_slice %arg6[%dma_start3A_1976, %dma_start3A_1977] : memref<128x128xf32, #tpu.memory_space<vmem>> -> memref<80x128xf32, #tpu.memory_space<vmem>>
      %dma_start3A_1979 = arith.constant 0 : i32
      %dma_start3A_1980 = tpu.memref_slice %arg18[%add3A_1544, %dma_start3A_1979] : memref<5008x128xf32, #tpu.memory_space<vmem_shared>> -> memref<80x128xf32, #tpu.memory_space<vmem_shared>>
      %dma_start3A_1981 = arith.constant 0 : i32
      %dma_start3A_1982 = arith.constant 0 : i32
      %dma_start3A_1983 = tpu.memref_slice %arg6[%dma_start3A_1981, %dma_start3A_1982] : memref<128x128xf32, #tpu.memory_space<vmem>> -> memref<80x128xf32, #tpu.memory_space<vmem>>
      %dma_start3A_1984 = arith.constant 0 : i32
      %dma_start3A_1985 = tpu.memref_slice %arg18[%add3A_1544, %dma_start3A_1984] : memref<5008x128xf32, #tpu.memory_space<vmem_shared>> -> memref<80x128xf32, #tpu.memory_space<vmem_shared>>
      tpu.enqueue_dma source(%dma_start3A_1985 : memref<80x128xf32, #tpu.memory_space<vmem_shared>>) target(%dma_start3A_1983 : memref<80x128xf32, #tpu.memory_space<vmem>>) target_semaphore(%run_scoped3A : memref<!tpu.dma_semaphore, #tpu.memory_space<semaphore_mem>>)
      %dma_wait3A_1986 = arith.constant 0 : i32
      %dma_wait3A_1987 = arith.constant 0 : i32
      %dma_wait3A_1988 = tpu.memref_slice %arg6[%dma_wait3A_1986, %dma_wait3A_1987] : memref<128x128xf32, #tpu.memory_space<vmem>> -> memref<80x128xf32, #tpu.memory_space<vmem>>
      %dma_wait3A_1989 = arith.constant 0 : i32
      %dma_wait3A_1990 = tpu.memref_slice %arg18[%add3A_1544, %dma_wait3A_1989] : memref<5008x128xf32, #tpu.memory_space<vmem_shared>> -> memref<80x128xf32, #tpu.memory_space<vmem_shared>>
      %dma_wait3A_1991 = arith.constant 0 : i32
      %dma_wait3A_1992 = arith.constant 0 : i32
      %dma_wait3A_1993 = tpu.memref_slice %arg6[%dma_wait3A_1991, %dma_wait3A_1992] : memref<128x128xf32, #tpu.memory_space<vmem>> -> memref<80x128xf32, #tpu.memory_space<vmem>>
      %dma_wait3A_1994 = arith.constant 0 : i32
      %dma_wait3A_1995 = tpu.memref_slice %arg18[%add3A_1544, %dma_wait3A_1994] : memref<5008x128xf32, #tpu.memory_space<vmem_shared>> -> memref<80x128xf32, #tpu.memory_space<vmem_shared>>
      tpu.wait_dma2 semaphore(%run_scoped3A : memref<!tpu.dma_semaphore, #tpu.memory_space<semaphore_mem>>) src(%dma_wait3A_1995 : memref<80x128xf32, #tpu.memory_space<vmem_shared>>) dst(%dma_wait3A_1993 : memref<80x128xf32, #tpu.memory_space<vmem>>)
      tpu.yield
    }) : () -> ()
    %add3A_1545 = arith.constant 240 : i32
    %add3A_1546 = arith.addi %mul3A_148, %add3A_1545 : i32
    "tpu.region"() ({
      %run_scoped3A = tpu.sem_alloc : memref<!tpu.dma_semaphore, #tpu.memory_space<semaphore_mem>>
      %dma_start3A_1976 = arith.constant 0 : i32
      %dma_start3A_1977 = tpu.memref_slice %arg19[%dma_start3A_1976, %add3A_1546] : memref<16x5008xf32, #tpu.memory_space<vmem_shared>> -> memref<16x80xf32, #tpu.memory_space<vmem_shared>>
      %dma_start3A_1978 = arith.constant 0 : i32
      %dma_start3A_1979 = tpu.memref_slice %arg19[%dma_start3A_1978, %add3A_1546] : memref<16x5008xf32, #tpu.memory_space<vmem_shared>> -> memref<16x80xf32, #tpu.memory_space<vmem_shared>>
      tpu.enqueue_dma source(%dma_start3A_1979 : memref<16x80xf32, #tpu.memory_space<vmem_shared>>) target(%arg11 : memref<16x80xf32, #tpu.memory_space<vmem>>) target_semaphore(%run_scoped3A : memref<!tpu.dma_semaphore, #tpu.memory_space<semaphore_mem>>)
      %dma_wait3A_1980 = arith.constant 0 : i32
      %dma_wait3A_1981 = tpu.memref_slice %arg19[%dma_wait3A_1980, %add3A_1546] : memref<16x5008xf32, #tpu.memory_space<vmem_shared>> -> memref<16x80xf32, #tpu.memory_space<vmem_shared>>
      %dma_wait3A_1982 = arith.constant 0 : i32
      %dma_wait3A_1983 = tpu.memref_slice %arg19[%dma_wait3A_1982, %add3A_1546] : memref<16x5008xf32, #tpu.memory_space<vmem_shared>> -> memref<16x80xf32, #tpu.memory_space<vmem_shared>>
      tpu.wait_dma2 semaphore(%run_scoped3A : memref<!tpu.dma_semaphore, #tpu.memory_space<semaphore_mem>>) src(%dma_wait3A_1983 : memref<16x80xf32, #tpu.memory_space<vmem_shared>>) dst(%arg11 : memref<16x80xf32, #tpu.memory_space<vmem>>)
      tpu.yield
    }) : () -> ()
    %get3A_1547 = arith.constant 0 : i32
    %get3A_1548 = arith.index_cast %get3A_1547 : i32 to index
    %get3A_1549 = arith.constant 0 : index
    %get3A_1550 = tpu.vector_load %arg11[%get3A_1548, %get3A_1549] {strides = array<i32>} : memref<16x80xf32, #tpu.memory_space<vmem>>, vector<16xf32>,
    %get3A_1551 = arith.constant 1 : i32
    %get3A_1552 = arith.index_cast %get3A_1551 : i32 to index
    %get3A_1553 = arith.constant 0 : index
    %get3A_1554 = tpu.vector_load %arg11[%get3A_1552, %get3A_1553] {strides = array<i32>} : memref<16x80xf32, #tpu.memory_space<vmem>>, vector<16xf32>,
    %add3A_1555 = arith.addf %get3A_1550, %get3A_1554 : vector<16xf32>
    %get3A_1556 = arith.constant 2 : i32
    %get3A_1557 = arith.index_cast %get3A_1556 : i32 to index
    %get3A_1558 = arith.constant 0 : index
    %get3A_1559 = tpu.vector_load %arg11[%get3A_1557, %get3A_1558] {strides = array<i32>} : memref<16x80xf32, #tpu.memory_space<vmem>>, vector<16xf32>,
    %add3A_1560 = arith.addf %add3A_1555, %get3A_1559 : vector<16xf32>
    %get3A_1561 = arith.constant 3 : i32
    %get3A_1562 = arith.index_cast %get3A_1561 : i32 to index
    %get3A_1563 = arith.constant 0 : index
    %get3A_1564 = tpu.vector_load %arg11[%get3A_1562, %get3A_1563] {strides = array<i32>} : memref<16x80xf32, #tpu.memory_space<vmem>>, vector<16xf32>,
    %add3A_1565 = arith.addf %add3A_1560, %get3A_1564 : vector<16xf32>
    %get3A_1566 = arith.constant 4 : i32
    %get3A_1567 = arith.index_cast %get3A_1566 : i32 to index
    %get3A_1568 = arith.constant 0 : index
    %get3A_1569 = tpu.vector_load %arg11[%get3A_1567, %get3A_1568] {strides = array<i32>} : memref<16x80xf32, #tpu.memory_space<vmem>>, vector<16xf32>,
    %add3A_1570 = arith.addf %add3A_1565, %get3A_1569 : vector<16xf32>
    %get3A_1571 = arith.constant 5 : i32
    %get3A_1572 = arith.index_cast %get3A_1571 : i32 to index
    %get3A_1573 = arith.constant 0 : index
    %get3A_1574 = tpu.vector_load %arg11[%get3A_1572, %get3A_1573] {strides = array<i32>} : memref<16x80xf32, #tpu.memory_space<vmem>>, vector<16xf32>,
    %add3A_1575 = arith.addf %add3A_1570, %get3A_1574 : vector<16xf32>
    %get3A_1576 = arith.constant 6 : i32
    %get3A_1577 = arith.index_cast %get3A_1576 : i32 to index
    %get3A_1578 = arith.constant 0 : index
    %get3A_1579 = tpu.vector_load %arg11[%get3A_1577, %get3A_1578] {strides = array<i32>} : memref<16x80xf32, #tpu.memory_space<vmem>>, vector<16xf32>,
    %add3A_1580 = arith.addf %add3A_1575, %get3A_1579 : vector<16xf32>
    %get3A_1581 = arith.constant 7 : i32
    %get3A_1582 = arith.index_cast %get3A_1581 : i32 to index
    %get3A_1583 = arith.constant 0 : index
    %get3A_1584 = tpu.vector_load %arg11[%get3A_1582, %get3A_1583] {strides = array<i32>} : memref<16x80xf32, #tpu.memory_space<vmem>>, vector<16xf32>,
    %add3A_1585 = arith.addf %add3A_1580, %get3A_1584 : vector<16xf32>
    %get3A_1586 = arith.constant 8 : i32
    %get3A_1587 = arith.index_cast %get3A_1586 : i32 to index
    %get3A_1588 = arith.constant 0 : index
    %get3A_1589 = tpu.vector_load %arg11[%get3A_1587, %get3A_1588] {strides = array<i32>} : memref<16x80xf32, #tpu.memory_space<vmem>>, vector<16xf32>,
    %add3A_1590 = arith.addf %add3A_1585, %get3A_1589 : vector<16xf32>
    %get3A_1591 = arith.constant 9 : i32
    %get3A_1592 = arith.index_cast %get3A_1591 : i32 to index
    %get3A_1593 = arith.constant 0 : index
    %get3A_1594 = tpu.vector_load %arg11[%get3A_1592, %get3A_1593] {strides = array<i32>} : memref<16x80xf32, #tpu.memory_space<vmem>>, vector<16xf32>,
    %add3A_1595 = arith.addf %add3A_1590, %get3A_1594 : vector<16xf32>
    %get3A_1596 = arith.constant 10 : i32
    %get3A_1597 = arith.index_cast %get3A_1596 : i32 to index
    %get3A_1598 = arith.constant 0 : index
    %get3A_1599 = tpu.vector_load %arg11[%get3A_1597, %get3A_1598] {strides = array<i32>} : memref<16x80xf32, #tpu.memory_space<vmem>>, vector<16xf32>,
    %add3A_1600 = arith.addf %add3A_1595, %get3A_1599 : vector<16xf32>
    %get3A_1601 = arith.constant 11 : i32
    %get3A_1602 = arith.index_cast %get3A_1601 : i32 to index
    %get3A_1603 = arith.constant 0 : index
    %get3A_1604 = tpu.vector_load %arg11[%get3A_1602, %get3A_1603] {strides = array<i32>} : memref<16x80xf32, #tpu.memory_space<vmem>>, vector<16xf32>,
    %add3A_1605 = arith.addf %add3A_1600, %get3A_1604 : vector<16xf32>
    %get3A_1606 = arith.constant 12 : i32
    %get3A_1607 = arith.index_cast %get3A_1606 : i32 to index
    %get3A_1608 = arith.constant 0 : index
    %get3A_1609 = tpu.vector_load %arg11[%get3A_1607, %get3A_1608] {strides = array<i32>} : memref<16x80xf32, #tpu.memory_space<vmem>>, vector<16xf32>,
    %add3A_1610 = arith.addf %add3A_1605, %get3A_1609 : vector<16xf32>
    %get3A_1611 = arith.constant 13 : i32
    %get3A_1612 = arith.index_cast %get3A_1611 : i32 to index
    %get3A_1613 = arith.constant 0 : index
    %get3A_1614 = tpu.vector_load %arg11[%get3A_1612, %get3A_1613] {strides = array<i32>} : memref<16x80xf32, #tpu.memory_space<vmem>>, vector<16xf32>,
    %add3A_1615 = arith.addf %add3A_1610, %get3A_1614 : vector<16xf32>
    %get3A_1616 = arith.constant 14 : i32
    %get3A_1617 = arith.index_cast %get3A_1616 : i32 to index
    %get3A_1618 = arith.constant 0 : index
    %get3A_1619 = tpu.vector_load %arg11[%get3A_1617, %get3A_1618] {strides = array<i32>} : memref<16x80xf32, #tpu.memory_space<vmem>>, vector<16xf32>,
    %add3A_1620 = arith.addf %add3A_1615, %get3A_1619 : vector<16xf32>
    %get3A_1621 = arith.constant 15 : i32
    %get3A_1622 = arith.index_cast %get3A_1621 : i32 to index
    %get3A_1623 = arith.constant 0 : index
    %get3A_1624 = tpu.vector_load %arg11[%get3A_1622, %get3A_1623] {strides = array<i32>} : memref<16x80xf32, #tpu.memory_space<vmem>>, vector<16xf32>,
    %add3A_1625 = arith.addf %add3A_1620, %get3A_1624 : vector<16xf32>
    %max3A_1626 = arith.constant 1.000000e+00 : f32
    %max3A_1627 = vector.broadcast %max3A_1626 : f32 to vector<16xf32>
    %max3A_1628 = arith.maximumf %add3A_1625, %max3A_1627 : vector<16xf32>
    %swap3A_1629 = arith.constant 0 : index
    %swap3A_1630 = tpu.vector_load %arg12[%swap3A_1629] {strides = array<i32>} : memref<80xf32, #tpu.memory_space<vmem>>, vector<16xf32>,
    tpu.vector_store %arg12[%swap3A_1629], %max3A_1628 {strides = array<i32>} : memref<80xf32, #tpu.memory_space<vmem>>, vector<16xf32>,
    %get3A_1631 = arith.constant 0 : i32
    %get3A_1632 = arith.index_cast %get3A_1631 : i32 to index
    %get3A_1633 = arith.constant 16 : index
    %get3A_1634 = tpu.vector_load %arg11[%get3A_1632, %get3A_1633] {strides = array<i32>} : memref<16x80xf32, #tpu.memory_space<vmem>>, vector<16xf32>,
    %get3A_1635 = arith.constant 1 : i32
    %get3A_1636 = arith.index_cast %get3A_1635 : i32 to index
    %get3A_1637 = arith.constant 16 : index
    %get3A_1638 = tpu.vector_load %arg11[%get3A_1636, %get3A_1637] {strides = array<i32>} : memref<16x80xf32, #tpu.memory_space<vmem>>, vector<16xf32>,
    %add3A_1639 = arith.addf %get3A_1634, %get3A_1638 : vector<16xf32>
    %get3A_1640 = arith.constant 2 : i32
    %get3A_1641 = arith.index_cast %get3A_1640 : i32 to index
    %get3A_1642 = arith.constant 16 : index
    %get3A_1643 = tpu.vector_load %arg11[%get3A_1641, %get3A_1642] {strides = array<i32>} : memref<16x80xf32, #tpu.memory_space<vmem>>, vector<16xf32>,
    %add3A_1644 = arith.addf %add3A_1639, %get3A_1643 : vector<16xf32>
    %get3A_1645 = arith.constant 3 : i32
    %get3A_1646 = arith.index_cast %get3A_1645 : i32 to index
    %get3A_1647 = arith.constant 16 : index
    %get3A_1648 = tpu.vector_load %arg11[%get3A_1646, %get3A_1647] {strides = array<i32>} : memref<16x80xf32, #tpu.memory_space<vmem>>, vector<16xf32>,
    %add3A_1649 = arith.addf %add3A_1644, %get3A_1648 : vector<16xf32>
    %get3A_1650 = arith.constant 4 : i32
    %get3A_1651 = arith.index_cast %get3A_1650 : i32 to index
    %get3A_1652 = arith.constant 16 : index
    %get3A_1653 = tpu.vector_load %arg11[%get3A_1651, %get3A_1652] {strides = array<i32>} : memref<16x80xf32, #tpu.memory_space<vmem>>, vector<16xf32>,
    %add3A_1654 = arith.addf %add3A_1649, %get3A_1653 : vector<16xf32>
    %get3A_1655 = arith.constant 5 : i32
    %get3A_1656 = arith.index_cast %get3A_1655 : i32 to index
    %get3A_1657 = arith.constant 16 : index
    %get3A_1658 = tpu.vector_load %arg11[%get3A_1656, %get3A_1657] {strides = array<i32>} : memref<16x80xf32, #tpu.memory_space<vmem>>, vector<16xf32>,
    %add3A_1659 = arith.addf %add3A_1654, %get3A_1658 : vector<16xf32>
    %get3A_1660 = arith.constant 6 : i32
    %get3A_1661 = arith.index_cast %get3A_1660 : i32 to index
    %get3A_1662 = arith.constant 16 : index
    %get3A_1663 = tpu.vector_load %arg11[%get3A_1661, %get3A_1662] {strides = array<i32>} : memref<16x80xf32, #tpu.memory_space<vmem>>, vector<16xf32>,
    %add3A_1664 = arith.addf %add3A_1659, %get3A_1663 : vector<16xf32>
    %get3A_1665 = arith.constant 7 : i32
    %get3A_1666 = arith.index_cast %get3A_1665 : i32 to index
    %get3A_1667 = arith.constant 16 : index
    %get3A_1668 = tpu.vector_load %arg11[%get3A_1666, %get3A_1667] {strides = array<i32>} : memref<16x80xf32, #tpu.memory_space<vmem>>, vector<16xf32>,
    %add3A_1669 = arith.addf %add3A_1664, %get3A_1668 : vector<16xf32>
    %get3A_1670 = arith.constant 8 : i32
    %get3A_1671 = arith.index_cast %get3A_1670 : i32 to index
    %get3A_1672 = arith.constant 16 : index
    %get3A_1673 = tpu.vector_load %arg11[%get3A_1671, %get3A_1672] {strides = array<i32>} : memref<16x80xf32, #tpu.memory_space<vmem>>, vector<16xf32>,
    %add3A_1674 = arith.addf %add3A_1669, %get3A_1673 : vector<16xf32>
    %get3A_1675 = arith.constant 9 : i32
    %get3A_1676 = arith.index_cast %get3A_1675 : i32 to index
    %get3A_1677 = arith.constant 16 : index
    %get3A_1678 = tpu.vector_load %arg11[%get3A_1676, %get3A_1677] {strides = array<i32>} : memref<16x80xf32, #tpu.memory_space<vmem>>, vector<16xf32>,
    %add3A_1679 = arith.addf %add3A_1674, %get3A_1678 : vector<16xf32>
    %get3A_1680 = arith.constant 10 : i32
    %get3A_1681 = arith.index_cast %get3A_1680 : i32 to index
    %get3A_1682 = arith.constant 16 : index
    %get3A_1683 = tpu.vector_load %arg11[%get3A_1681, %get3A_1682] {strides = array<i32>} : memref<16x80xf32, #tpu.memory_space<vmem>>, vector<16xf32>,
    %add3A_1684 = arith.addf %add3A_1679, %get3A_1683 : vector<16xf32>
    %get3A_1685 = arith.constant 11 : i32
    %get3A_1686 = arith.index_cast %get3A_1685 : i32 to index
    %get3A_1687 = arith.constant 16 : index
    %get3A_1688 = tpu.vector_load %arg11[%get3A_1686, %get3A_1687] {strides = array<i32>} : memref<16x80xf32, #tpu.memory_space<vmem>>, vector<16xf32>,
    %add3A_1689 = arith.addf %add3A_1684, %get3A_1688 : vector<16xf32>
    %get3A_1690 = arith.constant 12 : i32
    %get3A_1691 = arith.index_cast %get3A_1690 : i32 to index
    %get3A_1692 = arith.constant 16 : index
    %get3A_1693 = tpu.vector_load %arg11[%get3A_1691, %get3A_1692] {strides = array<i32>} : memref<16x80xf32, #tpu.memory_space<vmem>>, vector<16xf32>,
    %add3A_1694 = arith.addf %add3A_1689, %get3A_1693 : vector<16xf32>
    %get3A_1695 = arith.constant 13 : i32
    %get3A_1696 = arith.index_cast %get3A_1695 : i32 to index
    %get3A_1697 = arith.constant 16 : index
    %get3A_1698 = tpu.vector_load %arg11[%get3A_1696, %get3A_1697] {strides = array<i32>} : memref<16x80xf32, #tpu.memory_space<vmem>>, vector<16xf32>,
    %add3A_1699 = arith.addf %add3A_1694, %get3A_1698 : vector<16xf32>
    %get3A_1700 = arith.constant 14 : i32
    %get3A_1701 = arith.index_cast %get3A_1700 : i32 to index
    %get3A_1702 = arith.constant 16 : index
    %get3A_1703 = tpu.vector_load %arg11[%get3A_1701, %get3A_1702] {strides = array<i32>} : memref<16x80xf32, #tpu.memory_space<vmem>>, vector<16xf32>,
    %add3A_1704 = arith.addf %add3A_1699, %get3A_1703 : vector<16xf32>
    %get3A_1705 = arith.constant 15 : i32
    %get3A_1706 = arith.index_cast %get3A_1705 : i32 to index
    %get3A_1707 = arith.constant 16 : index
    %get3A_1708 = tpu.vector_load %arg11[%get3A_1706, %get3A_1707] {strides = array<i32>} : memref<16x80xf32, #tpu.memory_space<vmem>>, vector<16xf32>,
    %add3A_1709 = arith.addf %add3A_1704, %get3A_1708 : vector<16xf32>
    %max3A_1710 = arith.constant 1.000000e+00 : f32
    %max3A_1711 = vector.broadcast %max3A_1710 : f32 to vector<16xf32>
    %max3A_1712 = arith.maximumf %add3A_1709, %max3A_1711 : vector<16xf32>
    %swap3A_1713 = arith.constant 16 : index
    %swap3A_1714 = tpu.vector_load %arg12[%swap3A_1713] {strides = array<i32>} : memref<80xf32, #tpu.memory_space<vmem>>, vector<16xf32>,
    tpu.vector_store %arg12[%swap3A_1713], %max3A_1712 {strides = array<i32>} : memref<80xf32, #tpu.memory_space<vmem>>, vector<16xf32>,
    %get3A_1715 = arith.constant 0 : i32
    %get3A_1716 = arith.index_cast %get3A_1715 : i32 to index
    %get3A_1717 = arith.constant 32 : index
    %get3A_1718 = tpu.vector_load %arg11[%get3A_1716, %get3A_1717] {strides = array<i32>} : memref<16x80xf32, #tpu.memory_space<vmem>>, vector<16xf32>,
    %get3A_1719 = arith.constant 1 : i32
    %get3A_1720 = arith.index_cast %get3A_1719 : i32 to index
    %get3A_1721 = arith.constant 32 : index
    %get3A_1722 = tpu.vector_load %arg11[%get3A_1720, %get3A_1721] {strides = array<i32>} : memref<16x80xf32, #tpu.memory_space<vmem>>, vector<16xf32>,
    %add3A_1723 = arith.addf %get3A_1718, %get3A_1722 : vector<16xf32>
    %get3A_1724 = arith.constant 2 : i32
    %get3A_1725 = arith.index_cast %get3A_1724 : i32 to index
    %get3A_1726 = arith.constant 32 : index
    %get3A_1727 = tpu.vector_load %arg11[%get3A_1725, %get3A_1726] {strides = array<i32>} : memref<16x80xf32, #tpu.memory_space<vmem>>, vector<16xf32>,
    %add3A_1728 = arith.addf %add3A_1723, %get3A_1727 : vector<16xf32>
    %get3A_1729 = arith.constant 3 : i32
    %get3A_1730 = arith.index_cast %get3A_1729 : i32 to index
    %get3A_1731 = arith.constant 32 : index
    %get3A_1732 = tpu.vector_load %arg11[%get3A_1730, %get3A_1731] {strides = array<i32>} : memref<16x80xf32, #tpu.memory_space<vmem>>, vector<16xf32>,
    %add3A_1733 = arith.addf %add3A_1728, %get3A_1732 : vector<16xf32>
    %get3A_1734 = arith.constant 4 : i32
    %get3A_1735 = arith.index_cast %get3A_1734 : i32 to index
    %get3A_1736 = arith.constant 32 : index
    %get3A_1737 = tpu.vector_load %arg11[%get3A_1735, %get3A_1736] {strides = array<i32>} : memref<16x80xf32, #tpu.memory_space<vmem>>, vector<16xf32>,
    %add3A_1738 = arith.addf %add3A_1733, %get3A_1737 : vector<16xf32>
    %get3A_1739 = arith.constant 5 : i32
    %get3A_1740 = arith.index_cast %get3A_1739 : i32 to index
    %get3A_1741 = arith.constant 32 : index
    %get3A_1742 = tpu.vector_load %arg11[%get3A_1740, %get3A_1741] {strides = array<i32>} : memref<16x80xf32, #tpu.memory_space<vmem>>, vector<16xf32>,
    %add3A_1743 = arith.addf %add3A_1738, %get3A_1742 : vector<16xf32>
    %get3A_1744 = arith.constant 6 : i32
    %get3A_1745 = arith.index_cast %get3A_1744 : i32 to index
    %get3A_1746 = arith.constant 32 : index
    %get3A_1747 = tpu.vector_load %arg11[%get3A_1745, %get3A_1746] {strides = array<i32>} : memref<16x80xf32, #tpu.memory_space<vmem>>, vector<16xf32>,
    %add3A_1748 = arith.addf %add3A_1743, %get3A_1747 : vector<16xf32>
    %get3A_1749 = arith.constant 7 : i32
    %get3A_1750 = arith.index_cast %get3A_1749 : i32 to index
    %get3A_1751 = arith.constant 32 : index
    %get3A_1752 = tpu.vector_load %arg11[%get3A_1750, %get3A_1751] {strides = array<i32>} : memref<16x80xf32, #tpu.memory_space<vmem>>, vector<16xf32>,
    %add3A_1753 = arith.addf %add3A_1748, %get3A_1752 : vector<16xf32>
    %get3A_1754 = arith.constant 8 : i32
    %get3A_1755 = arith.index_cast %get3A_1754 : i32 to index
    %get3A_1756 = arith.constant 32 : index
    %get3A_1757 = tpu.vector_load %arg11[%get3A_1755, %get3A_1756] {strides = array<i32>} : memref<16x80xf32, #tpu.memory_space<vmem>>, vector<16xf32>,
    %add3A_1758 = arith.addf %add3A_1753, %get3A_1757 : vector<16xf32>
    %get3A_1759 = arith.constant 9 : i32
    %get3A_1760 = arith.index_cast %get3A_1759 : i32 to index
    %get3A_1761 = arith.constant 32 : index
    %get3A_1762 = tpu.vector_load %arg11[%get3A_1760, %get3A_1761] {strides = array<i32>} : memref<16x80xf32, #tpu.memory_space<vmem>>, vector<16xf32>,
    %add3A_1763 = arith.addf %add3A_1758, %get3A_1762 : vector<16xf32>
    %get3A_1764 = arith.constant 10 : i32
    %get3A_1765 = arith.index_cast %get3A_1764 : i32 to index
    %get3A_1766 = arith.constant 32 : index
    %get3A_1767 = tpu.vector_load %arg11[%get3A_1765, %get3A_1766] {strides = array<i32>} : memref<16x80xf32, #tpu.memory_space<vmem>>, vector<16xf32>,
    %add3A_1768 = arith.addf %add3A_1763, %get3A_1767 : vector<16xf32>
    %get3A_1769 = arith.constant 11 : i32
    %get3A_1770 = arith.index_cast %get3A_1769 : i32 to index
    %get3A_1771 = arith.constant 32 : index
    %get3A_1772 = tpu.vector_load %arg11[%get3A_1770, %get3A_1771] {strides = array<i32>} : memref<16x80xf32, #tpu.memory_space<vmem>>, vector<16xf32>,
    %add3A_1773 = arith.addf %add3A_1768, %get3A_1772 : vector<16xf32>
    %get3A_1774 = arith.constant 12 : i32
    %get3A_1775 = arith.index_cast %get3A_1774 : i32 to index
    %get3A_1776 = arith.constant 32 : index
    %get3A_1777 = tpu.vector_load %arg11[%get3A_1775, %get3A_1776] {strides = array<i32>} : memref<16x80xf32, #tpu.memory_space<vmem>>, vector<16xf32>,
    %add3A_1778 = arith.addf %add3A_1773, %get3A_1777 : vector<16xf32>
    %get3A_1779 = arith.constant 13 : i32
    %get3A_1780 = arith.index_cast %get3A_1779 : i32 to index
    %get3A_1781 = arith.constant 32 : index
    %get3A_1782 = tpu.vector_load %arg11[%get3A_1780, %get3A_1781] {strides = array<i32>} : memref<16x80xf32, #tpu.memory_space<vmem>>, vector<16xf32>,
    %add3A_1783 = arith.addf %add3A_1778, %get3A_1782 : vector<16xf32>
    %get3A_1784 = arith.constant 14 : i32
    %get3A_1785 = arith.index_cast %get3A_1784 : i32 to index
    %get3A_1786 = arith.constant 32 : index
    %get3A_1787 = tpu.vector_load %arg11[%get3A_1785, %get3A_1786] {strides = array<i32>} : memref<16x80xf32, #tpu.memory_space<vmem>>, vector<16xf32>,
    %add3A_1788 = arith.addf %add3A_1783, %get3A_1787 : vector<16xf32>
    %get3A_1789 = arith.constant 15 : i32
    %get3A_1790 = arith.index_cast %get3A_1789 : i32 to index
    %get3A_1791 = arith.constant 32 : index
    %get3A_1792 = tpu.vector_load %arg11[%get3A_1790, %get3A_1791] {strides = array<i32>} : memref<16x80xf32, #tpu.memory_space<vmem>>, vector<16xf32>,
    %add3A_1793 = arith.addf %add3A_1788, %get3A_1792 : vector<16xf32>
    %max3A_1794 = arith.constant 1.000000e+00 : f32
    %max3A_1795 = vector.broadcast %max3A_1794 : f32 to vector<16xf32>
    %max3A_1796 = arith.maximumf %add3A_1793, %max3A_1795 : vector<16xf32>
    %swap3A_1797 = arith.constant 32 : index
    %swap3A_1798 = tpu.vector_load %arg12[%swap3A_1797] {strides = array<i32>} : memref<80xf32, #tpu.memory_space<vmem>>, vector<16xf32>,
    tpu.vector_store %arg12[%swap3A_1797], %max3A_1796 {strides = array<i32>} : memref<80xf32, #tpu.memory_space<vmem>>, vector<16xf32>,
    %get3A_1799 = arith.constant 0 : i32
    %get3A_1800 = arith.index_cast %get3A_1799 : i32 to index
    %get3A_1801 = arith.constant 48 : index
    %get3A_1802 = tpu.vector_load %arg11[%get3A_1800, %get3A_1801] {strides = array<i32>} : memref<16x80xf32, #tpu.memory_space<vmem>>, vector<16xf32>,
    %get3A_1803 = arith.constant 1 : i32
    %get3A_1804 = arith.index_cast %get3A_1803 : i32 to index
    %get3A_1805 = arith.constant 48 : index
    %get3A_1806 = tpu.vector_load %arg11[%get3A_1804, %get3A_1805] {strides = array<i32>} : memref<16x80xf32, #tpu.memory_space<vmem>>, vector<16xf32>,
    %add3A_1807 = arith.addf %get3A_1802, %get3A_1806 : vector<16xf32>
    %get3A_1808 = arith.constant 2 : i32
    %get3A_1809 = arith.index_cast %get3A_1808 : i32 to index
    %get3A_1810 = arith.constant 48 : index
    %get3A_1811 = tpu.vector_load %arg11[%get3A_1809, %get3A_1810] {strides = array<i32>} : memref<16x80xf32, #tpu.memory_space<vmem>>, vector<16xf32>,
    %add3A_1812 = arith.addf %add3A_1807, %get3A_1811 : vector<16xf32>
    %get3A_1813 = arith.constant 3 : i32
    %get3A_1814 = arith.index_cast %get3A_1813 : i32 to index
    %get3A_1815 = arith.constant 48 : index
    %get3A_1816 = tpu.vector_load %arg11[%get3A_1814, %get3A_1815] {strides = array<i32>} : memref<16x80xf32, #tpu.memory_space<vmem>>, vector<16xf32>,
    %add3A_1817 = arith.addf %add3A_1812, %get3A_1816 : vector<16xf32>
    %get3A_1818 = arith.constant 4 : i32
    %get3A_1819 = arith.index_cast %get3A_1818 : i32 to index
    %get3A_1820 = arith.constant 48 : index
    %get3A_1821 = tpu.vector_load %arg11[%get3A_1819, %get3A_1820] {strides = array<i32>} : memref<16x80xf32, #tpu.memory_space<vmem>>, vector<16xf32>,
    %add3A_1822 = arith.addf %add3A_1817, %get3A_1821 : vector<16xf32>
    %get3A_1823 = arith.constant 5 : i32
    %get3A_1824 = arith.index_cast %get3A_1823 : i32 to index
    %get3A_1825 = arith.constant 48 : index
    %get3A_1826 = tpu.vector_load %arg11[%get3A_1824, %get3A_1825] {strides = array<i32>} : memref<16x80xf32, #tpu.memory_space<vmem>>, vector<16xf32>,
    %add3A_1827 = arith.addf %add3A_1822, %get3A_1826 : vector<16xf32>
    %get3A_1828 = arith.constant 6 : i32
    %get3A_1829 = arith.index_cast %get3A_1828 : i32 to index
    %get3A_1830 = arith.constant 48 : index
    %get3A_1831 = tpu.vector_load %arg11[%get3A_1829, %get3A_1830] {strides = array<i32>} : memref<16x80xf32, #tpu.memory_space<vmem>>, vector<16xf32>,
    %add3A_1832 = arith.addf %add3A_1827, %get3A_1831 : vector<16xf32>
    %get3A_1833 = arith.constant 7 : i32
    %get3A_1834 = arith.index_cast %get3A_1833 : i32 to index
    %get3A_1835 = arith.constant 48 : index
    %get3A_1836 = tpu.vector_load %arg11[%get3A_1834, %get3A_1835] {strides = array<i32>} : memref<16x80xf32, #tpu.memory_space<vmem>>, vector<16xf32>,
    %add3A_1837 = arith.addf %add3A_1832, %get3A_1836 : vector<16xf32>
    %get3A_1838 = arith.constant 8 : i32
    %get3A_1839 = arith.index_cast %get3A_1838 : i32 to index
    %get3A_1840 = arith.constant 48 : index
    %get3A_1841 = tpu.vector_load %arg11[%get3A_1839, %get3A_1840] {strides = array<i32>} : memref<16x80xf32, #tpu.memory_space<vmem>>, vector<16xf32>,
    %add3A_1842 = arith.addf %add3A_1837, %get3A_1841 : vector<16xf32>
    %get3A_1843 = arith.constant 9 : i32
    %get3A_1844 = arith.index_cast %get3A_1843 : i32 to index
    %get3A_1845 = arith.constant 48 : index
    %get3A_1846 = tpu.vector_load %arg11[%get3A_1844, %get3A_1845] {strides = array<i32>} : memref<16x80xf32, #tpu.memory_space<vmem>>, vector<16xf32>,
    %add3A_1847 = arith.addf %add3A_1842, %get3A_1846 : vector<16xf32>
    %get3A_1848 = arith.constant 10 : i32
    %get3A_1849 = arith.index_cast %get3A_1848 : i32 to index
    %get3A_1850 = arith.constant 48 : index
    %get3A_1851 = tpu.vector_load %arg11[%get3A_1849, %get3A_1850] {strides = array<i32>} : memref<16x80xf32, #tpu.memory_space<vmem>>, vector<16xf32>,
    %add3A_1852 = arith.addf %add3A_1847, %get3A_1851 : vector<16xf32>
    %get3A_1853 = arith.constant 11 : i32
    %get3A_1854 = arith.index_cast %get3A_1853 : i32 to index
    %get3A_1855 = arith.constant 48 : index
    %get3A_1856 = tpu.vector_load %arg11[%get3A_1854, %get3A_1855] {strides = array<i32>} : memref<16x80xf32, #tpu.memory_space<vmem>>, vector<16xf32>,
    %add3A_1857 = arith.addf %add3A_1852, %get3A_1856 : vector<16xf32>
    %get3A_1858 = arith.constant 12 : i32
    %get3A_1859 = arith.index_cast %get3A_1858 : i32 to index
    %get3A_1860 = arith.constant 48 : index
    %get3A_1861 = tpu.vector_load %arg11[%get3A_1859, %get3A_1860] {strides = array<i32>} : memref<16x80xf32, #tpu.memory_space<vmem>>, vector<16xf32>,
    %add3A_1862 = arith.addf %add3A_1857, %get3A_1861 : vector<16xf32>
    %get3A_1863 = arith.constant 13 : i32
    %get3A_1864 = arith.index_cast %get3A_1863 : i32 to index
    %get3A_1865 = arith.constant 48 : index
    %get3A_1866 = tpu.vector_load %arg11[%get3A_1864, %get3A_1865] {strides = array<i32>} : memref<16x80xf32, #tpu.memory_space<vmem>>, vector<16xf32>,
    %add3A_1867 = arith.addf %add3A_1862, %get3A_1866 : vector<16xf32>
    %get3A_1868 = arith.constant 14 : i32
    %get3A_1869 = arith.index_cast %get3A_1868 : i32 to index
    %get3A_1870 = arith.constant 48 : index
    %get3A_1871 = tpu.vector_load %arg11[%get3A_1869, %get3A_1870] {strides = array<i32>} : memref<16x80xf32, #tpu.memory_space<vmem>>, vector<16xf32>,
    %add3A_1872 = arith.addf %add3A_1867, %get3A_1871 : vector<16xf32>
    %get3A_1873 = arith.constant 15 : i32
    %get3A_1874 = arith.index_cast %get3A_1873 : i32 to index
    %get3A_1875 = arith.constant 48 : index
    %get3A_1876 = tpu.vector_load %arg11[%get3A_1874, %get3A_1875] {strides = array<i32>} : memref<16x80xf32, #tpu.memory_space<vmem>>, vector<16xf32>,
    %add3A_1877 = arith.addf %add3A_1872, %get3A_1876 : vector<16xf32>
    %max3A_1878 = arith.constant 1.000000e+00 : f32
    %max3A_1879 = vector.broadcast %max3A_1878 : f32 to vector<16xf32>
    %max3A_1880 = arith.maximumf %add3A_1877, %max3A_1879 : vector<16xf32>
    %swap3A_1881 = arith.constant 48 : index
    %swap3A_1882 = tpu.vector_load %arg12[%swap3A_1881] {strides = array<i32>} : memref<80xf32, #tpu.memory_space<vmem>>, vector<16xf32>,
    tpu.vector_store %arg12[%swap3A_1881], %max3A_1880 {strides = array<i32>} : memref<80xf32, #tpu.memory_space<vmem>>, vector<16xf32>,
    %get3A_1883 = arith.constant 0 : i32
    %get3A_1884 = arith.index_cast %get3A_1883 : i32 to index
    %get3A_1885 = arith.constant 64 : index
    %get3A_1886 = tpu.vector_load %arg11[%get3A_1884, %get3A_1885] {strides = array<i32>} : memref<16x80xf32, #tpu.memory_space<vmem>>, vector<16xf32>,
    %get3A_1887 = arith.constant 1 : i32
    %get3A_1888 = arith.index_cast %get3A_1887 : i32 to index
    %get3A_1889 = arith.constant 64 : index
    %get3A_1890 = tpu.vector_load %arg11[%get3A_1888, %get3A_1889] {strides = array<i32>} : memref<16x80xf32, #tpu.memory_space<vmem>>, vector<16xf32>,
    %add3A_1891 = arith.addf %get3A_1886, %get3A_1890 : vector<16xf32>
    %get3A_1892 = arith.constant 2 : i32
    %get3A_1893 = arith.index_cast %get3A_1892 : i32 to index
    %get3A_1894 = arith.constant 64 : index
    %get3A_1895 = tpu.vector_load %arg11[%get3A_1893, %get3A_1894] {strides = array<i32>} : memref<16x80xf32, #tpu.memory_space<vmem>>, vector<16xf32>,
    %add3A_1896 = arith.addf %add3A_1891, %get3A_1895 : vector<16xf32>
    %get3A_1897 = arith.constant 3 : i32
    %get3A_1898 = arith.index_cast %get3A_1897 : i32 to index
    %get3A_1899 = arith.constant 64 : index
    %get3A_1900 = tpu.vector_load %arg11[%get3A_1898, %get3A_1899] {strides = array<i32>} : memref<16x80xf32, #tpu.memory_space<vmem>>, vector<16xf32>,
    %add3A_1901 = arith.addf %add3A_1896, %get3A_1900 : vector<16xf32>
    %get3A_1902 = arith.constant 4 : i32
    %get3A_1903 = arith.index_cast %get3A_1902 : i32 to index
    %get3A_1904 = arith.constant 64 : index
    %get3A_1905 = tpu.vector_load %arg11[%get3A_1903, %get3A_1904] {strides = array<i32>} : memref<16x80xf32, #tpu.memory_space<vmem>>, vector<16xf32>,
    %add3A_1906 = arith.addf %add3A_1901, %get3A_1905 : vector<16xf32>
    %get3A_1907 = arith.constant 5 : i32
    %get3A_1908 = arith.index_cast %get3A_1907 : i32 to index
    %get3A_1909 = arith.constant 64 : index
    %get3A_1910 = tpu.vector_load %arg11[%get3A_1908, %get3A_1909] {strides = array<i32>} : memref<16x80xf32, #tpu.memory_space<vmem>>, vector<16xf32>,
    %add3A_1911 = arith.addf %add3A_1906, %get3A_1910 : vector<16xf32>
    %get3A_1912 = arith.constant 6 : i32
    %get3A_1913 = arith.index_cast %get3A_1912 : i32 to index
    %get3A_1914 = arith.constant 64 : index
    %get3A_1915 = tpu.vector_load %arg11[%get3A_1913, %get3A_1914] {strides = array<i32>} : memref<16x80xf32, #tpu.memory_space<vmem>>, vector<16xf32>,
    %add3A_1916 = arith.addf %add3A_1911, %get3A_1915 : vector<16xf32>
    %get3A_1917 = arith.constant 7 : i32
    %get3A_1918 = arith.index_cast %get3A_1917 : i32 to index
    %get3A_1919 = arith.constant 64 : index
    %get3A_1920 = tpu.vector_load %arg11[%get3A_1918, %get3A_1919] {strides = array<i32>} : memref<16x80xf32, #tpu.memory_space<vmem>>, vector<16xf32>,
    %add3A_1921 = arith.addf %add3A_1916, %get3A_1920 : vector<16xf32>
    %get3A_1922 = arith.constant 8 : i32
    %get3A_1923 = arith.index_cast %get3A_1922 : i32 to index
    %get3A_1924 = arith.constant 64 : index
    %get3A_1925 = tpu.vector_load %arg11[%get3A_1923, %get3A_1924] {strides = array<i32>} : memref<16x80xf32, #tpu.memory_space<vmem>>, vector<16xf32>,
    %add3A_1926 = arith.addf %add3A_1921, %get3A_1925 : vector<16xf32>
    %get3A_1927 = arith.constant 9 : i32
    %get3A_1928 = arith.index_cast %get3A_1927 : i32 to index
    %get3A_1929 = arith.constant 64 : index
    %get3A_1930 = tpu.vector_load %arg11[%get3A_1928, %get3A_1929] {strides = array<i32>} : memref<16x80xf32, #tpu.memory_space<vmem>>, vector<16xf32>,
    %add3A_1931 = arith.addf %add3A_1926, %get3A_1930 : vector<16xf32>
    %get3A_1932 = arith.constant 10 : i32
    %get3A_1933 = arith.index_cast %get3A_1932 : i32 to index
    %get3A_1934 = arith.constant 64 : index
    %get3A_1935 = tpu.vector_load %arg11[%get3A_1933, %get3A_1934] {strides = array<i32>} : memref<16x80xf32, #tpu.memory_space<vmem>>, vector<16xf32>,
    %add3A_1936 = arith.addf %add3A_1931, %get3A_1935 : vector<16xf32>
    %get3A_1937 = arith.constant 11 : i32
    %get3A_1938 = arith.index_cast %get3A_1937 : i32 to index
    %get3A_1939 = arith.constant 64 : index
    %get3A_1940 = tpu.vector_load %arg11[%get3A_1938, %get3A_1939] {strides = array<i32>} : memref<16x80xf32, #tpu.memory_space<vmem>>, vector<16xf32>,
    %add3A_1941 = arith.addf %add3A_1936, %get3A_1940 : vector<16xf32>
    %get3A_1942 = arith.constant 12 : i32
    %get3A_1943 = arith.index_cast %get3A_1942 : i32 to index
    %get3A_1944 = arith.constant 64 : index
    %get3A_1945 = tpu.vector_load %arg11[%get3A_1943, %get3A_1944] {strides = array<i32>} : memref<16x80xf32, #tpu.memory_space<vmem>>, vector<16xf32>,
    %add3A_1946 = arith.addf %add3A_1941, %get3A_1945 : vector<16xf32>
    %get3A_1947 = arith.constant 13 : i32
    %get3A_1948 = arith.index_cast %get3A_1947 : i32 to index
    %get3A_1949 = arith.constant 64 : index
    %get3A_1950 = tpu.vector_load %arg11[%get3A_1948, %get3A_1949] {strides = array<i32>} : memref<16x80xf32, #tpu.memory_space<vmem>>, vector<16xf32>,
    %add3A_1951 = arith.addf %add3A_1946, %get3A_1950 : vector<16xf32>
    %get3A_1952 = arith.constant 14 : i32
    %get3A_1953 = arith.index_cast %get3A_1952 : i32 to index
    %get3A_1954 = arith.constant 64 : index
    %get3A_1955 = tpu.vector_load %arg11[%get3A_1953, %get3A_1954] {strides = array<i32>} : memref<16x80xf32, #tpu.memory_space<vmem>>, vector<16xf32>,
    %add3A_1956 = arith.addf %add3A_1951, %get3A_1955 : vector<16xf32>
    %get3A_1957 = arith.constant 15 : i32
    %get3A_1958 = arith.index_cast %get3A_1957 : i32 to index
    %get3A_1959 = arith.constant 64 : index
    %get3A_1960 = tpu.vector_load %arg11[%get3A_1958, %get3A_1959] {strides = array<i32>} : memref<16x80xf32, #tpu.memory_space<vmem>>, vector<16xf32>,
    %add3A_1961 = arith.addf %add3A_1956, %get3A_1960 : vector<16xf32>
    %max3A_1962 = arith.constant 1.000000e+00 : f32
    %max3A_1963 = vector.broadcast %max3A_1962 : f32 to vector<16xf32>
    %max3A_1964 = arith.maximumf %add3A_1961, %max3A_1963 : vector<16xf32>
    %swap3A_1965 = arith.constant 64 : index
    %swap3A_1966 = tpu.vector_load %arg12[%swap3A_1965] {strides = array<i32>} : memref<80xf32, #tpu.memory_space<vmem>>, vector<16xf32>,
    tpu.vector_store %arg12[%swap3A_1965], %max3A_1964 {strides = array<i32>} : memref<80xf32, #tpu.memory_space<vmem>>, vector<16xf32>,
    %scan3A_1967 = arith.constant 0 : i32
    %scan3A_1968 = arith.constant 0 : i32
    %scan3A_1969 = arith.constant 80 : i32
    %scan3A_1970 = arith.addi %scan3A_1968, %scan3A_1969 : i32
    %scan3A_1971 = arith.constant 1 : i32
    scf.for %scan3A_1976 = %scan3A_1968 to %scan3A_1970 step %scan3A_1971  : i32 {
      %broadcast_in_dim3A_1977 = vector.broadcast %scan3A_1976 : i32 to vector<16xi32>
      %gather3A = tpu.vector_load_idx %arg12[%broadcast_in_dim3A_1977] : memref<80xf32, #tpu.memory_space<vmem>>[vector<16xi32>], vector<16xf32>,
      %get3A_1978 = arith.index_cast %scan3A_1976 : i32 to index
      %get3A_1979 = arith.constant 0 : index
      %get3A_1980 = tpu.vector_load %arg6[%get3A_1978, %get3A_1979] {strides = array<i32>} : memref<128x128xf32, #tpu.memory_space<vmem>>, vector<16xf32>,
      %div3A_1981 = arith.divf %get3A_1980, %gather3A : vector<16xf32>
      %swap3A_1982 = arith.index_cast %scan3A_1976 : i32 to index
      %swap3A_1983 = arith.constant 0 : index
      %swap3A_1984 = tpu.vector_load %arg6[%swap3A_1982, %swap3A_1983] {strides = array<i32>} : memref<128x128xf32, #tpu.memory_space<vmem>>, vector<16xf32>,
      tpu.vector_store %arg6[%swap3A_1982, %swap3A_1983], %div3A_1981 {strides = array<i32>} : memref<128x128xf32, #tpu.memory_space<vmem>>, vector<16xf32>,
      %get3A_1985 = arith.index_cast %scan3A_1976 : i32 to index
      %get3A_1986 = arith.constant 16 : index
      %get3A_1987 = tpu.vector_load %arg6[%get3A_1985, %get3A_1986] {strides = array<i32>} : memref<128x128xf32, #tpu.memory_space<vmem>>, vector<16xf32>,
      %div3A_1988 = arith.divf %get3A_1987, %gather3A : vector<16xf32>
      %swap3A_1989 = arith.index_cast %scan3A_1976 : i32 to index
      %swap3A_1990 = arith.constant 16 : index
      %swap3A_1991 = tpu.vector_load %arg6[%swap3A_1989, %swap3A_1990] {strides = array<i32>} : memref<128x128xf32, #tpu.memory_space<vmem>>, vector<16xf32>,
      tpu.vector_store %arg6[%swap3A_1989, %swap3A_1990], %div3A_1988 {strides = array<i32>} : memref<128x128xf32, #tpu.memory_space<vmem>>, vector<16xf32>,
      %get3A_1992 = arith.index_cast %scan3A_1976 : i32 to index
      %get3A_1993 = arith.constant 32 : index
      %get3A_1994 = tpu.vector_load %arg6[%get3A_1992, %get3A_1993] {strides = array<i32>} : memref<128x128xf32, #tpu.memory_space<vmem>>, vector<16xf32>,
      %div3A_1995 = arith.divf %get3A_1994, %gather3A : vector<16xf32>
      %swap3A_1996 = arith.index_cast %scan3A_1976 : i32 to index
      %swap3A_1997 = arith.constant 32 : index
      %swap3A_1998 = tpu.vector_load %arg6[%swap3A_1996, %swap3A_1997] {strides = array<i32>} : memref<128x128xf32, #tpu.memory_space<vmem>>, vector<16xf32>,
      tpu.vector_store %arg6[%swap3A_1996, %swap3A_1997], %div3A_1995 {strides = array<i32>} : memref<128x128xf32, #tpu.memory_space<vmem>>, vector<16xf32>,
      %get3A_1999 = arith.index_cast %scan3A_1976 : i32 to index
      %get3A_2000 = arith.constant 48 : index
      %get3A_2001 = tpu.vector_load %arg6[%get3A_1999, %get3A_2000] {strides = array<i32>} : memref<128x128xf32, #tpu.memory_space<vmem>>, vector<16xf32>,
      %div3A_2002 = arith.divf %get3A_2001, %gather3A : vector<16xf32>
      %swap3A_2003 = arith.index_cast %scan3A_1976 : i32 to index
      %swap3A_2004 = arith.constant 48 : index
      %swap3A_2005 = tpu.vector_load %arg6[%swap3A_2003, %swap3A_2004] {strides = array<i32>} : memref<128x128xf32, #tpu.memory_space<vmem>>, vector<16xf32>,
      tpu.vector_store %arg6[%swap3A_2003, %swap3A_2004], %div3A_2002 {strides = array<i32>} : memref<128x128xf32, #tpu.memory_space<vmem>>, vector<16xf32>,
      %get3A_2006 = arith.index_cast %scan3A_1976 : i32 to index
      %get3A_2007 = arith.constant 64 : index
      %get3A_2008 = tpu.vector_load %arg6[%get3A_2006, %get3A_2007] {strides = array<i32>} : memref<128x128xf32, #tpu.memory_space<vmem>>, vector<16xf32>,
      %div3A_2009 = arith.divf %get3A_2008, %gather3A : vector<16xf32>
      %swap3A_2010 = arith.index_cast %scan3A_1976 : i32 to index
      %swap3A_2011 = arith.constant 64 : index
      %swap3A_2012 = tpu.vector_load %arg6[%swap3A_2010, %swap3A_2011] {strides = array<i32>} : memref<128x128xf32, #tpu.memory_space<vmem>>, vector<16xf32>,
      tpu.vector_store %arg6[%swap3A_2010, %swap3A_2011], %div3A_2009 {strides = array<i32>} : memref<128x128xf32, #tpu.memory_space<vmem>>, vector<16xf32>,
      %get3A_2013 = arith.index_cast %scan3A_1976 : i32 to index
      %get3A_2014 = arith.constant 80 : index
      %get3A_2015 = tpu.vector_load %arg6[%get3A_2013, %get3A_2014] {strides = array<i32>} : memref<128x128xf32, #tpu.memory_space<vmem>>, vector<16xf32>,
      %div3A_2016 = arith.divf %get3A_2015, %gather3A : vector<16xf32>
      %swap3A_2017 = arith.index_cast %scan3A_1976 : i32 to index
      %swap3A_2018 = arith.constant 80 : index
      %swap3A_2019 = tpu.vector_load %arg6[%swap3A_2017, %swap3A_2018] {strides = array<i32>} : memref<128x128xf32, #tpu.memory_space<vmem>>, vector<16xf32>,
      tpu.vector_store %arg6[%swap3A_2017, %swap3A_2018], %div3A_2016 {strides = array<i32>} : memref<128x128xf32, #tpu.memory_space<vmem>>, vector<16xf32>,
      %get3A_2020 = arith.index_cast %scan3A_1976 : i32 to index
      %get3A_2021 = arith.constant 96 : index
      %get3A_2022 = tpu.vector_load %arg6[%get3A_2020, %get3A_2021] {strides = array<i32>} : memref<128x128xf32, #tpu.memory_space<vmem>>, vector<16xf32>,
      %div3A_2023 = arith.divf %get3A_2022, %gather3A : vector<16xf32>
      %swap3A_2024 = arith.index_cast %scan3A_1976 : i32 to index
      %swap3A_2025 = arith.constant 96 : index
      %swap3A_2026 = tpu.vector_load %arg6[%swap3A_2024, %swap3A_2025] {strides = array<i32>} : memref<128x128xf32, #tpu.memory_space<vmem>>, vector<16xf32>,
      tpu.vector_store %arg6[%swap3A_2024, %swap3A_2025], %div3A_2023 {strides = array<i32>} : memref<128x128xf32, #tpu.memory_space<vmem>>, vector<16xf32>,
      %get3A_2027 = arith.index_cast %scan3A_1976 : i32 to index
      %get3A_2028 = arith.constant 112 : index
      %get3A_2029 = tpu.vector_load %arg6[%get3A_2027, %get3A_2028] {strides = array<i32>} : memref<128x128xf32, #tpu.memory_space<vmem>>, vector<16xf32>,
      %div3A_2030 = arith.divf %get3A_2029, %gather3A : vector<16xf32>
      %swap3A_2031 = arith.index_cast %scan3A_1976 : i32 to index
      %swap3A_2032 = arith.constant 112 : index
      %swap3A_2033 = tpu.vector_load %arg6[%swap3A_2031, %swap3A_2032] {strides = array<i32>} : memref<128x128xf32, #tpu.memory_space<vmem>>, vector<16xf32>,
      tpu.vector_store %arg6[%swap3A_2031, %swap3A_2032], %div3A_2030 {strides = array<i32>} : memref<128x128xf32, #tpu.memory_space<vmem>>, vector<16xf32>,
    }
    %scan3A_1972 = arith.constant 80 : i32
    %add3A_1973 = arith.addi %mul3A_135, %mul3A_148 : i32
    %add3A_1974 = arith.constant 240 : i32
    %add3A_1975 = arith.addi %add3A_1973, %add3A_1974 : i32
    "tpu.region"() ({
      %run_scoped3A = tpu.sem_alloc : memref<!tpu.dma_semaphore, #tpu.memory_space<semaphore_mem>>
      %dma_start3A_1976 = arith.constant 0 : i32
      %dma_start3A_1977 = arith.constant 0 : i32
      %dma_start3A_1978 = tpu.memref_slice %arg6[%dma_start3A_1976, %dma_start3A_1977] : memref<128x128xf32, #tpu.memory_space<vmem>> -> memref<80x128xf32, #tpu.memory_space<vmem>>
      %dma_start3A_1979 = arith.constant 0 : i32
      %dma_start3A_1980 = tpu.memref_slice %arg5[%add3A_1975, %dma_start3A_1979] : memref<10000x128xf32, #tpu.memory_space<hbm>> -> memref<80x128xf32, #tpu.memory_space<hbm>>
      %dma_start3A_1981 = arith.constant 0 : i32
      %dma_start3A_1982 = tpu.memref_slice %arg5[%add3A_1975, %dma_start3A_1981] : memref<10000x128xf32, #tpu.memory_space<hbm>> -> memref<80x128xf32, #tpu.memory_space<hbm>>
      %dma_start3A_1983 = arith.constant 0 : i32
      %dma_start3A_1984 = arith.constant 0 : i32
      %dma_start3A_1985 = tpu.memref_slice %arg6[%dma_start3A_1983, %dma_start3A_1984] : memref<128x128xf32, #tpu.memory_space<vmem>> -> memref<80x128xf32, #tpu.memory_space<vmem>>
      tpu.enqueue_dma source(%dma_start3A_1985 : memref<80x128xf32, #tpu.memory_space<vmem>>) target(%dma_start3A_1982 : memref<80x128xf32, #tpu.memory_space<hbm>>) target_semaphore(%run_scoped3A : memref<!tpu.dma_semaphore, #tpu.memory_space<semaphore_mem>>)
      %dma_wait3A_1986 = arith.constant 0 : i32
      %dma_wait3A_1987 = arith.constant 0 : i32
      %dma_wait3A_1988 = tpu.memref_slice %arg6[%dma_wait3A_1986, %dma_wait3A_1987] : memref<128x128xf32, #tpu.memory_space<vmem>> -> memref<80x128xf32, #tpu.memory_space<vmem>>
      %dma_wait3A_1989 = arith.constant 0 : i32
      %dma_wait3A_1990 = tpu.memref_slice %arg5[%add3A_1975, %dma_wait3A_1989] : memref<10000x128xf32, #tpu.memory_space<hbm>> -> memref<80x128xf32, #tpu.memory_space<hbm>>
      %dma_wait3A_1991 = arith.constant 0 : i32
      %dma_wait3A_1992 = tpu.memref_slice %arg5[%add3A_1975, %dma_wait3A_1991] : memref<10000x128xf32, #tpu.memory_space<hbm>> -> memref<80x128xf32, #tpu.memory_space<hbm>>
      %dma_wait3A_1993 = arith.constant 0 : i32
      %dma_wait3A_1994 = arith.constant 0 : i32
      %dma_wait3A_1995 = tpu.memref_slice %arg6[%dma_wait3A_1993, %dma_wait3A_1994] : memref<128x128xf32, #tpu.memory_space<vmem>> -> memref<80x128xf32, #tpu.memory_space<vmem>>
      tpu.wait_dma2 semaphore(%run_scoped3A : memref<!tpu.dma_semaphore, #tpu.memory_space<semaphore_mem>>) src(%dma_wait3A_1995 : memref<80x128xf32, #tpu.memory_space<vmem>>) dst(%dma_wait3A_1992 : memref<80x128xf32, #tpu.memory_space<hbm>>)
      tpu.yield
    }) : () -> ()
    return
  }
}

</mosaic_0001>

<sc_bundles>
// kernel: kernel.3.cloned.1.call-start
scs
__scs_entry_jumppad:
0x0: {  	(pc) =	sbr.rel $0x88, $3  }
0x1: {  	(tag) =	ssettag $0x0;
	lr =	simm.s32 $0x1  }
0x2: {  	[smem:$0x3F9F] =	sst lr;
	_ =	strace $0xD0000000  }
0x3: {  	_ = 	snop  }
0x4: {  	_ = 	snop  }
0x5: {  	_ = 	snop  }
0x6: {  	_ = 	snop  }
0x7: {  	_ = 	snop  }
__scs_overlays_trampoline_lowered:
0x8: {  	[smem:$0x3FAE] =	sst s0  }
0x9: {  	[smem:$0x3FAF] =	sst s1  }
0xa: {  	[smem:$0x3FB0] =	sst s2  }
0xb: {  	[smem:$0x3FB1] =	sst s3  }
0xc: {  	[smem:$0x3FB2] =	sst s4  }
0xd: {  	[smem:$0x3FB3] =	sst s5  }
0xe: {  	[smem:$0x3FB4] =	sst s6  }
0xf: {  	[smem:$0x3FB5] =	sst s7  }
0x10: {  	[smem:$0x3FB6] =	sst s8  }
0x11: {  	[smem:$0x3FB7] =	sst s9;
	s0 =	simm.s32 @!p0 $0x0  }
0x12: {  	s1 =	sld [smem:$0x3F9D];
	s0 =	simm.s32 @p0 $0x1  }
0x13: {  	[smem:$0x3FB8] =	sst s0;
	s0 =	simm.s32 @!p1 $0x0  }
0x14: {  	s2 =	sld [smem:$0x3F9C];
	s0 =	simm.s32 @p1 $0x1  }
0x15: {  	[smem:$0x3FB9] =	sst s0;
	s0 =	simm.s32 @!p2 $0x0  }
0x16: {  	s3 =	sld [smem:$0x3FDB];
	s0 =	simm.s32 @p2 $0x1  }
0x17: {  	s4 =	simm.s32 $0x1BF5;
	[smem:$0x3FBB] =	sst s0  }
0x18: {  	s0 =	sld [smem:$0x3F9E];
	_ =	swait.ge [sflag:s4], $0x0  }
0x19: {  	s7 =	sld [smem:$0x3F9F]  }
0x1a: {  	s8 =	sadd.s32 $0xFFFFE003, lr  }
0x1b: {  	s9 =	sadd.s32 $0xFFFFFEF7, lr;
	s5 =	simm.s32 $0xFFFFFFFF;
	p2 =	slt.u32 s8, $0xFFFFF086  }
0x1c: {  	p1 =	slt.u32 s9, $0xF7A;
	s5 =	simm.s32 @!p2 $0x0  }
0x1d: {  	s5 =	simm.s32 @p1 $0x1;
	p0 =	seq.s32 s7, s2  }
0x1e: {  	s7 =	smul.u32 @!p0 $0xF7A, s2;
	p2 =	seq.s32 @!p0 s5, $0x0  }
0x1f: {  	s9 =	smul.u32 $0xF7A, s1;
	s8 =	simm.s32 @!p0 $0x1BF5;
	p2 =	por !p2, p0  }
0x20: {  	[sflag:s8] =	ssyncset.s32 @!p0 $0xFFFFF086;
	s6 =	sadd.s32 @!p0 s3, s7;
	s7 =	simm.s32 @!p0 $0x108  }
0x21: {  	s3 =	sadd.s32 s3, s9;
	s6 =	sadd.s32 @!p0 $0x88, s6;
	s7 =	simm.s32 @p2 $0x1082  }
0x22: {  	[simem:s7], [sflag:s8] =	dma.local @!p0 [hbm:s6], $0xF7A  }
0x23: {  	s9 =	sor.u32 $0xD0000000, s2;
	s6 =	simm.s32 $0x108;
	_ =	swait.ge @!p0 [sflag:s8], $0x0  }
0x24: {  	s3 =	sadd.s32 $0x88, s3;
	s6 =	simm.s32 @!p1 $0x1082;
	[sflag:s4] =	ssyncset.s32 $0xFFFFF086  }
0x25: {  	[simem:s6], [sflag:s4] =	dma.local [hbm:s3], $0xF7A  }
0x26: {  	[smem:$0x3F9F] =	sst s1;
	(tag) =	ssettag s2;
	_ =	strace s9  }
0x27: {  	s1 =	sld [smem:$0x3FAF]  }
0x28: {  	s2 =	sld [smem:$0x3FB0]  }
0x29: {  	s4 =	sld [smem:$0x3FB2]  }
0x2a: {  	p0 =	seq.s32 s5, $0x0;
	s5 =	sld [smem:$0x3FB3]  }
0x2b: {  	s6 =	sld [smem:$0x3FB4]  }
0x2c: {  	s7 =	sld [smem:$0x3FB5]  }
0x2d: {  	s3 =	simm.s32 $0x108;
	s8 =	sld [smem:$0x3FB6]  }
0x2e: {  	s3 =	simm.s32 @!p0 $0x1082;
	s9 =	sld [smem:$0x3FB7]  }
0x2f: {  	lr =	sadd.s32 s0, s3;
	s0 =	sld [smem:$0x3FAE]  }
0x30: {  	s3 =	sld [smem:$0x3FB1]  }
0x31: {  	[smem:$0x3FBA] =	sst s10  }
0x32: {  	s10 =	sld [smem:$0x3FB8];
	_ =	sdelay $0x3  }
0x33: {  	p0 =	seq.s32 s10, $0x1;
	s10 =	sld [smem:$0x3FBA];
	_ =	sdelay $0x3  }
0x34: {  	[smem:$0x3FBA] =	sst s10  }
0x35: {  	s10 =	sld [smem:$0x3FB9];
	_ =	sdelay $0x3  }
0x36: {  	p1 =	seq.s32 s10, $0x1;
	s10 =	sld [smem:$0x3FBA];
	_ =	sdelay $0x3  }
0x37: {  	[smem:$0x3FBA] =	sst s10  }
0x38: {  	s10 =	sld [smem:$0x3FBB]  }
0x39: {  	_ = 	snop;
	(pc) =	sbr.ind lr, $3  }
0x3a: {  	_ = 	snop  }
0x3b: {  	_ = 	snop  }
0x3c: {  	p2 =	seq.s32 s10, $0x1;
	s10 =	sld [smem:$0x3FBA]  }
0x3d: {  	_ =	shalt  }
0x3e: {  	_ =	shalt  }
0x3f: {  	_ =	shalt  }
0x40: {  	_ =	shalt  }
0x41: {  	_ =	shalt  }
0x42: {  	_ =	shalt  }
0x43: {  	_ =	shalt  }
0x44: {  	_ =	shalt  }
0x45: {  	_ =	shalt  }
0x46: {  	_ =	shalt  }
0x47: {  	_ =	shalt  }
0x48: {  	_ =	shalt  }
0x49: {  	_ =	shalt  }
0x4a: {  	_ =	shalt  }
0x4b: {  	_ =	shalt  }
0x4c: {  	_ =	shalt  }
0x4d: {  	_ =	shalt  }
0x4e: {  	_ =	shalt  }
0x4f: {  	_ =	shalt  }
0x50: {  	_ =	shalt  }
0x51: {  	_ =	shalt  }
0x52: {  	_ =	shalt  }
0x53: {  	_ =	shalt  }
0x54: {  	_ =	shalt  }
0x55: {  	_ =	shalt  }
0x56: {  	_ =	shalt  }
0x57: {  	_ =	shalt  }
0x58: {  	_ =	shalt  }
0x59: {  	_ =	shalt  }
0x5a: {  	_ =	shalt  }
0x5b: {  	_ =	shalt  }
0x5c: {  	_ =	shalt  }
0x5d: {  	_ =	shalt  }
0x5e: {  	_ =	shalt  }
0x5f: {  	_ =	shalt  }
0x60: {  	_ =	shalt  }
0x61: {  	_ =	shalt  }
0x62: {  	_ =	shalt  }
0x63: {  	_ =	shalt  }
0x64: {  	_ =	shalt  }
0x65: {  	_ =	shalt  }
0x66: {  	_ =	shalt  }
0x67: {  	_ =	shalt  }
0x68: {  	_ =	shalt  }
0x69: {  	_ =	shalt  }
0x6a: {  	_ =	shalt  }
0x6b: {  	_ =	shalt  }
0x6c: {  	_ =	shalt  }
0x6d: {  	_ =	shalt  }
0x6e: {  	_ =	shalt  }
0x6f: {  	_ =	shalt  }
0x70: {  	_ =	shalt  }
0x71: {  	_ =	shalt  }
0x72: {  	_ =	shalt  }
0x73: {  	_ =	shalt  }
0x74: {  	_ =	shalt  }
0x75: {  	_ =	shalt  }
0x76: {  	_ =	shalt  }
0x77: {  	_ =	shalt  }
0x78: {  	_ =	shalt  }
0x79: {  	_ =	shalt  }
0x7a: {  	_ =	shalt  }
0x7b: {  	_ =	shalt  }
0x7c: {  	_ =	shalt  }
0x7d: {  	_ =	shalt  }
0x7e: {  	_ =	shalt  }
0x7f: {  	_ =	shalt  }
0x80: {  	_ =	shalt  }
0x81: {  	_ =	shalt  }
0x82: {  	_ =	shalt  }
0x83: {  	_ =	shalt  }
0x84: {  	_ =	shalt  }
0x85: {  	_ =	shalt  }
0x86: {  	_ =	shalt  }
0x87: {  	_ =	shalt  }
.Lfunc_end0:
.L_simem_size_0:
called_computation_lowered:
.L_overlay_start_0:
0x88: {  	s2 =	sld [smem:$0x3FD9]  }
0x89: {  	s3 =	sld [smem:$0x3FFE];
	_ =	sdelay $0x1  }
0x8a: {  	s1 =	srdreg.scid  }
0x8b: {  	s0 =	sand.u32 $0x1, s1  }
0x8c: {  	s17 =	sshll.u32 s0, $0xA;
	s2 =	sadd.s32 s3, s2  }
0x8d: {  	s2 =	sadd.s32 s2, s17  }
0x8e: {  	[smem:$0x3FC6] =	sst s2  }
0x8f: {  	_ = 	snop  }
0x90: {  	s2 =	sld [smem:$0x3FC9]  }
0x91: {  	s18 =	sld [smem:$0x3FC8]  }
0x92: {  	s4 =	sld [smem:$0x3FD0];
	(tm) =	ssettm $0x1  }
0x93: {  	s5 =	sld [smem:$0x3FFB];
	_ =	sdelay $0x3  }
0x94: {  	_ =	strace s5  }
0x95: {  	s5 =	sld [smem:$0x3FFC];
	_ =	sdelay $0x3  }
0x96: {  	_ =	strace s5  }
0x97: {  	s5 =	sld [smem:$0x3FFD];
	_ =	sdelay $0x3  }
0x98: {  	_ =	strace s5  }
0x99: {  	_ =	strace $0x8FFFFFFF  }
0x9a: {  	s19 =	sld [smem:$0x3FDB];
	_ =	sdelay $0x1  }
0x9b: {  	s6 =	simm.s32 $_scs_section_size  }
0x9c: {  	s7 =	simm.s32 $_size__tile_overlayer_lowered;
	s8 =	simm.s32 $_tile_overlayer_lowered  }
0x9d: {  	s22 =	simm.s32 $0x1BFF;
	s21 =	sshll.u32 s8, $0x1;
	s5 =	sadd.s32 s6, s19  }
0x9e: {  	s9 =	simm.s32 $0x0;
	s20 =	sshll.u32 s7, $0x1;
	s7 =	sadd.s32 s21, s5  }
0x9f: {  	[timem:s9], [sflag:s22] =	dma.local [hbm:s7], s20  }
0xa0: {  	_ =	swait.ge [sflag:s22], s20  }
0xa1: {  	s6 =	ssub.s32 $0x0, s20;
	[sflag:s22] =	ssyncset.done $0x0  }
0xa2: {  	[sflag:s22] =	ssyncadd.s32 s6;
	_ =	sdelay $0x1  }
0xa3: {  	s23 =	simm.s32 $0x1B8B  }
0xa4: {  	_ =	swait.ge [sflag:s23], $0x1  }
0xa5: {  	[sflag:s23] =	ssyncset.done $0x0  }
0xa6: {  	s25 =	simm.s32 $0x1B8E;
	s24 =	sld [smem:$0x3FFE];
	[sflag:s23] =	ssyncadd.s32 $0xFFFFFFFF  }
0xa7: {  	s26 =	simm.s32 $execute0_lowered;
	[smem:$0x3FD2] =	sst s25  }
0xa8: {  	s7 =	sshll.u32 s26, $0x1;
	_ =	strace $0x80000046;
	[dreg:$0x1] =	wrdreg $0xFFFFFFFF  }
0xa9: {  	s28 =	simm.s32 $_size_execute0_lowered;
	s5 =	sadd.s32 s5, s7;
	[dreg:$0x0] =	wrdreg $0x0  }
0xaa: {  	s7 =	sshll.u32 s28, $0x1;
	[dreg:$0x2] =	wrdreg s5  }
0xab: {  	[dreg:$0x3] =	wrdreg s7  }
0xac: {  	[dreg:$0x4] =	wrdreg $0xC0  }
0xad: {  	_ =	task [dreg:s9], $0x5FFFF  }
0xae: {  	[dreg:$0x1] =	wrdreg $0xFFFFFFFF  }
0xaf: {  	[dreg:$0x0] =	wrdreg $0x60  }
0xb0: {  	[dreg:$0x2] =	wrdreg s2  }
0xb1: {  	[dreg:$0x3] =	wrdreg s18  }
0xb2: {  	[dreg:$0x4] =	wrdreg s24  }
0xb3: {  	[dreg:$0x5] =	wrdreg s4  }
0xb4: {  	[dreg:$0x6] =	wrdreg $0x99F00  }
0xb5: {  	[dreg:$0x7] =	wrdreg $0x136700  }
0xb6: {  	[dreg:$0x8] =	wrdreg $0x9  }
0xb7: {  	_ =	task.clear_ibuf [dreg:s9], $0x9FFFF;
	_ =	strace $0x90000046  }
0xb8: {  	s29 =	simm.s32 $0x9;
	_ =	strace $0x80000048  }
0xb9: {  	_ =	swait.ge [sflag:s29], $0x1  }
0xba: {  	[sflag:s29] =	ssyncadd.s32 $0xFFFFFFFF  }
0xbb: {  	_ =	strace $0x90000048  }
0xbc: {  	_ =	sfence  }
0xbd: {  	s30 =	sld [smem:$0x0];
	_ =	sdelay $0x2  }
0xbe: {  	s31 =	sshll.u32 s1, $0xD;
	s1 =	sshrl.u32 s1, $0x2  }
0xbf: {  	s3 =	sand.u32 $0x4000, s31;
	s1 =	sadd.s32 s1, s30  }
0xc0: {  	s0 =	sor.u32 s3, s0;
	s1 =	sshll.u32 s1, $0x11  }
0xc1: {  	s0 =	sor.u32 s1, s0  }
0xc2: {  	s0 =	sadd.s32 $0x8F2B, s0  }
0xc3: {  	[sflag:s0] =	ssyncadd.remote.s32 $0x1  }
0xc4: {  	_ =	sfence.sel $0xFFFF  }
0xc5: {  	[dreg:$0x0] =	wrdreg $0xFFFFFFFF;
	(pc) =	sbr.abs _section_cstart, $3  }
0xc6: {  	[dreg:$0x1] =	wrdreg $0xFFFFFFFF  }
0xc7: {  	_ =	task.clear_ibuf [dreg:s9], $0x2FFFF;
	_ =	strace $0x9FFFFFFF  }
0xc8: {  	(tm) =	ssettm $0x7FFFFFFF  }
0xc9: {  	_ =	shalt  }
tec
execute0_lowered:
.L_overlay_start_1:
0x0: {  	(tag) =	ssettag $0x1  }
0x1: {  	s0 =	rddreg [dreg:$0x0]  }
0x2: {  	s2 =	rddreg [dreg:$0x1]  }
0x3: {  	s1 =	rddreg [dreg:$0x3]  }
0x4: {  	s4 =	rddreg [dreg:$0x4]  }
0x5: {  	s3 =	rddreg [dreg:$0x5];
	s5 =	srdreg.scid;
	s6 =	simm.s32 $0x0  }
0x6: {  	s20 =	stileid.u32;
	s28 =	simm.s32 $0x4000;
	s29 =	simm.s32 $0x8000  }
0x7: {  	s30 =	simm.s32 $0x4;
	s31 =	simm.s32 $0x8100;
	s9 =	smul.u32 $0x27000, s20  }
0x8: {  	s5 =	sand.u32 $0x1, s5;
	[smem:$0x7FF] =	sst s6;
	s12 =	smul.u32 $0x138, s20  }
0x9: {  	s23 =	sadd.s32 $0x1, s20;
	s11 =	smul.u32 $0x4E40, s20;
	p0 =	seq.s32 s20, $0xF  }
0xa: {  	s7 =	ssub.s32 $0x2, s5;
	_ =	strace $0x80000047;
	[dreg:$0x7] =	wrdreg s23  }
0xb: {  	s13 =	smul.u32 $0x1388, s5;
	p1 =	seq.s32 s5, $0x0;
	s5 =	simm.s32 $0x1390  }
0xc: {  	s8 =	sshrl.u32 s7, $0x1;
	s24 =	sshrl.u32 s9, $0x2;
	s15 =	sadd.s32 $0x50, s12  }
0xd: {  	s16 =	sadd.s32 $0xA0, s12;
	s17 =	sadd.s32 $0xF0, s12;
	s18 =	sshrl.u32 s11, $0x2  }
0xe: {  	s7 =	ssub.s32 s7, s8;
	s8 =	sadd.s32 s24, s4;
	s25 =	sshll.u32 s15, $0x7  }
0xf: {  	s10 =	sshll.u32 s16, $0x7;
	s14 =	sshll.u32 s17, $0x7;
	s19 =	sadd.s32 s12, s13  }
0x10: {  	s26 =	sadd.s32 s18, s3;
	s12 =	sadd.s32 s12, s3;
	s22 =	sadd.s32 s16, s3  }
0x11: {  	s24 =	sadd.s32 s17, s3;
	v0 =	vmov s13;
	s13 =	simm.s32 $0x0;
	[dreg:$0x8] =	wrdreg s26  }
0x12: {  	s9 =	sadd.s32 s25, s4;
	s10 =	sadd.s32 s10, s4;
	[dreg:$0x9] =	wrdreg s12  }
0x13: {  	s11 =	sadd.s32 s14, s4;
	s18 =	sshll.u32 s19, $0x4;
	[dreg:$0xc] =	wrdreg s22  }
0x14: {  	s19 =	sadd.s32 s15, s3;
	[dreg:$0xe] =	wrdreg s24;
	s26 =	smax.u32 s7, $0x1  }
0x15: {  	s24 =	simm.s32 $0x1;
	s3 =	simm.s32 $0x3;
	s22 =	simm.s32 $0x50  }
0x16: {  	s7 =	simm.s32 $0x9490;
	s14 =	sadd.s32 s1, s18;
	[dreg:$0xa] =	wrdreg s19  }
0x17: {  	s12 =	simm.s32 $0x9990;
	[dreg:$0x10] =	wrdreg s26;
	s21 =	sadd.s32 $0x500, s14  }
0x18: {  	s26 =	simm.s32 $0x8080;
	s23 =	sadd.s32 $0xA00, s14;
	[dreg:$0xb] =	wrdreg s21  }
0x19: {  	v1 =	vimm.f32 $0.0e+00;
	s1 =	simm.s32 $0x2;
	s25 =	sadd.s32 $0xF00, s14;
	[dreg:$0xd] =	wrdreg s23  }
0x1a: {  	v2 =	vimm.s32 $0x1388;
	v3 =	vlaneseq.u32;
	v4 =	vimm.f32 $1.000000000e+00;
	[dreg:$0xf] =	wrdreg s25;
	s23 =	simm.s32 $0x5;
	s25 =	simm.s32 $0x80  }
.LBB2_1:
0x1b: {  	s15 =	rddreg [dreg:$0x2];
	s16 =	simm.s32 $0x99E0  }
0x1c: {  	[tilespmem:s16], [sflag:$0x5] =	stream.linear.gather [hbm4b:s15+s6], $0x10, $0x38;
	[tilespmem:$0x14A00] =	vst v63  }
0x1d: {  	_ =	swait.ge [sflag:s23], $0x10  }
0x1e: {  	[sflag:s23] =	ssyncset.done $0x0  }
0x1f: {  	s15 =	simm.s32 $0x40;
	[sflag:s23] =	ssyncadd.s32 $0xFFFFFFF0  }
0x20: {  	v5 =	vld [tilespmem:$0x99E0];
	[tilespmem:s15+$0xFFFFFFD0] =	vst v1  }
0x21: {  	[tilespmem:s15+$0xFFFFFFE0] =	vst v1  }
0x22: {  	[tilespmem:s15+$0xFFFFFFF0] =	vst v1  }
0x23: {  	[tilespmem:s15+$0x0] =	vst v1  }
0x24: {  	[tilespmem:s15+$0x10] =	vst v1  }
0x25: {  	[tilespmem:s15+$0x20] =	vst v1  }
0x26: {  	[tilespmem:s15+$0x30] =	vst v1  }
0x27: {  	s17 =	sand.u32 $0x70, s6;
	s16 =	simm.s32 $0x10;
	[tilespmem:s15+$0xFFFFFFC0] =	vst v1  }
.LBB2_2:
0x28: {  	p2 =	sne.s32 s16, $0x7F0;
	[tilespmem:s17+$0x8080] =	vst v2;
	s15 =	sadd.s32 $0x80, s15  }
0x29: {  	[tilespmem:s15+$0xFFFFFFD0] =	vst v1  }
0x2a: {  	[tilespmem:s15+$0xFFFFFFE0] =	vst v1  }
0x2b: {  	[tilespmem:s15+$0xFFFFFFF0] =	vst v1  }
.Ltmp0:
0x2c: {  	[tilespmem:s15+$0x0] =	vst v1;
	(pc) =	sbr.rel @p2 .LBB2_2-.Ltmp0, $4  }
0x2d: {  	[tilespmem:s15+$0x10] =	vst v1  }
0x2e: {  	[tilespmem:s15+$0x20] =	vst v1  }
0x2f: {  	[tilespmem:s15+$0x30] =	vst v1  }
0x30: {  	s17 =	sand.u32 $0x70, s16;
	s16 =	sadd.s32 $0x10, s16;
	[tilespmem:s15+$0xFFFFFFC0] =	vst v1  }
0x31: {  	[tilespmem:s17+$0x8080] =	vst v2;
	s15 =	simm.s32 $0x40;
	s17 =	simm.s32 $0x0  }
.LBB2_4:
0x32: {  	p2 =	sne.s32 s15, $0x4E00;
	[tilespmem:s17+$0x8100] =	vst v1;
	s16 =	smov.u32 s15;
	s15 =	sadd.s32 $0x40, s15  }
.Ltmp1:
0x33: {  	(pc) =	sbr.rel @p2 .LBB2_4-.Ltmp1, $2  }
0x34: {  	_ =	sdelay $0x2  }
0x35: {  	s17 =	sshra.s32 s16, $0x2  }
0x36: {  	(v2sf) =	vpush v5, $0x0;
	_ =	sdelay $0xe  }
0x37: {  	s15 =	spop (v2sf)  }
0x38: {  	s16 =	sand.u32 $0x7, s15  }
0x39: {  	s18 =	sshra.s32 s15, $0x1F;
	p2 =	slt.s32 s15, $0x1;
	p3 =	sne.s32 s16, $0x0  }
0x3a: {  	s20 =	sshrl.u32 s18, $0x1D;
	p2 =	por !p2, !p3  }
0x3b: {  	s18 =	simm.s32 $0x1;
	s16 =	sadd.s32 s20, s15;
	p2 =	por !p2, !p2  }
0x3c: {  	s16 =	sshrl.u32 s16, $0x3;
	s18 =	simm.s32 @!p2 $0x0  }
0x3d: {  	s16 =	ssub.s32 s16, s18  }
0x3e: {  	s16 =	sshll.u32 s16, $0x3  }
0x3f: {  	s15 =	simm.s32 @!p1 $0x4E200;
	s16 =	simm.s32 @p1 $0x0  }
0x40: {  	s19 =	stileid.u32;
	s18 =	ssub.s32 s15, s16  }
0x41: {  	[tilespmem:s17+$0x8100] =	vst v1;
	s19 =	smul.u32 s19, s18  }
0x42: {  	[spmem:s8] =	stream.linear.scatter [tilespmem:s6], [sflag:$0x5], $0x2800, $0x38;
	[tilespmem:$0x14A00] =	vst v63  }
0x43: {  	s20 =	sand.u32 $0xF, s19  }
0x44: {  	s21 =	sshra.s32 s19, $0x1F;
	p3 =	slt.s32 s19, $0x1;
	p4 =	sne.s32 s20, $0x0  }
0x45: {  	s20 =	sshrl.u32 s21, $0x1C;
	s21 =	rddreg [dreg:$0x7];
	_ =	swait.ge [sflag:s23], $0x2800  }
0x46: {  	p2 =	por !p3, !p4;
	s18 =	smul.u32 s21, s18;
	s19 =	sadd.s32 s20, s19  }
0x47: {  	s20 =	simm.s32 $0x1;
	[sflag:s23] =	ssyncset.done $0x0;
	p2 =	por !p2, !p2  }
0x48: {  	s19 =	sshra.s32 s19, $0x4;
	[sflag:s23] =	ssyncadd.s32 $0xFFFFD800;
	s21 =	sand.u32 $0xF, s18  }
0x49: {  	[spmem:s9] =	stream.linear.scatter [tilespmem:s6], [sflag:$0x5], $0x2800, $0x38;
	[tilespmem:$0x14A00] =	vst v63  }
0x4a: {  	s20 =	simm.s32 @!p2 $0x0;
	p6 =	slt.s32 s18, $0x1;
	p5 =	sne.s32 s21, $0x0  }
0x4b: {  	s21 =	sshra.s32 s18, $0x1F;
	s19 =	ssub.s32 s19, s20;
	s20 =	simm.s32 $0x1  }
0x4c: {  	_ =	swait.ge [sflag:s23], $0x2800;
	s21 =	sshrl.u32 s21, $0x1C;
	p2 =	por !p6, !p5  }
0x4d: {  	p4 =	slt.s32 s19, $0x1;
	[sflag:s23] =	ssyncset.done $0x0;
	s18 =	sadd.s32 s21, s18  }
0x4e: {  	p2 =	por !p2, !p2;
	s21 =	sshrl.u32 s19, $0x1D;
	[sflag:s23] =	ssyncadd.s32 $0xFFFFD800  }
0x4f: {  	s18 =	sshra.s32 s18, $0x4;
	s20 =	simm.s32 @!p2 $0x0;
	s21 =	sadd.s32 s21, s19  }
0x50: {  	[spmem:s10] =	stream.linear.scatter [tilespmem:s6], [sflag:$0x5], $0x2800, $0x38;
	[tilespmem:$0x14A00] =	vst v63  }
0x51: {  	s18 =	ssub.s32 s18, s20;
	s20 =	sand.u32 $0x7, s19;
	s17 =	sshrl.u32 s21, $0x3  }
0x52: {  	s19 =	simm.s32 $0x1;
	_ =	swait.ge [sflag:s23], $0x2800;
	p5 =	sne.s32 s20, $0x0  }
0x53: {  	s20 =	sand.u32 $0x7, s18;
	p6 =	slt.s32 s18, $0x1;
	s21 =	sshrl.u32 s18, $0x1D  }
0x54: {  	[sflag:s23] =	ssyncset.done $0x0;
	p2 =	por !p4, !p5;
	p4 =	sne.s32 s20, $0x0  }
0x55: {  	s20 =	simm.s32 $0x1;
	[sflag:s23] =	ssyncadd.s32 $0xFFFFD800;
	p3 =	por !p6, !p4  }
0x56: {  	[spmem:s11] =	stream.linear.scatter [tilespmem:s6], [sflag:$0x5], $0x2800, $0x38;
	[tilespmem:$0x14A00] =	vst v63  }
0x57: {  	s18 =	sadd.s32 s21, s18;
	p2 =	por !p2, !p2;
	p3 =	por !p3, !p3  }
0x58: {  	s18 =	sshrl.u32 s18, $0x3;
	_ =	swait.ge [sflag:s23], $0x2800;
	s19 =	simm.s32 @!p3 $0x0  }
0x59: {  	s20 =	simm.s32 @!p2 $0x0;
	[sflag:s23] =	ssyncset.done $0x0;
	s18 =	ssub.s32 s18, s19  }
0x5a: {  	s17 =	ssub.s32 s17, s20;
	[sflag:s23] =	ssyncadd.s32 $0xFFFFD800;
	s18 =	sshll.u32 s18, $0x3  }
0x5b: {  	s17 =	sshll.u32 s17, $0x3;
	[bflag:$0x0] =	sbarrier.arrive $0xFFFF;
	s18 =	sadd.s32 s16, s18  }
0x5c: {  	[spmem:s4] =	stream.indirect.scatter.add.f32 [tilespmem:s28], [sflag:$0x4], $0x80, s26, s25, $0xb8;
	[tilespmem:$0x14A00] =	vst v63  }
0x5d: {  	s16 =	sadd.s32 s16, s17;
	s18 =	smov.u32 @p0 s15  }
0x5e: {  	s15 =	ssub.s32 s18, s16  }
0x5f: {  	s15 =	sadd.s32 $0x7F, s15  }
0x60: {  	s20 =	sand.u32 $0x7F, s15  }
0x61: {  	s21 =	sshra.s32 s15, $0x1F;
	p3 =	slt.s32 s15, $0x1;
	p4 =	sne.s32 s20, $0x0  }
0x62: {  	s17 =	simm.s32 $0x1;
	s20 =	sshrl.u32 s21, $0x19;
	p2 =	por !p3, !p4  }
0x63: {  	s19 =	smov.u32 s16;
	s15 =	sadd.s32 s20, s15;
	p2 =	por !p2, !p2  }
0x64: {  	s15 =	sshra.s32 s15, $0x7;
	s17 =	simm.s32 @!p2 $0x0;
	p2 =	slt.s32 s16, $0x4E180  }
0x65: {  	s15 =	ssub.s32 s15, s17;
	s19 =	simm.s32 @!p2 $0x4E180  }
0x66: {  	s17 =	sadd.s32 $0x1, s15;
	s20 =	sshll.u32 s19, $0x4  }
0x67: {  	s21 =	sand.u32 $0x1, s17;
	s20 =	sand.u32 $0x1FFFFF80, s20  }
0x68: {  	p5 =	slt.s32 s15, $0x0;
	p6 =	seq.s32 s21, $0x1;
	s21 =	sadd.s32 s0, s20  }
0x69: {  	[tilespmem:s6], [sflag:$0x1] =	stream.linear.gather [hbm4b:s21+s6], $0x4000, $0x38;
	[tilespmem:$0x14A00] =	vst v63  }
0x6a: {  	s19 =	sshrl.u32 s19, $0x3;
	s20 =	sshrl.u32 s17, $0x1F;
	p2 =	por !p5, !p6  }
0x6b: {  	s15 =	sadd.s32 s20, s17;
	s17 =	simm.s32 $0x1;
	p2 =	por !p2, !p2  }
0x6c: {  	s21 =	sadd.s32 s2, s19;
	s15 =	sshra.s32 s15, $0x1;
	s17 =	simm.s32 @!p2 $0x0  }
0x6d: {  	[tilespmem:s29], [sflag:$0x1] =	stream.linear.gather [hbm4b:s21+s6], $0x80, $0x38;
	[tilespmem:$0x14A00] =	vst v63  }
0x6e: {  	s15 =	ssub.s32 s15, s17  }
0x6f: {  	p2 =	sgt.s32 s15, $0x1  }
0x70: {  	s15 =	simm.s32 @!p2 $0x1  }
0x71: {  	v5 =	vmov s18;
	s16 =	sadd.s32 $0x100, s16;
	s15 =	ssub.s32 $0x0, s15  }
.LBB2_6:
0x72: {  	_ =	swait.ge [sflag:s24], $0x4000  }
0x73: {  	[sflag:s24] =	ssyncset.done $0x0  }
0x74: {  	[sflag:s24] =	ssyncadd.s32 $0xFFFFC000  }
0x75: {  	s18 =	sadd.s32 $0xFFFFFF80, s16;
	_ =	swait.ge [sflag:s24], $0x80  }
0x76: {  	p2 =	slt.s32 s18, $0x4E180;
	s17 =	smov.u32 s18;
	[sflag:s24] =	ssyncset.done $0x0  }
0x77: {  	s17 =	simm.s32 @!p2 $0x4E180;
	[sflag:s24] =	ssyncadd.s32 $0xFFFFFF80  }
0x78: {  	s19 =	sshll.u32 s17, $0x4;
	_ =	swait.ge [sflag:s30], $0x4000  }
0x79: {  	s19 =	sand.u32 $0x1FFFFFF0, s19;
	[sflag:s30] =	ssyncset.done $0x0  }
0x7a: {  	s20 =	sshrl.u32 s17, $0x3;
	s19 =	sadd.s32 s0, s19;
	[sflag:s30] =	ssyncadd.s32 $0xFFFFC000  }
0x7b: {  	[tilespmem:s28], [sflag:$0x2] =	stream.linear.gather [hbm4b:s19+s6], $0x4000, $0x38;
	[tilespmem:$0x14A00] =	vst v63  }
0x7c: {  	s19 =	sadd.s32 s2, s20  }
0x7d: {  	[tilespmem:s26], [sflag:$0x2] =	stream.linear.gather [hbm4b:s19+s6], $0x80, $0x38;
	[tilespmem:$0x14A00] =	vst v63  }
0x7e: {  	v6 =	vld [tilespmem:$0x8000]  }
0x7f: {  	s20 =	sadd.s32 $0xFFFFFF00, s16  }
0x80: {  	p2 =	slt.s32 s20, $0x4E180;
	s19 =	smov.u32 s20  }
0x81: {  	s19 =	simm.s32 @!p2 $0x4E180  }
0x82: {  	v7 =	vadd.s32 s19, v3  }
0x83: {  	vm0 =	vge.s32 v7, s20;
	vm1 =	vlt.s32 v7, v5;
	v6 =	vsub.s32 v6, v0  }
0x84: {  	vm0 =	vmand vm0, vm1;
	v6 =	vmin.u32 v6, $0x1388  }
0x85: {  	v6 =	vnsel vm0, $0x1388, v6;
	_ =	sdelay $0x3  }
0x86: {  	[tilespmem:$0x8000] =	vst v6  }
0x87: {  	[tilespmem:v6+s31+$0x0] =	vst.idx.add.f32.msk $0xffff, v4  }
0x88: {  	v6 =	vld [tilespmem:$0x8010];
	_ =	sdelay $0x2  }
0x89: {  	s21 =	sadd.s32 $0x10, s19  }
0x8a: {  	v7 =	vadd.s32 s21, v3  }
0x8b: {  	vm10 =	vge.s32 v7, s20;
	vm11 =	vlt.s32 v7, v5;
	v6 =	vsub.s32 v6, v0  }
0x8c: {  	vm0 =	vmand vm10, vm11;
	v6 =	vmin.u32 v6, $0x1388  }
0x8d: {  	v6 =	vnsel vm0, $0x1388, v6;
	_ =	sdelay $0x3  }
0x8e: {  	[tilespmem:$0x8010] =	vst v6  }
0x8f: {  	[tilespmem:v6+s31+$0x0] =	vst.idx.add.f32.msk $0xffff, v4  }
0x90: {  	v6 =	vld [tilespmem:$0x8020];
	_ =	sdelay $0x2  }
0x91: {  	s21 =	sadd.s32 $0x20, s19  }
0x92: {  	v7 =	vadd.s32 s21, v3  }
0x93: {  	vm12 =	vge.s32 v7, s20;
	vm13 =	vlt.s32 v7, v5;
	v6 =	vsub.s32 v6, v0  }
0x94: {  	vm0 =	vmand vm12, vm13;
	v6 =	vmin.u32 v6, $0x1388  }
0x95: {  	v6 =	vnsel vm0, $0x1388, v6;
	_ =	sdelay $0x3  }
0x96: {  	[tilespmem:$0x8020] =	vst v6  }
0x97: {  	[tilespmem:v6+s31+$0x0] =	vst.idx.add.f32.msk $0xffff, v4  }
0x98: {  	v6 =	vld [tilespmem:$0x8030];
	_ =	sdelay $0x2  }
0x99: {  	s21 =	sadd.s32 $0x30, s19  }
0x9a: {  	v7 =	vadd.s32 s21, v3  }
0x9b: {  	vm14 =	vge.s32 v7, s20;
	vm15 =	vlt.s32 v7, v5;
	v6 =	vsub.s32 v6, v0  }
0x9c: {  	vm0 =	vmand vm14, vm15;
	v6 =	vmin.u32 v6, $0x1388  }
0x9d: {  	v6 =	vnsel vm0, $0x1388, v6;
	_ =	sdelay $0x3  }
0x9e: {  	[tilespmem:$0x8030] =	vst v6  }
0x9f: {  	[tilespmem:v6+s31+$0x0] =	vst.idx.add.f32.msk $0xffff, v4  }
0xa0: {  	v6 =	vld [tilespmem:$0x8040];
	_ =	sdelay $0x2  }
0xa1: {  	s21 =	sadd.s32 $0x40, s19  }
0xa2: {  	v7 =	vadd.s32 s21, v3  }
0xa3: {  	vm4 =	vge.s32 v7, s20;
	vm5 =	vlt.s32 v7, v5;
	v6 =	vsub.s32 v6, v0  }
0xa4: {  	vm0 =	vmand vm4, vm5;
	v6 =	vmin.u32 v6, $0x1388  }
0xa5: {  	v6 =	vnsel vm0, $0x1388, v6;
	_ =	sdelay $0x3  }
0xa6: {  	[tilespmem:$0x8040] =	vst v6  }
0xa7: {  	[tilespmem:v6+s31+$0x0] =	vst.idx.add.f32.msk $0xffff, v4  }
0xa8: {  	v6 =	vld [tilespmem:$0x8050];
	_ =	sdelay $0x2  }
0xa9: {  	s21 =	sadd.s32 $0x50, s19  }
0xaa: {  	v7 =	vadd.s32 s21, v3  }
0xab: {  	vm6 =	vge.s32 v7, s20;
	vm7 =	vlt.s32 v7, v5;
	v6 =	vsub.s32 v6, v0  }
0xac: {  	vm0 =	vmand vm6, vm7;
	v6 =	vmin.u32 v6, $0x1388  }
0xad: {  	v6 =	vnsel vm0, $0x1388, v6;
	_ =	sdelay $0x3  }
0xae: {  	[tilespmem:$0x8050] =	vst v6  }
0xaf: {  	[tilespmem:v6+s31+$0x0] =	vst.idx.add.f32.msk $0xffff, v4  }
0xb0: {  	v6 =	vld [tilespmem:$0x8060];
	_ =	sdelay $0x2  }
0xb1: {  	s21 =	sadd.s32 $0x60, s19  }
0xb2: {  	v7 =	vadd.s32 s21, v3  }
0xb3: {  	vm8 =	vge.s32 v7, s20;
	vm9 =	vlt.s32 v7, v5;
	v6 =	vsub.s32 v6, v0  }
0xb4: {  	vm0 =	vmand vm8, vm9;
	v6 =	vmin.u32 v6, $0x1388  }
0xb5: {  	v6 =	vnsel vm0, $0x1388, v6;
	_ =	sdelay $0x3  }
0xb6: {  	[tilespmem:$0x8060] =	vst v6  }
0xb7: {  	[tilespmem:v6+s31+$0x0] =	vst.idx.add.f32.msk $0xffff, v4  }
0xb8: {  	v6 =	vld [tilespmem:$0x8070];
	_ =	sdelay $0x2  }
0xb9: {  	s19 =	sadd.s32 $0x70, s19  }
0xba: {  	v7 =	vadd.s32 s19, v3  }
0xbb: {  	vm10 =	vge.s32 v7, s20;
	vm11 =	vlt.s32 v7, v5;
	v6 =	vsub.s32 v6, v0  }
0xbc: {  	vm0 =	vmand vm10, vm11;
	v6 =	vmin.u32 v6, $0x1388  }
0xbd: {  	v6 =	vnsel vm0, $0x1388, v6;
	_ =	sdelay $0x3  }
0xbe: {  	[tilespmem:$0x8070] =	vst v6  }
0xbf: {  	[tilespmem:v6+s31+$0x0] =	vst.idx.add.f32.msk $0xffff, v4  }
0xc0: {  	[spmem:s4] =	stream.indirect.scatter.add.f32 [tilespmem:s6], [sflag:$0x3], $0x80, s29, s25, $0xb8;
	[tilespmem:$0x14A00] =	vst v63  }
0xc1: {  	_ =	swait.ge [sflag:s1], $0x4000  }
0xc2: {  	[sflag:s1] =	ssyncset.done $0x0  }
0xc3: {  	[sflag:s1] =	ssyncadd.s32 $0xFFFFC000  }
0xc4: {  	_ =	swait.ge [sflag:s1], $0x80  }
0xc5: {  	p2 =	slt.s32 s16, $0x4E180;
	s19 =	smov.u32 s16;
	[sflag:s1] =	ssyncset.done $0x0  }
0xc6: {  	s19 =	simm.s32 @!p2 $0x4E180;
	[sflag:s1] =	ssyncadd.s32 $0xFFFFFF80  }
0xc7: {  	s21 =	sshll.u32 s19, $0x4;
	_ =	swait.ge [sflag:s3], $0x4000  }
0xc8: {  	s20 =	sand.u32 $0x1FFFFFF0, s21;
	[sflag:s3] =	ssyncset.done $0x0  }
0xc9: {  	s19 =	sshrl.u32 s19, $0x3;
	s20 =	sadd.s32 s0, s20;
	[sflag:s3] =	ssyncadd.s32 $0xFFFFC000  }
0xca: {  	[tilespmem:s6], [sflag:$0x1] =	stream.linear.gather [hbm4b:s20+s6], $0x4000, $0x38;
	[tilespmem:$0x14A00] =	vst v63  }
0xcb: {  	s19 =	sadd.s32 s2, s19  }
0xcc: {  	[tilespmem:s29], [sflag:$0x1] =	stream.linear.gather [hbm4b:s19+s6], $0x80, $0x38;
	[tilespmem:$0x14A00] =	vst v63  }
0xcd: {  	v6 =	vld [tilespmem:$0x8080];
	_ =	sdelay $0x3  }
0xce: {  	v7 =	vadd.s32 s17, v3  }
0xcf: {  	vm12 =	vge.s32 v7, s18;
	vm13 =	vlt.s32 v7, v5;
	v6 =	vsub.s32 v6, v0  }
0xd0: {  	vm0 =	vmand vm12, vm13;
	v6 =	vmin.u32 v6, $0x1388  }
0xd1: {  	v6 =	vnsel vm0, $0x1388, v6;
	_ =	sdelay $0x3  }
0xd2: {  	[tilespmem:$0x8080] =	vst v6  }
0xd3: {  	[tilespmem:v6+s31+$0x0] =	vst.idx.add.f32.msk $0xffff, v4  }
0xd4: {  	v6 =	vld [tilespmem:$0x8090];
	_ =	sdelay $0x2  }
0xd5: {  	s20 =	sadd.s32 $0x10, s17  }
0xd6: {  	v7 =	vadd.s32 s20, v3  }
0xd7: {  	vm14 =	vge.s32 v7, s18;
	vm15 =	vlt.s32 v7, v5;
	v6 =	vsub.s32 v6, v0  }
0xd8: {  	vm0 =	vmand vm14, vm15;
	v6 =	vmin.u32 v6, $0x1388  }
0xd9: {  	v6 =	vnsel vm0, $0x1388, v6;
	_ =	sdelay $0x3  }
0xda: {  	[tilespmem:$0x8090] =	vst v6  }
0xdb: {  	[tilespmem:v6+s31+$0x0] =	vst.idx.add.f32.msk $0xffff, v4  }
0xdc: {  	v6 =	vld [tilespmem:$0x80A0];
	_ =	sdelay $0x2  }
0xdd: {  	s21 =	sadd.s32 $0x20, s17  }
0xde: {  	v7 =	vadd.s32 s21, v3  }
0xdf: {  	vm4 =	vge.s32 v7, s18;
	vm5 =	vlt.s32 v7, v5;
	v6 =	vsub.s32 v6, v0  }
0xe0: {  	vm0 =	vmand vm4, vm5;
	v6 =	vmin.u32 v6, $0x1388  }
0xe1: {  	v6 =	vnsel vm0, $0x1388, v6;
	_ =	sdelay $0x3  }
0xe2: {  	[tilespmem:$0x80A0] =	vst v6  }
0xe3: {  	[tilespmem:v6+s31+$0x0] =	vst.idx.add.f32.msk $0xffff, v4  }
0xe4: {  	v6 =	vld [tilespmem:$0x80B0];
	_ =	sdelay $0x2  }
0xe5: {  	s20 =	sadd.s32 $0x30, s17  }
0xe6: {  	v7 =	vadd.s32 s20, v3  }
0xe7: {  	vm6 =	vge.s32 v7, s18;
	vm7 =	vlt.s32 v7, v5;
	v6 =	vsub.s32 v6, v0  }
0xe8: {  	vm0 =	vmand vm6, vm7;
	v6 =	vmin.u32 v6, $0x1388  }
0xe9: {  	v6 =	vnsel vm0, $0x1388, v6;
	_ =	sdelay $0x3  }
0xea: {  	[tilespmem:$0x80B0] =	vst v6  }
0xeb: {  	[tilespmem:v6+s31+$0x0] =	vst.idx.add.f32.msk $0xffff, v4  }
0xec: {  	v6 =	vld [tilespmem:$0x80C0];
	_ =	sdelay $0x2  }
0xed: {  	s21 =	sadd.s32 $0x40, s17  }
0xee: {  	v7 =	vadd.s32 s21, v3  }
0xef: {  	vm8 =	vge.s32 v7, s18;
	vm9 =	vlt.s32 v7, v5;
	v6 =	vsub.s32 v6, v0  }
0xf0: {  	vm0 =	vmand vm8, vm9;
	v6 =	vmin.u32 v6, $0x1388  }
0xf1: {  	v6 =	vnsel vm0, $0x1388, v6;
	_ =	sdelay $0x3  }
0xf2: {  	[tilespmem:$0x80C0] =	vst v6  }
0xf3: {  	[tilespmem:v6+s31+$0x0] =	vst.idx.add.f32.msk $0xffff, v4  }
0xf4: {  	v6 =	vld [tilespmem:$0x80D0];
	_ =	sdelay $0x2  }
0xf5: {  	s20 =	sadd.s32 $0x50, s17  }
0xf6: {  	v7 =	vadd.s32 s20, v3  }
0xf7: {  	vm10 =	vge.s32 v7, s18;
	vm11 =	vlt.s32 v7, v5;
	v6 =	vsub.s32 v6, v0  }
0xf8: {  	vm0 =	vmand vm10, vm11;
	v6 =	vmin.u32 v6, $0x1388  }
0xf9: {  	v6 =	vnsel vm0, $0x1388, v6;
	_ =	sdelay $0x3  }
0xfa: {  	[tilespmem:$0x80D0] =	vst v6  }
0xfb: {  	[tilespmem:v6+s31+$0x0] =	vst.idx.add.f32.msk $0xffff, v4  }
0xfc: {  	v6 =	vld [tilespmem:$0x80E0];
	_ =	sdelay $0x2  }
0xfd: {  	s21 =	sadd.s32 $0x60, s17  }
0xfe: {  	v7 =	vadd.s32 s21, v3  }
0xff: {  	vm12 =	vge.s32 v7, s18;
	vm13 =	vlt.s32 v7, v5;
	v6 =	vsub.s32 v6, v0  }
0x100: {  	vm0 =	vmand vm12, vm13;
	v6 =	vmin.u32 v6, $0x1388  }
0x101: {  	v6 =	vnsel vm0, $0x1388, v6;
	_ =	sdelay $0x3  }
0x102: {  	[tilespmem:$0x80E0] =	vst v6  }
0x103: {  	[tilespmem:v6+s31+$0x0] =	vst.idx.add.f32.msk $0xffff, v4  }
0x104: {  	v6 =	vld [tilespmem:$0x80F0];
	_ =	sdelay $0x2  }
0x105: {  	s17 =	sadd.s32 $0x70, s17  }
0x106: {  	v7 =	vadd.s32 s17, v3  }
0x107: {  	vm14 =	vge.s32 v7, s18;
	vm15 =	vlt.s32 v7, v5;
	v6 =	vsub.s32 v6, v0  }
0x108: {  	vm0 =	vmand vm14, vm15;
	v6 =	vmin.u32 v6, $0x1388  }
0x109: {  	s15 =	sadd.s32 $0x1, s15;
	v6 =	vnsel vm0, $0x1388, v6  }
0x10a: {  	p2 =	seq.s32 s15, $0x0  }
.Ltmp2:
0x10b: {  	_ = 	snop;
	(pc) =	sbr.rel @!p2 .LBB2_6-.Ltmp2, $4  }
0x10c: {  	_ = 	snop  }
0x10d: {  	[tilespmem:$0x80F0] =	vst v6  }
0x10e: {  	s16 =	sadd.s32 $0x100, s16;
	[tilespmem:v6+s31+$0x0] =	vst.idx.add.f32.msk $0xffff, v4  }
0x10f: {  	[spmem:s4] =	stream.indirect.scatter.add.f32 [tilespmem:s28], [sflag:$0x4], $0x80, s26, s25, $0xb8;
	[tilespmem:$0x14A00] =	vst v63  }
0x110: {  	_ =	swait.ge [sflag:s24], $0x4000  }
0x111: {  	[sflag:s24] =	ssyncset.done $0x0  }
0x112: {  	[sflag:s24] =	ssyncadd.s32 $0xFFFFC000  }
0x113: {  	_ =	swait.ge [sflag:s24], $0x80  }
0x114: {  	[sflag:s24] =	ssyncset.done $0x0  }
0x115: {  	[sflag:s24] =	ssyncadd.s32 $0xFFFFFF80  }
0x116: {  	_ =	swait.ge [sflag:s30], $0x4000  }
0x117: {  	[sflag:s30] =	ssyncset.done $0x0  }
0x118: {  	s15 =	rddreg [dreg:$0x8];
	[sflag:s30] =	ssyncadd.s32 $0xFFFFC000  }
0x119: {  	[spmem:s15] =	stream.linear.scatter [tilespmem:s31], [sflag:$0x5], $0x1390, $0x38;
	[tilespmem:$0x14A00] =	vst v63  }
0x11a: {  	_ =	swait.ge [sflag:s23], $0x1390  }
0x11b: {  	[sflag:s23] =	ssyncset.done $0x0  }
0x11c: {  	[sflag:s23] =	ssyncadd.s32 $0xFFFFEC70  }
0x11d: {  	s20 =	simm.s32 $0x0;
	[bflag:$0x0] =	sbarrier.arrive $0xFFFF  }
0x11e: {  	[tilespmem:s20], [sflag:$0x5] =	stream.linear.gather [spmem:s8], $0x2800, $0x38;
	[tilespmem:$0x14A00] =	vst v63  }
0x11f: {  	_ =	swait.ge [sflag:s23], $0x2800  }
0x120: {  	[sflag:s23] =	ssyncset.done $0x0  }
0x121: {  	s16 =	rddreg [dreg:$0x9];
	[sflag:s23] =	ssyncadd.s32 $0xFFFFD800  }
0x122: {  	[tilespmem:s7], [sflag:$0x5] =	stream.strided.gather [spmem:s16], $0x500, s5, s22, $0x38;
	[tilespmem:$0x14A00] =	vst v63  }
0x123: {  	_ =	swait.ge [sflag:s23], $0x500  }
0x124: {  	[sflag:s23] =	ssyncset.done $0x0  }
0x125: {  	[sflag:s23] =	ssyncadd.s32 $0xFFFFFB00  }
0x126: {  	v5 =	vld [tilespmem:$0x9490]  }
0x127: {  	v6 =	vld [tilespmem:$0x94E0]  }
0x128: {  	v7 =	vld [tilespmem:$0x9530]  }
0x129: {  	v8 =	vld [tilespmem:$0x9580]  }
0x12a: {  	v9 =	vld [tilespmem:$0x95D0]  }
0x12b: {  	v10 =	vld [tilespmem:$0x9620]  }
0x12c: {  	v11 =	vld [tilespmem:$0x9670]  }
0x12d: {  	v12 =	vld [tilespmem:$0x96C0]  }
0x12e: {  	v13 =	vld [tilespmem:$0x9710]  }
0x12f: {  	v14 =	vld [tilespmem:$0x9760]  }
0x130: {  	v15 =	vld [tilespmem:$0x97B0]  }
0x131: {  	v16 =	vld [tilespmem:$0x9800]  }
0x132: {  	v17 =	vld [tilespmem:$0x9850]  }
0x133: {  	v18 =	vld [tilespmem:$0x98A0]  }
0x134: {  	v19 =	vld [tilespmem:$0x98F0]  }
0x135: {  	v20 =	vld [tilespmem:$0x9940]  }
0x136: {  	v21 =	vld [tilespmem:$0x94A0]  }
0x137: {  	v22 =	vld [tilespmem:$0x94F0]  }
0x138: {  	v23 =	vld [tilespmem:$0x9540]  }
0x139: {  	v24 =	vld [tilespmem:$0x9590]  }
0x13a: {  	v25 =	vld [tilespmem:$0x95E0]  }
0x13b: {  	v26 =	vld [tilespmem:$0x9630]  }
0x13c: {  	v27 =	vld [tilespmem:$0x9680]  }
0x13d: {  	v28 =	vld [tilespmem:$0x96D0]  }
0x13e: {  	v29 =	vld [tilespmem:$0x9720]  }
0x13f: {  	v30 =	vld [tilespmem:$0x9770]  }
0x140: {  	v31 =	vld [tilespmem:$0x9810]  }
0x141: {  	v32 =	vld [tilespmem:$0x98B0]  }
0x142: {  	v33 =	vld [tilespmem:$0x9950]  }
0x143: {  	v34 =	vld [tilespmem:$0x9500]  }
0x144: {  	v35 =	vld [tilespmem:$0x95A0]  }
0x145: {  	v36 =	vld [tilespmem:$0x9640]  }
0x146: {  	v54 =	vld [tilespmem:$0x9690]  }
0x147: {  	v37 =	vld [tilespmem:$0x96E0];
	v5 =	vadd.f32 v6, v5  }
0x148: {  	v55 =	vld [tilespmem:$0x9730]  }
0x149: {  	v38 =	vld [tilespmem:$0x9780];
	v5 =	vadd.f32 v7, v5  }
0x14a: {  	v56 =	vld [tilespmem:$0x97D0]  }
0x14b: {  	v39 =	vld [tilespmem:$0x9820];
	v5 =	vadd.f32 v8, v5  }
0x14c: {  	v40 =	vld [tilespmem:$0x98C0]  }
0x14d: {  	v41 =	vld [tilespmem:$0x9960];
	v5 =	vadd.f32 v9, v5  }
0x14e: {  	v57 =	vld [tilespmem:$0x94C0]  }
0x14f: {  	v42 =	vld [tilespmem:$0x9510];
	v5 =	vadd.f32 v10, v5  }
0x150: {  	v58 =	vld [tilespmem:$0x94D0]  }
0x151: {  	v43 =	vld [tilespmem:$0x9520];
	v5 =	vadd.f32 v11, v5  }
0x152: {  	v59 =	vld [tilespmem:$0x9560]  }
0x153: {  	v60 =	vld [tilespmem:$0x9570];
	v5 =	vadd.f32 v12, v5  }
0x154: {  	v61 =	vld [tilespmem:$0x95B0]  }
0x155: {  	v9 =	vld [tilespmem:$0x94B0];
	v5 =	vadd.f32 v13, v5  }
0x156: {  	v62 =	vld [tilespmem:$0x95C0];
	v21 =	vadd.f32 v22, v21  }
0x157: {  	v10 =	vld [tilespmem:$0x9550];
	v5 =	vadd.f32 v14, v5  }
0x158: {  	v63 =	vld [tilespmem:$0x9600];
	v21 =	vadd.f32 v23, v21  }
0x159: {  	v44 =	vld [tilespmem:$0x96F0];
	v5 =	vadd.f32 v15, v5  }
0x15a: {  	v45 =	vld [tilespmem:$0x9700];
	v21 =	vadd.f32 v24, v21;
	v9 =	vadd.f32 v34, v9  }
0x15b: {  	v46 =	vld [tilespmem:$0x9740];
	v5 =	vadd.f32 v16, v5  }
0x15c: {  	v21 =	vadd.f32 v25, v21;
	v11 =	vld [tilespmem:$0x95F0];
	v9 =	vadd.f32 v10, v9  }
0x15d: {  	v48 =	vld [tilespmem:$0x9750];
	v5 =	vadd.f32 v17, v5;
	v17 =	vadd.f32 v42, v57  }
0x15e: {  	v49 =	vld [tilespmem:$0x9790];
	v21 =	vadd.f32 v26, v21;
	v10 =	vadd.f32 v43, v58  }
0x15f: {  	v34 =	vld [tilespmem:$0x9610];
	v9 =	vadd.f32 v35, v9;
	v17 =	vadd.f32 v59, v17  }
0x160: {  	v21 =	vadd.f32 v27, v21;
	v10 =	vadd.f32 v60, v10;
	v35 =	vld [tilespmem:$0x9650]  }
0x161: {  	v9 =	vadd.f32 v11, v9;
	v42 =	vld [tilespmem:$0x9660];
	v17 =	vadd.f32 v61, v17  }
0x162: {  	v47 =	vadd.f32 v28, v21;
	v10 =	vadd.f32 v62, v10;
	v11 =	vld [tilespmem:$0x96A0]  }
0x163: {  	v43 =	vld [tilespmem:$0x96B0];
	v9 =	vadd.f32 v36, v9;
	v17 =	vadd.f32 v63, v17  }
0x164: {  	v50 =	vld [tilespmem:$0x97A0];
	v10 =	vadd.f32 v34, v10;
	v5 =	vadd.f32 v18, v5  }
0x165: {  	v51 =	vld [tilespmem:$0x97E0];
	v9 =	vadd.f32 v54, v9;
	v17 =	vadd.f32 v35, v17  }
0x166: {  	v52 =	vld [tilespmem:$0x97F0];
	v5 =	vadd.f32 v19, v5;
	v10 =	vadd.f32 v42, v10  }
0x167: {  	v53 =	vld [tilespmem:$0x9830];
	v9 =	vadd.f32 v37, v9;
	v11 =	vadd.f32 v11, v17  }
0x168: {  	v6 =	vld [tilespmem:$0x97C0];
	v5 =	vadd.f32 v20, v5;
	v10 =	vadd.f32 v43, v10  }
0x169: {  	v7 =	vld [tilespmem:$0x9860];
	v20 =	vadd.f32 v29, v47;
	v11 =	vadd.f32 v44, v11  }
0x16a: {  	v8 =	vld [tilespmem:$0x9900];
	v9 =	vadd.f32 v55, v9;
	v10 =	vadd.f32 v45, v10  }
0x16b: {  	v15 =	vld [tilespmem:$0x9870];
	v20 =	vadd.f32 v30, v20;
	v11 =	vadd.f32 v46, v11  }
0x16c: {  	v16 =	vld [tilespmem:$0x9910];
	v9 =	vadd.f32 v38, v9;
	v10 =	vadd.f32 v48, v10  }
0x16d: {  	v54 =	vld [tilespmem:$0x9840];
	v6 =	vadd.f32 v6, v20;
	v11 =	vadd.f32 v49, v11  }
0x16e: {  	v55 =	vld [tilespmem:$0x9880];
	v9 =	vadd.f32 v56, v9;
	v10 =	vadd.f32 v50, v10  }
0x16f: {  	v56 =	vld [tilespmem:$0x9890];
	v6 =	vadd.f32 v31, v6;
	v11 =	vadd.f32 v51, v11  }
0x170: {  	v57 =	vld [tilespmem:$0x98D0];
	v9 =	vadd.f32 v39, v9;
	v10 =	vadd.f32 v52, v10  }
0x171: {  	v6 =	vadd.f32 v7, v6;
	v7 =	vadd.f32 v53, v11;
	v11 =	vld [tilespmem:$0x98E0]  }
0x172: {  	v58 =	vld [tilespmem:$0x9920];
	v9 =	vadd.f32 v15, v9;
	v10 =	vadd.f32 v54, v10  }
0x173: {  	v59 =	vld [tilespmem:$0x9930];
	v6 =	vadd.f32 v32, v6;
	v7 =	vadd.f32 v55, v7  }
0x174: {  	v60 =	vld [tilespmem:$0x9970];
	v9 =	vadd.f32 v40, v9;
	v10 =	vadd.f32 v56, v10  }
0x175: {  	v6 =	vadd.f32 v8, v6;
	v8 =	vld [tilespmem:$0x9980];
	v7 =	vadd.f32 v57, v7  }
0x176: {  	v9 =	vadd.f32 v16, v9;
	v10 =	vadd.f32 v11, v10  }
0x177: {  	v6 =	vadd.f32 v33, v6;
	v7 =	vadd.f32 v58, v7  }
0x178: {  	v5 =	vmax.f32 v5, $1.000000000e+00;
	v9 =	vadd.f32 v41, v9;
	v10 =	vadd.f32 v59, v10  }
0x179: {  	[tilespmem:$0x9990] =	vst v5;
	v5 =	vmax.f32 v6, $1.000000000e+00;
	v6 =	vadd.f32 v60, v7;
	v7 =	vmov s20  }
0x17a: {  	[tilespmem:$0x99A0] =	vst v5;
	v5 =	vmax.f32 v9, $1.000000000e+00;
	v8 =	vadd.f32 v8, v10  }
0x17b: {  	[tilespmem:$0x99B0] =	vst v5;
	v5 =	vmax.f32 v6, $1.000000000e+00  }
0x17c: {  	[tilespmem:$0x99C0] =	vst v5;
	v5 =	vmax.f32 v8, $1.000000000e+00  }
0x17d: {  	[tilespmem:$0x99D0] =	vst v5  }
0x17e: {  	v5 =	vld.idx.msk [tilespmem:v7+s12+$0x0], $0xffff;
	_ =	sdelay $0x4  }
0x17f: {  	(erf) = vrcp.f32 v5;
	_ =	sdelay $0x1  }
0x180: {  	s15 =	simm.s32 $0x40  }
0x181: {  	v7 =	vld [tilespmem:s15+$0x30]  }
0x182: {  	v6 =	vld [tilespmem:s15+$0xFFFFFFC0]  }
0x183: {  	v8 =	vld [tilespmem:s15+$0xFFFFFFD0]  }
0x184: {  	v9 =	vld [tilespmem:s15+$0xFFFFFFE0]  }
0x185: {  	v10 =	vld [tilespmem:s15+$0x10]  }
0x186: {  	v5 =	vld [tilespmem:s15+$0xFFFFFFF0]  }
0x187: {  	v11 =	vld [tilespmem:s15+$0x0];
	v61 =	vpop (erf)  }
0x188: {  	v62 =	vld [tilespmem:s15+$0x20];
	v6 =	vmul.f32 v61, v6  }
0x189: {  	v8 =	vmul.f32 v8, v61  }
0x18a: {  	v9 =	vmul.f32 v9, v61;
	[tilespmem:s15+$0xFFFFFFC0] =	vst v6  }
0x18b: {  	v63 =	vmul.f32 v5, v61;
	[tilespmem:s15+$0xFFFFFFD0] =	vst v8  }
0x18c: {  	s21 =	simm.s32 $0x1;
	v5 =	vmul.f32 v10, v61;
	v6 =	vmul.f32 v11, v61;
	[tilespmem:s15+$0xFFFFFFE0] =	vst v9  }
0x18d: {  	s16 =	simm.s32 $0x2;
	v7 =	vmul.f32 v7, v61;
	v8 =	vmul.f32 v62, v61;
	v9 =	vmov s21;
	[tilespmem:s15+$0xFFFFFFF0] =	vst v63  }
.LBB2_8:
0x18e: {  	p2 =	sne.s32 s16, $0x4F;
	[tilespmem:s15+$0x0] =	vst v6  }
0x18f: {  	[tilespmem:s15+$0x10] =	vst v5  }
0x190: {  	[tilespmem:s15+$0x20] =	vst v8  }
0x191: {  	[tilespmem:s15+$0x30] =	vst v7  }
0x192: {  	v5 =	vld.idx.msk [tilespmem:v9+s12+$0x0], $0xffff;
	_ =	sdelay $0x5  }
0x193: {  	s15 =	sadd.s32 $0x80, s15;
	(erf) = vrcp.f32 v5  }
0x194: {  	v5 =	vld [tilespmem:s15+$0xFFFFFFF0]  }
0x195: {  	v7 =	vld [tilespmem:s15+$0x30]  }
0x196: {  	v8 =	vld [tilespmem:s15+$0x10]  }
0x197: {  	v6 =	vld [tilespmem:s15+$0xFFFFFFD0]  }
0x198: {  	v9 =	vld [tilespmem:s15+$0xFFFFFFC0]  }
0x199: {  	v10 =	vld [tilespmem:s15+$0xFFFFFFE0]  }
0x19a: {  	v11 =	vld [tilespmem:s15+$0x0]  }
0x19b: {  	v12 =	vld [tilespmem:s15+$0x20]  }
0x19c: {  	v13 =	vpop (erf)  }
0x19d: {  	v9 =	vmul.f32 v13, v9;
	v14 =	vmul.f32 v6, v13  }
.Ltmp3:
0x19e: {  	v15 =	vmul.f32 v5, v13;
	v10 =	vmul.f32 v10, v13;
	(pc) =	sbr.rel @p2 .LBB2_8-.Ltmp3, $4  }
0x19f: {  	v5 =	vmul.f32 v8, v13;
	[tilespmem:s15+$0xFFFFFFC0] =	vst v9;
	v6 =	vmul.f32 v11, v13  }
0x1a0: {  	v7 =	vmul.f32 v7, v13;
	[tilespmem:s15+$0xFFFFFFD0] =	vst v14;
	v8 =	vmul.f32 v12, v13  }
0x1a1: {  	[tilespmem:s15+$0xFFFFFFE0] =	vst v10  }
0x1a2: {  	v9 =	vmov s16;
	s16 =	sadd.s32 $0x1, s16;
	[tilespmem:s15+$0xFFFFFFF0] =	vst v15  }
0x1a3: {  	[tilespmem:s15+$0x0] =	vst v6  }
0x1a4: {  	[tilespmem:s15+$0x10] =	vst v5  }
0x1a5: {  	[tilespmem:s15+$0x20] =	vst v8  }
0x1a6: {  	[tilespmem:s15+$0x30] =	vst v7  }
0x1a7: {  	v5 =	vld.idx.msk [tilespmem:v9+s12+$0x0], $0xffff;
	_ =	sdelay $0x4  }
0x1a8: {  	(erf) = vrcp.f32 v5;
	_ =	sdelay $0x3  }
0x1a9: {  	s19 =	sadd.s32 $0x80, s15  }
0x1aa: {  	v5 =	vld [tilespmem:s19+$0xFFFFFFC0]  }
0x1ab: {  	v6 =	vld [tilespmem:s19+$0xFFFFFFD0]  }
0x1ac: {  	v7 =	vld [tilespmem:s19+$0xFFFFFFE0]  }
0x1ad: {  	v8 =	vld [tilespmem:s19+$0xFFFFFFF0]  }
0x1ae: {  	v9 =	vld [tilespmem:s19+$0x0];
	v10 =	vpop (erf)  }
0x1af: {  	v11 =	vld [tilespmem:s19+$0x10];
	v5 =	vmul.f32 v10, v5  }
0x1b0: {  	v12 =	vld [tilespmem:s19+$0x20];
	v6 =	vmul.f32 v6, v10  }
0x1b1: {  	v13 =	vld [tilespmem:s19+$0x30];
	v7 =	vmul.f32 v7, v10;
	[tilespmem:s19+$0xFFFFFFC0] =	vst v5  }
0x1b2: {  	v5 =	vmul.f32 v8, v10;
	[tilespmem:s19+$0xFFFFFFD0] =	vst v6  }
0x1b3: {  	v6 =	vmul.f32 v9, v10;
	[tilespmem:s19+$0xFFFFFFE0] =	vst v7  }
0x1b4: {  	v7 =	vmul.f32 v11, v10;
	[tilespmem:s19+$0xFFFFFFF0] =	vst v5  }
0x1b5: {  	v5 =	vmul.f32 v12, v10;
	[tilespmem:s19+$0x0] =	vst v6  }
0x1b6: {  	v6 =	vmul.f32 v13, v10;
	[tilespmem:s19+$0x10] =	vst v7  }
0x1b7: {  	[tilespmem:s19+$0x20] =	vst v5  }
0x1b8: {  	s20 =	simm.s32 $0x0;
	[tilespmem:s19+$0x30] =	vst v6  }
0x1b9: {  	[hbm4b:s14+s20] =	stream.linear.scatter [tilespmem:s20], [sflag:$0x5], $0x2800, $0x38;
	[tilespmem:$0x14A00] =	vst v63  }
0x1ba: {  	_ =	swait.ge [sflag:s23], $0x2800  }
0x1bb: {  	[sflag:s23] =	ssyncset.done $0x0  }
0x1bc: {  	[sflag:s23] =	ssyncadd.s32 $0xFFFFD800  }
0x1bd: {  	[tilespmem:s20], [sflag:$0x5] =	stream.linear.gather [spmem:s9], $0x2800, $0x38;
	[tilespmem:$0x14A00] =	vst v63  }
0x1be: {  	_ =	swait.ge [sflag:s23], $0x2800  }
0x1bf: {  	[sflag:s23] =	ssyncset.done $0x0  }
0x1c0: {  	s16 =	rddreg [dreg:$0xa];
	[sflag:s23] =	ssyncadd.s32 $0xFFFFD800  }
0x1c1: {  	[tilespmem:s7], [sflag:$0x5] =	stream.strided.gather [spmem:s16], $0x500, s5, s22, $0x38;
	[tilespmem:$0x14A00] =	vst v63  }
0x1c2: {  	_ =	swait.ge [sflag:s23], $0x500  }
0x1c3: {  	[sflag:s23] =	ssyncset.done $0x0  }
0x1c4: {  	[sflag:s23] =	ssyncadd.s32 $0xFFFFFB00  }
0x1c5: {  	v5 =	vld [tilespmem:$0x9490]  }
0x1c6: {  	v6 =	vld [tilespmem:$0x94E0]  }
0x1c7: {  	v7 =	vld [tilespmem:$0x9530]  }
0x1c8: {  	v8 =	vld [tilespmem:$0x9580]  }
0x1c9: {  	v9 =	vld [tilespmem:$0x95D0]  }
0x1ca: {  	v10 =	vld [tilespmem:$0x9620]  }
0x1cb: {  	v11 =	vld [tilespmem:$0x9670]  }
0x1cc: {  	v52 =	vld [tilespmem:$0x96C0]  }
0x1cd: {  	v53 =	vld [tilespmem:$0x9710]  }
0x1ce: {  	v14 =	vld [tilespmem:$0x9760]  }
0x1cf: {  	v15 =	vld [tilespmem:$0x97B0]  }
0x1d0: {  	v16 =	vld [tilespmem:$0x9800]  }
0x1d1: {  	v17 =	vld [tilespmem:$0x9850]  }
0x1d2: {  	v18 =	vld [tilespmem:$0x98A0]  }
0x1d3: {  	v19 =	vld [tilespmem:$0x98F0]  }
0x1d4: {  	v20 =	vld [tilespmem:$0x9940]  }
0x1d5: {  	v21 =	vld [tilespmem:$0x94A0]  }
0x1d6: {  	v22 =	vld [tilespmem:$0x94F0]  }
0x1d7: {  	v23 =	vld [tilespmem:$0x9540]  }
0x1d8: {  	v24 =	vld [tilespmem:$0x9590]  }
0x1d9: {  	v25 =	vld [tilespmem:$0x95E0]  }
0x1da: {  	v26 =	vld [tilespmem:$0x9630]  }
0x1db: {  	v27 =	vld [tilespmem:$0x9680]  }
0x1dc: {  	v28 =	vld [tilespmem:$0x96D0]  }
0x1dd: {  	v29 =	vld [tilespmem:$0x9720]  }
0x1de: {  	v30 =	vld [tilespmem:$0x9770]  }
0x1df: {  	v31 =	vld [tilespmem:$0x9810]  }
0x1e0: {  	v32 =	vld [tilespmem:$0x98B0]  }
0x1e1: {  	v33 =	vld [tilespmem:$0x9950]  }
0x1e2: {  	v34 =	vld [tilespmem:$0x9500]  }
0x1e3: {  	v35 =	vld [tilespmem:$0x95A0]  }
0x1e4: {  	v36 =	vld [tilespmem:$0x9640]  }
0x1e5: {  	v54 =	vld [tilespmem:$0x9690]  }
0x1e6: {  	v37 =	vld [tilespmem:$0x96E0];
	v5 =	vadd.f32 v6, v5  }
0x1e7: {  	v55 =	vld [tilespmem:$0x9730]  }
0x1e8: {  	v38 =	vld [tilespmem:$0x9780];
	v5 =	vadd.f32 v7, v5  }
0x1e9: {  	v56 =	vld [tilespmem:$0x97D0]  }
0x1ea: {  	v39 =	vld [tilespmem:$0x9820];
	v5 =	vadd.f32 v8, v5  }
0x1eb: {  	v40 =	vld [tilespmem:$0x98C0]  }
0x1ec: {  	v41 =	vld [tilespmem:$0x9960];
	v5 =	vadd.f32 v9, v5  }
0x1ed: {  	v57 =	vld [tilespmem:$0x94C0]  }
0x1ee: {  	v42 =	vld [tilespmem:$0x9510];
	v5 =	vadd.f32 v10, v5  }
0x1ef: {  	v58 =	vld [tilespmem:$0x94D0]  }
0x1f0: {  	v43 =	vld [tilespmem:$0x9520];
	v5 =	vadd.f32 v11, v5  }
0x1f1: {  	v59 =	vld [tilespmem:$0x9560]  }
0x1f2: {  	v60 =	vld [tilespmem:$0x9570];
	v5 =	vadd.f32 v52, v5  }
0x1f3: {  	v61 =	vld [tilespmem:$0x95B0]  }
0x1f4: {  	v9 =	vld [tilespmem:$0x94B0];
	v5 =	vadd.f32 v53, v5  }
0x1f5: {  	v62 =	vld [tilespmem:$0x95C0];
	v21 =	vadd.f32 v22, v21  }
0x1f6: {  	v10 =	vld [tilespmem:$0x9550];
	v5 =	vadd.f32 v14, v5  }
0x1f7: {  	v63 =	vld [tilespmem:$0x9600];
	v21 =	vadd.f32 v23, v21  }
0x1f8: {  	v44 =	vld [tilespmem:$0x96F0];
	v5 =	vadd.f32 v15, v5  }
0x1f9: {  	v45 =	vld [tilespmem:$0x9700];
	v21 =	vadd.f32 v24, v21;
	v9 =	vadd.f32 v34, v9  }
0x1fa: {  	v46 =	vld [tilespmem:$0x9740];
	v5 =	vadd.f32 v16, v5  }
0x1fb: {  	v21 =	vadd.f32 v25, v21;
	v11 =	vld [tilespmem:$0x95F0];
	v9 =	vadd.f32 v10, v9  }
0x1fc: {  	v48 =	vld [tilespmem:$0x9750];
	v5 =	vadd.f32 v17, v5;
	v17 =	vadd.f32 v42, v57  }
0x1fd: {  	v49 =	vld [tilespmem:$0x9790];
	v21 =	vadd.f32 v26, v21;
	v10 =	vadd.f32 v43, v58  }
0x1fe: {  	v34 =	vld [tilespmem:$0x9610];
	v9 =	vadd.f32 v35, v9;
	v17 =	vadd.f32 v59, v17  }
0x1ff: {  	v21 =	vadd.f32 v27, v21;
	v10 =	vadd.f32 v60, v10;
	v35 =	vld [tilespmem:$0x9650]  }
0x200: {  	v9 =	vadd.f32 v11, v9;
	v42 =	vld [tilespmem:$0x9660];
	v17 =	vadd.f32 v61, v17  }
0x201: {  	v47 =	vadd.f32 v28, v21;
	v10 =	vadd.f32 v62, v10;
	v11 =	vld [tilespmem:$0x96A0]  }
0x202: {  	v43 =	vld [tilespmem:$0x96B0];
	v9 =	vadd.f32 v36, v9;
	v17 =	vadd.f32 v63, v17  }
0x203: {  	v50 =	vld [tilespmem:$0x97A0];
	v10 =	vadd.f32 v34, v10;
	v5 =	vadd.f32 v18, v5  }
0x204: {  	v51 =	vld [tilespmem:$0x97E0];
	v9 =	vadd.f32 v54, v9;
	v17 =	vadd.f32 v35, v17  }
0x205: {  	v6 =	vld [tilespmem:$0x97C0];
	v5 =	vadd.f32 v19, v5;
	v10 =	vadd.f32 v42, v10  }
0x206: {  	v7 =	vld [tilespmem:$0x9860];
	v9 =	vadd.f32 v37, v9;
	v11 =	vadd.f32 v11, v17  }
0x207: {  	v8 =	vld [tilespmem:$0x9900];
	v5 =	vadd.f32 v20, v5;
	v10 =	vadd.f32 v43, v10  }
0x208: {  	v52 =	vld [tilespmem:$0x97F0];
	v20 =	vadd.f32 v29, v47;
	v11 =	vadd.f32 v44, v11  }
0x209: {  	v53 =	vld [tilespmem:$0x9830];
	v9 =	vadd.f32 v55, v9;
	v10 =	vadd.f32 v45, v10  }
0x20a: {  	v15 =	vld [tilespmem:$0x9870];
	v20 =	vadd.f32 v30, v20;
	v11 =	vadd.f32 v46, v11  }
0x20b: {  	v16 =	vld [tilespmem:$0x9910];
	v9 =	vadd.f32 v38, v9;
	v10 =	vadd.f32 v48, v10  }
0x20c: {  	v54 =	vld [tilespmem:$0x9840];
	v6 =	vadd.f32 v6, v20;
	v11 =	vadd.f32 v49, v11  }
0x20d: {  	v55 =	vld [tilespmem:$0x9880];
	v9 =	vadd.f32 v56, v9;
	v10 =	vadd.f32 v50, v10  }
0x20e: {  	v56 =	vld [tilespmem:$0x9890];
	v6 =	vadd.f32 v31, v6;
	v11 =	vadd.f32 v51, v11  }
0x20f: {  	v57 =	vld [tilespmem:$0x98D0];
	v9 =	vadd.f32 v39, v9;
	v10 =	vadd.f32 v52, v10  }
0x210: {  	v6 =	vadd.f32 v7, v6;
	v7 =	vadd.f32 v53, v11;
	v11 =	vld [tilespmem:$0x98E0]  }
0x211: {  	v58 =	vld [tilespmem:$0x9920];
	v9 =	vadd.f32 v15, v9;
	v10 =	vadd.f32 v54, v10  }
0x212: {  	v59 =	vld [tilespmem:$0x9930];
	v6 =	vadd.f32 v32, v6;
	v7 =	vadd.f32 v55, v7  }
0x213: {  	v60 =	vld [tilespmem:$0x9970];
	v9 =	vadd.f32 v40, v9;
	v10 =	vadd.f32 v56, v10  }
0x214: {  	v6 =	vadd.f32 v8, v6;
	v8 =	vld [tilespmem:$0x9980];
	v7 =	vadd.f32 v57, v7  }
0x215: {  	v9 =	vadd.f32 v16, v9;
	v10 =	vadd.f32 v11, v10  }
0x216: {  	v6 =	vadd.f32 v33, v6;
	v7 =	vadd.f32 v58, v7  }
0x217: {  	v5 =	vmax.f32 v5, $1.000000000e+00;
	v9 =	vadd.f32 v41, v9;
	v10 =	vadd.f32 v59, v10  }
0x218: {  	[tilespmem:$0x9990] =	vst v5;
	v5 =	vmax.f32 v6, $1.000000000e+00;
	v6 =	vadd.f32 v60, v7;
	v7 =	vmov s20  }
0x219: {  	[tilespmem:$0x99A0] =	vst v5;
	v5 =	vmax.f32 v9, $1.000000000e+00;
	v8 =	vadd.f32 v8, v10  }
0x21a: {  	[tilespmem:$0x99B0] =	vst v5;
	v5 =	vmax.f32 v6, $1.000000000e+00  }
0x21b: {  	[tilespmem:$0x99C0] =	vst v5;
	v5 =	vmax.f32 v8, $1.000000000e+00  }
0x21c: {  	[tilespmem:$0x99D0] =	vst v5  }
0x21d: {  	v5 =	vld.idx.msk [tilespmem:v7+s12+$0x0], $0xffff;
	_ =	sdelay $0x4  }
0x21e: {  	(erf) = vrcp.f32 v5;
	_ =	sdelay $0x1  }
0x21f: {  	s15 =	simm.s32 $0x40  }
0x220: {  	v7 =	vld [tilespmem:s15+$0x30]  }
0x221: {  	v6 =	vld [tilespmem:s15+$0xFFFFFFC0]  }
0x222: {  	v8 =	vld [tilespmem:s15+$0xFFFFFFD0]  }
0x223: {  	v9 =	vld [tilespmem:s15+$0xFFFFFFE0]  }
0x224: {  	v10 =	vld [tilespmem:s15+$0x10]  }
0x225: {  	v5 =	vld [tilespmem:s15+$0xFFFFFFF0]  }
0x226: {  	v11 =	vld [tilespmem:s15+$0x0];
	v61 =	vpop (erf)  }
0x227: {  	v62 =	vld [tilespmem:s15+$0x20];
	v6 =	vmul.f32 v61, v6  }
0x228: {  	v8 =	vmul.f32 v8, v61  }
0x229: {  	v9 =	vmul.f32 v9, v61;
	[tilespmem:s15+$0xFFFFFFC0] =	vst v6  }
0x22a: {  	v63 =	vmul.f32 v5, v61;
	[tilespmem:s15+$0xFFFFFFD0] =	vst v8  }
0x22b: {  	s21 =	simm.s32 $0x1;
	v5 =	vmul.f32 v10, v61;
	v6 =	vmul.f32 v11, v61;
	[tilespmem:s15+$0xFFFFFFE0] =	vst v9  }
0x22c: {  	s16 =	simm.s32 $0x2;
	v7 =	vmul.f32 v7, v61;
	v8 =	vmul.f32 v62, v61;
	v9 =	vmov s21;
	[tilespmem:s15+$0xFFFFFFF0] =	vst v63  }
.LBB2_10:
0x22d: {  	p2 =	sne.s32 s16, $0x4F;
	[tilespmem:s15+$0x0] =	vst v6  }
0x22e: {  	[tilespmem:s15+$0x10] =	vst v5  }
0x22f: {  	[tilespmem:s15+$0x20] =	vst v8  }
0x230: {  	[tilespmem:s15+$0x30] =	vst v7  }
0x231: {  	v5 =	vld.idx.msk [tilespmem:v9+s12+$0x0], $0xffff;
	_ =	sdelay $0x5  }
0x232: {  	s15 =	sadd.s32 $0x80, s15;
	(erf) = vrcp.f32 v5  }
0x233: {  	v5 =	vld [tilespmem:s15+$0xFFFFFFF0]  }
0x234: {  	v7 =	vld [tilespmem:s15+$0x30]  }
0x235: {  	v8 =	vld [tilespmem:s15+$0x10]  }
0x236: {  	v6 =	vld [tilespmem:s15+$0xFFFFFFD0]  }
0x237: {  	v9 =	vld [tilespmem:s15+$0xFFFFFFC0]  }
0x238: {  	v10 =	vld [tilespmem:s15+$0xFFFFFFE0]  }
0x239: {  	v11 =	vld [tilespmem:s15+$0x0]  }
0x23a: {  	v12 =	vld [tilespmem:s15+$0x20]  }
0x23b: {  	v13 =	vpop (erf)  }
0x23c: {  	v9 =	vmul.f32 v13, v9;
	v14 =	vmul.f32 v6, v13  }
.Ltmp4:
0x23d: {  	v15 =	vmul.f32 v5, v13;
	v10 =	vmul.f32 v10, v13;
	(pc) =	sbr.rel @p2 .LBB2_10-.Ltmp4, $4  }
0x23e: {  	v5 =	vmul.f32 v8, v13;
	[tilespmem:s15+$0xFFFFFFC0] =	vst v9;
	v6 =	vmul.f32 v11, v13  }
0x23f: {  	v7 =	vmul.f32 v7, v13;
	[tilespmem:s15+$0xFFFFFFD0] =	vst v14;
	v8 =	vmul.f32 v12, v13  }
0x240: {  	[tilespmem:s15+$0xFFFFFFE0] =	vst v10  }
0x241: {  	v9 =	vmov s16;
	s16 =	sadd.s32 $0x1, s16;
	[tilespmem:s15+$0xFFFFFFF0] =	vst v15  }
0x242: {  	[tilespmem:s15+$0x0] =	vst v6  }
0x243: {  	[tilespmem:s15+$0x10] =	vst v5  }
0x244: {  	[tilespmem:s15+$0x20] =	vst v8  }
0x245: {  	[tilespmem:s15+$0x30] =	vst v7  }
0x246: {  	v5 =	vld.idx.msk [tilespmem:v9+s12+$0x0], $0xffff;
	_ =	sdelay $0x4  }
0x247: {  	(erf) = vrcp.f32 v5;
	_ =	sdelay $0x3  }
0x248: {  	s18 =	sadd.s32 $0x80, s15  }
0x249: {  	v5 =	vld [tilespmem:s18+$0xFFFFFFC0]  }
0x24a: {  	v6 =	vld [tilespmem:s18+$0xFFFFFFD0]  }
0x24b: {  	v7 =	vld [tilespmem:s18+$0xFFFFFFE0]  }
0x24c: {  	v8 =	vld [tilespmem:s18+$0xFFFFFFF0]  }
0x24d: {  	v9 =	vld [tilespmem:s18+$0x0];
	v10 =	vpop (erf)  }
0x24e: {  	v11 =	vld [tilespmem:s18+$0x10];
	v5 =	vmul.f32 v10, v5  }
0x24f: {  	v12 =	vld [tilespmem:s18+$0x20];
	v6 =	vmul.f32 v6, v10  }
0x250: {  	v13 =	vld [tilespmem:s18+$0x30];
	v7 =	vmul.f32 v7, v10;
	[tilespmem:s18+$0xFFFFFFC0] =	vst v5  }
0x251: {  	v5 =	vmul.f32 v8, v10;
	[tilespmem:s18+$0xFFFFFFD0] =	vst v6  }
0x252: {  	v6 =	vmul.f32 v9, v10;
	[tilespmem:s18+$0xFFFFFFE0] =	vst v7  }
0x253: {  	v7 =	vmul.f32 v11, v10;
	[tilespmem:s18+$0xFFFFFFF0] =	vst v5  }
0x254: {  	v5 =	vmul.f32 v12, v10;
	[tilespmem:s18+$0x0] =	vst v6  }
0x255: {  	v6 =	vmul.f32 v13, v10;
	[tilespmem:s18+$0x10] =	vst v7  }
0x256: {  	[tilespmem:s18+$0x20] =	vst v5  }
0x257: {  	s19 =	simm.s32 $0x0;
	s16 =	rddreg [dreg:$0xb];
	[tilespmem:s18+$0x30] =	vst v6  }
0x258: {  	[hbm4b:s16+s19] =	stream.linear.scatter [tilespmem:s19], [sflag:$0x5], $0x2800, $0x38;
	[tilespmem:$0x14A00] =	vst v63  }
0x259: {  	_ =	swait.ge [sflag:s23], $0x2800  }
0x25a: {  	[sflag:s23] =	ssyncset.done $0x0  }
0x25b: {  	[sflag:s23] =	ssyncadd.s32 $0xFFFFD800  }
0x25c: {  	[tilespmem:s19], [sflag:$0x5] =	stream.linear.gather [spmem:s10], $0x2800, $0x38;
	[tilespmem:$0x14A00] =	vst v63  }
0x25d: {  	_ =	swait.ge [sflag:s23], $0x2800  }
0x25e: {  	[sflag:s23] =	ssyncset.done $0x0  }
0x25f: {  	s20 =	rddreg [dreg:$0xc];
	[sflag:s23] =	ssyncadd.s32 $0xFFFFD800  }
0x260: {  	[tilespmem:s7], [sflag:$0x5] =	stream.strided.gather [spmem:s20], $0x500, s5, s22, $0x38;
	[tilespmem:$0x14A00] =	vst v63  }
0x261: {  	_ =	swait.ge [sflag:s23], $0x500  }
0x262: {  	[sflag:s23] =	ssyncset.done $0x0  }
0x263: {  	[sflag:s23] =	ssyncadd.s32 $0xFFFFFB00  }
0x264: {  	v5 =	vld [tilespmem:$0x9490]  }
0x265: {  	v6 =	vld [tilespmem:$0x94E0]  }
0x266: {  	v7 =	vld [tilespmem:$0x9530]  }
0x267: {  	v8 =	vld [tilespmem:$0x9580]  }
0x268: {  	v9 =	vld [tilespmem:$0x95D0]  }
0x269: {  	v10 =	vld [tilespmem:$0x9620]  }
0x26a: {  	v11 =	vld [tilespmem:$0x9670]  }
0x26b: {  	v52 =	vld [tilespmem:$0x96C0]  }
0x26c: {  	v53 =	vld [tilespmem:$0x9710]  }
0x26d: {  	v14 =	vld [tilespmem:$0x9760]  }
0x26e: {  	v15 =	vld [tilespmem:$0x97B0]  }
0x26f: {  	v16 =	vld [tilespmem:$0x9800]  }
0x270: {  	v17 =	vld [tilespmem:$0x9850]  }
0x271: {  	v18 =	vld [tilespmem:$0x98A0]  }
0x272: {  	v19 =	vld [tilespmem:$0x98F0]  }
0x273: {  	v20 =	vld [tilespmem:$0x9940]  }
0x274: {  	v21 =	vld [tilespmem:$0x94A0]  }
0x275: {  	v22 =	vld [tilespmem:$0x94F0]  }
0x276: {  	v23 =	vld [tilespmem:$0x9540]  }
0x277: {  	v24 =	vld [tilespmem:$0x9590]  }
0x278: {  	v25 =	vld [tilespmem:$0x95E0]  }
0x279: {  	v26 =	vld [tilespmem:$0x9630]  }
0x27a: {  	v27 =	vld [tilespmem:$0x9680]  }
0x27b: {  	v28 =	vld [tilespmem:$0x96D0]  }
0x27c: {  	v29 =	vld [tilespmem:$0x9720]  }
0x27d: {  	v30 =	vld [tilespmem:$0x9770]  }
0x27e: {  	v31 =	vld [tilespmem:$0x9810]  }
0x27f: {  	v32 =	vld [tilespmem:$0x98B0]  }
0x280: {  	v33 =	vld [tilespmem:$0x9950]  }
0x281: {  	v34 =	vld [tilespmem:$0x9500]  }
0x282: {  	v35 =	vld [tilespmem:$0x95A0]  }
0x283: {  	v36 =	vld [tilespmem:$0x9640]  }
0x284: {  	v54 =	vld [tilespmem:$0x9690]  }
0x285: {  	v37 =	vld [tilespmem:$0x96E0];
	v5 =	vadd.f32 v6, v5  }
0x286: {  	v55 =	vld [tilespmem:$0x9730]  }
0x287: {  	v38 =	vld [tilespmem:$0x9780];
	v5 =	vadd.f32 v7, v5  }
0x288: {  	v56 =	vld [tilespmem:$0x97D0]  }
0x289: {  	v39 =	vld [tilespmem:$0x9820];
	v5 =	vadd.f32 v8, v5  }
0x28a: {  	v40 =	vld [tilespmem:$0x98C0]  }
0x28b: {  	v41 =	vld [tilespmem:$0x9960];
	v5 =	vadd.f32 v9, v5  }
0x28c: {  	v57 =	vld [tilespmem:$0x94C0]  }
0x28d: {  	v42 =	vld [tilespmem:$0x9510];
	v5 =	vadd.f32 v10, v5  }
0x28e: {  	v58 =	vld [tilespmem:$0x94D0]  }
0x28f: {  	v43 =	vld [tilespmem:$0x9520];
	v5 =	vadd.f32 v11, v5  }
0x290: {  	v59 =	vld [tilespmem:$0x9560]  }
0x291: {  	v60 =	vld [tilespmem:$0x9570];
	v5 =	vadd.f32 v52, v5  }
0x292: {  	v61 =	vld [tilespmem:$0x95B0]  }
0x293: {  	v9 =	vld [tilespmem:$0x94B0];
	v5 =	vadd.f32 v53, v5  }
0x294: {  	v62 =	vld [tilespmem:$0x95C0];
	v21 =	vadd.f32 v22, v21  }
0x295: {  	v10 =	vld [tilespmem:$0x9550];
	v5 =	vadd.f32 v14, v5  }
0x296: {  	v63 =	vld [tilespmem:$0x9600];
	v21 =	vadd.f32 v23, v21  }
0x297: {  	v44 =	vld [tilespmem:$0x96F0];
	v5 =	vadd.f32 v15, v5  }
0x298: {  	v45 =	vld [tilespmem:$0x9700];
	v21 =	vadd.f32 v24, v21;
	v9 =	vadd.f32 v34, v9  }
0x299: {  	v46 =	vld [tilespmem:$0x9740];
	v5 =	vadd.f32 v16, v5  }
0x29a: {  	v21 =	vadd.f32 v25, v21;
	v11 =	vld [tilespmem:$0x95F0];
	v9 =	vadd.f32 v10, v9  }
0x29b: {  	v48 =	vld [tilespmem:$0x9750];
	v5 =	vadd.f32 v17, v5;
	v17 =	vadd.f32 v42, v57  }
0x29c: {  	v49 =	vld [tilespmem:$0x9790];
	v21 =	vadd.f32 v26, v21;
	v10 =	vadd.f32 v43, v58  }
0x29d: {  	v34 =	vld [tilespmem:$0x9610];
	v9 =	vadd.f32 v35, v9;
	v17 =	vadd.f32 v59, v17  }
0x29e: {  	v21 =	vadd.f32 v27, v21;
	v10 =	vadd.f32 v60, v10;
	v35 =	vld [tilespmem:$0x9650]  }
0x29f: {  	v9 =	vadd.f32 v11, v9;
	v42 =	vld [tilespmem:$0x9660];
	v17 =	vadd.f32 v61, v17  }
0x2a0: {  	v47 =	vadd.f32 v28, v21;
	v10 =	vadd.f32 v62, v10;
	v11 =	vld [tilespmem:$0x96A0]  }
0x2a1: {  	v43 =	vld [tilespmem:$0x96B0];
	v9 =	vadd.f32 v36, v9;
	v17 =	vadd.f32 v63, v17  }
0x2a2: {  	v50 =	vld [tilespmem:$0x97A0];
	v10 =	vadd.f32 v34, v10;
	v5 =	vadd.f32 v18, v5  }
0x2a3: {  	v51 =	vld [tilespmem:$0x97E0];
	v9 =	vadd.f32 v54, v9;
	v17 =	vadd.f32 v35, v17  }
0x2a4: {  	v6 =	vld [tilespmem:$0x97C0];
	v5 =	vadd.f32 v19, v5;
	v10 =	vadd.f32 v42, v10  }
0x2a5: {  	v7 =	vld [tilespmem:$0x9860];
	v9 =	vadd.f32 v37, v9;
	v11 =	vadd.f32 v11, v17  }
0x2a6: {  	v8 =	vld [tilespmem:$0x9900];
	v5 =	vadd.f32 v20, v5;
	v10 =	vadd.f32 v43, v10  }
0x2a7: {  	v52 =	vld [tilespmem:$0x97F0];
	v20 =	vadd.f32 v29, v47;
	v11 =	vadd.f32 v44, v11  }
0x2a8: {  	v53 =	vld [tilespmem:$0x9830];
	v9 =	vadd.f32 v55, v9;
	v10 =	vadd.f32 v45, v10  }
0x2a9: {  	v15 =	vld [tilespmem:$0x9870];
	v20 =	vadd.f32 v30, v20;
	v11 =	vadd.f32 v46, v11  }
0x2aa: {  	v16 =	vld [tilespmem:$0x9910];
	v9 =	vadd.f32 v38, v9;
	v10 =	vadd.f32 v48, v10  }
0x2ab: {  	v54 =	vld [tilespmem:$0x9840];
	v6 =	vadd.f32 v6, v20;
	v11 =	vadd.f32 v49, v11  }
0x2ac: {  	v55 =	vld [tilespmem:$0x9880];
	v9 =	vadd.f32 v56, v9;
	v10 =	vadd.f32 v50, v10  }
0x2ad: {  	v56 =	vld [tilespmem:$0x9890];
	v6 =	vadd.f32 v31, v6;
	v11 =	vadd.f32 v51, v11  }
0x2ae: {  	v57 =	vld [tilespmem:$0x98D0];
	v9 =	vadd.f32 v39, v9;
	v10 =	vadd.f32 v52, v10  }
0x2af: {  	v6 =	vadd.f32 v7, v6;
	v7 =	vadd.f32 v53, v11;
	v11 =	vld [tilespmem:$0x98E0]  }
0x2b0: {  	v58 =	vld [tilespmem:$0x9920];
	v9 =	vadd.f32 v15, v9;
	v10 =	vadd.f32 v54, v10  }
0x2b1: {  	v59 =	vld [tilespmem:$0x9930];
	v6 =	vadd.f32 v32, v6;
	v7 =	vadd.f32 v55, v7  }
0x2b2: {  	v60 =	vld [tilespmem:$0x9970];
	v9 =	vadd.f32 v40, v9;
	v10 =	vadd.f32 v56, v10  }
0x2b3: {  	v6 =	vadd.f32 v8, v6;
	v8 =	vld [tilespmem:$0x9980];
	v7 =	vadd.f32 v57, v7  }
0x2b4: {  	v9 =	vadd.f32 v16, v9;
	v10 =	vadd.f32 v11, v10  }
0x2b5: {  	v6 =	vadd.f32 v33, v6;
	v7 =	vadd.f32 v58, v7  }
0x2b6: {  	v5 =	vmax.f32 v5, $1.000000000e+00;
	v9 =	vadd.f32 v41, v9;
	v10 =	vadd.f32 v59, v10  }
0x2b7: {  	[tilespmem:$0x9990] =	vst v5;
	v5 =	vmax.f32 v6, $1.000000000e+00;
	v6 =	vadd.f32 v60, v7;
	v7 =	vmov s19  }
0x2b8: {  	[tilespmem:$0x99A0] =	vst v5;
	v5 =	vmax.f32 v9, $1.000000000e+00;
	v8 =	vadd.f32 v8, v10  }
0x2b9: {  	[tilespmem:$0x99B0] =	vst v5;
	v5 =	vmax.f32 v6, $1.000000000e+00  }
0x2ba: {  	[tilespmem:$0x99C0] =	vst v5;
	v5 =	vmax.f32 v8, $1.000000000e+00  }
0x2bb: {  	[tilespmem:$0x99D0] =	vst v5  }
0x2bc: {  	v5 =	vld.idx.msk [tilespmem:v7+s12+$0x0], $0xffff;
	_ =	sdelay $0x4  }
0x2bd: {  	(erf) = vrcp.f32 v5;
	_ =	sdelay $0x1  }
0x2be: {  	s15 =	simm.s32 $0x40  }
0x2bf: {  	v7 =	vld [tilespmem:s15+$0x30]  }
0x2c0: {  	v6 =	vld [tilespmem:s15+$0xFFFFFFC0]  }
0x2c1: {  	v8 =	vld [tilespmem:s15+$0xFFFFFFD0]  }
0x2c2: {  	v9 =	vld [tilespmem:s15+$0xFFFFFFE0]  }
0x2c3: {  	v10 =	vld [tilespmem:s15+$0x10]  }
0x2c4: {  	v5 =	vld [tilespmem:s15+$0xFFFFFFF0]  }
0x2c5: {  	v11 =	vld [tilespmem:s15+$0x0];
	v61 =	vpop (erf)  }
0x2c6: {  	v62 =	vld [tilespmem:s15+$0x20];
	v6 =	vmul.f32 v61, v6  }
0x2c7: {  	v8 =	vmul.f32 v8, v61  }
0x2c8: {  	v9 =	vmul.f32 v9, v61;
	[tilespmem:s15+$0xFFFFFFC0] =	vst v6  }
0x2c9: {  	v63 =	vmul.f32 v5, v61;
	[tilespmem:s15+$0xFFFFFFD0] =	vst v8  }
0x2ca: {  	s21 =	simm.s32 $0x1;
	v5 =	vmul.f32 v10, v61;
	v6 =	vmul.f32 v11, v61;
	[tilespmem:s15+$0xFFFFFFE0] =	vst v9  }
0x2cb: {  	s16 =	simm.s32 $0x2;
	v7 =	vmul.f32 v7, v61;
	v8 =	vmul.f32 v62, v61;
	v9 =	vmov s21;
	[tilespmem:s15+$0xFFFFFFF0] =	vst v63  }
.LBB2_12:
0x2cc: {  	p2 =	sne.s32 s16, $0x4F;
	[tilespmem:s15+$0x0] =	vst v6  }
0x2cd: {  	[tilespmem:s15+$0x10] =	vst v5  }
0x2ce: {  	[tilespmem:s15+$0x20] =	vst v8  }
0x2cf: {  	[tilespmem:s15+$0x30] =	vst v7  }
0x2d0: {  	v5 =	vld.idx.msk [tilespmem:v9+s12+$0x0], $0xffff;
	_ =	sdelay $0x5  }
0x2d1: {  	s15 =	sadd.s32 $0x80, s15;
	(erf) = vrcp.f32 v5  }
0x2d2: {  	v5 =	vld [tilespmem:s15+$0xFFFFFFF0]  }
0x2d3: {  	v7 =	vld [tilespmem:s15+$0x30]  }
0x2d4: {  	v8 =	vld [tilespmem:s15+$0x10]  }
0x2d5: {  	v6 =	vld [tilespmem:s15+$0xFFFFFFD0]  }
0x2d6: {  	v9 =	vld [tilespmem:s15+$0xFFFFFFC0]  }
0x2d7: {  	v10 =	vld [tilespmem:s15+$0xFFFFFFE0]  }
0x2d8: {  	v11 =	vld [tilespmem:s15+$0x0]  }
0x2d9: {  	v12 =	vld [tilespmem:s15+$0x20]  }
0x2da: {  	v13 =	vpop (erf)  }
0x2db: {  	v9 =	vmul.f32 v13, v9;
	v14 =	vmul.f32 v6, v13  }
.Ltmp5:
0x2dc: {  	v15 =	vmul.f32 v5, v13;
	v10 =	vmul.f32 v10, v13;
	(pc) =	sbr.rel @p2 .LBB2_12-.Ltmp5, $4  }
0x2dd: {  	v5 =	vmul.f32 v8, v13;
	[tilespmem:s15+$0xFFFFFFC0] =	vst v9;
	v6 =	vmul.f32 v11, v13  }
0x2de: {  	v7 =	vmul.f32 v7, v13;
	[tilespmem:s15+$0xFFFFFFD0] =	vst v14;
	v8 =	vmul.f32 v12, v13  }
0x2df: {  	[tilespmem:s15+$0xFFFFFFE0] =	vst v10  }
0x2e0: {  	v9 =	vmov s16;
	s16 =	sadd.s32 $0x1, s16;
	[tilespmem:s15+$0xFFFFFFF0] =	vst v15  }
0x2e1: {  	[tilespmem:s15+$0x0] =	vst v6  }
0x2e2: {  	[tilespmem:s15+$0x10] =	vst v5  }
0x2e3: {  	[tilespmem:s15+$0x20] =	vst v8  }
0x2e4: {  	[tilespmem:s15+$0x30] =	vst v7  }
0x2e5: {  	v5 =	vld.idx.msk [tilespmem:v9+s12+$0x0], $0xffff;
	_ =	sdelay $0x4  }
0x2e6: {  	(erf) = vrcp.f32 v5;
	_ =	sdelay $0x3  }
0x2e7: {  	s18 =	sadd.s32 $0x80, s15  }
0x2e8: {  	v5 =	vld [tilespmem:s18+$0xFFFFFFC0]  }
0x2e9: {  	v6 =	vld [tilespmem:s18+$0xFFFFFFD0]  }
0x2ea: {  	v7 =	vld [tilespmem:s18+$0xFFFFFFE0]  }
0x2eb: {  	v8 =	vld [tilespmem:s18+$0xFFFFFFF0]  }
0x2ec: {  	v9 =	vld [tilespmem:s18+$0x0];
	v10 =	vpop (erf)  }
0x2ed: {  	v11 =	vld [tilespmem:s18+$0x10];
	v5 =	vmul.f32 v10, v5  }
0x2ee: {  	v12 =	vld [tilespmem:s18+$0x20];
	v6 =	vmul.f32 v6, v10  }
0x2ef: {  	v13 =	vld [tilespmem:s18+$0x30];
	v7 =	vmul.f32 v7, v10;
	[tilespmem:s18+$0xFFFFFFC0] =	vst v5  }
0x2f0: {  	v5 =	vmul.f32 v8, v10;
	[tilespmem:s18+$0xFFFFFFD0] =	vst v6  }
0x2f1: {  	v6 =	vmul.f32 v9, v10;
	[tilespmem:s18+$0xFFFFFFE0] =	vst v7  }
0x2f2: {  	v7 =	vmul.f32 v11, v10;
	[tilespmem:s18+$0xFFFFFFF0] =	vst v5  }
0x2f3: {  	v5 =	vmul.f32 v12, v10;
	[tilespmem:s18+$0x0] =	vst v6  }
0x2f4: {  	v6 =	vmul.f32 v13, v10;
	[tilespmem:s18+$0x10] =	vst v7  }
0x2f5: {  	[tilespmem:s18+$0x20] =	vst v5  }
0x2f6: {  	s19 =	simm.s32 $0x0;
	s16 =	rddreg [dreg:$0xd];
	[tilespmem:s18+$0x30] =	vst v6  }
0x2f7: {  	[hbm4b:s16+s19] =	stream.linear.scatter [tilespmem:s19], [sflag:$0x5], $0x2800, $0x38;
	[tilespmem:$0x14A00] =	vst v63  }
0x2f8: {  	_ =	swait.ge [sflag:s23], $0x2800  }
0x2f9: {  	[sflag:s23] =	ssyncset.done $0x0  }
0x2fa: {  	[sflag:s23] =	ssyncadd.s32 $0xFFFFD800  }
0x2fb: {  	[tilespmem:s19], [sflag:$0x5] =	stream.linear.gather [spmem:s11], $0x2800, $0x38;
	[tilespmem:$0x14A00] =	vst v63  }
0x2fc: {  	_ =	swait.ge [sflag:s23], $0x2800  }
0x2fd: {  	[sflag:s23] =	ssyncset.done $0x0  }
0x2fe: {  	s20 =	rddreg [dreg:$0xe];
	[sflag:s23] =	ssyncadd.s32 $0xFFFFD800  }
0x2ff: {  	[tilespmem:s7], [sflag:$0x5] =	stream.strided.gather [spmem:s20], $0x500, s5, s22, $0x38;
	[tilespmem:$0x14A00] =	vst v63  }
0x300: {  	_ =	swait.ge [sflag:s23], $0x500  }
0x301: {  	[sflag:s23] =	ssyncset.done $0x0  }
0x302: {  	[sflag:s23] =	ssyncadd.s32 $0xFFFFFB00  }
0x303: {  	v5 =	vld [tilespmem:$0x9490]  }
0x304: {  	v6 =	vld [tilespmem:$0x94E0]  }
0x305: {  	v7 =	vld [tilespmem:$0x9530]  }
0x306: {  	v8 =	vld [tilespmem:$0x9580]  }
0x307: {  	v9 =	vld [tilespmem:$0x95D0]  }
0x308: {  	v10 =	vld [tilespmem:$0x9620]  }
0x309: {  	v11 =	vld [tilespmem:$0x9670]  }
0x30a: {  	v52 =	vld [tilespmem:$0x96C0]  }
0x30b: {  	v53 =	vld [tilespmem:$0x9710]  }
0x30c: {  	v14 =	vld [tilespmem:$0x9760]  }
0x30d: {  	v15 =	vld [tilespmem:$0x97B0]  }
0x30e: {  	v16 =	vld [tilespmem:$0x9800]  }
0x30f: {  	v17 =	vld [tilespmem:$0x9850]  }
0x310: {  	v18 =	vld [tilespmem:$0x98A0]  }
0x311: {  	v19 =	vld [tilespmem:$0x98F0]  }
0x312: {  	v20 =	vld [tilespmem:$0x9940]  }
0x313: {  	v21 =	vld [tilespmem:$0x94A0]  }
0x314: {  	v22 =	vld [tilespmem:$0x94F0]  }
0x315: {  	v23 =	vld [tilespmem:$0x9540]  }
0x316: {  	v24 =	vld [tilespmem:$0x9590]  }
0x317: {  	v25 =	vld [tilespmem:$0x95E0]  }
0x318: {  	v26 =	vld [tilespmem:$0x9630]  }
0x319: {  	v27 =	vld [tilespmem:$0x9680]  }
0x31a: {  	v28 =	vld [tilespmem:$0x96D0]  }
0x31b: {  	v29 =	vld [tilespmem:$0x9720]  }
0x31c: {  	v30 =	vld [tilespmem:$0x9770]  }
0x31d: {  	v31 =	vld [tilespmem:$0x9810]  }
0x31e: {  	v32 =	vld [tilespmem:$0x98B0]  }
0x31f: {  	v33 =	vld [tilespmem:$0x9950]  }
0x320: {  	v34 =	vld [tilespmem:$0x9500]  }
0x321: {  	v35 =	vld [tilespmem:$0x95A0]  }
0x322: {  	v36 =	vld [tilespmem:$0x9640]  }
0x323: {  	v54 =	vld [tilespmem:$0x9690]  }
0x324: {  	v37 =	vld [tilespmem:$0x96E0];
	v5 =	vadd.f32 v6, v5  }
0x325: {  	v55 =	vld [tilespmem:$0x9730]  }
0x326: {  	v38 =	vld [tilespmem:$0x9780];
	v5 =	vadd.f32 v7, v5  }
0x327: {  	v56 =	vld [tilespmem:$0x97D0]  }
0x328: {  	v39 =	vld [tilespmem:$0x9820];
	v5 =	vadd.f32 v8, v5  }
0x329: {  	v40 =	vld [tilespmem:$0x98C0]  }
0x32a: {  	v41 =	vld [tilespmem:$0x9960];
	v5 =	vadd.f32 v9, v5  }
0x32b: {  	v57 =	vld [tilespmem:$0x94C0]  }
0x32c: {  	v42 =	vld [tilespmem:$0x9510];
	v5 =	vadd.f32 v10, v5  }
0x32d: {  	v58 =	vld [tilespmem:$0x94D0]  }
0x32e: {  	v43 =	vld [tilespmem:$0x9520];
	v5 =	vadd.f32 v11, v5  }
0x32f: {  	v59 =	vld [tilespmem:$0x9560]  }
0x330: {  	v60 =	vld [tilespmem:$0x9570];
	v5 =	vadd.f32 v52, v5  }
0x331: {  	v61 =	vld [tilespmem:$0x95B0]  }
0x332: {  	v9 =	vld [tilespmem:$0x94B0];
	v5 =	vadd.f32 v53, v5  }
0x333: {  	v62 =	vld [tilespmem:$0x95C0];
	v21 =	vadd.f32 v22, v21  }
0x334: {  	v10 =	vld [tilespmem:$0x9550];
	v5 =	vadd.f32 v14, v5  }
0x335: {  	v63 =	vld [tilespmem:$0x9600];
	v21 =	vadd.f32 v23, v21  }
0x336: {  	v44 =	vld [tilespmem:$0x96F0];
	v5 =	vadd.f32 v15, v5  }
0x337: {  	v45 =	vld [tilespmem:$0x9700];
	v21 =	vadd.f32 v24, v21;
	v9 =	vadd.f32 v34, v9  }
0x338: {  	v46 =	vld [tilespmem:$0x9740];
	v5 =	vadd.f32 v16, v5  }
0x339: {  	v21 =	vadd.f32 v25, v21;
	v11 =	vld [tilespmem:$0x95F0];
	v9 =	vadd.f32 v10, v9  }
0x33a: {  	v48 =	vld [tilespmem:$0x9750];
	v5 =	vadd.f32 v17, v5;
	v17 =	vadd.f32 v42, v57  }
0x33b: {  	v49 =	vld [tilespmem:$0x9790];
	v21 =	vadd.f32 v26, v21;
	v10 =	vadd.f32 v43, v58  }
0x33c: {  	v34 =	vld [tilespmem:$0x9610];
	v9 =	vadd.f32 v35, v9;
	v17 =	vadd.f32 v59, v17  }
0x33d: {  	v21 =	vadd.f32 v27, v21;
	v10 =	vadd.f32 v60, v10;
	v35 =	vld [tilespmem:$0x9650]  }
0x33e: {  	v9 =	vadd.f32 v11, v9;
	v42 =	vld [tilespmem:$0x9660];
	v17 =	vadd.f32 v61, v17  }
0x33f: {  	v47 =	vadd.f32 v28, v21;
	v10 =	vadd.f32 v62, v10;
	v11 =	vld [tilespmem:$0x96A0]  }
0x340: {  	v43 =	vld [tilespmem:$0x96B0];
	v9 =	vadd.f32 v36, v9;
	v17 =	vadd.f32 v63, v17  }
0x341: {  	v50 =	vld [tilespmem:$0x97A0];
	v10 =	vadd.f32 v34, v10;
	v5 =	vadd.f32 v18, v5  }
0x342: {  	v51 =	vld [tilespmem:$0x97E0];
	v9 =	vadd.f32 v54, v9;
	v17 =	vadd.f32 v35, v17  }
0x343: {  	v6 =	vld [tilespmem:$0x97C0];
	v5 =	vadd.f32 v19, v5;
	v10 =	vadd.f32 v42, v10  }
0x344: {  	v7 =	vld [tilespmem:$0x9860];
	v9 =	vadd.f32 v37, v9;
	v11 =	vadd.f32 v11, v17  }
0x345: {  	v8 =	vld [tilespmem:$0x9900];
	v5 =	vadd.f32 v20, v5;
	v10 =	vadd.f32 v43, v10  }
0x346: {  	v52 =	vld [tilespmem:$0x97F0];
	v20 =	vadd.f32 v29, v47;
	v11 =	vadd.f32 v44, v11  }
0x347: {  	v53 =	vld [tilespmem:$0x9830];
	v9 =	vadd.f32 v55, v9;
	v10 =	vadd.f32 v45, v10  }
0x348: {  	v15 =	vld [tilespmem:$0x9870];
	v20 =	vadd.f32 v30, v20;
	v11 =	vadd.f32 v46, v11  }
0x349: {  	v16 =	vld [tilespmem:$0x9910];
	v9 =	vadd.f32 v38, v9;
	v10 =	vadd.f32 v48, v10  }
0x34a: {  	v54 =	vld [tilespmem:$0x9840];
	v6 =	vadd.f32 v6, v20;
	v11 =	vadd.f32 v49, v11  }
0x34b: {  	v55 =	vld [tilespmem:$0x9880];
	v9 =	vadd.f32 v56, v9;
	v10 =	vadd.f32 v50, v10  }
0x34c: {  	v56 =	vld [tilespmem:$0x9890];
	v6 =	vadd.f32 v31, v6;
	v11 =	vadd.f32 v51, v11  }
0x34d: {  	v57 =	vld [tilespmem:$0x98D0];
	v9 =	vadd.f32 v39, v9;
	v10 =	vadd.f32 v52, v10  }
0x34e: {  	v6 =	vadd.f32 v7, v6;
	v7 =	vadd.f32 v53, v11;
	v11 =	vld [tilespmem:$0x98E0]  }
0x34f: {  	v58 =	vld [tilespmem:$0x9920];
	v9 =	vadd.f32 v15, v9;
	v10 =	vadd.f32 v54, v10  }
0x350: {  	v59 =	vld [tilespmem:$0x9930];
	v6 =	vadd.f32 v32, v6;
	v7 =	vadd.f32 v55, v7  }
0x351: {  	v60 =	vld [tilespmem:$0x9970];
	v9 =	vadd.f32 v40, v9;
	v10 =	vadd.f32 v56, v10  }
0x352: {  	v6 =	vadd.f32 v8, v6;
	v8 =	vld [tilespmem:$0x9980];
	v7 =	vadd.f32 v57, v7  }
0x353: {  	v9 =	vadd.f32 v16, v9;
	v10 =	vadd.f32 v11, v10  }
0x354: {  	v6 =	vadd.f32 v33, v6;
	v7 =	vadd.f32 v58, v7  }
0x355: {  	v5 =	vmax.f32 v5, $1.000000000e+00;
	v9 =	vadd.f32 v41, v9;
	v10 =	vadd.f32 v59, v10  }
0x356: {  	[tilespmem:$0x9990] =	vst v5;
	v5 =	vmax.f32 v6, $1.000000000e+00;
	v6 =	vadd.f32 v60, v7;
	v7 =	vmov s19  }
0x357: {  	[tilespmem:$0x99A0] =	vst v5;
	v5 =	vmax.f32 v9, $1.000000000e+00;
	v8 =	vadd.f32 v8, v10  }
0x358: {  	[tilespmem:$0x99B0] =	vst v5;
	v5 =	vmax.f32 v6, $1.000000000e+00  }
0x359: {  	[tilespmem:$0x99C0] =	vst v5;
	v5 =	vmax.f32 v8, $1.000000000e+00  }
0x35a: {  	[tilespmem:$0x99D0] =	vst v5  }
0x35b: {  	v5 =	vld.idx.msk [tilespmem:v7+s12+$0x0], $0xffff;
	_ =	sdelay $0x4  }
0x35c: {  	(erf) = vrcp.f32 v5;
	_ =	sdelay $0x1  }
0x35d: {  	s15 =	simm.s32 $0x40  }
0x35e: {  	v7 =	vld [tilespmem:s15+$0x30]  }
0x35f: {  	v6 =	vld [tilespmem:s15+$0xFFFFFFC0]  }
0x360: {  	v8 =	vld [tilespmem:s15+$0xFFFFFFD0]  }
0x361: {  	v9 =	vld [tilespmem:s15+$0xFFFFFFE0]  }
0x362: {  	v10 =	vld [tilespmem:s15+$0x10]  }
0x363: {  	v5 =	vld [tilespmem:s15+$0xFFFFFFF0]  }
0x364: {  	v11 =	vld [tilespmem:s15+$0x0];
	v61 =	vpop (erf)  }
0x365: {  	v62 =	vld [tilespmem:s15+$0x20];
	v6 =	vmul.f32 v61, v6  }
0x366: {  	v8 =	vmul.f32 v8, v61  }
0x367: {  	v9 =	vmul.f32 v9, v61;
	[tilespmem:s15+$0xFFFFFFC0] =	vst v6  }
0x368: {  	v63 =	vmul.f32 v5, v61;
	[tilespmem:s15+$0xFFFFFFD0] =	vst v8  }
0x369: {  	s21 =	simm.s32 $0x1;
	v5 =	vmul.f32 v10, v61;
	v6 =	vmul.f32 v11, v61;
	[tilespmem:s15+$0xFFFFFFE0] =	vst v9  }
0x36a: {  	s16 =	simm.s32 $0x2;
	v7 =	vmul.f32 v7, v61;
	v8 =	vmul.f32 v62, v61;
	v9 =	vmov s21;
	[tilespmem:s15+$0xFFFFFFF0] =	vst v63  }
.LBB2_14:
0x36b: {  	p2 =	sne.s32 s16, $0x4F;
	[tilespmem:s15+$0x0] =	vst v6  }
0x36c: {  	[tilespmem:s15+$0x10] =	vst v5  }
0x36d: {  	[tilespmem:s15+$0x20] =	vst v8  }
0x36e: {  	[tilespmem:s15+$0x30] =	vst v7  }
0x36f: {  	v5 =	vld.idx.msk [tilespmem:v9+s12+$0x0], $0xffff;
	_ =	sdelay $0x5  }
0x370: {  	s15 =	sadd.s32 $0x80, s15;
	(erf) = vrcp.f32 v5  }
0x371: {  	v5 =	vld [tilespmem:s15+$0xFFFFFFF0]  }
0x372: {  	v7 =	vld [tilespmem:s15+$0x30]  }
0x373: {  	v8 =	vld [tilespmem:s15+$0x10]  }
0x374: {  	v6 =	vld [tilespmem:s15+$0xFFFFFFD0]  }
0x375: {  	v9 =	vld [tilespmem:s15+$0xFFFFFFC0]  }
0x376: {  	v10 =	vld [tilespmem:s15+$0xFFFFFFE0]  }
0x377: {  	v11 =	vld [tilespmem:s15+$0x0]  }
0x378: {  	v12 =	vld [tilespmem:s15+$0x20]  }
0x379: {  	v13 =	vpop (erf)  }
0x37a: {  	v9 =	vmul.f32 v13, v9;
	v14 =	vmul.f32 v6, v13  }
.Ltmp6:
0x37b: {  	v15 =	vmul.f32 v5, v13;
	v10 =	vmul.f32 v10, v13;
	(pc) =	sbr.rel @p2 .LBB2_14-.Ltmp6, $4  }
0x37c: {  	v5 =	vmul.f32 v8, v13;
	[tilespmem:s15+$0xFFFFFFC0] =	vst v9;
	v6 =	vmul.f32 v11, v13  }
0x37d: {  	v7 =	vmul.f32 v7, v13;
	[tilespmem:s15+$0xFFFFFFD0] =	vst v14;
	v8 =	vmul.f32 v12, v13  }
0x37e: {  	[tilespmem:s15+$0xFFFFFFE0] =	vst v10  }
0x37f: {  	v9 =	vmov s16;
	s16 =	sadd.s32 $0x1, s16;
	[tilespmem:s15+$0xFFFFFFF0] =	vst v15  }
0x380: {  	[tilespmem:s15+$0x0] =	vst v6  }
0x381: {  	[tilespmem:s15+$0x10] =	vst v5  }
0x382: {  	[tilespmem:s15+$0x20] =	vst v8  }
0x383: {  	[tilespmem:s15+$0x30] =	vst v7  }
0x384: {  	v5 =	vld.idx.msk [tilespmem:v9+s12+$0x0], $0xffff;
	_ =	sdelay $0x4  }
0x385: {  	(erf) = vrcp.f32 v5;
	_ =	sdelay $0x3  }
0x386: {  	s19 =	sadd.s32 $0x80, s15  }
0x387: {  	v5 =	vld [tilespmem:s19+$0xFFFFFFC0]  }
0x388: {  	v6 =	vld [tilespmem:s19+$0xFFFFFFD0]  }
0x389: {  	v7 =	vld [tilespmem:s19+$0xFFFFFFE0]  }
0x38a: {  	v8 =	vld [tilespmem:s19+$0xFFFFFFF0]  }
0x38b: {  	v63 =	vld [tilespmem:s19+$0x0];
	v10 =	vpop (erf)  }
0x38c: {  	v11 =	vld [tilespmem:s19+$0x10];
	v5 =	vmul.f32 v10, v5  }
0x38d: {  	v12 =	vld [tilespmem:s19+$0x20];
	v6 =	vmul.f32 v6, v10  }
0x38e: {  	v13 =	vld [tilespmem:s19+$0x30];
	v7 =	vmul.f32 v7, v10;
	[tilespmem:s19+$0xFFFFFFC0] =	vst v5  }
0x38f: {  	v5 =	vmul.f32 v8, v10;
	[tilespmem:s19+$0xFFFFFFD0] =	vst v6  }
0x390: {  	v6 =	vmul.f32 v63, v10;
	[tilespmem:s19+$0xFFFFFFE0] =	vst v7  }
0x391: {  	v7 =	vmul.f32 v11, v10;
	[tilespmem:s19+$0xFFFFFFF0] =	vst v5  }
0x392: {  	v5 =	vmul.f32 v12, v10;
	[tilespmem:s19+$0x0] =	vst v6  }
0x393: {  	v6 =	vmul.f32 v13, v10;
	[tilespmem:s19+$0x10] =	vst v7  }
0x394: {  	[tilespmem:s19+$0x20] =	vst v5  }
0x395: {  	s20 =	rddreg [dreg:$0xf];
	[tilespmem:s19+$0x30] =	vst v6  }
0x396: {  	[hbm4b:s20+s6] =	stream.linear.scatter [tilespmem:s6], [sflag:$0x5], $0x2800, $0x38;
	[tilespmem:$0x14A00] =	vst v63  }
0x397: {  	_ =	swait.ge [sflag:s23], $0x2800  }
0x398: {  	s13 =	sadd.s32 $0x1, s13;
	s21 =	rddreg [dreg:$0x10]  }
0x399: {  	p2 =	sne.s32 s13, s21  }
.Ltmp7:
0x39a: {  	_ = 	snop;
	(pc) =	sbr.rel @p2 .LBB2_1-.Ltmp7, $3  }
0x39b: {  	_ =	sdelay $0x1  }
0x39c: {  	[sflag:s23] =	ssyncset.done $0x0  }
0x39d: {  	[sflag:s23] =	ssyncadd.s32 $0xFFFFD800  }
0x39e: {  	_ =	sfence.sel $0x180000  }
0x39f: {  	[bflag:$0x0] =	sbarrier.arrive $0xFFFF  }
0x3a0: {  	_ =	strace $0x90000047  }
0x3a1: {  	s0 =	stileid.u32;
	[bflag:$0x2] =	sbarrier.arrive $0xFFFF  }
0x3a2: {  	p0 =	sne.s32 s0, $0x0;
	s0 =	rddreg [dreg:$0x6]  }
0x3a3: {  	s0 =	sadd.s32 @!p0 $0x100000, s0  }
0x3a4: {  	[sflag:s0] =	ssyncadd.tile.s32 @!p0 $0x1;
	_ =	shalt  }
.Lfunc_end2:
_tile_overlayer_lowered:
.L_overlay_start_2:
0x3a5: {  	(tag) =	ssettag $0x2  }
0x3a6: {  	s0 =	rddreg [dreg:$0x0];
	s2 =	stileid.u32  }
0x3a7: {  	s1 =	rddreg [dreg:$0x1];
	p0 =	sne.s32 s2, $0x0  }
0x3a8: {  	s3 =	rddreg [dreg:$0x2];
	[bflag:$0x3] =	sbarrier.arrive $0xFFFF;
	s2 =	simm.s32 @!p0 $0x1C05  }
0x3a9: {  	[timem:s3], [sflag:s2] =	dma.local @!p0 [hbm:s0], s1  }
0x3aa: {  	s0 =	simm.s32 @!p0 $0x5  }
0x3ab: {  	_ =	swait.ge @!p0 [sflag:s0], s1  }
0x3ac: {  	s1 =	ssub.s32 @!p0 $0x0, s1;
	[sflag:s0] =	ssyncset.done @!p0 $0x0  }
0x3ad: {  	[sflag:s0] =	ssyncadd.s32 @!p0 s1  }
0x3ae: {  	[bflag:$0x3] =	sbarrier.arrive $0xFFFF  }
0x3af: {  	_ =	shalt  }

</sc_bundles>
